<compile_context>
chip_gen: v7x
topology: tpu7x:2x2x1
jax: 0.10.2.dev20260603
libtpu: 0.0.44.dev20260713+nightly
codegen_flags: <defaults>
</compile_context>

<pallas_src>
import functools

import jax
import jax.numpy as jnp
from jax import lax
from jax.experimental import pallas as pl
from jax.experimental.pallas import tpu as pltpu
from jax.experimental.pallas import tpu_sc as plsc

N_NODES = 10000
D = 128
E = 320000

N_PAD = 10240
BLK = 512
N_BLKS = N_PAD // BLK

NC, NS = 2, 16
NW = NC * NS
B = 128
N_BATCH = 80
CHB = 8
N_CH = N_BATCH // CHB
N_CH_A = 5
N_CH_B = 15
NB_A = N_CH_A * CHB
NB_B = N_CH_B * CHB
E_A = NS * NB_A * B
EPW = N_BATCH * B
E_PAD = NW * EPW
RPS = N_PAD // NS
DEGW = 16


@functools.cache
def _mesh():
    return plsc.VectorSubcoreMesh(core_axis_name="c", subcore_axis_name="s",
                                  num_cores=NC, num_subcores=NS)



def _mm_body(x_ref, w_ref, o_ref):
    o_ref[...] = jnp.dot(x_ref[...], w_ref[...],
                         preferred_element_type=jnp.float32)


def _matmul(x, w):
    return pl.pallas_call(
        _mm_body,
        grid=(N_BLKS,),
        in_specs=[pl.BlockSpec((BLK, D), lambda i: (i, 0)),
                  pl.BlockSpec((D, D), lambda i: (0, 0))],
        out_specs=pl.BlockSpec((BLK, D), lambda i: (i, 0)),
        out_shape=jax.ShapeDtypeStruct((N_PAD, D), jnp.float32),
    )(x, w)


def _mid_body(s0_ref, s1_ref, d0_ref, d1_ref, b_ref, w_ref, o_ref):
    s = s0_ref[...] + s1_ref[...]
    deg = d0_ref[:, :1] + d1_ref[:, :1]
    h = jnp.maximum(s / jnp.maximum(deg, 1.0) + b_ref[...], 0.0)
    o_ref[...] = jnp.dot(h, w_ref[...], preferred_element_type=jnp.float32)


def _mid(s0, s1, d0, d1, b1, w2):
    return pl.pallas_call(
        _mid_body,
        grid=(N_BLKS,),
        in_specs=[pl.BlockSpec((BLK, D), lambda i: (i, 0)),
                  pl.BlockSpec((BLK, D), lambda i: (i, 0)),
                  pl.BlockSpec((BLK, DEGW), lambda i: (i, 0)),
                  pl.BlockSpec((BLK, DEGW), lambda i: (i, 0)),
                  pl.BlockSpec((1, D), lambda i: (0, 0)),
                  pl.BlockSpec((D, D), lambda i: (0, 0))],
        out_specs=pl.BlockSpec((BLK, D), lambda i: (i, 0)),
        out_shape=jax.ShapeDtypeStruct((N_PAD, D), jnp.float32),
    )(s0, s1, d0, d1, b1, w2)


def _fin_body(s0_ref, s1_ref, d0_ref, d1_ref, b2_ref,
              wa1_ref, ba1_ref, wa2_ref, ba2_ref,
              wv1_ref, bv1_ref, wv2t_ref, bv2_ref, o_ref, acc_ref):
    i = pl.program_id(0)

    @pl.when(i == 0)
    def _init():
        acc_ref[...] = jnp.zeros_like(acc_ref)

    s = s0_ref[...] + s1_ref[...]
    deg = d0_ref[:, :1] + d1_ref[:, :1]
    h = jnp.maximum(s / jnp.maximum(deg, 1.0) + b2_ref[...], 0.0)
    rows = i * BLK + lax.broadcasted_iota(jnp.int32, (BLK, 1), 0)
    h = jnp.where(rows < N_NODES, h, 0.0)
    acc_ref[...] += jnp.sum(h, axis=0, keepdims=True)

    @pl.when(i == pl.num_programs(0) - 1)
    def _heads():
        ge = acc_ref[...] * (1.0 / N_NODES)
        ah = jnp.maximum(
            jnp.dot(ge, wa1_ref[...], preferred_element_type=jnp.float32)
            + ba1_ref[...], 0.0)
        a = jnp.dot(ah, wa2_ref[...],
                    preferred_element_type=jnp.float32) + ba2_ref[...]
        vh = jnp.maximum(
            jnp.dot(ge, wv1_ref[...], preferred_element_type=jnp.float32)
            + bv1_ref[...], 0.0)
        v = jnp.sum(vh * wv2t_ref[...]) + bv2_ref[0, 0]
        o_ref[...] = v + (a - jnp.mean(a))


def _final(s0, s1, d0, d1, b2, wa1, ba1, wa2, ba2, wv1, bv1, wv2t, bv2):
    ds = wa1.shape[1]
    na = wa2.shape[1]
    return pl.pallas_call(
        _fin_body,
        grid=(N_BLKS,),
        in_specs=[pl.BlockSpec((BLK, D), lambda i: (i, 0)),
                  pl.BlockSpec((BLK, D), lambda i: (i, 0)),
                  pl.BlockSpec((BLK, DEGW), lambda i: (i, 0)),
                  pl.BlockSpec((BLK, DEGW), lambda i: (i, 0)),
                  pl.BlockSpec((1, D), lambda i: (0, 0)),
                  pl.BlockSpec((D, ds), lambda i: (0, 0)),
                  pl.BlockSpec((1, ds), lambda i: (0, 0)),
                  pl.BlockSpec((ds, na), lambda i: (0, 0)),
                  pl.BlockSpec((1, na), lambda i: (0, 0)),
                  pl.BlockSpec((D, ds), lambda i: (0, 0)),
                  pl.BlockSpec((1, ds), lambda i: (0, 0)),
                  pl.BlockSpec((1, ds), lambda i: (0, 0)),
                  pl.BlockSpec((1, 1), lambda i: (0, 0))],
        out_specs=pl.BlockSpec((1, na), lambda i: (0, 0)),
        out_shape=jax.ShapeDtypeStruct((1, na), jnp.float32),
        scratch_shapes=[pltpu.VMEM((1, D), jnp.float32)],
    )(s0, s1, d0, d1, b2, wa1, ba1, wa2, ba2, wv1, bv1, wv2t, bv2)



def _agg_body(z_hbm, srca_hbm, dsta_hbm, srcb_hbm, dstb_hbm, zrows_hbm,
              s_out,
              agg_sh, src_v, dst_v, rows_v0, rows_v1, sem0, sem1):
    c = lax.axis_index("c")
    s = lax.axis_index("s")
    rs = pl.ds(s * RPS, RPS)
    pltpu.sync_copy(zrows_hbm, agg_sh.at[rs])
    plsc.subcore_barrier()

    bufs = (rows_v0, rows_v1)
    sems = (sem0, sem1)

    def run(src_hbm, dst_hbm, n_ch):
        def chunk(ch, carry):
            cs = pl.ds(ch * CHB, CHB)
            pltpu.sync_copy(src_hbm.at[s, cs], src_v)
            pltpu.sync_copy(dst_hbm.at[s, cs], dst_v)
            descs = [None, None]
            descs[0] = pltpu.async_copy(
                z_hbm.at[src_v.at[0]], bufs[0], sems[0])
            for j in range(CHB):
                p = j & 1
                if j + 1 < CHB:
                    descs[1 - p] = pltpu.async_copy(
                        z_hbm.at[src_v.at[j + 1]], bufs[1 - p], sems[1 - p])
                descs[p].wait()
                pltpu.sync_copy(bufs[p], agg_sh.at[dst_v.at[j]], add=True)
            return carry

        lax.fori_loop(0, n_ch, chunk, 0)

    @pl.when(c == 0)
    def _core_a():
        run(srca_hbm, dsta_hbm, N_CH_A)

    @pl.when(c == 1)
    def _core_b():
        run(srcb_hbm, dstb_hbm, N_CH_B)

    plsc.subcore_barrier()
    pltpu.sync_copy(agg_sh.at[rs], s_out.at[c, rs])


@functools.cache
def _agg():
    return pl.kernel(
        _agg_body,
        out_type=jax.ShapeDtypeStruct((NC, N_PAD, D), jnp.float32),
        mesh=_mesh(),
        scratch_types=[pltpu.VMEM_SHARED((N_PAD, D), jnp.float32),
                       pltpu.VMEM((CHB, B), jnp.int32),
                       pltpu.VMEM((CHB, B), jnp.int32),
                       pltpu.VMEM((B, D), jnp.float32),
                       pltpu.VMEM((B, D), jnp.float32),
                       pltpu.SemaphoreType.DMA,
                       pltpu.SemaphoreType.DMA])


def _deg_body(dst_hbm, zrows_hbm, ones_hbm,
              deg_out,
              agg_sh, dst_v, rows_v):
    c = lax.axis_index("c")
    s = lax.axis_index("s")
    wid = s * NC + c
    rs = pl.ds(s * RPS, RPS)
    pltpu.sync_copy(zrows_hbm, agg_sh.at[rs])
    pltpu.sync_copy(ones_hbm, rows_v)
    plsc.subcore_barrier()

    def chunk(ch, carry):
        cs = pl.ds(ch * CHB, CHB)
        pltpu.sync_copy(dst_hbm.at[wid, cs], dst_v)

        def step(j, inner):
            pltpu.sync_copy(rows_v, agg_sh.at[dst_v.at[j]], add=True)
            return inner

        return lax.fori_loop(0, CHB, step, carry)

    lax.fori_loop(0, N_CH, chunk, 0)
    plsc.subcore_barrier()
    pltpu.sync_copy(agg_sh.at[rs], deg_out.at[c, rs])


@functools.cache
def _deg():
    return pl.kernel(
        _deg_body,
        out_type=jax.ShapeDtypeStruct((NC, N_PAD, D), jnp.float32),
        mesh=_mesh(),
        scratch_types=[pltpu.VMEM_SHARED((N_PAD, D), jnp.float32),
                       pltpu.VMEM((CHB, B), jnp.int32),
                       pltpu.VMEM((B, D), jnp.float32)])



def kernel(x, edge_index, W1, b1, W2, b2, Wa1, ba1, Wa2, ba2,
           Wv1, bv1, Wv2, bv2):
    ei = edge_index.astype(jnp.int32)
    pad = jnp.full((E_PAD - E,), N_NODES, jnp.int32)
    srcf = jnp.concatenate([ei[0], pad])
    dstf = jnp.concatenate([ei[1], pad])
    dst3 = dstf.reshape(NW, N_BATCH, B)
    srca = srcf[:E_A].reshape(NS, NB_A, B)
    dsta = dstf[:E_A].reshape(NS, NB_A, B)
    srcb = srcf[E_A:].reshape(NS, NB_B, B)
    dstb = dstf[E_A:].reshape(NS, NB_B, B)

    x_pad = jnp.zeros((N_PAD, D), jnp.float32).at[:N_NODES].set(x)
    zrows = jnp.zeros((RPS, D), jnp.float32)
    ones = jnp.ones((B, D), jnp.float32)

    z1 = _matmul(x_pad, W1)
    deg = _deg()(dst3, zrows, ones)[:, :, :DEGW]
    s1 = _agg()(z1, srca, dsta, srcb, dstb, zrows)
    z2 = _mid(s1[0], s1[1], deg[0], deg[1], b1.reshape(1, D), W2)
    s2 = _agg()(z2, srca, dsta, srcb, dstb, zrows)
    return _final(s2[0], s2[1], deg[0], deg[1], b2.reshape(1, D),
                  Wa1, ba1.reshape(1, -1), Wa2, ba2.reshape(1, -1),
                  Wv1, bv1.reshape(1, -1), Wv2.reshape(1, -1),
                  bv2.reshape(1, 1))

# --- scband reference (transcript-rebuilt; emitter-appended) ---
"""Pipeline reference for scband-dueling-net-16621523435919 (READ-ONLY COPY).

The authoritative reference and input builder live on the scoring server;
editing this copy changes nothing except your own understanding.
"""

import jax, jax.numpy as jnp
import numpy as np

N_NODES = 10000
N_EDGES = 320000
D_FEAT = 128
D_HID = 128
D_STREAM = 256
N_ACTIONS = 64


def _glorot(key, shape):
    fan_in, fan_out = shape[0], shape[1]
    lim = jnp.sqrt(6.0 / (fan_in + fan_out))
    return jax.random.uniform(key, shape, minval=-lim, maxval=lim, dtype=jnp.float32)


def setup_inputs(seed: int = 0) -> dict:
    key = jax.random.key(seed)
    ks = jax.random.split(key, 16)
    x = jax.random.normal(ks[0], (N_NODES, D_FEAT), dtype=jnp.float32)
    edge_index = jax.random.randint(ks[1], (2, N_EDGES), 0, N_NODES, dtype=jnp.int64)
    return {
        "x": x,
        "edge_index": edge_index,
        "W1": _glorot(ks[2], (D_FEAT, D_HID)),
        "b1": jnp.zeros((D_HID,), dtype=jnp.float32),
        "W2": _glorot(ks[3], (D_HID, D_HID)),
        "b2": jnp.zeros((D_HID,), dtype=jnp.float32),
        "Wa1": _glorot(ks[4], (D_HID, D_STREAM)),
        "ba1": jnp.zeros((D_STREAM,), dtype=jnp.float32),
        "Wa2": _glorot(ks[5], (D_STREAM, N_ACTIONS)),
        "ba2": jnp.zeros((N_ACTIONS,), dtype=jnp.float32),
        "Wv1": _glorot(ks[6], (D_HID, D_STREAM)),
        "bv1": jnp.zeros((D_STREAM,), dtype=jnp.float32),
        "Wv2": _glorot(ks[7], (D_STREAM, 1)),
        "bv2": jnp.zeros((1,), dtype=jnp.float32),
    }


def _gcn_layer(h, src, dst, W, b, n_nodes):
    msgs = jnp.take(h, src, axis=0)                      # gather: [E, d]
    agg = jnp.zeros((n_nodes, h.shape[1]), dtype=h.dtype).at[dst].add(msgs)  # scatter-add
    deg = jnp.zeros((n_nodes,), dtype=h.dtype).at[dst].add(1.0)
    deg = jnp.maximum(deg, 1.0)
    agg = agg / deg[:, None]
    return jax.nn.relu(agg @ W + b)


def reference(x, edge_index, W1, b1, W2, b2, Wa1, ba1, Wa2, ba2, Wv1, bv1, Wv2, bv2):
    src, dst = edge_index[0], edge_index[1]
    n_nodes = x.shape[0]
    # GCN embedding (2 mean-aggregation graph conv layers)
    h = _gcn_layer(x, src, dst, W1, b1, n_nodes)
    h = _gcn_layer(h, src, dst, W2, b2, n_nodes)
    # graph-level embedding: mean over nodes (dgl.mean_nodes, single graph batch)
    graph_embedding = jnp.mean(h, axis=0, keepdims=True)  # [1, D_HID]
    # value stream
    v = jax.nn.relu(graph_embedding @ Wv1 + bv1) @ Wv2 + bv2      # [1, 1]
    # advantage stream
    a = jax.nn.relu(graph_embedding @ Wa1 + ba1) @ Wa2 + ba2      # [1, N_ACTIONS]
    q_values = v + (a - a.mean())
    return q_values

if __name__ == "__main__":
    import jax
    _d = setup_inputs()
    print(jax.jit(kernel)(*tuple(_d.values())))

</pallas_src>

<mosaic_0001>
#map = affine_map<(d0, d1) -> (0, 0)>
#map1 = affine_map<(d0, d1) -> (0, 0, 0)>
module attributes {stable_mosaic.version = 14 : i64} {
  func.func @_agg_body(%arg0: i32, %arg1: i32, %arg2: memref<10240x128xf32, #tpu.memory_space<hbm>>, %arg3: memref<16x40x128xi32, #tpu.memory_space<hbm>>, %arg4: memref<16x40x128xi32, #tpu.memory_space<hbm>>, %arg5: memref<16x120x128xi32, #tpu.memory_space<hbm>>, %arg6: memref<16x120x128xi32, #tpu.memory_space<hbm>>, %arg7: memref<640x128xf32, #tpu.memory_space<hbm>>, %arg8: memref<2x10240x128xf32, #tpu.memory_space<hbm>>, %arg9: memref<10240x128xf32, #tpu.memory_space<vmem_shared>>, %arg10: memref<8x128xi32, #tpu.memory_space<vmem>>, %arg11: memref<8x128xi32, #tpu.memory_space<vmem>>, %arg12: memref<128x128xf32, #tpu.memory_space<vmem>>, %arg13: memref<128x128xf32, #tpu.memory_space<vmem>>, %arg14: memref<!tpu.dma_semaphore, #tpu.memory_space<semaphore_mem>>, %arg15: memref<!tpu.dma_semaphore, #tpu.memory_space<semaphore_mem>>) attributes {dimension_semantics = [#tpu.dimension_semantics<core_parallel>, #tpu.dimension_semantics<subcore_parallel>], iteration_bounds = array<i64: 2, 16>, scalar_prefetch = 0 : i64, scratch_operands = 7 : i64, tpu.core_type = #tpu.core_type<sc_vector_subcore>, window_params = [{transform_indices = #map}, {transform_indices = #map1}, {transform_indices = #map1}, {transform_indices = #map1}, {transform_indices = #map1}, {transform_indices = #map}, {transform_indices = #map1}]} {
    %mul3A = arith.constant 640 : i32
    %mul3A_0 = arith.muli %arg1, %mul3A : i32
    "tpu.region"() ({
      %run_scoped3A = tpu.sem_alloc : memref<!tpu.dma_semaphore, #tpu.memory_space<semaphore_mem>>
      %dma_start3A = arith.constant 0 : i32
      %dma_start3A_9 = tpu.memref_slice %arg9[%mul3A_0, %dma_start3A] : memref<10240x128xf32, #tpu.memory_space<vmem_shared>> -> memref<640x128xf32, #tpu.memory_space<vmem_shared>>
      tpu.enqueue_dma source(%arg7 : memref<640x128xf32, #tpu.memory_space<hbm>>) target(%dma_start3A_9 : memref<640x128xf32, #tpu.memory_space<vmem_shared>>) target_semaphore(%run_scoped3A : memref<!tpu.dma_semaphore, #tpu.memory_space<semaphore_mem>>)
      %dma_wait3A = arith.constant 0 : i32
      %dma_wait3A_10 = tpu.memref_slice %arg9[%mul3A_0, %dma_wait3A] : memref<10240x128xf32, #tpu.memory_space<vmem_shared>> -> memref<640x128xf32, #tpu.memory_space<vmem_shared>>
      tpu.wait_dma2 semaphore(%run_scoped3A : memref<!tpu.dma_semaphore, #tpu.memory_space<semaphore_mem>>) src(%arg7 : memref<640x128xf32, #tpu.memory_space<hbm>>) dst(%dma_wait3A_10 : memref<640x128xf32, #tpu.memory_space<vmem_shared>>)
      tpu.yield
    }) : () -> ()
    %barrier3A = arith.constant 0 : index
    tpu.barrier barrier_id(%barrier3A)
    %eq3A = arith.constant 0 : i32
    %eq3A_1 = arith.cmpi eq, %arg0, %eq3A : i32
    %convert_element_type3A = arith.extui %eq3A_1 : i1 to i32
    %cond3A = arith.constant 0 : i32
    %cond3A_2 = arith.cmpi ne, %convert_element_type3A, %cond3A : i32
    scf.if %cond3A_2 {
      %scan3A = arith.constant 0 : i32
      %scan3A_9 = arith.constant 0 : i32
      %scan3A_10 = arith.constant 5 : i32
      %scan3A_11 = arith.addi %scan3A_9, %scan3A_10 : i32
      %scan3A_12 = arith.constant 1 : i32
      scf.for %scan3A_14 = %scan3A_9 to %scan3A_11 step %scan3A_12  : i32 {
        %mul3A_15 = arith.constant 8 : i32
        %mul3A_16 = arith.muli %scan3A_14, %mul3A_15 : i32
        "tpu.region"() ({
          %run_scoped3A_134 = tpu.sem_alloc : memref<!tpu.dma_semaphore, #tpu.memory_space<semaphore_mem>>
          %dma_start3A_135 = arith.constant 0 : i32
          %dma_start3A_136 = tpu.memref_slice %arg3[%arg1, %mul3A_16, %dma_start3A_135] : memref<16x40x128xi32, #tpu.memory_space<hbm>> -> memref<1x8x128xi32, #tpu.memory_space<hbm>>
          %dma_start3A_137 = tpu.memref_squeeze %dma_start3A_136 : memref<1x8x128xi32, #tpu.memory_space<hbm>> -> memref<8x128xi32, #tpu.memory_space<hbm>>
          %dma_start3A_138 = arith.constant 0 : i32
          %dma_start3A_139 = tpu.memref_slice %arg3[%arg1, %mul3A_16, %dma_start3A_138] : memref<16x40x128xi32, #tpu.memory_space<hbm>> -> memref<1x8x128xi32, #tpu.memory_space<hbm>>
          %dma_start3A_140 = tpu.memref_squeeze %dma_start3A_139 : memref<1x8x128xi32, #tpu.memory_space<hbm>> -> memref<8x128xi32, #tpu.memory_space<hbm>>
          tpu.enqueue_dma source(%dma_start3A_140 : memref<8x128xi32, #tpu.memory_space<hbm>>) target(%arg10 : memref<8x128xi32, #tpu.memory_space<vmem>>) target_semaphore(%run_scoped3A_134 : memref<!tpu.dma_semaphore, #tpu.memory_space<semaphore_mem>>)
          %dma_wait3A_141 = arith.constant 0 : i32
          %dma_wait3A_142 = tpu.memref_slice %arg3[%arg1, %mul3A_16, %dma_wait3A_141] : memref<16x40x128xi32, #tpu.memory_space<hbm>> -> memref<1x8x128xi32, #tpu.memory_space<hbm>>
          %dma_wait3A_143 = tpu.memref_squeeze %dma_wait3A_142 : memref<1x8x128xi32, #tpu.memory_space<hbm>> -> memref<8x128xi32, #tpu.memory_space<hbm>>
          %dma_wait3A_144 = arith.constant 0 : i32
          %dma_wait3A_145 = tpu.memref_slice %arg3[%arg1, %mul3A_16, %dma_wait3A_144] : memref<16x40x128xi32, #tpu.memory_space<hbm>> -> memref<1x8x128xi32, #tpu.memory_space<hbm>>
          %dma_wait3A_146 = tpu.memref_squeeze %dma_wait3A_145 : memref<1x8x128xi32, #tpu.memory_space<hbm>> -> memref<8x128xi32, #tpu.memory_space<hbm>>
          tpu.wait_dma2 semaphore(%run_scoped3A_134 : memref<!tpu.dma_semaphore, #tpu.memory_space<semaphore_mem>>) src(%dma_wait3A_146 : memref<8x128xi32, #tpu.memory_space<hbm>>) dst(%arg10 : memref<8x128xi32, #tpu.memory_space<vmem>>)
          tpu.yield
        }) : () -> ()
        "tpu.region"() ({
          %run_scoped3A_134 = tpu.sem_alloc : memref<!tpu.dma_semaphore, #tpu.memory_space<semaphore_mem>>
          %dma_start3A_135 = arith.constant 0 : i32
          %dma_start3A_136 = tpu.memref_slice %arg4[%arg1, %mul3A_16, %dma_start3A_135] : memref<16x40x128xi32, #tpu.memory_space<hbm>> -> memref<1x8x128xi32, #tpu.memory_space<hbm>>
          %dma_start3A_137 = tpu.memref_squeeze %dma_start3A_136 : memref<1x8x128xi32, #tpu.memory_space<hbm>> -> memref<8x128xi32, #tpu.memory_space<hbm>>
          %dma_start3A_138 = arith.constant 0 : i32
          %dma_start3A_139 = tpu.memref_slice %arg4[%arg1, %mul3A_16, %dma_start3A_138] : memref<16x40x128xi32, #tpu.memory_space<hbm>> -> memref<1x8x128xi32, #tpu.memory_space<hbm>>
          %dma_start3A_140 = tpu.memref_squeeze %dma_start3A_139 : memref<1x8x128xi32, #tpu.memory_space<hbm>> -> memref<8x128xi32, #tpu.memory_space<hbm>>
          tpu.enqueue_dma source(%dma_start3A_140 : memref<8x128xi32, #tpu.memory_space<hbm>>) target(%arg11 : memref<8x128xi32, #tpu.memory_space<vmem>>) target_semaphore(%run_scoped3A_134 : memref<!tpu.dma_semaphore, #tpu.memory_space<semaphore_mem>>)
          %dma_wait3A_141 = arith.constant 0 : i32
          %dma_wait3A_142 = tpu.memref_slice %arg4[%arg1, %mul3A_16, %dma_wait3A_141] : memref<16x40x128xi32, #tpu.memory_space<hbm>> -> memref<1x8x128xi32, #tpu.memory_space<hbm>>
          %dma_wait3A_143 = tpu.memref_squeeze %dma_wait3A_142 : memref<1x8x128xi32, #tpu.memory_space<hbm>> -> memref<8x128xi32, #tpu.memory_space<hbm>>
          %dma_wait3A_144 = arith.constant 0 : i32
          %dma_wait3A_145 = tpu.memref_slice %arg4[%arg1, %mul3A_16, %dma_wait3A_144] : memref<16x40x128xi32, #tpu.memory_space<hbm>> -> memref<1x8x128xi32, #tpu.memory_space<hbm>>
          %dma_wait3A_146 = tpu.memref_squeeze %dma_wait3A_145 : memref<1x8x128xi32, #tpu.memory_space<hbm>> -> memref<8x128xi32, #tpu.memory_space<hbm>>
          tpu.wait_dma2 semaphore(%run_scoped3A_134 : memref<!tpu.dma_semaphore, #tpu.memory_space<semaphore_mem>>) src(%dma_wait3A_146 : memref<8x128xi32, #tpu.memory_space<hbm>>) dst(%arg11 : memref<8x128xi32, #tpu.memory_space<vmem>>)
          tpu.yield
        }) : () -> ()
        %dma_start3A = arith.constant 0 : i32
        %dma_start3A_17 = arith.constant 0 : i32
        %dma_start3A_18 = tpu.memref_slice %arg10[%dma_start3A, %dma_start3A_17] : memref<8x128xi32, #tpu.memory_space<vmem>> -> memref<1x128xi32, #tpu.memory_space<vmem>>
        %dma_start3A_19 = tpu.memref_squeeze %dma_start3A_18 : memref<1x128xi32, #tpu.memory_space<vmem>> -> memref<128xi32, #tpu.memory_space<vmem>>
        %dma_start3A_20 = arith.constant 0 : i32
        %dma_start3A_21 = arith.constant 0 : i32
        %dma_start3A_22 = tpu.memref_slice %arg2[%dma_start3A_20, %dma_start3A_21] : memref<10240x128xf32, #tpu.memory_space<hbm>> -> memref<10240x128xf32, #tpu.memory_space<hbm>>
        tpu.enqueue_indirect_dma source(%dma_start3A_22 : memref<10240x128xf32, #tpu.memory_space<hbm>>) target(%arg12 : memref<128x128xf32, #tpu.memory_space<vmem>>) offsets(%dma_start3A_19 : memref<128xi32, #tpu.memory_space<vmem>>) semaphore(%arg14 : memref<!tpu.dma_semaphore, #tpu.memory_space<semaphore_mem>>)
        %dma_start3A_23 = arith.constant 1 : i32
        %dma_start3A_24 = arith.constant 0 : i32
        %dma_start3A_25 = tpu.memref_slice %arg10[%dma_start3A_23, %dma_start3A_24] : memref<8x128xi32, #tpu.memory_space<vmem>> -> memref<1x128xi32, #tpu.memory_space<vmem>>
        %dma_start3A_26 = tpu.memref_squeeze %dma_start3A_25 : memref<1x128xi32, #tpu.memory_space<vmem>> -> memref<128xi32, #tpu.memory_space<vmem>>
        %dma_start3A_27 = arith.constant 0 : i32
        %dma_start3A_28 = arith.constant 0 : i32
        %dma_start3A_29 = tpu.memref_slice %arg2[%dma_start3A_27, %dma_start3A_28] : memref<10240x128xf32, #tpu.memory_space<hbm>> -> memref<10240x128xf32, #tpu.memory_space<hbm>>
        tpu.enqueue_indirect_dma source(%dma_start3A_29 : memref<10240x128xf32, #tpu.memory_space<hbm>>) target(%arg13 : memref<128x128xf32, #tpu.memory_space<vmem>>) offsets(%dma_start3A_26 : memref<128xi32, #tpu.memory_space<vmem>>) semaphore(%arg15 : memref<!tpu.dma_semaphore, #tpu.memory_space<semaphore_mem>>)
        %dma_wait3A = arith.constant 0 : i32
        %dma_wait3A_30 = arith.constant 0 : i32
        %dma_wait3A_31 = tpu.memref_slice %arg10[%dma_wait3A, %dma_wait3A_30] : memref<8x128xi32, #tpu.memory_space<vmem>> -> memref<1x128xi32, #tpu.memory_space<vmem>>
        %dma_wait3A_32 = tpu.memref_squeeze %dma_wait3A_31 : memref<1x128xi32, #tpu.memory_space<vmem>> -> memref<128xi32, #tpu.memory_space<vmem>>
        %dma_wait3A_33 = arith.constant 0 : i32
        %dma_wait3A_34 = arith.constant 0 : i32
        %dma_wait3A_35 = tpu.memref_slice %arg2[%dma_wait3A_33, %dma_wait3A_34] : memref<10240x128xf32, #tpu.memory_space<hbm>> -> memref<10240x128xf32, #tpu.memory_space<hbm>>
        tpu.wait_indirect_dma semaphore(%arg14 : memref<!tpu.dma_semaphore, #tpu.memory_space<semaphore_mem>>) src(%dma_wait3A_35 : memref<10240x128xf32, #tpu.memory_space<hbm>>) dst(%arg12 : memref<128x128xf32, #tpu.memory_space<vmem>>)
        %run_scoped3A = arith.constant 0 : i32
        "tpu.region"() ({
          %run_scoped3A_134 = tpu.sem_alloc : memref<!tpu.dma_semaphore, #tpu.memory_space<semaphore_mem>>
          %dma_start3A_135 = arith.constant 0 : i32
          %dma_start3A_136 = tpu.memref_slice %arg11[%run_scoped3A, %dma_start3A_135] : memref<8x128xi32, #tpu.memory_space<vmem>> -> memref<1x128xi32, #tpu.memory_space<vmem>>
          %dma_start3A_137 = tpu.memref_squeeze %dma_start3A_136 : memref<1x128xi32, #tpu.memory_space<vmem>> -> memref<128xi32, #tpu.memory_space<vmem>>
          %dma_start3A_138 = arith.constant 0 : i32
          %dma_start3A_139 = arith.constant 0 : i32
          %dma_start3A_140 = tpu.memref_slice %arg9[%dma_start3A_138, %dma_start3A_139] : memref<10240x128xf32, #tpu.memory_space<vmem_shared>> -> memref<10240x128xf32, #tpu.memory_space<vmem_shared>>
          tpu.enqueue_indirect_dma source(%arg12 : memref<128x128xf32, #tpu.memory_space<vmem>>) target(%dma_start3A_140 : memref<10240x128xf32, #tpu.memory_space<vmem_shared>>) offsets(%dma_start3A_137 : memref<128xi32, #tpu.memory_space<vmem>>) semaphore(%run_scoped3A_134 : memref<!tpu.dma_semaphore, #tpu.memory_space<semaphore_mem>>) {add = true}
          %dma_wait3A_141 = arith.constant 0 : i32
          %dma_wait3A_142 = tpu.memref_slice %arg11[%run_scoped3A, %dma_wait3A_141] : memref<8x128xi32, #tpu.memory_space<vmem>> -> memref<1x128xi32, #tpu.memory_space<vmem>>
          %dma_wait3A_143 = tpu.memref_squeeze %dma_wait3A_142 : memref<1x128xi32, #tpu.memory_space<vmem>> -> memref<128xi32, #tpu.memory_space<vmem>>
          %dma_wait3A_144 = arith.constant 0 : i32
          %dma_wait3A_145 = arith.constant 0 : i32
          %dma_wait3A_146 = tpu.memref_slice %arg9[%dma_wait3A_144, %dma_wait3A_145] : memref<10240x128xf32, #tpu.memory_space<vmem_shared>> -> memref<10240x128xf32, #tpu.memory_space<vmem_shared>>
          tpu.wait_indirect_dma semaphore(%run_scoped3A_134 : memref<!tpu.dma_semaphore, #tpu.memory_space<semaphore_mem>>) src(%arg12 : memref<128x128xf32, #tpu.memory_space<vmem>>) dst(%dma_wait3A_146 : memref<10240x128xf32, #tpu.memory_space<vmem_shared>>)
          tpu.yield
        }) : () -> ()
        %dma_start3A_36 = arith.constant 2 : i32
        %dma_start3A_37 = arith.constant 0 : i32
        %dma_start3A_38 = tpu.memref_slice %arg10[%dma_start3A_36, %dma_start3A_37] : memref<8x128xi32, #tpu.memory_space<vmem>> -> memref<1x128xi32, #tpu.memory_space<vmem>>
        %dma_start3A_39 = tpu.memref_squeeze %dma_start3A_38 : memref<1x128xi32, #tpu.memory_space<vmem>> -> memref<128xi32, #tpu.memory_space<vmem>>
        %dma_start3A_40 = arith.constant 0 : i32
        %dma_start3A_41 = arith.constant 0 : i32
        %dma_start3A_42 = tpu.memref_slice %arg2[%dma_start3A_40, %dma_start3A_41] : memref<10240x128xf32, #tpu.memory_space<hbm>> -> memref<10240x128xf32, #tpu.memory_space<hbm>>
        tpu.enqueue_indirect_dma source(%dma_start3A_42 : memref<10240x128xf32, #tpu.memory_space<hbm>>) target(%arg12 : memref<128x128xf32, #tpu.memory_space<vmem>>) offsets(%dma_start3A_39 : memref<128xi32, #tpu.memory_space<vmem>>) semaphore(%arg14 : memref<!tpu.dma_semaphore, #tpu.memory_space<semaphore_mem>>)
        %dma_wait3A_43 = arith.constant 1 : i32
        %dma_wait3A_44 = arith.constant 0 : i32
        %dma_wait3A_45 = tpu.memref_slice %arg10[%dma_wait3A_43, %dma_wait3A_44] : memref<8x128xi32, #tpu.memory_space<vmem>> -> memref<1x128xi32, #tpu.memory_space<vmem>>
        %dma_wait3A_46 = tpu.memref_squeeze %dma_wait3A_45 : memref<1x128xi32, #tpu.memory_space<vmem>> -> memref<128xi32, #tpu.memory_space<vmem>>
        %dma_wait3A_47 = arith.constant 0 : i32
        %dma_wait3A_48 = arith.constant 0 : i32
        %dma_wait3A_49 = tpu.memref_slice %arg2[%dma_wait3A_47, %dma_wait3A_48] : memref<10240x128xf32, #tpu.memory_space<hbm>> -> memref<10240x128xf32, #tpu.memory_space<hbm>>
        tpu.wait_indirect_dma semaphore(%arg15 : memref<!tpu.dma_semaphore, #tpu.memory_space<semaphore_mem>>) src(%dma_wait3A_49 : memref<10240x128xf32, #tpu.memory_space<hbm>>) dst(%arg13 : memref<128x128xf32, #tpu.memory_space<vmem>>)
        %run_scoped3A_50 = arith.constant 1 : i32
        "tpu.region"() ({
          %run_scoped3A_134 = tpu.sem_alloc : memref<!tpu.dma_semaphore, #tpu.memory_space<semaphore_mem>>
          %dma_start3A_135 = arith.constant 0 : i32
          %dma_start3A_136 = tpu.memref_slice %arg11[%run_scoped3A_50, %dma_start3A_135] : memref<8x128xi32, #tpu.memory_space<vmem>> -> memref<1x128xi32, #tpu.memory_space<vmem>>
          %dma_start3A_137 = tpu.memref_squeeze %dma_start3A_136 : memref<1x128xi32, #tpu.memory_space<vmem>> -> memref<128xi32, #tpu.memory_space<vmem>>
          %dma_start3A_138 = arith.constant 0 : i32
          %dma_start3A_139 = arith.constant 0 : i32
          %dma_start3A_140 = tpu.memref_slice %arg9[%dma_start3A_138, %dma_start3A_139] : memref<10240x128xf32, #tpu.memory_space<vmem_shared>> -> memref<10240x128xf32, #tpu.memory_space<vmem_shared>>
          tpu.enqueue_indirect_dma source(%arg13 : memref<128x128xf32, #tpu.memory_space<vmem>>) target(%dma_start3A_140 : memref<10240x128xf32, #tpu.memory_space<vmem_shared>>) offsets(%dma_start3A_137 : memref<128xi32, #tpu.memory_space<vmem>>) semaphore(%run_scoped3A_134 : memref<!tpu.dma_semaphore, #tpu.memory_space<semaphore_mem>>) {add = true}
          %dma_wait3A_141 = arith.constant 0 : i32
          %dma_wait3A_142 = tpu.memref_slice %arg11[%run_scoped3A_50, %dma_wait3A_141] : memref<8x128xi32, #tpu.memory_space<vmem>> -> memref<1x128xi32, #tpu.memory_space<vmem>>
          %dma_wait3A_143 = tpu.memref_squeeze %dma_wait3A_142 : memref<1x128xi32, #tpu.memory_space<vmem>> -> memref<128xi32, #tpu.memory_space<vmem>>
          %dma_wait3A_144 = arith.constant 0 : i32
          %dma_wait3A_145 = arith.constant 0 : i32
          %dma_wait3A_146 = tpu.memref_slice %arg9[%dma_wait3A_144, %dma_wait3A_145] : memref<10240x128xf32, #tpu.memory_space<vmem_shared>> -> memref<10240x128xf32, #tpu.memory_space<vmem_shared>>
          tpu.wait_indirect_dma semaphore(%run_scoped3A_134 : memref<!tpu.dma_semaphore, #tpu.memory_space<semaphore_mem>>) src(%arg13 : memref<128x128xf32, #tpu.memory_space<vmem>>) dst(%dma_wait3A_146 : memref<10240x128xf32, #tpu.memory_space<vmem_shared>>)
          tpu.yield
        }) : () -> ()
        %dma_start3A_51 = arith.constant 3 : i32
        %dma_start3A_52 = arith.constant 0 : i32
        %dma_start3A_53 = tpu.memref_slice %arg10[%dma_start3A_51, %dma_start3A_52] : memref<8x128xi32, #tpu.memory_space<vmem>> -> memref<1x128xi32, #tpu.memory_space<vmem>>
        %dma_start3A_54 = tpu.memref_squeeze %dma_start3A_53 : memref<1x128xi32, #tpu.memory_space<vmem>> -> memref<128xi32, #tpu.memory_space<vmem>>
        %dma_start3A_55 = arith.constant 0 : i32
        %dma_start3A_56 = arith.constant 0 : i32
        %dma_start3A_57 = tpu.memref_slice %arg2[%dma_start3A_55, %dma_start3A_56] : memref<10240x128xf32, #tpu.memory_space<hbm>> -> memref<10240x128xf32, #tpu.memory_space<hbm>>
        tpu.enqueue_indirect_dma source(%dma_start3A_57 : memref<10240x128xf32, #tpu.memory_space<hbm>>) target(%arg13 : memref<128x128xf32, #tpu.memory_space<vmem>>) offsets(%dma_start3A_54 : memref<128xi32, #tpu.memory_space<vmem>>) semaphore(%arg15 : memref<!tpu.dma_semaphore, #tpu.memory_space<semaphore_mem>>)
        %dma_wait3A_58 = arith.constant 2 : i32
        %dma_wait3A_59 = arith.constant 0 : i32
        %dma_wait3A_60 = tpu.memref_slice %arg10[%dma_wait3A_58, %dma_wait3A_59] : memref<8x128xi32, #tpu.memory_space<vmem>> -> memref<1x128xi32, #tpu.memory_space<vmem>>
        %dma_wait3A_61 = tpu.memref_squeeze %dma_wait3A_60 : memref<1x128xi32, #tpu.memory_space<vmem>> -> memref<128xi32, #tpu.memory_space<vmem>>
        %dma_wait3A_62 = arith.constant 0 : i32
        %dma_wait3A_63 = arith.constant 0 : i32
        %dma_wait3A_64 = tpu.memref_slice %arg2[%dma_wait3A_62, %dma_wait3A_63] : memref<10240x128xf32, #tpu.memory_space<hbm>> -> memref<10240x128xf32, #tpu.memory_space<hbm>>
        tpu.wait_indirect_dma semaphore(%arg14 : memref<!tpu.dma_semaphore, #tpu.memory_space<semaphore_mem>>) src(%dma_wait3A_64 : memref<10240x128xf32, #tpu.memory_space<hbm>>) dst(%arg12 : memref<128x128xf32, #tpu.memory_space<vmem>>)
        %run_scoped3A_65 = arith.constant 2 : i32
        "tpu.region"() ({
          %run_scoped3A_134 = tpu.sem_alloc : memref<!tpu.dma_semaphore, #tpu.memory_space<semaphore_mem>>
          %dma_start3A_135 = arith.constant 0 : i32
          %dma_start3A_136 = tpu.memref_slice %arg11[%run_scoped3A_65, %dma_start3A_135] : memref<8x128xi32, #tpu.memory_space<vmem>> -> memref<1x128xi32, #tpu.memory_space<vmem>>
          %dma_start3A_137 = tpu.memref_squeeze %dma_start3A_136 : memref<1x128xi32, #tpu.memory_space<vmem>> -> memref<128xi32, #tpu.memory_space<vmem>>
          %dma_start3A_138 = arith.constant 0 : i32
          %dma_start3A_139 = arith.constant 0 : i32
          %dma_start3A_140 = tpu.memref_slice %arg9[%dma_start3A_138, %dma_start3A_139] : memref<10240x128xf32, #tpu.memory_space<vmem_shared>> -> memref<10240x128xf32, #tpu.memory_space<vmem_shared>>
          tpu.enqueue_indirect_dma source(%arg12 : memref<128x128xf32, #tpu.memory_space<vmem>>) target(%dma_start3A_140 : memref<10240x128xf32, #tpu.memory_space<vmem_shared>>) offsets(%dma_start3A_137 : memref<128xi32, #tpu.memory_space<vmem>>) semaphore(%run_scoped3A_134 : memref<!tpu.dma_semaphore, #tpu.memory_space<semaphore_mem>>) {add = true}
          %dma_wait3A_141 = arith.constant 0 : i32
          %dma_wait3A_142 = tpu.memref_slice %arg11[%run_scoped3A_65, %dma_wait3A_141] : memref<8x128xi32, #tpu.memory_space<vmem>> -> memref<1x128xi32, #tpu.memory_space<vmem>>
          %dma_wait3A_143 = tpu.memref_squeeze %dma_wait3A_142 : memref<1x128xi32, #tpu.memory_space<vmem>> -> memref<128xi32, #tpu.memory_space<vmem>>
          %dma_wait3A_144 = arith.constant 0 : i32
          %dma_wait3A_145 = arith.constant 0 : i32
          %dma_wait3A_146 = tpu.memref_slice %arg9[%dma_wait3A_144, %dma_wait3A_145] : memref<10240x128xf32, #tpu.memory_space<vmem_shared>> -> memref<10240x128xf32, #tpu.memory_space<vmem_shared>>
          tpu.wait_indirect_dma semaphore(%run_scoped3A_134 : memref<!tpu.dma_semaphore, #tpu.memory_space<semaphore_mem>>) src(%arg12 : memref<128x128xf32, #tpu.memory_space<vmem>>) dst(%dma_wait3A_146 : memref<10240x128xf32, #tpu.memory_space<vmem_shared>>)
          tpu.yield
        }) : () -> ()
        %dma_start3A_66 = arith.constant 4 : i32
        %dma_start3A_67 = arith.constant 0 : i32
        %dma_start3A_68 = tpu.memref_slice %arg10[%dma_start3A_66, %dma_start3A_67] : memref<8x128xi32, #tpu.memory_space<vmem>> -> memref<1x128xi32, #tpu.memory_space<vmem>>
        %dma_start3A_69 = tpu.memref_squeeze %dma_start3A_68 : memref<1x128xi32, #tpu.memory_space<vmem>> -> memref<128xi32, #tpu.memory_space<vmem>>
        %dma_start3A_70 = arith.constant 0 : i32
        %dma_start3A_71 = arith.constant 0 : i32
        %dma_start3A_72 = tpu.memref_slice %arg2[%dma_start3A_70, %dma_start3A_71] : memref<10240x128xf32, #tpu.memory_space<hbm>> -> memref<10240x128xf32, #tpu.memory_space<hbm>>
        tpu.enqueue_indirect_dma source(%dma_start3A_72 : memref<10240x128xf32, #tpu.memory_space<hbm>>) target(%arg12 : memref<128x128xf32, #tpu.memory_space<vmem>>) offsets(%dma_start3A_69 : memref<128xi32, #tpu.memory_space<vmem>>) semaphore(%arg14 : memref<!tpu.dma_semaphore, #tpu.memory_space<semaphore_mem>>)
        %dma_wait3A_73 = arith.constant 3 : i32
        %dma_wait3A_74 = arith.constant 0 : i32
        %dma_wait3A_75 = tpu.memref_slice %arg10[%dma_wait3A_73, %dma_wait3A_74] : memref<8x128xi32, #tpu.memory_space<vmem>> -> memref<1x128xi32, #tpu.memory_space<vmem>>
        %dma_wait3A_76 = tpu.memref_squeeze %dma_wait3A_75 : memref<1x128xi32, #tpu.memory_space<vmem>> -> memref<128xi32, #tpu.memory_space<vmem>>
        %dma_wait3A_77 = arith.constant 0 : i32
        %dma_wait3A_78 = arith.constant 0 : i32
        %dma_wait3A_79 = tpu.memref_slice %arg2[%dma_wait3A_77, %dma_wait3A_78] : memref<10240x128xf32, #tpu.memory_space<hbm>> -> memref<10240x128xf32, #tpu.memory_space<hbm>>
        tpu.wait_indirect_dma semaphore(%arg15 : memref<!tpu.dma_semaphore, #tpu.memory_space<semaphore_mem>>) src(%dma_wait3A_79 : memref<10240x128xf32, #tpu.memory_space<hbm>>) dst(%arg13 : memref<128x128xf32, #tpu.memory_space<vmem>>)
        %run_scoped3A_80 = arith.constant 3 : i32
        "tpu.region"() ({
          %run_scoped3A_134 = tpu.sem_alloc : memref<!tpu.dma_semaphore, #tpu.memory_space<semaphore_mem>>
          %dma_start3A_135 = arith.constant 0 : i32
          %dma_start3A_136 = tpu.memref_slice %arg11[%run_scoped3A_80, %dma_start3A_135] : memref<8x128xi32, #tpu.memory_space<vmem>> -> memref<1x128xi32, #tpu.memory_space<vmem>>
          %dma_start3A_137 = tpu.memref_squeeze %dma_start3A_136 : memref<1x128xi32, #tpu.memory_space<vmem>> -> memref<128xi32, #tpu.memory_space<vmem>>
          %dma_start3A_138 = arith.constant 0 : i32
          %dma_start3A_139 = arith.constant 0 : i32
          %dma_start3A_140 = tpu.memref_slice %arg9[%dma_start3A_138, %dma_start3A_139] : memref<10240x128xf32, #tpu.memory_space<vmem_shared>> -> memref<10240x128xf32, #tpu.memory_space<vmem_shared>>
          tpu.enqueue_indirect_dma source(%arg13 : memref<128x128xf32, #tpu.memory_space<vmem>>) target(%dma_start3A_140 : memref<10240x128xf32, #tpu.memory_space<vmem_shared>>) offsets(%dma_start3A_137 : memref<128xi32, #tpu.memory_space<vmem>>) semaphore(%run_scoped3A_134 : memref<!tpu.dma_semaphore, #tpu.memory_space<semaphore_mem>>) {add = true}
          %dma_wait3A_141 = arith.constant 0 : i32
          %dma_wait3A_142 = tpu.memref_slice %arg11[%run_scoped3A_80, %dma_wait3A_141] : memref<8x128xi32, #tpu.memory_space<vmem>> -> memref<1x128xi32, #tpu.memory_space<vmem>>
          %dma_wait3A_143 = tpu.memref_squeeze %dma_wait3A_142 : memref<1x128xi32, #tpu.memory_space<vmem>> -> memref<128xi32, #tpu.memory_space<vmem>>
          %dma_wait3A_144 = arith.constant 0 : i32
          %dma_wait3A_145 = arith.constant 0 : i32
          %dma_wait3A_146 = tpu.memref_slice %arg9[%dma_wait3A_144, %dma_wait3A_145] : memref<10240x128xf32, #tpu.memory_space<vmem_shared>> -> memref<10240x128xf32, #tpu.memory_space<vmem_shared>>
          tpu.wait_indirect_dma semaphore(%run_scoped3A_134 : memref<!tpu.dma_semaphore, #tpu.memory_space<semaphore_mem>>) src(%arg13 : memref<128x128xf32, #tpu.memory_space<vmem>>) dst(%dma_wait3A_146 : memref<10240x128xf32, #tpu.memory_space<vmem_shared>>)
          tpu.yield
        }) : () -> ()
        %dma_start3A_81 = arith.constant 5 : i32
        %dma_start3A_82 = arith.constant 0 : i32
        %dma_start3A_83 = tpu.memref_slice %arg10[%dma_start3A_81, %dma_start3A_82] : memref<8x128xi32, #tpu.memory_space<vmem>> -> memref<1x128xi32, #tpu.memory_space<vmem>>
        %dma_start3A_84 = tpu.memref_squeeze %dma_start3A_83 : memref<1x128xi32, #tpu.memory_space<vmem>> -> memref<128xi32, #tpu.memory_space<vmem>>
        %dma_start3A_85 = arith.constant 0 : i32
        %dma_start3A_86 = arith.constant 0 : i32
        %dma_start3A_87 = tpu.memref_slice %arg2[%dma_start3A_85, %dma_start3A_86] : memref<10240x128xf32, #tpu.memory_space<hbm>> -> memref<10240x128xf32, #tpu.memory_space<hbm>>
        tpu.enqueue_indirect_dma source(%dma_start3A_87 : memref<10240x128xf32, #tpu.memory_space<hbm>>) target(%arg13 : memref<128x128xf32, #tpu.memory_space<vmem>>) offsets(%dma_start3A_84 : memref<128xi32, #tpu.memory_space<vmem>>) semaphore(%arg15 : memref<!tpu.dma_semaphore, #tpu.memory_space<semaphore_mem>>)
        %dma_wait3A_88 = arith.constant 4 : i32
        %dma_wait3A_89 = arith.constant 0 : i32
        %dma_wait3A_90 = tpu.memref_slice %arg10[%dma_wait3A_88, %dma_wait3A_89] : memref<8x128xi32, #tpu.memory_space<vmem>> -> memref<1x128xi32, #tpu.memory_space<vmem>>
        %dma_wait3A_91 = tpu.memref_squeeze %dma_wait3A_90 : memref<1x128xi32, #tpu.memory_space<vmem>> -> memref<128xi32, #tpu.memory_space<vmem>>
        %dma_wait3A_92 = arith.constant 0 : i32
        %dma_wait3A_93 = arith.constant 0 : i32
        %dma_wait3A_94 = tpu.memref_slice %arg2[%dma_wait3A_92, %dma_wait3A_93] : memref<10240x128xf32, #tpu.memory_space<hbm>> -> memref<10240x128xf32, #tpu.memory_space<hbm>>
        tpu.wait_indirect_dma semaphore(%arg14 : memref<!tpu.dma_semaphore, #tpu.memory_space<semaphore_mem>>) src(%dma_wait3A_94 : memref<10240x128xf32, #tpu.memory_space<hbm>>) dst(%arg12 : memref<128x128xf32, #tpu.memory_space<vmem>>)
        %run_scoped3A_95 = arith.constant 4 : i32
        "tpu.region"() ({
          %run_scoped3A_134 = tpu.sem_alloc : memref<!tpu.dma_semaphore, #tpu.memory_space<semaphore_mem>>
          %dma_start3A_135 = arith.constant 0 : i32
          %dma_start3A_136 = tpu.memref_slice %arg11[%run_scoped3A_95, %dma_start3A_135] : memref<8x128xi32, #tpu.memory_space<vmem>> -> memref<1x128xi32, #tpu.memory_space<vmem>>
          %dma_start3A_137 = tpu.memref_squeeze %dma_start3A_136 : memref<1x128xi32, #tpu.memory_space<vmem>> -> memref<128xi32, #tpu.memory_space<vmem>>
          %dma_start3A_138 = arith.constant 0 : i32
          %dma_start3A_139 = arith.constant 0 : i32
          %dma_start3A_140 = tpu.memref_slice %arg9[%dma_start3A_138, %dma_start3A_139] : memref<10240x128xf32, #tpu.memory_space<vmem_shared>> -> memref<10240x128xf32, #tpu.memory_space<vmem_shared>>
          tpu.enqueue_indirect_dma source(%arg12 : memref<128x128xf32, #tpu.memory_space<vmem>>) target(%dma_start3A_140 : memref<10240x128xf32, #tpu.memory_space<vmem_shared>>) offsets(%dma_start3A_137 : memref<128xi32, #tpu.memory_space<vmem>>) semaphore(%run_scoped3A_134 : memref<!tpu.dma_semaphore, #tpu.memory_space<semaphore_mem>>) {add = true}
          %dma_wait3A_141 = arith.constant 0 : i32
          %dma_wait3A_142 = tpu.memref_slice %arg11[%run_scoped3A_95, %dma_wait3A_141] : memref<8x128xi32, #tpu.memory_space<vmem>> -> memref<1x128xi32, #tpu.memory_space<vmem>>
          %dma_wait3A_143 = tpu.memref_squeeze %dma_wait3A_142 : memref<1x128xi32, #tpu.memory_space<vmem>> -> memref<128xi32, #tpu.memory_space<vmem>>
          %dma_wait3A_144 = arith.constant 0 : i32
          %dma_wait3A_145 = arith.constant 0 : i32
          %dma_wait3A_146 = tpu.memref_slice %arg9[%dma_wait3A_144, %dma_wait3A_145] : memref<10240x128xf32, #tpu.memory_space<vmem_shared>> -> memref<10240x128xf32, #tpu.memory_space<vmem_shared>>
          tpu.wait_indirect_dma semaphore(%run_scoped3A_134 : memref<!tpu.dma_semaphore, #tpu.memory_space<semaphore_mem>>) src(%arg12 : memref<128x128xf32, #tpu.memory_space<vmem>>) dst(%dma_wait3A_146 : memref<10240x128xf32, #tpu.memory_space<vmem_shared>>)
          tpu.yield
        }) : () -> ()
        %dma_start3A_96 = arith.constant 6 : i32
        %dma_start3A_97 = arith.constant 0 : i32
        %dma_start3A_98 = tpu.memref_slice %arg10[%dma_start3A_96, %dma_start3A_97] : memref<8x128xi32, #tpu.memory_space<vmem>> -> memref<1x128xi32, #tpu.memory_space<vmem>>
        %dma_start3A_99 = tpu.memref_squeeze %dma_start3A_98 : memref<1x128xi32, #tpu.memory_space<vmem>> -> memref<128xi32, #tpu.memory_space<vmem>>
        %dma_start3A_100 = arith.constant 0 : i32
        %dma_start3A_101 = arith.constant 0 : i32
        %dma_start3A_102 = tpu.memref_slice %arg2[%dma_start3A_100, %dma_start3A_101] : memref<10240x128xf32, #tpu.memory_space<hbm>> -> memref<10240x128xf32, #tpu.memory_space<hbm>>
        tpu.enqueue_indirect_dma source(%dma_start3A_102 : memref<10240x128xf32, #tpu.memory_space<hbm>>) target(%arg12 : memref<128x128xf32, #tpu.memory_space<vmem>>) offsets(%dma_start3A_99 : memref<128xi32, #tpu.memory_space<vmem>>) semaphore(%arg14 : memref<!tpu.dma_semaphore, #tpu.memory_space<semaphore_mem>>)
        %dma_wait3A_103 = arith.constant 5 : i32
        %dma_wait3A_104 = arith.constant 0 : i32
        %dma_wait3A_105 = tpu.memref_slice %arg10[%dma_wait3A_103, %dma_wait3A_104] : memref<8x128xi32, #tpu.memory_space<vmem>> -> memref<1x128xi32, #tpu.memory_space<vmem>>
        %dma_wait3A_106 = tpu.memref_squeeze %dma_wait3A_105 : memref<1x128xi32, #tpu.memory_space<vmem>> -> memref<128xi32, #tpu.memory_space<vmem>>
        %dma_wait3A_107 = arith.constant 0 : i32
        %dma_wait3A_108 = arith.constant 0 : i32
        %dma_wait3A_109 = tpu.memref_slice %arg2[%dma_wait3A_107, %dma_wait3A_108] : memref<10240x128xf32, #tpu.memory_space<hbm>> -> memref<10240x128xf32, #tpu.memory_space<hbm>>
        tpu.wait_indirect_dma semaphore(%arg15 : memref<!tpu.dma_semaphore, #tpu.memory_space<semaphore_mem>>) src(%dma_wait3A_109 : memref<10240x128xf32, #tpu.memory_space<hbm>>) dst(%arg13 : memref<128x128xf32, #tpu.memory_space<vmem>>)
        %run_scoped3A_110 = arith.constant 5 : i32
        "tpu.region"() ({
          %run_scoped3A_134 = tpu.sem_alloc : memref<!tpu.dma_semaphore, #tpu.memory_space<semaphore_mem>>
          %dma_start3A_135 = arith.constant 0 : i32
          %dma_start3A_136 = tpu.memref_slice %arg11[%run_scoped3A_110, %dma_start3A_135] : memref<8x128xi32, #tpu.memory_space<vmem>> -> memref<1x128xi32, #tpu.memory_space<vmem>>
          %dma_start3A_137 = tpu.memref_squeeze %dma_start3A_136 : memref<1x128xi32, #tpu.memory_space<vmem>> -> memref<128xi32, #tpu.memory_space<vmem>>
          %dma_start3A_138 = arith.constant 0 : i32
          %dma_start3A_139 = arith.constant 0 : i32
          %dma_start3A_140 = tpu.memref_slice %arg9[%dma_start3A_138, %dma_start3A_139] : memref<10240x128xf32, #tpu.memory_space<vmem_shared>> -> memref<10240x128xf32, #tpu.memory_space<vmem_shared>>
          tpu.enqueue_indirect_dma source(%arg13 : memref<128x128xf32, #tpu.memory_space<vmem>>) target(%dma_start3A_140 : memref<10240x128xf32, #tpu.memory_space<vmem_shared>>) offsets(%dma_start3A_137 : memref<128xi32, #tpu.memory_space<vmem>>) semaphore(%run_scoped3A_134 : memref<!tpu.dma_semaphore, #tpu.memory_space<semaphore_mem>>) {add = true}
          %dma_wait3A_141 = arith.constant 0 : i32
          %dma_wait3A_142 = tpu.memref_slice %arg11[%run_scoped3A_110, %dma_wait3A_141] : memref<8x128xi32, #tpu.memory_space<vmem>> -> memref<1x128xi32, #tpu.memory_space<vmem>>
          %dma_wait3A_143 = tpu.memref_squeeze %dma_wait3A_142 : memref<1x128xi32, #tpu.memory_space<vmem>> -> memref<128xi32, #tpu.memory_space<vmem>>
          %dma_wait3A_144 = arith.constant 0 : i32
          %dma_wait3A_145 = arith.constant 0 : i32
          %dma_wait3A_146 = tpu.memref_slice %arg9[%dma_wait3A_144, %dma_wait3A_145] : memref<10240x128xf32, #tpu.memory_space<vmem_shared>> -> memref<10240x128xf32, #tpu.memory_space<vmem_shared>>
          tpu.wait_indirect_dma semaphore(%run_scoped3A_134 : memref<!tpu.dma_semaphore, #tpu.memory_space<semaphore_mem>>) src(%arg13 : memref<128x128xf32, #tpu.memory_space<vmem>>) dst(%dma_wait3A_146 : memref<10240x128xf32, #tpu.memory_space<vmem_shared>>)
          tpu.yield
        }) : () -> ()
        %dma_start3A_111 = arith.constant 7 : i32
        %dma_start3A_112 = arith.constant 0 : i32
        %dma_start3A_113 = tpu.memref_slice %arg10[%dma_start3A_111, %dma_start3A_112] : memref<8x128xi32, #tpu.memory_space<vmem>> -> memref<1x128xi32, #tpu.memory_space<vmem>>
        %dma_start3A_114 = tpu.memref_squeeze %dma_start3A_113 : memref<1x128xi32, #tpu.memory_space<vmem>> -> memref<128xi32, #tpu.memory_space<vmem>>
        %dma_start3A_115 = arith.constant 0 : i32
        %dma_start3A_116 = arith.constant 0 : i32
        %dma_start3A_117 = tpu.memref_slice %arg2[%dma_start3A_115, %dma_start3A_116] : memref<10240x128xf32, #tpu.memory_space<hbm>> -> memref<10240x128xf32, #tpu.memory_space<hbm>>
        tpu.enqueue_indirect_dma source(%dma_start3A_117 : memref<10240x128xf32, #tpu.memory_space<hbm>>) target(%arg13 : memref<128x128xf32, #tpu.memory_space<vmem>>) offsets(%dma_start3A_114 : memref<128xi32, #tpu.memory_space<vmem>>) semaphore(%arg15 : memref<!tpu.dma_semaphore, #tpu.memory_space<semaphore_mem>>)
        %dma_wait3A_118 = arith.constant 6 : i32
        %dma_wait3A_119 = arith.constant 0 : i32
        %dma_wait3A_120 = tpu.memref_slice %arg10[%dma_wait3A_118, %dma_wait3A_119] : memref<8x128xi32, #tpu.memory_space<vmem>> -> memref<1x128xi32, #tpu.memory_space<vmem>>
        %dma_wait3A_121 = tpu.memref_squeeze %dma_wait3A_120 : memref<1x128xi32, #tpu.memory_space<vmem>> -> memref<128xi32, #tpu.memory_space<vmem>>
        %dma_wait3A_122 = arith.constant 0 : i32
        %dma_wait3A_123 = arith.constant 0 : i32
        %dma_wait3A_124 = tpu.memref_slice %arg2[%dma_wait3A_122, %dma_wait3A_123] : memref<10240x128xf32, #tpu.memory_space<hbm>> -> memref<10240x128xf32, #tpu.memory_space<hbm>>
        tpu.wait_indirect_dma semaphore(%arg14 : memref<!tpu.dma_semaphore, #tpu.memory_space<semaphore_mem>>) src(%dma_wait3A_124 : memref<10240x128xf32, #tpu.memory_space<hbm>>) dst(%arg12 : memref<128x128xf32, #tpu.memory_space<vmem>>)
        %run_scoped3A_125 = arith.constant 6 : i32
        "tpu.region"() ({
          %run_scoped3A_134 = tpu.sem_alloc : memref<!tpu.dma_semaphore, #tpu.memory_space<semaphore_mem>>
          %dma_start3A_135 = arith.constant 0 : i32
          %dma_start3A_136 = tpu.memref_slice %arg11[%run_scoped3A_125, %dma_start3A_135] : memref<8x128xi32, #tpu.memory_space<vmem>> -> memref<1x128xi32, #tpu.memory_space<vmem>>
          %dma_start3A_137 = tpu.memref_squeeze %dma_start3A_136 : memref<1x128xi32, #tpu.memory_space<vmem>> -> memref<128xi32, #tpu.memory_space<vmem>>
          %dma_start3A_138 = arith.constant 0 : i32
          %dma_start3A_139 = arith.constant 0 : i32
          %dma_start3A_140 = tpu.memref_slice %arg9[%dma_start3A_138, %dma_start3A_139] : memref<10240x128xf32, #tpu.memory_space<vmem_shared>> -> memref<10240x128xf32, #tpu.memory_space<vmem_shared>>
          tpu.enqueue_indirect_dma source(%arg12 : memref<128x128xf32, #tpu.memory_space<vmem>>) target(%dma_start3A_140 : memref<10240x128xf32, #tpu.memory_space<vmem_shared>>) offsets(%dma_start3A_137 : memref<128xi32, #tpu.memory_space<vmem>>) semaphore(%run_scoped3A_134 : memref<!tpu.dma_semaphore, #tpu.memory_space<semaphore_mem>>) {add = true}
          %dma_wait3A_141 = arith.constant 0 : i32
          %dma_wait3A_142 = tpu.memref_slice %arg11[%run_scoped3A_125, %dma_wait3A_141] : memref<8x128xi32, #tpu.memory_space<vmem>> -> memref<1x128xi32, #tpu.memory_space<vmem>>
          %dma_wait3A_143 = tpu.memref_squeeze %dma_wait3A_142 : memref<1x128xi32, #tpu.memory_space<vmem>> -> memref<128xi32, #tpu.memory_space<vmem>>
          %dma_wait3A_144 = arith.constant 0 : i32
          %dma_wait3A_145 = arith.constant 0 : i32
          %dma_wait3A_146 = tpu.memref_slice %arg9[%dma_wait3A_144, %dma_wait3A_145] : memref<10240x128xf32, #tpu.memory_space<vmem_shared>> -> memref<10240x128xf32, #tpu.memory_space<vmem_shared>>
          tpu.wait_indirect_dma semaphore(%run_scoped3A_134 : memref<!tpu.dma_semaphore, #tpu.memory_space<semaphore_mem>>) src(%arg12 : memref<128x128xf32, #tpu.memory_space<vmem>>) dst(%dma_wait3A_146 : memref<10240x128xf32, #tpu.memory_space<vmem_shared>>)
          tpu.yield
        }) : () -> ()
        %dma_wait3A_126 = arith.constant 7 : i32
        %dma_wait3A_127 = arith.constant 0 : i32
        %dma_wait3A_128 = tpu.memref_slice %arg10[%dma_wait3A_126, %dma_wait3A_127] : memref<8x128xi32, #tpu.memory_space<vmem>> -> memref<1x128xi32, #tpu.memory_space<vmem>>
        %dma_wait3A_129 = tpu.memref_squeeze %dma_wait3A_128 : memref<1x128xi32, #tpu.memory_space<vmem>> -> memref<128xi32, #tpu.memory_space<vmem>>
        %dma_wait3A_130 = arith.constant 0 : i32
        %dma_wait3A_131 = arith.constant 0 : i32
        %dma_wait3A_132 = tpu.memref_slice %arg2[%dma_wait3A_130, %dma_wait3A_131] : memref<10240x128xf32, #tpu.memory_space<hbm>> -> memref<10240x128xf32, #tpu.memory_space<hbm>>
        tpu.wait_indirect_dma semaphore(%arg15 : memref<!tpu.dma_semaphore, #tpu.memory_space<semaphore_mem>>) src(%dma_wait3A_132 : memref<10240x128xf32, #tpu.memory_space<hbm>>) dst(%arg13 : memref<128x128xf32, #tpu.memory_space<vmem>>)
        %run_scoped3A_133 = arith.constant 7 : i32
        "tpu.region"() ({
          %run_scoped3A_134 = tpu.sem_alloc : memref<!tpu.dma_semaphore, #tpu.memory_space<semaphore_mem>>
          %dma_start3A_135 = arith.constant 0 : i32
          %dma_start3A_136 = tpu.memref_slice %arg11[%run_scoped3A_133, %dma_start3A_135] : memref<8x128xi32, #tpu.memory_space<vmem>> -> memref<1x128xi32, #tpu.memory_space<vmem>>
          %dma_start3A_137 = tpu.memref_squeeze %dma_start3A_136 : memref<1x128xi32, #tpu.memory_space<vmem>> -> memref<128xi32, #tpu.memory_space<vmem>>
          %dma_start3A_138 = arith.constant 0 : i32
          %dma_start3A_139 = arith.constant 0 : i32
          %dma_start3A_140 = tpu.memref_slice %arg9[%dma_start3A_138, %dma_start3A_139] : memref<10240x128xf32, #tpu.memory_space<vmem_shared>> -> memref<10240x128xf32, #tpu.memory_space<vmem_shared>>
          tpu.enqueue_indirect_dma source(%arg13 : memref<128x128xf32, #tpu.memory_space<vmem>>) target(%dma_start3A_140 : memref<10240x128xf32, #tpu.memory_space<vmem_shared>>) offsets(%dma_start3A_137 : memref<128xi32, #tpu.memory_space<vmem>>) semaphore(%run_scoped3A_134 : memref<!tpu.dma_semaphore, #tpu.memory_space<semaphore_mem>>) {add = true}
          %dma_wait3A_141 = arith.constant 0 : i32
          %dma_wait3A_142 = tpu.memref_slice %arg11[%run_scoped3A_133, %dma_wait3A_141] : memref<8x128xi32, #tpu.memory_space<vmem>> -> memref<1x128xi32, #tpu.memory_space<vmem>>
          %dma_wait3A_143 = tpu.memref_squeeze %dma_wait3A_142 : memref<1x128xi32, #tpu.memory_space<vmem>> -> memref<128xi32, #tpu.memory_space<vmem>>
          %dma_wait3A_144 = arith.constant 0 : i32
          %dma_wait3A_145 = arith.constant 0 : i32
          %dma_wait3A_146 = tpu.memref_slice %arg9[%dma_wait3A_144, %dma_wait3A_145] : memref<10240x128xf32, #tpu.memory_space<vmem_shared>> -> memref<10240x128xf32, #tpu.memory_space<vmem_shared>>
          tpu.wait_indirect_dma semaphore(%run_scoped3A_134 : memref<!tpu.dma_semaphore, #tpu.memory_space<semaphore_mem>>) src(%arg13 : memref<128x128xf32, #tpu.memory_space<vmem>>) dst(%dma_wait3A_146 : memref<10240x128xf32, #tpu.memory_space<vmem_shared>>)
          tpu.yield
        }) : () -> ()
      }
      %scan3A_13 = arith.constant 5 : i32
    } else {
    }
    %eq3A_3 = arith.constant 1 : i32
    %eq3A_4 = arith.cmpi eq, %arg0, %eq3A_3 : i32
    %convert_element_type3A_5 = arith.extui %eq3A_4 : i1 to i32
    %cond3A_6 = arith.constant 0 : i32
    %cond3A_7 = arith.cmpi ne, %convert_element_type3A_5, %cond3A_6 : i32
    scf.if %cond3A_7 {
      %scan3A = arith.constant 0 : i32
      %scan3A_9 = arith.constant 0 : i32
      %scan3A_10 = arith.constant 15 : i32
      %scan3A_11 = arith.addi %scan3A_9, %scan3A_10 : i32
      %scan3A_12 = arith.constant 1 : i32
      scf.for %scan3A_14 = %scan3A_9 to %scan3A_11 step %scan3A_12  : i32 {
        %mul3A_15 = arith.constant 8 : i32
        %mul3A_16 = arith.muli %scan3A_14, %mul3A_15 : i32
        "tpu.region"() ({
          %run_scoped3A_134 = tpu.sem_alloc : memref<!tpu.dma_semaphore, #tpu.memory_space<semaphore_mem>>
          %dma_start3A_135 = arith.constant 0 : i32
          %dma_start3A_136 = tpu.memref_slice %arg5[%arg1, %mul3A_16, %dma_start3A_135] : memref<16x120x128xi32, #tpu.memory_space<hbm>> -> memref<1x8x128xi32, #tpu.memory_space<hbm>>
          %dma_start3A_137 = tpu.memref_squeeze %dma_start3A_136 : memref<1x8x128xi32, #tpu.memory_space<hbm>> -> memref<8x128xi32, #tpu.memory_space<hbm>>
          %dma_start3A_138 = arith.constant 0 : i32
          %dma_start3A_139 = tpu.memref_slice %arg5[%arg1, %mul3A_16, %dma_start3A_138] : memref<16x120x128xi32, #tpu.memory_space<hbm>> -> memref<1x8x128xi32, #tpu.memory_space<hbm>>
          %dma_start3A_140 = tpu.memref_squeeze %dma_start3A_139 : memref<1x8x128xi32, #tpu.memory_space<hbm>> -> memref<8x128xi32, #tpu.memory_space<hbm>>
          tpu.enqueue_dma source(%dma_start3A_140 : memref<8x128xi32, #tpu.memory_space<hbm>>) target(%arg10 : memref<8x128xi32, #tpu.memory_space<vmem>>) target_semaphore(%run_scoped3A_134 : memref<!tpu.dma_semaphore, #tpu.memory_space<semaphore_mem>>)
          %dma_wait3A_141 = arith.constant 0 : i32
          %dma_wait3A_142 = tpu.memref_slice %arg5[%arg1, %mul3A_16, %dma_wait3A_141] : memref<16x120x128xi32, #tpu.memory_space<hbm>> -> memref<1x8x128xi32, #tpu.memory_space<hbm>>
          %dma_wait3A_143 = tpu.memref_squeeze %dma_wait3A_142 : memref<1x8x128xi32, #tpu.memory_space<hbm>> -> memref<8x128xi32, #tpu.memory_space<hbm>>
          %dma_wait3A_144 = arith.constant 0 : i32
          %dma_wait3A_145 = tpu.memref_slice %arg5[%arg1, %mul3A_16, %dma_wait3A_144] : memref<16x120x128xi32, #tpu.memory_space<hbm>> -> memref<1x8x128xi32, #tpu.memory_space<hbm>>
          %dma_wait3A_146 = tpu.memref_squeeze %dma_wait3A_145 : memref<1x8x128xi32, #tpu.memory_space<hbm>> -> memref<8x128xi32, #tpu.memory_space<hbm>>
          tpu.wait_dma2 semaphore(%run_scoped3A_134 : memref<!tpu.dma_semaphore, #tpu.memory_space<semaphore_mem>>) src(%dma_wait3A_146 : memref<8x128xi32, #tpu.memory_space<hbm>>) dst(%arg10 : memref<8x128xi32, #tpu.memory_space<vmem>>)
          tpu.yield
        }) : () -> ()
        "tpu.region"() ({
          %run_scoped3A_134 = tpu.sem_alloc : memref<!tpu.dma_semaphore, #tpu.memory_space<semaphore_mem>>
          %dma_start3A_135 = arith.constant 0 : i32
          %dma_start3A_136 = tpu.memref_slice %arg6[%arg1, %mul3A_16, %dma_start3A_135] : memref<16x120x128xi32, #tpu.memory_space<hbm>> -> memref<1x8x128xi32, #tpu.memory_space<hbm>>
          %dma_start3A_137 = tpu.memref_squeeze %dma_start3A_136 : memref<1x8x128xi32, #tpu.memory_space<hbm>> -> memref<8x128xi32, #tpu.memory_space<hbm>>
          %dma_start3A_138 = arith.constant 0 : i32
          %dma_start3A_139 = tpu.memref_slice %arg6[%arg1, %mul3A_16, %dma_start3A_138] : memref<16x120x128xi32, #tpu.memory_space<hbm>> -> memref<1x8x128xi32, #tpu.memory_space<hbm>>
          %dma_start3A_140 = tpu.memref_squeeze %dma_start3A_139 : memref<1x8x128xi32, #tpu.memory_space<hbm>> -> memref<8x128xi32, #tpu.memory_space<hbm>>
          tpu.enqueue_dma source(%dma_start3A_140 : memref<8x128xi32, #tpu.memory_space<hbm>>) target(%arg11 : memref<8x128xi32, #tpu.memory_space<vmem>>) target_semaphore(%run_scoped3A_134 : memref<!tpu.dma_semaphore, #tpu.memory_space<semaphore_mem>>)
          %dma_wait3A_141 = arith.constant 0 : i32
          %dma_wait3A_142 = tpu.memref_slice %arg6[%arg1, %mul3A_16, %dma_wait3A_141] : memref<16x120x128xi32, #tpu.memory_space<hbm>> -> memref<1x8x128xi32, #tpu.memory_space<hbm>>
          %dma_wait3A_143 = tpu.memref_squeeze %dma_wait3A_142 : memref<1x8x128xi32, #tpu.memory_space<hbm>> -> memref<8x128xi32, #tpu.memory_space<hbm>>
          %dma_wait3A_144 = arith.constant 0 : i32
          %dma_wait3A_145 = tpu.memref_slice %arg6[%arg1, %mul3A_16, %dma_wait3A_144] : memref<16x120x128xi32, #tpu.memory_space<hbm>> -> memref<1x8x128xi32, #tpu.memory_space<hbm>>
          %dma_wait3A_146 = tpu.memref_squeeze %dma_wait3A_145 : memref<1x8x128xi32, #tpu.memory_space<hbm>> -> memref<8x128xi32, #tpu.memory_space<hbm>>
          tpu.wait_dma2 semaphore(%run_scoped3A_134 : memref<!tpu.dma_semaphore, #tpu.memory_space<semaphore_mem>>) src(%dma_wait3A_146 : memref<8x128xi32, #tpu.memory_space<hbm>>) dst(%arg11 : memref<8x128xi32, #tpu.memory_space<vmem>>)
          tpu.yield
        }) : () -> ()
        %dma_start3A = arith.constant 0 : i32
        %dma_start3A_17 = arith.constant 0 : i32
        %dma_start3A_18 = tpu.memref_slice %arg10[%dma_start3A, %dma_start3A_17] : memref<8x128xi32, #tpu.memory_space<vmem>> -> memref<1x128xi32, #tpu.memory_space<vmem>>
        %dma_start3A_19 = tpu.memref_squeeze %dma_start3A_18 : memref<1x128xi32, #tpu.memory_space<vmem>> -> memref<128xi32, #tpu.memory_space<vmem>>
        %dma_start3A_20 = arith.constant 0 : i32
        %dma_start3A_21 = arith.constant 0 : i32
        %dma_start3A_22 = tpu.memref_slice %arg2[%dma_start3A_20, %dma_start3A_21] : memref<10240x128xf32, #tpu.memory_space<hbm>> -> memref<10240x128xf32, #tpu.memory_space<hbm>>
        tpu.enqueue_indirect_dma source(%dma_start3A_22 : memref<10240x128xf32, #tpu.memory_space<hbm>>) target(%arg12 : memref<128x128xf32, #tpu.memory_space<vmem>>) offsets(%dma_start3A_19 : memref<128xi32, #tpu.memory_space<vmem>>) semaphore(%arg14 : memref<!tpu.dma_semaphore, #tpu.memory_space<semaphore_mem>>)
        %dma_start3A_23 = arith.constant 1 : i32
        %dma_start3A_24 = arith.constant 0 : i32
        %dma_start3A_25 = tpu.memref_slice %arg10[%dma_start3A_23, %dma_start3A_24] : memref<8x128xi32, #tpu.memory_space<vmem>> -> memref<1x128xi32, #tpu.memory_space<vmem>>
        %dma_start3A_26 = tpu.memref_squeeze %dma_start3A_25 : memref<1x128xi32, #tpu.memory_space<vmem>> -> memref<128xi32, #tpu.memory_space<vmem>>
        %dma_start3A_27 = arith.constant 0 : i32
        %dma_start3A_28 = arith.constant 0 : i32
        %dma_start3A_29 = tpu.memref_slice %arg2[%dma_start3A_27, %dma_start3A_28] : memref<10240x128xf32, #tpu.memory_space<hbm>> -> memref<10240x128xf32, #tpu.memory_space<hbm>>
        tpu.enqueue_indirect_dma source(%dma_start3A_29 : memref<10240x128xf32, #tpu.memory_space<hbm>>) target(%arg13 : memref<128x128xf32, #tpu.memory_space<vmem>>) offsets(%dma_start3A_26 : memref<128xi32, #tpu.memory_space<vmem>>) semaphore(%arg15 : memref<!tpu.dma_semaphore, #tpu.memory_space<semaphore_mem>>)
        %dma_wait3A = arith.constant 0 : i32
        %dma_wait3A_30 = arith.constant 0 : i32
        %dma_wait3A_31 = tpu.memref_slice %arg10[%dma_wait3A, %dma_wait3A_30] : memref<8x128xi32, #tpu.memory_space<vmem>> -> memref<1x128xi32, #tpu.memory_space<vmem>>
        %dma_wait3A_32 = tpu.memref_squeeze %dma_wait3A_31 : memref<1x128xi32, #tpu.memory_space<vmem>> -> memref<128xi32, #tpu.memory_space<vmem>>
        %dma_wait3A_33 = arith.constant 0 : i32
        %dma_wait3A_34 = arith.constant 0 : i32
        %dma_wait3A_35 = tpu.memref_slice %arg2[%dma_wait3A_33, %dma_wait3A_34] : memref<10240x128xf32, #tpu.memory_space<hbm>> -> memref<10240x128xf32, #tpu.memory_space<hbm>>
        tpu.wait_indirect_dma semaphore(%arg14 : memref<!tpu.dma_semaphore, #tpu.memory_space<semaphore_mem>>) src(%dma_wait3A_35 : memref<10240x128xf32, #tpu.memory_space<hbm>>) dst(%arg12 : memref<128x128xf32, #tpu.memory_space<vmem>>)
        %run_scoped3A = arith.constant 0 : i32
        "tpu.region"() ({
          %run_scoped3A_134 = tpu.sem_alloc : memref<!tpu.dma_semaphore, #tpu.memory_space<semaphore_mem>>
          %dma_start3A_135 = arith.constant 0 : i32
          %dma_start3A_136 = tpu.memref_slice %arg11[%run_scoped3A, %dma_start3A_135] : memref<8x128xi32, #tpu.memory_space<vmem>> -> memref<1x128xi32, #tpu.memory_space<vmem>>
          %dma_start3A_137 = tpu.memref_squeeze %dma_start3A_136 : memref<1x128xi32, #tpu.memory_space<vmem>> -> memref<128xi32, #tpu.memory_space<vmem>>
          %dma_start3A_138 = arith.constant 0 : i32
          %dma_start3A_139 = arith.constant 0 : i32
          %dma_start3A_140 = tpu.memref_slice %arg9[%dma_start3A_138, %dma_start3A_139] : memref<10240x128xf32, #tpu.memory_space<vmem_shared>> -> memref<10240x128xf32, #tpu.memory_space<vmem_shared>>
          tpu.enqueue_indirect_dma source(%arg12 : memref<128x128xf32, #tpu.memory_space<vmem>>) target(%dma_start3A_140 : memref<10240x128xf32, #tpu.memory_space<vmem_shared>>) offsets(%dma_start3A_137 : memref<128xi32, #tpu.memory_space<vmem>>) semaphore(%run_scoped3A_134 : memref<!tpu.dma_semaphore, #tpu.memory_space<semaphore_mem>>) {add = true}
          %dma_wait3A_141 = arith.constant 0 : i32
          %dma_wait3A_142 = tpu.memref_slice %arg11[%run_scoped3A, %dma_wait3A_141] : memref<8x128xi32, #tpu.memory_space<vmem>> -> memref<1x128xi32, #tpu.memory_space<vmem>>
          %dma_wait3A_143 = tpu.memref_squeeze %dma_wait3A_142 : memref<1x128xi32, #tpu.memory_space<vmem>> -> memref<128xi32, #tpu.memory_space<vmem>>
          %dma_wait3A_144 = arith.constant 0 : i32
          %dma_wait3A_145 = arith.constant 0 : i32
          %dma_wait3A_146 = tpu.memref_slice %arg9[%dma_wait3A_144, %dma_wait3A_145] : memref<10240x128xf32, #tpu.memory_space<vmem_shared>> -> memref<10240x128xf32, #tpu.memory_space<vmem_shared>>
          tpu.wait_indirect_dma semaphore(%run_scoped3A_134 : memref<!tpu.dma_semaphore, #tpu.memory_space<semaphore_mem>>) src(%arg12 : memref<128x128xf32, #tpu.memory_space<vmem>>) dst(%dma_wait3A_146 : memref<10240x128xf32, #tpu.memory_space<vmem_shared>>)
          tpu.yield
        }) : () -> ()
        %dma_start3A_36 = arith.constant 2 : i32
        %dma_start3A_37 = arith.constant 0 : i32
        %dma_start3A_38 = tpu.memref_slice %arg10[%dma_start3A_36, %dma_start3A_37] : memref<8x128xi32, #tpu.memory_space<vmem>> -> memref<1x128xi32, #tpu.memory_space<vmem>>
        %dma_start3A_39 = tpu.memref_squeeze %dma_start3A_38 : memref<1x128xi32, #tpu.memory_space<vmem>> -> memref<128xi32, #tpu.memory_space<vmem>>
        %dma_start3A_40 = arith.constant 0 : i32
        %dma_start3A_41 = arith.constant 0 : i32
        %dma_start3A_42 = tpu.memref_slice %arg2[%dma_start3A_40, %dma_start3A_41] : memref<10240x128xf32, #tpu.memory_space<hbm>> -> memref<10240x128xf32, #tpu.memory_space<hbm>>
        tpu.enqueue_indirect_dma source(%dma_start3A_42 : memref<10240x128xf32, #tpu.memory_space<hbm>>) target(%arg12 : memref<128x128xf32, #tpu.memory_space<vmem>>) offsets(%dma_start3A_39 : memref<128xi32, #tpu.memory_space<vmem>>) semaphore(%arg14 : memref<!tpu.dma_semaphore, #tpu.memory_space<semaphore_mem>>)
        %dma_wait3A_43 = arith.constant 1 : i32
        %dma_wait3A_44 = arith.constant 0 : i32
        %dma_wait3A_45 = tpu.memref_slice %arg10[%dma_wait3A_43, %dma_wait3A_44] : memref<8x128xi32, #tpu.memory_space<vmem>> -> memref<1x128xi32, #tpu.memory_space<vmem>>
        %dma_wait3A_46 = tpu.memref_squeeze %dma_wait3A_45 : memref<1x128xi32, #tpu.memory_space<vmem>> -> memref<128xi32, #tpu.memory_space<vmem>>
        %dma_wait3A_47 = arith.constant 0 : i32
        %dma_wait3A_48 = arith.constant 0 : i32
        %dma_wait3A_49 = tpu.memref_slice %arg2[%dma_wait3A_47, %dma_wait3A_48] : memref<10240x128xf32, #tpu.memory_space<hbm>> -> memref<10240x128xf32, #tpu.memory_space<hbm>>
        tpu.wait_indirect_dma semaphore(%arg15 : memref<!tpu.dma_semaphore, #tpu.memory_space<semaphore_mem>>) src(%dma_wait3A_49 : memref<10240x128xf32, #tpu.memory_space<hbm>>) dst(%arg13 : memref<128x128xf32, #tpu.memory_space<vmem>>)
        %run_scoped3A_50 = arith.constant 1 : i32
        "tpu.region"() ({
          %run_scoped3A_134 = tpu.sem_alloc : memref<!tpu.dma_semaphore, #tpu.memory_space<semaphore_mem>>
          %dma_start3A_135 = arith.constant 0 : i32
          %dma_start3A_136 = tpu.memref_slice %arg11[%run_scoped3A_50, %dma_start3A_135] : memref<8x128xi32, #tpu.memory_space<vmem>> -> memref<1x128xi32, #tpu.memory_space<vmem>>
          %dma_start3A_137 = tpu.memref_squeeze %dma_start3A_136 : memref<1x128xi32, #tpu.memory_space<vmem>> -> memref<128xi32, #tpu.memory_space<vmem>>
          %dma_start3A_138 = arith.constant 0 : i32
          %dma_start3A_139 = arith.constant 0 : i32
          %dma_start3A_140 = tpu.memref_slice %arg9[%dma_start3A_138, %dma_start3A_139] : memref<10240x128xf32, #tpu.memory_space<vmem_shared>> -> memref<10240x128xf32, #tpu.memory_space<vmem_shared>>
          tpu.enqueue_indirect_dma source(%arg13 : memref<128x128xf32, #tpu.memory_space<vmem>>) target(%dma_start3A_140 : memref<10240x128xf32, #tpu.memory_space<vmem_shared>>) offsets(%dma_start3A_137 : memref<128xi32, #tpu.memory_space<vmem>>) semaphore(%run_scoped3A_134 : memref<!tpu.dma_semaphore, #tpu.memory_space<semaphore_mem>>) {add = true}
          %dma_wait3A_141 = arith.constant 0 : i32
          %dma_wait3A_142 = tpu.memref_slice %arg11[%run_scoped3A_50, %dma_wait3A_141] : memref<8x128xi32, #tpu.memory_space<vmem>> -> memref<1x128xi32, #tpu.memory_space<vmem>>
          %dma_wait3A_143 = tpu.memref_squeeze %dma_wait3A_142 : memref<1x128xi32, #tpu.memory_space<vmem>> -> memref<128xi32, #tpu.memory_space<vmem>>
          %dma_wait3A_144 = arith.constant 0 : i32
          %dma_wait3A_145 = arith.constant 0 : i32
          %dma_wait3A_146 = tpu.memref_slice %arg9[%dma_wait3A_144, %dma_wait3A_145] : memref<10240x128xf32, #tpu.memory_space<vmem_shared>> -> memref<10240x128xf32, #tpu.memory_space<vmem_shared>>
          tpu.wait_indirect_dma semaphore(%run_scoped3A_134 : memref<!tpu.dma_semaphore, #tpu.memory_space<semaphore_mem>>) src(%arg13 : memref<128x128xf32, #tpu.memory_space<vmem>>) dst(%dma_wait3A_146 : memref<10240x128xf32, #tpu.memory_space<vmem_shared>>)
          tpu.yield
        }) : () -> ()
        %dma_start3A_51 = arith.constant 3 : i32
        %dma_start3A_52 = arith.constant 0 : i32
        %dma_start3A_53 = tpu.memref_slice %arg10[%dma_start3A_51, %dma_start3A_52] : memref<8x128xi32, #tpu.memory_space<vmem>> -> memref<1x128xi32, #tpu.memory_space<vmem>>
        %dma_start3A_54 = tpu.memref_squeeze %dma_start3A_53 : memref<1x128xi32, #tpu.memory_space<vmem>> -> memref<128xi32, #tpu.memory_space<vmem>>
        %dma_start3A_55 = arith.constant 0 : i32
        %dma_start3A_56 = arith.constant 0 : i32
        %dma_start3A_57 = tpu.memref_slice %arg2[%dma_start3A_55, %dma_start3A_56] : memref<10240x128xf32, #tpu.memory_space<hbm>> -> memref<10240x128xf32, #tpu.memory_space<hbm>>
        tpu.enqueue_indirect_dma source(%dma_start3A_57 : memref<10240x128xf32, #tpu.memory_space<hbm>>) target(%arg13 : memref<128x128xf32, #tpu.memory_space<vmem>>) offsets(%dma_start3A_54 : memref<128xi32, #tpu.memory_space<vmem>>) semaphore(%arg15 : memref<!tpu.dma_semaphore, #tpu.memory_space<semaphore_mem>>)
        %dma_wait3A_58 = arith.constant 2 : i32
        %dma_wait3A_59 = arith.constant 0 : i32
        %dma_wait3A_60 = tpu.memref_slice %arg10[%dma_wait3A_58, %dma_wait3A_59] : memref<8x128xi32, #tpu.memory_space<vmem>> -> memref<1x128xi32, #tpu.memory_space<vmem>>
        %dma_wait3A_61 = tpu.memref_squeeze %dma_wait3A_60 : memref<1x128xi32, #tpu.memory_space<vmem>> -> memref<128xi32, #tpu.memory_space<vmem>>
        %dma_wait3A_62 = arith.constant 0 : i32
        %dma_wait3A_63 = arith.constant 0 : i32
        %dma_wait3A_64 = tpu.memref_slice %arg2[%dma_wait3A_62, %dma_wait3A_63] : memref<10240x128xf32, #tpu.memory_space<hbm>> -> memref<10240x128xf32, #tpu.memory_space<hbm>>
        tpu.wait_indirect_dma semaphore(%arg14 : memref<!tpu.dma_semaphore, #tpu.memory_space<semaphore_mem>>) src(%dma_wait3A_64 : memref<10240x128xf32, #tpu.memory_space<hbm>>) dst(%arg12 : memref<128x128xf32, #tpu.memory_space<vmem>>)
        %run_scoped3A_65 = arith.constant 2 : i32
        "tpu.region"() ({
          %run_scoped3A_134 = tpu.sem_alloc : memref<!tpu.dma_semaphore, #tpu.memory_space<semaphore_mem>>
          %dma_start3A_135 = arith.constant 0 : i32
          %dma_start3A_136 = tpu.memref_slice %arg11[%run_scoped3A_65, %dma_start3A_135] : memref<8x128xi32, #tpu.memory_space<vmem>> -> memref<1x128xi32, #tpu.memory_space<vmem>>
          %dma_start3A_137 = tpu.memref_squeeze %dma_start3A_136 : memref<1x128xi32, #tpu.memory_space<vmem>> -> memref<128xi32, #tpu.memory_space<vmem>>
          %dma_start3A_138 = arith.constant 0 : i32
          %dma_start3A_139 = arith.constant 0 : i32
          %dma_start3A_140 = tpu.memref_slice %arg9[%dma_start3A_138, %dma_start3A_139] : memref<10240x128xf32, #tpu.memory_space<vmem_shared>> -> memref<10240x128xf32, #tpu.memory_space<vmem_shared>>
          tpu.enqueue_indirect_dma source(%arg12 : memref<128x128xf32, #tpu.memory_space<vmem>>) target(%dma_start3A_140 : memref<10240x128xf32, #tpu.memory_space<vmem_shared>>) offsets(%dma_start3A_137 : memref<128xi32, #tpu.memory_space<vmem>>) semaphore(%run_scoped3A_134 : memref<!tpu.dma_semaphore, #tpu.memory_space<semaphore_mem>>) {add = true}
          %dma_wait3A_141 = arith.constant 0 : i32
          %dma_wait3A_142 = tpu.memref_slice %arg11[%run_scoped3A_65, %dma_wait3A_141] : memref<8x128xi32, #tpu.memory_space<vmem>> -> memref<1x128xi32, #tpu.memory_space<vmem>>
          %dma_wait3A_143 = tpu.memref_squeeze %dma_wait3A_142 : memref<1x128xi32, #tpu.memory_space<vmem>> -> memref<128xi32, #tpu.memory_space<vmem>>
          %dma_wait3A_144 = arith.constant 0 : i32
          %dma_wait3A_145 = arith.constant 0 : i32
          %dma_wait3A_146 = tpu.memref_slice %arg9[%dma_wait3A_144, %dma_wait3A_145] : memref<10240x128xf32, #tpu.memory_space<vmem_shared>> -> memref<10240x128xf32, #tpu.memory_space<vmem_shared>>
          tpu.wait_indirect_dma semaphore(%run_scoped3A_134 : memref<!tpu.dma_semaphore, #tpu.memory_space<semaphore_mem>>) src(%arg12 : memref<128x128xf32, #tpu.memory_space<vmem>>) dst(%dma_wait3A_146 : memref<10240x128xf32, #tpu.memory_space<vmem_shared>>)
          tpu.yield
        }) : () -> ()
        %dma_start3A_66 = arith.constant 4 : i32
        %dma_start3A_67 = arith.constant 0 : i32
        %dma_start3A_68 = tpu.memref_slice %arg10[%dma_start3A_66, %dma_start3A_67] : memref<8x128xi32, #tpu.memory_space<vmem>> -> memref<1x128xi32, #tpu.memory_space<vmem>>
        %dma_start3A_69 = tpu.memref_squeeze %dma_start3A_68 : memref<1x128xi32, #tpu.memory_space<vmem>> -> memref<128xi32, #tpu.memory_space<vmem>>
        %dma_start3A_70 = arith.constant 0 : i32
        %dma_start3A_71 = arith.constant 0 : i32
        %dma_start3A_72 = tpu.memref_slice %arg2[%dma_start3A_70, %dma_start3A_71] : memref<10240x128xf32, #tpu.memory_space<hbm>> -> memref<10240x128xf32, #tpu.memory_space<hbm>>
        tpu.enqueue_indirect_dma source(%dma_start3A_72 : memref<10240x128xf32, #tpu.memory_space<hbm>>) target(%arg12 : memref<128x128xf32, #tpu.memory_space<vmem>>) offsets(%dma_start3A_69 : memref<128xi32, #tpu.memory_space<vmem>>) semaphore(%arg14 : memref<!tpu.dma_semaphore, #tpu.memory_space<semaphore_mem>>)
        %dma_wait3A_73 = arith.constant 3 : i32
        %dma_wait3A_74 = arith.constant 0 : i32
        %dma_wait3A_75 = tpu.memref_slice %arg10[%dma_wait3A_73, %dma_wait3A_74] : memref<8x128xi32, #tpu.memory_space<vmem>> -> memref<1x128xi32, #tpu.memory_space<vmem>>
        %dma_wait3A_76 = tpu.memref_squeeze %dma_wait3A_75 : memref<1x128xi32, #tpu.memory_space<vmem>> -> memref<128xi32, #tpu.memory_space<vmem>>
        %dma_wait3A_77 = arith.constant 0 : i32
        %dma_wait3A_78 = arith.constant 0 : i32
        %dma_wait3A_79 = tpu.memref_slice %arg2[%dma_wait3A_77, %dma_wait3A_78] : memref<10240x128xf32, #tpu.memory_space<hbm>> -> memref<10240x128xf32, #tpu.memory_space<hbm>>
        tpu.wait_indirect_dma semaphore(%arg15 : memref<!tpu.dma_semaphore, #tpu.memory_space<semaphore_mem>>) src(%dma_wait3A_79 : memref<10240x128xf32, #tpu.memory_space<hbm>>) dst(%arg13 : memref<128x128xf32, #tpu.memory_space<vmem>>)
        %run_scoped3A_80 = arith.constant 3 : i32
        "tpu.region"() ({
          %run_scoped3A_134 = tpu.sem_alloc : memref<!tpu.dma_semaphore, #tpu.memory_space<semaphore_mem>>
          %dma_start3A_135 = arith.constant 0 : i32
          %dma_start3A_136 = tpu.memref_slice %arg11[%run_scoped3A_80, %dma_start3A_135] : memref<8x128xi32, #tpu.memory_space<vmem>> -> memref<1x128xi32, #tpu.memory_space<vmem>>
          %dma_start3A_137 = tpu.memref_squeeze %dma_start3A_136 : memref<1x128xi32, #tpu.memory_space<vmem>> -> memref<128xi32, #tpu.memory_space<vmem>>
          %dma_start3A_138 = arith.constant 0 : i32
          %dma_start3A_139 = arith.constant 0 : i32
          %dma_start3A_140 = tpu.memref_slice %arg9[%dma_start3A_138, %dma_start3A_139] : memref<10240x128xf32, #tpu.memory_space<vmem_shared>> -> memref<10240x128xf32, #tpu.memory_space<vmem_shared>>
          tpu.enqueue_indirect_dma source(%arg13 : memref<128x128xf32, #tpu.memory_space<vmem>>) target(%dma_start3A_140 : memref<10240x128xf32, #tpu.memory_space<vmem_shared>>) offsets(%dma_start3A_137 : memref<128xi32, #tpu.memory_space<vmem>>) semaphore(%run_scoped3A_134 : memref<!tpu.dma_semaphore, #tpu.memory_space<semaphore_mem>>) {add = true}
          %dma_wait3A_141 = arith.constant 0 : i32
          %dma_wait3A_142 = tpu.memref_slice %arg11[%run_scoped3A_80, %dma_wait3A_141] : memref<8x128xi32, #tpu.memory_space<vmem>> -> memref<1x128xi32, #tpu.memory_space<vmem>>
          %dma_wait3A_143 = tpu.memref_squeeze %dma_wait3A_142 : memref<1x128xi32, #tpu.memory_space<vmem>> -> memref<128xi32, #tpu.memory_space<vmem>>
          %dma_wait3A_144 = arith.constant 0 : i32
          %dma_wait3A_145 = arith.constant 0 : i32
          %dma_wait3A_146 = tpu.memref_slice %arg9[%dma_wait3A_144, %dma_wait3A_145] : memref<10240x128xf32, #tpu.memory_space<vmem_shared>> -> memref<10240x128xf32, #tpu.memory_space<vmem_shared>>
          tpu.wait_indirect_dma semaphore(%run_scoped3A_134 : memref<!tpu.dma_semaphore, #tpu.memory_space<semaphore_mem>>) src(%arg13 : memref<128x128xf32, #tpu.memory_space<vmem>>) dst(%dma_wait3A_146 : memref<10240x128xf32, #tpu.memory_space<vmem_shared>>)
          tpu.yield
        }) : () -> ()
        %dma_start3A_81 = arith.constant 5 : i32
        %dma_start3A_82 = arith.constant 0 : i32
        %dma_start3A_83 = tpu.memref_slice %arg10[%dma_start3A_81, %dma_start3A_82] : memref<8x128xi32, #tpu.memory_space<vmem>> -> memref<1x128xi32, #tpu.memory_space<vmem>>
        %dma_start3A_84 = tpu.memref_squeeze %dma_start3A_83 : memref<1x128xi32, #tpu.memory_space<vmem>> -> memref<128xi32, #tpu.memory_space<vmem>>
        %dma_start3A_85 = arith.constant 0 : i32
        %dma_start3A_86 = arith.constant 0 : i32
        %dma_start3A_87 = tpu.memref_slice %arg2[%dma_start3A_85, %dma_start3A_86] : memref<10240x128xf32, #tpu.memory_space<hbm>> -> memref<10240x128xf32, #tpu.memory_space<hbm>>
        tpu.enqueue_indirect_dma source(%dma_start3A_87 : memref<10240x128xf32, #tpu.memory_space<hbm>>) target(%arg13 : memref<128x128xf32, #tpu.memory_space<vmem>>) offsets(%dma_start3A_84 : memref<128xi32, #tpu.memory_space<vmem>>) semaphore(%arg15 : memref<!tpu.dma_semaphore, #tpu.memory_space<semaphore_mem>>)
        %dma_wait3A_88 = arith.constant 4 : i32
        %dma_wait3A_89 = arith.constant 0 : i32
        %dma_wait3A_90 = tpu.memref_slice %arg10[%dma_wait3A_88, %dma_wait3A_89] : memref<8x128xi32, #tpu.memory_space<vmem>> -> memref<1x128xi32, #tpu.memory_space<vmem>>
        %dma_wait3A_91 = tpu.memref_squeeze %dma_wait3A_90 : memref<1x128xi32, #tpu.memory_space<vmem>> -> memref<128xi32, #tpu.memory_space<vmem>>
        %dma_wait3A_92 = arith.constant 0 : i32
        %dma_wait3A_93 = arith.constant 0 : i32
        %dma_wait3A_94 = tpu.memref_slice %arg2[%dma_wait3A_92, %dma_wait3A_93] : memref<10240x128xf32, #tpu.memory_space<hbm>> -> memref<10240x128xf32, #tpu.memory_space<hbm>>
        tpu.wait_indirect_dma semaphore(%arg14 : memref<!tpu.dma_semaphore, #tpu.memory_space<semaphore_mem>>) src(%dma_wait3A_94 : memref<10240x128xf32, #tpu.memory_space<hbm>>) dst(%arg12 : memref<128x128xf32, #tpu.memory_space<vmem>>)
        %run_scoped3A_95 = arith.constant 4 : i32
        "tpu.region"() ({
          %run_scoped3A_134 = tpu.sem_alloc : memref<!tpu.dma_semaphore, #tpu.memory_space<semaphore_mem>>
          %dma_start3A_135 = arith.constant 0 : i32
          %dma_start3A_136 = tpu.memref_slice %arg11[%run_scoped3A_95, %dma_start3A_135] : memref<8x128xi32, #tpu.memory_space<vmem>> -> memref<1x128xi32, #tpu.memory_space<vmem>>
          %dma_start3A_137 = tpu.memref_squeeze %dma_start3A_136 : memref<1x128xi32, #tpu.memory_space<vmem>> -> memref<128xi32, #tpu.memory_space<vmem>>
          %dma_start3A_138 = arith.constant 0 : i32
          %dma_start3A_139 = arith.constant 0 : i32
          %dma_start3A_140 = tpu.memref_slice %arg9[%dma_start3A_138, %dma_start3A_139] : memref<10240x128xf32, #tpu.memory_space<vmem_shared>> -> memref<10240x128xf32, #tpu.memory_space<vmem_shared>>
          tpu.enqueue_indirect_dma source(%arg12 : memref<128x128xf32, #tpu.memory_space<vmem>>) target(%dma_start3A_140 : memref<10240x128xf32, #tpu.memory_space<vmem_shared>>) offsets(%dma_start3A_137 : memref<128xi32, #tpu.memory_space<vmem>>) semaphore(%run_scoped3A_134 : memref<!tpu.dma_semaphore, #tpu.memory_space<semaphore_mem>>) {add = true}
          %dma_wait3A_141 = arith.constant 0 : i32
          %dma_wait3A_142 = tpu.memref_slice %arg11[%run_scoped3A_95, %dma_wait3A_141] : memref<8x128xi32, #tpu.memory_space<vmem>> -> memref<1x128xi32, #tpu.memory_space<vmem>>
          %dma_wait3A_143 = tpu.memref_squeeze %dma_wait3A_142 : memref<1x128xi32, #tpu.memory_space<vmem>> -> memref<128xi32, #tpu.memory_space<vmem>>
          %dma_wait3A_144 = arith.constant 0 : i32
          %dma_wait3A_145 = arith.constant 0 : i32
          %dma_wait3A_146 = tpu.memref_slice %arg9[%dma_wait3A_144, %dma_wait3A_145] : memref<10240x128xf32, #tpu.memory_space<vmem_shared>> -> memref<10240x128xf32, #tpu.memory_space<vmem_shared>>
          tpu.wait_indirect_dma semaphore(%run_scoped3A_134 : memref<!tpu.dma_semaphore, #tpu.memory_space<semaphore_mem>>) src(%arg12 : memref<128x128xf32, #tpu.memory_space<vmem>>) dst(%dma_wait3A_146 : memref<10240x128xf32, #tpu.memory_space<vmem_shared>>)
          tpu.yield
        }) : () -> ()
        %dma_start3A_96 = arith.constant 6 : i32
        %dma_start3A_97 = arith.constant 0 : i32
        %dma_start3A_98 = tpu.memref_slice %arg10[%dma_start3A_96, %dma_start3A_97] : memref<8x128xi32, #tpu.memory_space<vmem>> -> memref<1x128xi32, #tpu.memory_space<vmem>>
        %dma_start3A_99 = tpu.memref_squeeze %dma_start3A_98 : memref<1x128xi32, #tpu.memory_space<vmem>> -> memref<128xi32, #tpu.memory_space<vmem>>
        %dma_start3A_100 = arith.constant 0 : i32
        %dma_start3A_101 = arith.constant 0 : i32
        %dma_start3A_102 = tpu.memref_slice %arg2[%dma_start3A_100, %dma_start3A_101] : memref<10240x128xf32, #tpu.memory_space<hbm>> -> memref<10240x128xf32, #tpu.memory_space<hbm>>
        tpu.enqueue_indirect_dma source(%dma_start3A_102 : memref<10240x128xf32, #tpu.memory_space<hbm>>) target(%arg12 : memref<128x128xf32, #tpu.memory_space<vmem>>) offsets(%dma_start3A_99 : memref<128xi32, #tpu.memory_space<vmem>>) semaphore(%arg14 : memref<!tpu.dma_semaphore, #tpu.memory_space<semaphore_mem>>)
        %dma_wait3A_103 = arith.constant 5 : i32
        %dma_wait3A_104 = arith.constant 0 : i32
        %dma_wait3A_105 = tpu.memref_slice %arg10[%dma_wait3A_103, %dma_wait3A_104] : memref<8x128xi32, #tpu.memory_space<vmem>> -> memref<1x128xi32, #tpu.memory_space<vmem>>
        %dma_wait3A_106 = tpu.memref_squeeze %dma_wait3A_105 : memref<1x128xi32, #tpu.memory_space<vmem>> -> memref<128xi32, #tpu.memory_space<vmem>>
        %dma_wait3A_107 = arith.constant 0 : i32
        %dma_wait3A_108 = arith.constant 0 : i32
        %dma_wait3A_109 = tpu.memref_slice %arg2[%dma_wait3A_107, %dma_wait3A_108] : memref<10240x128xf32, #tpu.memory_space<hbm>> -> memref<10240x128xf32, #tpu.memory_space<hbm>>
        tpu.wait_indirect_dma semaphore(%arg15 : memref<!tpu.dma_semaphore, #tpu.memory_space<semaphore_mem>>) src(%dma_wait3A_109 : memref<10240x128xf32, #tpu.memory_space<hbm>>) dst(%arg13 : memref<128x128xf32, #tpu.memory_space<vmem>>)
        %run_scoped3A_110 = arith.constant 5 : i32
        "tpu.region"() ({
          %run_scoped3A_134 = tpu.sem_alloc : memref<!tpu.dma_semaphore, #tpu.memory_space<semaphore_mem>>
          %dma_start3A_135 = arith.constant 0 : i32
          %dma_start3A_136 = tpu.memref_slice %arg11[%run_scoped3A_110, %dma_start3A_135] : memref<8x128xi32, #tpu.memory_space<vmem>> -> memref<1x128xi32, #tpu.memory_space<vmem>>
          %dma_start3A_137 = tpu.memref_squeeze %dma_start3A_136 : memref<1x128xi32, #tpu.memory_space<vmem>> -> memref<128xi32, #tpu.memory_space<vmem>>
          %dma_start3A_138 = arith.constant 0 : i32
          %dma_start3A_139 = arith.constant 0 : i32
          %dma_start3A_140 = tpu.memref_slice %arg9[%dma_start3A_138, %dma_start3A_139] : memref<10240x128xf32, #tpu.memory_space<vmem_shared>> -> memref<10240x128xf32, #tpu.memory_space<vmem_shared>>
          tpu.enqueue_indirect_dma source(%arg13 : memref<128x128xf32, #tpu.memory_space<vmem>>) target(%dma_start3A_140 : memref<10240x128xf32, #tpu.memory_space<vmem_shared>>) offsets(%dma_start3A_137 : memref<128xi32, #tpu.memory_space<vmem>>) semaphore(%run_scoped3A_134 : memref<!tpu.dma_semaphore, #tpu.memory_space<semaphore_mem>>) {add = true}
          %dma_wait3A_141 = arith.constant 0 : i32
          %dma_wait3A_142 = tpu.memref_slice %arg11[%run_scoped3A_110, %dma_wait3A_141] : memref<8x128xi32, #tpu.memory_space<vmem>> -> memref<1x128xi32, #tpu.memory_space<vmem>>
          %dma_wait3A_143 = tpu.memref_squeeze %dma_wait3A_142 : memref<1x128xi32, #tpu.memory_space<vmem>> -> memref<128xi32, #tpu.memory_space<vmem>>
          %dma_wait3A_144 = arith.constant 0 : i32
          %dma_wait3A_145 = arith.constant 0 : i32
          %dma_wait3A_146 = tpu.memref_slice %arg9[%dma_wait3A_144, %dma_wait3A_145] : memref<10240x128xf32, #tpu.memory_space<vmem_shared>> -> memref<10240x128xf32, #tpu.memory_space<vmem_shared>>
          tpu.wait_indirect_dma semaphore(%run_scoped3A_134 : memref<!tpu.dma_semaphore, #tpu.memory_space<semaphore_mem>>) src(%arg13 : memref<128x128xf32, #tpu.memory_space<vmem>>) dst(%dma_wait3A_146 : memref<10240x128xf32, #tpu.memory_space<vmem_shared>>)
          tpu.yield
        }) : () -> ()
        %dma_start3A_111 = arith.constant 7 : i32
        %dma_start3A_112 = arith.constant 0 : i32
        %dma_start3A_113 = tpu.memref_slice %arg10[%dma_start3A_111, %dma_start3A_112] : memref<8x128xi32, #tpu.memory_space<vmem>> -> memref<1x128xi32, #tpu.memory_space<vmem>>
        %dma_start3A_114 = tpu.memref_squeeze %dma_start3A_113 : memref<1x128xi32, #tpu.memory_space<vmem>> -> memref<128xi32, #tpu.memory_space<vmem>>
        %dma_start3A_115 = arith.constant 0 : i32
        %dma_start3A_116 = arith.constant 0 : i32
        %dma_start3A_117 = tpu.memref_slice %arg2[%dma_start3A_115, %dma_start3A_116] : memref<10240x128xf32, #tpu.memory_space<hbm>> -> memref<10240x128xf32, #tpu.memory_space<hbm>>
        tpu.enqueue_indirect_dma source(%dma_start3A_117 : memref<10240x128xf32, #tpu.memory_space<hbm>>) target(%arg13 : memref<128x128xf32, #tpu.memory_space<vmem>>) offsets(%dma_start3A_114 : memref<128xi32, #tpu.memory_space<vmem>>) semaphore(%arg15 : memref<!tpu.dma_semaphore, #tpu.memory_space<semaphore_mem>>)
        %dma_wait3A_118 = arith.constant 6 : i32
        %dma_wait3A_119 = arith.constant 0 : i32
        %dma_wait3A_120 = tpu.memref_slice %arg10[%dma_wait3A_118, %dma_wait3A_119] : memref<8x128xi32, #tpu.memory_space<vmem>> -> memref<1x128xi32, #tpu.memory_space<vmem>>
        %dma_wait3A_121 = tpu.memref_squeeze %dma_wait3A_120 : memref<1x128xi32, #tpu.memory_space<vmem>> -> memref<128xi32, #tpu.memory_space<vmem>>
        %dma_wait3A_122 = arith.constant 0 : i32
        %dma_wait3A_123 = arith.constant 0 : i32
        %dma_wait3A_124 = tpu.memref_slice %arg2[%dma_wait3A_122, %dma_wait3A_123] : memref<10240x128xf32, #tpu.memory_space<hbm>> -> memref<10240x128xf32, #tpu.memory_space<hbm>>
        tpu.wait_indirect_dma semaphore(%arg14 : memref<!tpu.dma_semaphore, #tpu.memory_space<semaphore_mem>>) src(%dma_wait3A_124 : memref<10240x128xf32, #tpu.memory_space<hbm>>) dst(%arg12 : memref<128x128xf32, #tpu.memory_space<vmem>>)
        %run_scoped3A_125 = arith.constant 6 : i32
        "tpu.region"() ({
          %run_scoped3A_134 = tpu.sem_alloc : memref<!tpu.dma_semaphore, #tpu.memory_space<semaphore_mem>>
          %dma_start3A_135 = arith.constant 0 : i32
          %dma_start3A_136 = tpu.memref_slice %arg11[%run_scoped3A_125, %dma_start3A_135] : memref<8x128xi32, #tpu.memory_space<vmem>> -> memref<1x128xi32, #tpu.memory_space<vmem>>
          %dma_start3A_137 = tpu.memref_squeeze %dma_start3A_136 : memref<1x128xi32, #tpu.memory_space<vmem>> -> memref<128xi32, #tpu.memory_space<vmem>>
          %dma_start3A_138 = arith.constant 0 : i32
          %dma_start3A_139 = arith.constant 0 : i32
          %dma_start3A_140 = tpu.memref_slice %arg9[%dma_start3A_138, %dma_start3A_139] : memref<10240x128xf32, #tpu.memory_space<vmem_shared>> -> memref<10240x128xf32, #tpu.memory_space<vmem_shared>>
          tpu.enqueue_indirect_dma source(%arg12 : memref<128x128xf32, #tpu.memory_space<vmem>>) target(%dma_start3A_140 : memref<10240x128xf32, #tpu.memory_space<vmem_shared>>) offsets(%dma_start3A_137 : memref<128xi32, #tpu.memory_space<vmem>>) semaphore(%run_scoped3A_134 : memref<!tpu.dma_semaphore, #tpu.memory_space<semaphore_mem>>) {add = true}
          %dma_wait3A_141 = arith.constant 0 : i32
          %dma_wait3A_142 = tpu.memref_slice %arg11[%run_scoped3A_125, %dma_wait3A_141] : memref<8x128xi32, #tpu.memory_space<vmem>> -> memref<1x128xi32, #tpu.memory_space<vmem>>
          %dma_wait3A_143 = tpu.memref_squeeze %dma_wait3A_142 : memref<1x128xi32, #tpu.memory_space<vmem>> -> memref<128xi32, #tpu.memory_space<vmem>>
          %dma_wait3A_144 = arith.constant 0 : i32
          %dma_wait3A_145 = arith.constant 0 : i32
          %dma_wait3A_146 = tpu.memref_slice %arg9[%dma_wait3A_144, %dma_wait3A_145] : memref<10240x128xf32, #tpu.memory_space<vmem_shared>> -> memref<10240x128xf32, #tpu.memory_space<vmem_shared>>
          tpu.wait_indirect_dma semaphore(%run_scoped3A_134 : memref<!tpu.dma_semaphore, #tpu.memory_space<semaphore_mem>>) src(%arg12 : memref<128x128xf32, #tpu.memory_space<vmem>>) dst(%dma_wait3A_146 : memref<10240x128xf32, #tpu.memory_space<vmem_shared>>)
          tpu.yield
        }) : () -> ()
        %dma_wait3A_126 = arith.constant 7 : i32
        %dma_wait3A_127 = arith.constant 0 : i32
        %dma_wait3A_128 = tpu.memref_slice %arg10[%dma_wait3A_126, %dma_wait3A_127] : memref<8x128xi32, #tpu.memory_space<vmem>> -> memref<1x128xi32, #tpu.memory_space<vmem>>
        %dma_wait3A_129 = tpu.memref_squeeze %dma_wait3A_128 : memref<1x128xi32, #tpu.memory_space<vmem>> -> memref<128xi32, #tpu.memory_space<vmem>>
        %dma_wait3A_130 = arith.constant 0 : i32
        %dma_wait3A_131 = arith.constant 0 : i32
        %dma_wait3A_132 = tpu.memref_slice %arg2[%dma_wait3A_130, %dma_wait3A_131] : memref<10240x128xf32, #tpu.memory_space<hbm>> -> memref<10240x128xf32, #tpu.memory_space<hbm>>
        tpu.wait_indirect_dma semaphore(%arg15 : memref<!tpu.dma_semaphore, #tpu.memory_space<semaphore_mem>>) src(%dma_wait3A_132 : memref<10240x128xf32, #tpu.memory_space<hbm>>) dst(%arg13 : memref<128x128xf32, #tpu.memory_space<vmem>>)
        %run_scoped3A_133 = arith.constant 7 : i32
        "tpu.region"() ({
          %run_scoped3A_134 = tpu.sem_alloc : memref<!tpu.dma_semaphore, #tpu.memory_space<semaphore_mem>>
          %dma_start3A_135 = arith.constant 0 : i32
          %dma_start3A_136 = tpu.memref_slice %arg11[%run_scoped3A_133, %dma_start3A_135] : memref<8x128xi32, #tpu.memory_space<vmem>> -> memref<1x128xi32, #tpu.memory_space<vmem>>
          %dma_start3A_137 = tpu.memref_squeeze %dma_start3A_136 : memref<1x128xi32, #tpu.memory_space<vmem>> -> memref<128xi32, #tpu.memory_space<vmem>>
          %dma_start3A_138 = arith.constant 0 : i32
          %dma_start3A_139 = arith.constant 0 : i32
          %dma_start3A_140 = tpu.memref_slice %arg9[%dma_start3A_138, %dma_start3A_139] : memref<10240x128xf32, #tpu.memory_space<vmem_shared>> -> memref<10240x128xf32, #tpu.memory_space<vmem_shared>>
          tpu.enqueue_indirect_dma source(%arg13 : memref<128x128xf32, #tpu.memory_space<vmem>>) target(%dma_start3A_140 : memref<10240x128xf32, #tpu.memory_space<vmem_shared>>) offsets(%dma_start3A_137 : memref<128xi32, #tpu.memory_space<vmem>>) semaphore(%run_scoped3A_134 : memref<!tpu.dma_semaphore, #tpu.memory_space<semaphore_mem>>) {add = true}
          %dma_wait3A_141 = arith.constant 0 : i32
          %dma_wait3A_142 = tpu.memref_slice %arg11[%run_scoped3A_133, %dma_wait3A_141] : memref<8x128xi32, #tpu.memory_space<vmem>> -> memref<1x128xi32, #tpu.memory_space<vmem>>
          %dma_wait3A_143 = tpu.memref_squeeze %dma_wait3A_142 : memref<1x128xi32, #tpu.memory_space<vmem>> -> memref<128xi32, #tpu.memory_space<vmem>>
          %dma_wait3A_144 = arith.constant 0 : i32
          %dma_wait3A_145 = arith.constant 0 : i32
          %dma_wait3A_146 = tpu.memref_slice %arg9[%dma_wait3A_144, %dma_wait3A_145] : memref<10240x128xf32, #tpu.memory_space<vmem_shared>> -> memref<10240x128xf32, #tpu.memory_space<vmem_shared>>
          tpu.wait_indirect_dma semaphore(%run_scoped3A_134 : memref<!tpu.dma_semaphore, #tpu.memory_space<semaphore_mem>>) src(%arg13 : memref<128x128xf32, #tpu.memory_space<vmem>>) dst(%dma_wait3A_146 : memref<10240x128xf32, #tpu.memory_space<vmem_shared>>)
          tpu.yield
        }) : () -> ()
      }
      %scan3A_13 = arith.constant 15 : i32
    } else {
    }
    %barrier3A_8 = arith.constant 0 : index
    tpu.barrier barrier_id(%barrier3A_8)
    "tpu.region"() ({
      %run_scoped3A = tpu.sem_alloc : memref<!tpu.dma_semaphore, #tpu.memory_space<semaphore_mem>>
      %dma_start3A = arith.constant 0 : i32
      %dma_start3A_9 = tpu.memref_slice %arg8[%arg0, %mul3A_0, %dma_start3A] : memref<2x10240x128xf32, #tpu.memory_space<hbm>> -> memref<1x640x128xf32, #tpu.memory_space<hbm>>
      %dma_start3A_10 = tpu.memref_squeeze %dma_start3A_9 : memref<1x640x128xf32, #tpu.memory_space<hbm>> -> memref<640x128xf32, #tpu.memory_space<hbm>>
      %dma_start3A_11 = arith.constant 0 : i32
      %dma_start3A_12 = tpu.memref_slice %arg9[%mul3A_0, %dma_start3A_11] : memref<10240x128xf32, #tpu.memory_space<vmem_shared>> -> memref<640x128xf32, #tpu.memory_space<vmem_shared>>
      tpu.enqueue_dma source(%dma_start3A_12 : memref<640x128xf32, #tpu.memory_space<vmem_shared>>) target(%dma_start3A_10 : memref<640x128xf32, #tpu.memory_space<hbm>>) target_semaphore(%run_scoped3A : memref<!tpu.dma_semaphore, #tpu.memory_space<semaphore_mem>>)
      %dma_wait3A = arith.constant 0 : i32
      %dma_wait3A_13 = tpu.memref_slice %arg8[%arg0, %mul3A_0, %dma_wait3A] : memref<2x10240x128xf32, #tpu.memory_space<hbm>> -> memref<1x640x128xf32, #tpu.memory_space<hbm>>
      %dma_wait3A_14 = tpu.memref_squeeze %dma_wait3A_13 : memref<1x640x128xf32, #tpu.memory_space<hbm>> -> memref<640x128xf32, #tpu.memory_space<hbm>>
      %dma_wait3A_15 = arith.constant 0 : i32
      %dma_wait3A_16 = tpu.memref_slice %arg9[%mul3A_0, %dma_wait3A_15] : memref<10240x128xf32, #tpu.memory_space<vmem_shared>> -> memref<640x128xf32, #tpu.memory_space<vmem_shared>>
      tpu.wait_dma2 semaphore(%run_scoped3A : memref<!tpu.dma_semaphore, #tpu.memory_space<semaphore_mem>>) src(%dma_wait3A_16 : memref<640x128xf32, #tpu.memory_space<vmem_shared>>) dst(%dma_wait3A_14 : memref<640x128xf32, #tpu.memory_space<hbm>>)
      tpu.yield
    }) : () -> ()
    return
  }
}

#map = affine_map<(d0, d1) -> (0, 0)>
#map1 = affine_map<(d0, d1) -> (0, 0, 0)>
module attributes {stable_mosaic.version = 14 : i64} {
  func.func @_agg_body(%arg0: i32, %arg1: i32, %arg2: memref<10240x128xf32, #tpu.memory_space<hbm>>, %arg3: memref<16x40x128xi32, #tpu.memory_space<hbm>>, %arg4: memref<16x40x128xi32, #tpu.memory_space<hbm>>, %arg5: memref<16x120x128xi32, #tpu.memory_space<hbm>>, %arg6: memref<16x120x128xi32, #tpu.memory_space<hbm>>, %arg7: memref<640x128xf32, #tpu.memory_space<hbm>>, %arg8: memref<2x10240x128xf32, #tpu.memory_space<hbm>>, %arg9: memref<10240x128xf32, #tpu.memory_space<vmem_shared>>, %arg10: memref<8x128xi32, #tpu.memory_space<vmem>>, %arg11: memref<8x128xi32, #tpu.memory_space<vmem>>, %arg12: memref<128x128xf32, #tpu.memory_space<vmem>>, %arg13: memref<128x128xf32, #tpu.memory_space<vmem>>, %arg14: memref<!tpu.dma_semaphore, #tpu.memory_space<semaphore_mem>>, %arg15: memref<!tpu.dma_semaphore, #tpu.memory_space<semaphore_mem>>) attributes {dimension_semantics = [#tpu.dimension_semantics<core_parallel>, #tpu.dimension_semantics<subcore_parallel>], iteration_bounds = array<i64: 2, 16>, scalar_prefetch = 0 : i64, scratch_operands = 7 : i64, tpu.core_type = #tpu.core_type<sc_vector_subcore>, window_params = [{transform_indices = #map}, {transform_indices = #map1}, {transform_indices = #map1}, {transform_indices = #map1}, {transform_indices = #map1}, {transform_indices = #map}, {transform_indices = #map1}]} {
    %mul3A = arith.constant 640 : i32
    %mul3A_0 = arith.muli %arg1, %mul3A : i32
    "tpu.region"() ({
      %run_scoped3A = tpu.sem_alloc : memref<!tpu.dma_semaphore, #tpu.memory_space<semaphore_mem>>
      %dma_start3A = arith.constant 0 : i32
      %dma_start3A_9 = tpu.memref_slice %arg9[%mul3A_0, %dma_start3A] : memref<10240x128xf32, #tpu.memory_space<vmem_shared>> -> memref<640x128xf32, #tpu.memory_space<vmem_shared>>
      tpu.enqueue_dma source(%arg7 : memref<640x128xf32, #tpu.memory_space<hbm>>) target(%dma_start3A_9 : memref<640x128xf32, #tpu.memory_space<vmem_shared>>) target_semaphore(%run_scoped3A : memref<!tpu.dma_semaphore, #tpu.memory_space<semaphore_mem>>)
      %dma_wait3A = arith.constant 0 : i32
      %dma_wait3A_10 = tpu.memref_slice %arg9[%mul3A_0, %dma_wait3A] : memref<10240x128xf32, #tpu.memory_space<vmem_shared>> -> memref<640x128xf32, #tpu.memory_space<vmem_shared>>
      tpu.wait_dma2 semaphore(%run_scoped3A : memref<!tpu.dma_semaphore, #tpu.memory_space<semaphore_mem>>) src(%arg7 : memref<640x128xf32, #tpu.memory_space<hbm>>) dst(%dma_wait3A_10 : memref<640x128xf32, #tpu.memory_space<vmem_shared>>)
      tpu.yield
    }) : () -> ()
    %barrier3A = arith.constant 0 : index
    tpu.barrier barrier_id(%barrier3A)
    %eq3A = arith.constant 0 : i32
    %eq3A_1 = arith.cmpi eq, %arg0, %eq3A : i32
    %convert_element_type3A = arith.extui %eq3A_1 : i1 to i32
    %cond3A = arith.constant 0 : i32
    %cond3A_2 = arith.cmpi ne, %convert_element_type3A, %cond3A : i32
    scf.if %cond3A_2 {
      %scan3A = arith.constant 0 : i32
      %scan3A_9 = arith.constant 0 : i32
      %scan3A_10 = arith.constant 5 : i32
      %scan3A_11 = arith.addi %scan3A_9, %scan3A_10 : i32
      %scan3A_12 = arith.constant 1 : i32
      scf.for %scan3A_14 = %scan3A_9 to %scan3A_11 step %scan3A_12  : i32 {
        %mul3A_15 = arith.constant 8 : i32
        %mul3A_16 = arith.muli %scan3A_14, %mul3A_15 : i32
        "tpu.region"() ({
          %run_scoped3A_134 = tpu.sem_alloc : memref<!tpu.dma_semaphore, #tpu.memory_space<semaphore_mem>>
          %dma_start3A_135 = arith.constant 0 : i32
          %dma_start3A_136 = tpu.memref_slice %arg3[%arg1, %mul3A_16, %dma_start3A_135] : memref<16x40x128xi32, #tpu.memory_space<hbm>> -> memref<1x8x128xi32, #tpu.memory_space<hbm>>
          %dma_start3A_137 = tpu.memref_squeeze %dma_start3A_136 : memref<1x8x128xi32, #tpu.memory_space<hbm>> -> memref<8x128xi32, #tpu.memory_space<hbm>>
          %dma_start3A_138 = arith.constant 0 : i32
          %dma_start3A_139 = tpu.memref_slice %arg3[%arg1, %mul3A_16, %dma_start3A_138] : memref<16x40x128xi32, #tpu.memory_space<hbm>> -> memref<1x8x128xi32, #tpu.memory_space<hbm>>
          %dma_start3A_140 = tpu.memref_squeeze %dma_start3A_139 : memref<1x8x128xi32, #tpu.memory_space<hbm>> -> memref<8x128xi32, #tpu.memory_space<hbm>>
          tpu.enqueue_dma source(%dma_start3A_140 : memref<8x128xi32, #tpu.memory_space<hbm>>) target(%arg10 : memref<8x128xi32, #tpu.memory_space<vmem>>) target_semaphore(%run_scoped3A_134 : memref<!tpu.dma_semaphore, #tpu.memory_space<semaphore_mem>>)
          %dma_wait3A_141 = arith.constant 0 : i32
          %dma_wait3A_142 = tpu.memref_slice %arg3[%arg1, %mul3A_16, %dma_wait3A_141] : memref<16x40x128xi32, #tpu.memory_space<hbm>> -> memref<1x8x128xi32, #tpu.memory_space<hbm>>
          %dma_wait3A_143 = tpu.memref_squeeze %dma_wait3A_142 : memref<1x8x128xi32, #tpu.memory_space<hbm>> -> memref<8x128xi32, #tpu.memory_space<hbm>>
          %dma_wait3A_144 = arith.constant 0 : i32
          %dma_wait3A_145 = tpu.memref_slice %arg3[%arg1, %mul3A_16, %dma_wait3A_144] : memref<16x40x128xi32, #tpu.memory_space<hbm>> -> memref<1x8x128xi32, #tpu.memory_space<hbm>>
          %dma_wait3A_146 = tpu.memref_squeeze %dma_wait3A_145 : memref<1x8x128xi32, #tpu.memory_space<hbm>> -> memref<8x128xi32, #tpu.memory_space<hbm>>
          tpu.wait_dma2 semaphore(%run_scoped3A_134 : memref<!tpu.dma_semaphore, #tpu.memory_space<semaphore_mem>>) src(%dma_wait3A_146 : memref<8x128xi32, #tpu.memory_space<hbm>>) dst(%arg10 : memref<8x128xi32, #tpu.memory_space<vmem>>)
          tpu.yield
        }) : () -> ()
        "tpu.region"() ({
          %run_scoped3A_134 = tpu.sem_alloc : memref<!tpu.dma_semaphore, #tpu.memory_space<semaphore_mem>>
          %dma_start3A_135 = arith.constant 0 : i32
          %dma_start3A_136 = tpu.memref_slice %arg4[%arg1, %mul3A_16, %dma_start3A_135] : memref<16x40x128xi32, #tpu.memory_space<hbm>> -> memref<1x8x128xi32, #tpu.memory_space<hbm>>
          %dma_start3A_137 = tpu.memref_squeeze %dma_start3A_136 : memref<1x8x128xi32, #tpu.memory_space<hbm>> -> memref<8x128xi32, #tpu.memory_space<hbm>>
          %dma_start3A_138 = arith.constant 0 : i32
          %dma_start3A_139 = tpu.memref_slice %arg4[%arg1, %mul3A_16, %dma_start3A_138] : memref<16x40x128xi32, #tpu.memory_space<hbm>> -> memref<1x8x128xi32, #tpu.memory_space<hbm>>
          %dma_start3A_140 = tpu.memref_squeeze %dma_start3A_139 : memref<1x8x128xi32, #tpu.memory_space<hbm>> -> memref<8x128xi32, #tpu.memory_space<hbm>>
          tpu.enqueue_dma source(%dma_start3A_140 : memref<8x128xi32, #tpu.memory_space<hbm>>) target(%arg11 : memref<8x128xi32, #tpu.memory_space<vmem>>) target_semaphore(%run_scoped3A_134 : memref<!tpu.dma_semaphore, #tpu.memory_space<semaphore_mem>>)
          %dma_wait3A_141 = arith.constant 0 : i32
          %dma_wait3A_142 = tpu.memref_slice %arg4[%arg1, %mul3A_16, %dma_wait3A_141] : memref<16x40x128xi32, #tpu.memory_space<hbm>> -> memref<1x8x128xi32, #tpu.memory_space<hbm>>
          %dma_wait3A_143 = tpu.memref_squeeze %dma_wait3A_142 : memref<1x8x128xi32, #tpu.memory_space<hbm>> -> memref<8x128xi32, #tpu.memory_space<hbm>>
          %dma_wait3A_144 = arith.constant 0 : i32
          %dma_wait3A_145 = tpu.memref_slice %arg4[%arg1, %mul3A_16, %dma_wait3A_144] : memref<16x40x128xi32, #tpu.memory_space<hbm>> -> memref<1x8x128xi32, #tpu.memory_space<hbm>>
          %dma_wait3A_146 = tpu.memref_squeeze %dma_wait3A_145 : memref<1x8x128xi32, #tpu.memory_space<hbm>> -> memref<8x128xi32, #tpu.memory_space<hbm>>
          tpu.wait_dma2 semaphore(%run_scoped3A_134 : memref<!tpu.dma_semaphore, #tpu.memory_space<semaphore_mem>>) src(%dma_wait3A_146 : memref<8x128xi32, #tpu.memory_space<hbm>>) dst(%arg11 : memref<8x128xi32, #tpu.memory_space<vmem>>)
          tpu.yield
        }) : () -> ()
        %dma_start3A = arith.constant 0 : i32
        %dma_start3A_17 = arith.constant 0 : i32
        %dma_start3A_18 = tpu.memref_slice %arg10[%dma_start3A, %dma_start3A_17] : memref<8x128xi32, #tpu.memory_space<vmem>> -> memref<1x128xi32, #tpu.memory_space<vmem>>
        %dma_start3A_19 = tpu.memref_squeeze %dma_start3A_18 : memref<1x128xi32, #tpu.memory_space<vmem>> -> memref<128xi32, #tpu.memory_space<vmem>>
        %dma_start3A_20 = arith.constant 0 : i32
        %dma_start3A_21 = arith.constant 0 : i32
        %dma_start3A_22 = tpu.memref_slice %arg2[%dma_start3A_20, %dma_start3A_21] : memref<10240x128xf32, #tpu.memory_space<hbm>> -> memref<10240x128xf32, #tpu.memory_space<hbm>>
        tpu.enqueue_indirect_dma source(%dma_start3A_22 : memref<10240x128xf32, #tpu.memory_space<hbm>>) target(%arg12 : memref<128x128xf32, #tpu.memory_space<vmem>>) offsets(%dma_start3A_19 : memref<128xi32, #tpu.memory_space<vmem>>) semaphore(%arg14 : memref<!tpu.dma_semaphore, #tpu.memory_space<semaphore_mem>>)
        %dma_start3A_23 = arith.constant 1 : i32
        %dma_start3A_24 = arith.constant 0 : i32
        %dma_start3A_25 = tpu.memref_slice %arg10[%dma_start3A_23, %dma_start3A_24] : memref<8x128xi32, #tpu.memory_space<vmem>> -> memref<1x128xi32, #tpu.memory_space<vmem>>
        %dma_start3A_26 = tpu.memref_squeeze %dma_start3A_25 : memref<1x128xi32, #tpu.memory_space<vmem>> -> memref<128xi32, #tpu.memory_space<vmem>>
        %dma_start3A_27 = arith.constant 0 : i32
        %dma_start3A_28 = arith.constant 0 : i32
        %dma_start3A_29 = tpu.memref_slice %arg2[%dma_start3A_27, %dma_start3A_28] : memref<10240x128xf32, #tpu.memory_space<hbm>> -> memref<10240x128xf32, #tpu.memory_space<hbm>>
        tpu.enqueue_indirect_dma source(%dma_start3A_29 : memref<10240x128xf32, #tpu.memory_space<hbm>>) target(%arg13 : memref<128x128xf32, #tpu.memory_space<vmem>>) offsets(%dma_start3A_26 : memref<128xi32, #tpu.memory_space<vmem>>) semaphore(%arg15 : memref<!tpu.dma_semaphore, #tpu.memory_space<semaphore_mem>>)
        %dma_wait3A = arith.constant 0 : i32
        %dma_wait3A_30 = arith.constant 0 : i32
        %dma_wait3A_31 = tpu.memref_slice %arg10[%dma_wait3A, %dma_wait3A_30] : memref<8x128xi32, #tpu.memory_space<vmem>> -> memref<1x128xi32, #tpu.memory_space<vmem>>
        %dma_wait3A_32 = tpu.memref_squeeze %dma_wait3A_31 : memref<1x128xi32, #tpu.memory_space<vmem>> -> memref<128xi32, #tpu.memory_space<vmem>>
        %dma_wait3A_33 = arith.constant 0 : i32
        %dma_wait3A_34 = arith.constant 0 : i32
        %dma_wait3A_35 = tpu.memref_slice %arg2[%dma_wait3A_33, %dma_wait3A_34] : memref<10240x128xf32, #tpu.memory_space<hbm>> -> memref<10240x128xf32, #tpu.memory_space<hbm>>
        tpu.wait_indirect_dma semaphore(%arg14 : memref<!tpu.dma_semaphore, #tpu.memory_space<semaphore_mem>>) src(%dma_wait3A_35 : memref<10240x128xf32, #tpu.memory_space<hbm>>) dst(%arg12 : memref<128x128xf32, #tpu.memory_space<vmem>>)
        %run_scoped3A = arith.constant 0 : i32
        "tpu.region"() ({
          %run_scoped3A_134 = tpu.sem_alloc : memref<!tpu.dma_semaphore, #tpu.memory_space<semaphore_mem>>
          %dma_start3A_135 = arith.constant 0 : i32
          %dma_start3A_136 = tpu.memref_slice %arg11[%run_scoped3A, %dma_start3A_135] : memref<8x128xi32, #tpu.memory_space<vmem>> -> memref<1x128xi32, #tpu.memory_space<vmem>>
          %dma_start3A_137 = tpu.memref_squeeze %dma_start3A_136 : memref<1x128xi32, #tpu.memory_space<vmem>> -> memref<128xi32, #tpu.memory_space<vmem>>
          %dma_start3A_138 = arith.constant 0 : i32
          %dma_start3A_139 = arith.constant 0 : i32
          %dma_start3A_140 = tpu.memref_slice %arg9[%dma_start3A_138, %dma_start3A_139] : memref<10240x128xf32, #tpu.memory_space<vmem_shared>> -> memref<10240x128xf32, #tpu.memory_space<vmem_shared>>
          tpu.enqueue_indirect_dma source(%arg12 : memref<128x128xf32, #tpu.memory_space<vmem>>) target(%dma_start3A_140 : memref<10240x128xf32, #tpu.memory_space<vmem_shared>>) offsets(%dma_start3A_137 : memref<128xi32, #tpu.memory_space<vmem>>) semaphore(%run_scoped3A_134 : memref<!tpu.dma_semaphore, #tpu.memory_space<semaphore_mem>>) {add = true}
          %dma_wait3A_141 = arith.constant 0 : i32
          %dma_wait3A_142 = tpu.memref_slice %arg11[%run_scoped3A, %dma_wait3A_141] : memref<8x128xi32, #tpu.memory_space<vmem>> -> memref<1x128xi32, #tpu.memory_space<vmem>>
          %dma_wait3A_143 = tpu.memref_squeeze %dma_wait3A_142 : memref<1x128xi32, #tpu.memory_space<vmem>> -> memref<128xi32, #tpu.memory_space<vmem>>
          %dma_wait3A_144 = arith.constant 0 : i32
          %dma_wait3A_145 = arith.constant 0 : i32
          %dma_wait3A_146 = tpu.memref_slice %arg9[%dma_wait3A_144, %dma_wait3A_145] : memref<10240x128xf32, #tpu.memory_space<vmem_shared>> -> memref<10240x128xf32, #tpu.memory_space<vmem_shared>>
          tpu.wait_indirect_dma semaphore(%run_scoped3A_134 : memref<!tpu.dma_semaphore, #tpu.memory_space<semaphore_mem>>) src(%arg12 : memref<128x128xf32, #tpu.memory_space<vmem>>) dst(%dma_wait3A_146 : memref<10240x128xf32, #tpu.memory_space<vmem_shared>>)
          tpu.yield
        }) : () -> ()
        %dma_start3A_36 = arith.constant 2 : i32
        %dma_start3A_37 = arith.constant 0 : i32
        %dma_start3A_38 = tpu.memref_slice %arg10[%dma_start3A_36, %dma_start3A_37] : memref<8x128xi32, #tpu.memory_space<vmem>> -> memref<1x128xi32, #tpu.memory_space<vmem>>
        %dma_start3A_39 = tpu.memref_squeeze %dma_start3A_38 : memref<1x128xi32, #tpu.memory_space<vmem>> -> memref<128xi32, #tpu.memory_space<vmem>>
        %dma_start3A_40 = arith.constant 0 : i32
        %dma_start3A_41 = arith.constant 0 : i32
        %dma_start3A_42 = tpu.memref_slice %arg2[%dma_start3A_40, %dma_start3A_41] : memref<10240x128xf32, #tpu.memory_space<hbm>> -> memref<10240x128xf32, #tpu.memory_space<hbm>>
        tpu.enqueue_indirect_dma source(%dma_start3A_42 : memref<10240x128xf32, #tpu.memory_space<hbm>>) target(%arg12 : memref<128x128xf32, #tpu.memory_space<vmem>>) offsets(%dma_start3A_39 : memref<128xi32, #tpu.memory_space<vmem>>) semaphore(%arg14 : memref<!tpu.dma_semaphore, #tpu.memory_space<semaphore_mem>>)
        %dma_wait3A_43 = arith.constant 1 : i32
        %dma_wait3A_44 = arith.constant 0 : i32
        %dma_wait3A_45 = tpu.memref_slice %arg10[%dma_wait3A_43, %dma_wait3A_44] : memref<8x128xi32, #tpu.memory_space<vmem>> -> memref<1x128xi32, #tpu.memory_space<vmem>>
        %dma_wait3A_46 = tpu.memref_squeeze %dma_wait3A_45 : memref<1x128xi32, #tpu.memory_space<vmem>> -> memref<128xi32, #tpu.memory_space<vmem>>
        %dma_wait3A_47 = arith.constant 0 : i32
        %dma_wait3A_48 = arith.constant 0 : i32
        %dma_wait3A_49 = tpu.memref_slice %arg2[%dma_wait3A_47, %dma_wait3A_48] : memref<10240x128xf32, #tpu.memory_space<hbm>> -> memref<10240x128xf32, #tpu.memory_space<hbm>>
        tpu.wait_indirect_dma semaphore(%arg15 : memref<!tpu.dma_semaphore, #tpu.memory_space<semaphore_mem>>) src(%dma_wait3A_49 : memref<10240x128xf32, #tpu.memory_space<hbm>>) dst(%arg13 : memref<128x128xf32, #tpu.memory_space<vmem>>)
        %run_scoped3A_50 = arith.constant 1 : i32
        "tpu.region"() ({
          %run_scoped3A_134 = tpu.sem_alloc : memref<!tpu.dma_semaphore, #tpu.memory_space<semaphore_mem>>
          %dma_start3A_135 = arith.constant 0 : i32
          %dma_start3A_136 = tpu.memref_slice %arg11[%run_scoped3A_50, %dma_start3A_135] : memref<8x128xi32, #tpu.memory_space<vmem>> -> memref<1x128xi32, #tpu.memory_space<vmem>>
          %dma_start3A_137 = tpu.memref_squeeze %dma_start3A_136 : memref<1x128xi32, #tpu.memory_space<vmem>> -> memref<128xi32, #tpu.memory_space<vmem>>
          %dma_start3A_138 = arith.constant 0 : i32
          %dma_start3A_139 = arith.constant 0 : i32
          %dma_start3A_140 = tpu.memref_slice %arg9[%dma_start3A_138, %dma_start3A_139] : memref<10240x128xf32, #tpu.memory_space<vmem_shared>> -> memref<10240x128xf32, #tpu.memory_space<vmem_shared>>
          tpu.enqueue_indirect_dma source(%arg13 : memref<128x128xf32, #tpu.memory_space<vmem>>) target(%dma_start3A_140 : memref<10240x128xf32, #tpu.memory_space<vmem_shared>>) offsets(%dma_start3A_137 : memref<128xi32, #tpu.memory_space<vmem>>) semaphore(%run_scoped3A_134 : memref<!tpu.dma_semaphore, #tpu.memory_space<semaphore_mem>>) {add = true}
          %dma_wait3A_141 = arith.constant 0 : i32
          %dma_wait3A_142 = tpu.memref_slice %arg11[%run_scoped3A_50, %dma_wait3A_141] : memref<8x128xi32, #tpu.memory_space<vmem>> -> memref<1x128xi32, #tpu.memory_space<vmem>>
          %dma_wait3A_143 = tpu.memref_squeeze %dma_wait3A_142 : memref<1x128xi32, #tpu.memory_space<vmem>> -> memref<128xi32, #tpu.memory_space<vmem>>
          %dma_wait3A_144 = arith.constant 0 : i32
          %dma_wait3A_145 = arith.constant 0 : i32
          %dma_wait3A_146 = tpu.memref_slice %arg9[%dma_wait3A_144, %dma_wait3A_145] : memref<10240x128xf32, #tpu.memory_space<vmem_shared>> -> memref<10240x128xf32, #tpu.memory_space<vmem_shared>>
          tpu.wait_indirect_dma semaphore(%run_scoped3A_134 : memref<!tpu.dma_semaphore, #tpu.memory_space<semaphore_mem>>) src(%arg13 : memref<128x128xf32, #tpu.memory_space<vmem>>) dst(%dma_wait3A_146 : memref<10240x128xf32, #tpu.memory_space<vmem_shared>>)
          tpu.yield
        }) : () -> ()
        %dma_start3A_51 = arith.constant 3 : i32
        %dma_start3A_52 = arith.constant 0 : i32
        %dma_start3A_53 = tpu.memref_slice %arg10[%dma_start3A_51, %dma_start3A_52] : memref<8x128xi32, #tpu.memory_space<vmem>> -> memref<1x128xi32, #tpu.memory_space<vmem>>
        %dma_start3A_54 = tpu.memref_squeeze %dma_start3A_53 : memref<1x128xi32, #tpu.memory_space<vmem>> -> memref<128xi32, #tpu.memory_space<vmem>>
        %dma_start3A_55 = arith.constant 0 : i32
        %dma_start3A_56 = arith.constant 0 : i32
        %dma_start3A_57 = tpu.memref_slice %arg2[%dma_start3A_55, %dma_start3A_56] : memref<10240x128xf32, #tpu.memory_space<hbm>> -> memref<10240x128xf32, #tpu.memory_space<hbm>>
        tpu.enqueue_indirect_dma source(%dma_start3A_57 : memref<10240x128xf32, #tpu.memory_space<hbm>>) target(%arg13 : memref<128x128xf32, #tpu.memory_space<vmem>>) offsets(%dma_start3A_54 : memref<128xi32, #tpu.memory_space<vmem>>) semaphore(%arg15 : memref<!tpu.dma_semaphore, #tpu.memory_space<semaphore_mem>>)
        %dma_wait3A_58 = arith.constant 2 : i32
        %dma_wait3A_59 = arith.constant 0 : i32
        %dma_wait3A_60 = tpu.memref_slice %arg10[%dma_wait3A_58, %dma_wait3A_59] : memref<8x128xi32, #tpu.memory_space<vmem>> -> memref<1x128xi32, #tpu.memory_space<vmem>>
        %dma_wait3A_61 = tpu.memref_squeeze %dma_wait3A_60 : memref<1x128xi32, #tpu.memory_space<vmem>> -> memref<128xi32, #tpu.memory_space<vmem>>
        %dma_wait3A_62 = arith.constant 0 : i32
        %dma_wait3A_63 = arith.constant 0 : i32
        %dma_wait3A_64 = tpu.memref_slice %arg2[%dma_wait3A_62, %dma_wait3A_63] : memref<10240x128xf32, #tpu.memory_space<hbm>> -> memref<10240x128xf32, #tpu.memory_space<hbm>>
        tpu.wait_indirect_dma semaphore(%arg14 : memref<!tpu.dma_semaphore, #tpu.memory_space<semaphore_mem>>) src(%dma_wait3A_64 : memref<10240x128xf32, #tpu.memory_space<hbm>>) dst(%arg12 : memref<128x128xf32, #tpu.memory_space<vmem>>)
        %run_scoped3A_65 = arith.constant 2 : i32
        "tpu.region"() ({
          %run_scoped3A_134 = tpu.sem_alloc : memref<!tpu.dma_semaphore, #tpu.memory_space<semaphore_mem>>
          %dma_start3A_135 = arith.constant 0 : i32
          %dma_start3A_136 = tpu.memref_slice %arg11[%run_scoped3A_65, %dma_start3A_135] : memref<8x128xi32, #tpu.memory_space<vmem>> -> memref<1x128xi32, #tpu.memory_space<vmem>>
          %dma_start3A_137 = tpu.memref_squeeze %dma_start3A_136 : memref<1x128xi32, #tpu.memory_space<vmem>> -> memref<128xi32, #tpu.memory_space<vmem>>
          %dma_start3A_138 = arith.constant 0 : i32
          %dma_start3A_139 = arith.constant 0 : i32
          %dma_start3A_140 = tpu.memref_slice %arg9[%dma_start3A_138, %dma_start3A_139] : memref<10240x128xf32, #tpu.memory_space<vmem_shared>> -> memref<10240x128xf32, #tpu.memory_space<vmem_shared>>
          tpu.enqueue_indirect_dma source(%arg12 : memref<128x128xf32, #tpu.memory_space<vmem>>) target(%dma_start3A_140 : memref<10240x128xf32, #tpu.memory_space<vmem_shared>>) offsets(%dma_start3A_137 : memref<128xi32, #tpu.memory_space<vmem>>) semaphore(%run_scoped3A_134 : memref<!tpu.dma_semaphore, #tpu.memory_space<semaphore_mem>>) {add = true}
          %dma_wait3A_141 = arith.constant 0 : i32
          %dma_wait3A_142 = tpu.memref_slice %arg11[%run_scoped3A_65, %dma_wait3A_141] : memref<8x128xi32, #tpu.memory_space<vmem>> -> memref<1x128xi32, #tpu.memory_space<vmem>>
          %dma_wait3A_143 = tpu.memref_squeeze %dma_wait3A_142 : memref<1x128xi32, #tpu.memory_space<vmem>> -> memref<128xi32, #tpu.memory_space<vmem>>
          %dma_wait3A_144 = arith.constant 0 : i32
          %dma_wait3A_145 = arith.constant 0 : i32
          %dma_wait3A_146 = tpu.memref_slice %arg9[%dma_wait3A_144, %dma_wait3A_145] : memref<10240x128xf32, #tpu.memory_space<vmem_shared>> -> memref<10240x128xf32, #tpu.memory_space<vmem_shared>>
          tpu.wait_indirect_dma semaphore(%run_scoped3A_134 : memref<!tpu.dma_semaphore, #tpu.memory_space<semaphore_mem>>) src(%arg12 : memref<128x128xf32, #tpu.memory_space<vmem>>) dst(%dma_wait3A_146 : memref<10240x128xf32, #tpu.memory_space<vmem_shared>>)
          tpu.yield
        }) : () -> ()
        %dma_start3A_66 = arith.constant 4 : i32
        %dma_start3A_67 = arith.constant 0 : i32
        %dma_start3A_68 = tpu.memref_slice %arg10[%dma_start3A_66, %dma_start3A_67] : memref<8x128xi32, #tpu.memory_space<vmem>> -> memref<1x128xi32, #tpu.memory_space<vmem>>
        %dma_start3A_69 = tpu.memref_squeeze %dma_start3A_68 : memref<1x128xi32, #tpu.memory_space<vmem>> -> memref<128xi32, #tpu.memory_space<vmem>>
        %dma_start3A_70 = arith.constant 0 : i32
        %dma_start3A_71 = arith.constant 0 : i32
        %dma_start3A_72 = tpu.memref_slice %arg2[%dma_start3A_70, %dma_start3A_71] : memref<10240x128xf32, #tpu.memory_space<hbm>> -> memref<10240x128xf32, #tpu.memory_space<hbm>>
        tpu.enqueue_indirect_dma source(%dma_start3A_72 : memref<10240x128xf32, #tpu.memory_space<hbm>>) target(%arg12 : memref<128x128xf32, #tpu.memory_space<vmem>>) offsets(%dma_start3A_69 : memref<128xi32, #tpu.memory_space<vmem>>) semaphore(%arg14 : memref<!tpu.dma_semaphore, #tpu.memory_space<semaphore_mem>>)
        %dma_wait3A_73 = arith.constant 3 : i32
        %dma_wait3A_74 = arith.constant 0 : i32
        %dma_wait3A_75 = tpu.memref_slice %arg10[%dma_wait3A_73, %dma_wait3A_74] : memref<8x128xi32, #tpu.memory_space<vmem>> -> memref<1x128xi32, #tpu.memory_space<vmem>>
        %dma_wait3A_76 = tpu.memref_squeeze %dma_wait3A_75 : memref<1x128xi32, #tpu.memory_space<vmem>> -> memref<128xi32, #tpu.memory_space<vmem>>
        %dma_wait3A_77 = arith.constant 0 : i32
        %dma_wait3A_78 = arith.constant 0 : i32
        %dma_wait3A_79 = tpu.memref_slice %arg2[%dma_wait3A_77, %dma_wait3A_78] : memref<10240x128xf32, #tpu.memory_space<hbm>> -> memref<10240x128xf32, #tpu.memory_space<hbm>>
        tpu.wait_indirect_dma semaphore(%arg15 : memref<!tpu.dma_semaphore, #tpu.memory_space<semaphore_mem>>) src(%dma_wait3A_79 : memref<10240x128xf32, #tpu.memory_space<hbm>>) dst(%arg13 : memref<128x128xf32, #tpu.memory_space<vmem>>)
        %run_scoped3A_80 = arith.constant 3 : i32
        "tpu.region"() ({
          %run_scoped3A_134 = tpu.sem_alloc : memref<!tpu.dma_semaphore, #tpu.memory_space<semaphore_mem>>
          %dma_start3A_135 = arith.constant 0 : i32
          %dma_start3A_136 = tpu.memref_slice %arg11[%run_scoped3A_80, %dma_start3A_135] : memref<8x128xi32, #tpu.memory_space<vmem>> -> memref<1x128xi32, #tpu.memory_space<vmem>>
          %dma_start3A_137 = tpu.memref_squeeze %dma_start3A_136 : memref<1x128xi32, #tpu.memory_space<vmem>> -> memref<128xi32, #tpu.memory_space<vmem>>
          %dma_start3A_138 = arith.constant 0 : i32
          %dma_start3A_139 = arith.constant 0 : i32
          %dma_start3A_140 = tpu.memref_slice %arg9[%dma_start3A_138, %dma_start3A_139] : memref<10240x128xf32, #tpu.memory_space<vmem_shared>> -> memref<10240x128xf32, #tpu.memory_space<vmem_shared>>
          tpu.enqueue_indirect_dma source(%arg13 : memref<128x128xf32, #tpu.memory_space<vmem>>) target(%dma_start3A_140 : memref<10240x128xf32, #tpu.memory_space<vmem_shared>>) offsets(%dma_start3A_137 : memref<128xi32, #tpu.memory_space<vmem>>) semaphore(%run_scoped3A_134 : memref<!tpu.dma_semaphore, #tpu.memory_space<semaphore_mem>>) {add = true}
          %dma_wait3A_141 = arith.constant 0 : i32
          %dma_wait3A_142 = tpu.memref_slice %arg11[%run_scoped3A_80, %dma_wait3A_141] : memref<8x128xi32, #tpu.memory_space<vmem>> -> memref<1x128xi32, #tpu.memory_space<vmem>>
          %dma_wait3A_143 = tpu.memref_squeeze %dma_wait3A_142 : memref<1x128xi32, #tpu.memory_space<vmem>> -> memref<128xi32, #tpu.memory_space<vmem>>
          %dma_wait3A_144 = arith.constant 0 : i32
          %dma_wait3A_145 = arith.constant 0 : i32
          %dma_wait3A_146 = tpu.memref_slice %arg9[%dma_wait3A_144, %dma_wait3A_145] : memref<10240x128xf32, #tpu.memory_space<vmem_shared>> -> memref<10240x128xf32, #tpu.memory_space<vmem_shared>>
          tpu.wait_indirect_dma semaphore(%run_scoped3A_134 : memref<!tpu.dma_semaphore, #tpu.memory_space<semaphore_mem>>) src(%arg13 : memref<128x128xf32, #tpu.memory_space<vmem>>) dst(%dma_wait3A_146 : memref<10240x128xf32, #tpu.memory_space<vmem_shared>>)
          tpu.yield
        }) : () -> ()
        %dma_start3A_81 = arith.constant 5 : i32
        %dma_start3A_82 = arith.constant 0 : i32
        %dma_start3A_83 = tpu.memref_slice %arg10[%dma_start3A_81, %dma_start3A_82] : memref<8x128xi32, #tpu.memory_space<vmem>> -> memref<1x128xi32, #tpu.memory_space<vmem>>
        %dma_start3A_84 = tpu.memref_squeeze %dma_start3A_83 : memref<1x128xi32, #tpu.memory_space<vmem>> -> memref<128xi32, #tpu.memory_space<vmem>>
        %dma_start3A_85 = arith.constant 0 : i32
        %dma_start3A_86 = arith.constant 0 : i32
        %dma_start3A_87 = tpu.memref_slice %arg2[%dma_start3A_85, %dma_start3A_86] : memref<10240x128xf32, #tpu.memory_space<hbm>> -> memref<10240x128xf32, #tpu.memory_space<hbm>>
        tpu.enqueue_indirect_dma source(%dma_start3A_87 : memref<10240x128xf32, #tpu.memory_space<hbm>>) target(%arg13 : memref<128x128xf32, #tpu.memory_space<vmem>>) offsets(%dma_start3A_84 : memref<128xi32, #tpu.memory_space<vmem>>) semaphore(%arg15 : memref<!tpu.dma_semaphore, #tpu.memory_space<semaphore_mem>>)
        %dma_wait3A_88 = arith.constant 4 : i32
        %dma_wait3A_89 = arith.constant 0 : i32
        %dma_wait3A_90 = tpu.memref_slice %arg10[%dma_wait3A_88, %dma_wait3A_89] : memref<8x128xi32, #tpu.memory_space<vmem>> -> memref<1x128xi32, #tpu.memory_space<vmem>>
        %dma_wait3A_91 = tpu.memref_squeeze %dma_wait3A_90 : memref<1x128xi32, #tpu.memory_space<vmem>> -> memref<128xi32, #tpu.memory_space<vmem>>
        %dma_wait3A_92 = arith.constant 0 : i32
        %dma_wait3A_93 = arith.constant 0 : i32
        %dma_wait3A_94 = tpu.memref_slice %arg2[%dma_wait3A_92, %dma_wait3A_93] : memref<10240x128xf32, #tpu.memory_space<hbm>> -> memref<10240x128xf32, #tpu.memory_space<hbm>>
        tpu.wait_indirect_dma semaphore(%arg14 : memref<!tpu.dma_semaphore, #tpu.memory_space<semaphore_mem>>) src(%dma_wait3A_94 : memref<10240x128xf32, #tpu.memory_space<hbm>>) dst(%arg12 : memref<128x128xf32, #tpu.memory_space<vmem>>)
        %run_scoped3A_95 = arith.constant 4 : i32
        "tpu.region"() ({
          %run_scoped3A_134 = tpu.sem_alloc : memref<!tpu.dma_semaphore, #tpu.memory_space<semaphore_mem>>
          %dma_start3A_135 = arith.constant 0 : i32
          %dma_start3A_136 = tpu.memref_slice %arg11[%run_scoped3A_95, %dma_start3A_135] : memref<8x128xi32, #tpu.memory_space<vmem>> -> memref<1x128xi32, #tpu.memory_space<vmem>>
          %dma_start3A_137 = tpu.memref_squeeze %dma_start3A_136 : memref<1x128xi32, #tpu.memory_space<vmem>> -> memref<128xi32, #tpu.memory_space<vmem>>
          %dma_start3A_138 = arith.constant 0 : i32
          %dma_start3A_139 = arith.constant 0 : i32
          %dma_start3A_140 = tpu.memref_slice %arg9[%dma_start3A_138, %dma_start3A_139] : memref<10240x128xf32, #tpu.memory_space<vmem_shared>> -> memref<10240x128xf32, #tpu.memory_space<vmem_shared>>
          tpu.enqueue_indirect_dma source(%arg12 : memref<128x128xf32, #tpu.memory_space<vmem>>) target(%dma_start3A_140 : memref<10240x128xf32, #tpu.memory_space<vmem_shared>>) offsets(%dma_start3A_137 : memref<128xi32, #tpu.memory_space<vmem>>) semaphore(%run_scoped3A_134 : memref<!tpu.dma_semaphore, #tpu.memory_space<semaphore_mem>>) {add = true}
          %dma_wait3A_141 = arith.constant 0 : i32
          %dma_wait3A_142 = tpu.memref_slice %arg11[%run_scoped3A_95, %dma_wait3A_141] : memref<8x128xi32, #tpu.memory_space<vmem>> -> memref<1x128xi32, #tpu.memory_space<vmem>>
          %dma_wait3A_143 = tpu.memref_squeeze %dma_wait3A_142 : memref<1x128xi32, #tpu.memory_space<vmem>> -> memref<128xi32, #tpu.memory_space<vmem>>
          %dma_wait3A_144 = arith.constant 0 : i32
          %dma_wait3A_145 = arith.constant 0 : i32
          %dma_wait3A_146 = tpu.memref_slice %arg9[%dma_wait3A_144, %dma_wait3A_145] : memref<10240x128xf32, #tpu.memory_space<vmem_shared>> -> memref<10240x128xf32, #tpu.memory_space<vmem_shared>>
          tpu.wait_indirect_dma semaphore(%run_scoped3A_134 : memref<!tpu.dma_semaphore, #tpu.memory_space<semaphore_mem>>) src(%arg12 : memref<128x128xf32, #tpu.memory_space<vmem>>) dst(%dma_wait3A_146 : memref<10240x128xf32, #tpu.memory_space<vmem_shared>>)
          tpu.yield
        }) : () -> ()
        %dma_start3A_96 = arith.constant 6 : i32
        %dma_start3A_97 = arith.constant 0 : i32
        %dma_start3A_98 = tpu.memref_slice %arg10[%dma_start3A_96, %dma_start3A_97] : memref<8x128xi32, #tpu.memory_space<vmem>> -> memref<1x128xi32, #tpu.memory_space<vmem>>
        %dma_start3A_99 = tpu.memref_squeeze %dma_start3A_98 : memref<1x128xi32, #tpu.memory_space<vmem>> -> memref<128xi32, #tpu.memory_space<vmem>>
        %dma_start3A_100 = arith.constant 0 : i32
        %dma_start3A_101 = arith.constant 0 : i32
        %dma_start3A_102 = tpu.memref_slice %arg2[%dma_start3A_100, %dma_start3A_101] : memref<10240x128xf32, #tpu.memory_space<hbm>> -> memref<10240x128xf32, #tpu.memory_space<hbm>>
        tpu.enqueue_indirect_dma source(%dma_start3A_102 : memref<10240x128xf32, #tpu.memory_space<hbm>>) target(%arg12 : memref<128x128xf32, #tpu.memory_space<vmem>>) offsets(%dma_start3A_99 : memref<128xi32, #tpu.memory_space<vmem>>) semaphore(%arg14 : memref<!tpu.dma_semaphore, #tpu.memory_space<semaphore_mem>>)
        %dma_wait3A_103 = arith.constant 5 : i32
        %dma_wait3A_104 = arith.constant 0 : i32
        %dma_wait3A_105 = tpu.memref_slice %arg10[%dma_wait3A_103, %dma_wait3A_104] : memref<8x128xi32, #tpu.memory_space<vmem>> -> memref<1x128xi32, #tpu.memory_space<vmem>>
        %dma_wait3A_106 = tpu.memref_squeeze %dma_wait3A_105 : memref<1x128xi32, #tpu.memory_space<vmem>> -> memref<128xi32, #tpu.memory_space<vmem>>
        %dma_wait3A_107 = arith.constant 0 : i32
        %dma_wait3A_108 = arith.constant 0 : i32
        %dma_wait3A_109 = tpu.memref_slice %arg2[%dma_wait3A_107, %dma_wait3A_108] : memref<10240x128xf32, #tpu.memory_space<hbm>> -> memref<10240x128xf32, #tpu.memory_space<hbm>>
        tpu.wait_indirect_dma semaphore(%arg15 : memref<!tpu.dma_semaphore, #tpu.memory_space<semaphore_mem>>) src(%dma_wait3A_109 : memref<10240x128xf32, #tpu.memory_space<hbm>>) dst(%arg13 : memref<128x128xf32, #tpu.memory_space<vmem>>)
        %run_scoped3A_110 = arith.constant 5 : i32
        "tpu.region"() ({
          %run_scoped3A_134 = tpu.sem_alloc : memref<!tpu.dma_semaphore, #tpu.memory_space<semaphore_mem>>
          %dma_start3A_135 = arith.constant 0 : i32
          %dma_start3A_136 = tpu.memref_slice %arg11[%run_scoped3A_110, %dma_start3A_135] : memref<8x128xi32, #tpu.memory_space<vmem>> -> memref<1x128xi32, #tpu.memory_space<vmem>>
          %dma_start3A_137 = tpu.memref_squeeze %dma_start3A_136 : memref<1x128xi32, #tpu.memory_space<vmem>> -> memref<128xi32, #tpu.memory_space<vmem>>
          %dma_start3A_138 = arith.constant 0 : i32
          %dma_start3A_139 = arith.constant 0 : i32
          %dma_start3A_140 = tpu.memref_slice %arg9[%dma_start3A_138, %dma_start3A_139] : memref<10240x128xf32, #tpu.memory_space<vmem_shared>> -> memref<10240x128xf32, #tpu.memory_space<vmem_shared>>
          tpu.enqueue_indirect_dma source(%arg13 : memref<128x128xf32, #tpu.memory_space<vmem>>) target(%dma_start3A_140 : memref<10240x128xf32, #tpu.memory_space<vmem_shared>>) offsets(%dma_start3A_137 : memref<128xi32, #tpu.memory_space<vmem>>) semaphore(%run_scoped3A_134 : memref<!tpu.dma_semaphore, #tpu.memory_space<semaphore_mem>>) {add = true}
          %dma_wait3A_141 = arith.constant 0 : i32
          %dma_wait3A_142 = tpu.memref_slice %arg11[%run_scoped3A_110, %dma_wait3A_141] : memref<8x128xi32, #tpu.memory_space<vmem>> -> memref<1x128xi32, #tpu.memory_space<vmem>>
          %dma_wait3A_143 = tpu.memref_squeeze %dma_wait3A_142 : memref<1x128xi32, #tpu.memory_space<vmem>> -> memref<128xi32, #tpu.memory_space<vmem>>
          %dma_wait3A_144 = arith.constant 0 : i32
          %dma_wait3A_145 = arith.constant 0 : i32
          %dma_wait3A_146 = tpu.memref_slice %arg9[%dma_wait3A_144, %dma_wait3A_145] : memref<10240x128xf32, #tpu.memory_space<vmem_shared>> -> memref<10240x128xf32, #tpu.memory_space<vmem_shared>>
          tpu.wait_indirect_dma semaphore(%run_scoped3A_134 : memref<!tpu.dma_semaphore, #tpu.memory_space<semaphore_mem>>) src(%arg13 : memref<128x128xf32, #tpu.memory_space<vmem>>) dst(%dma_wait3A_146 : memref<10240x128xf32, #tpu.memory_space<vmem_shared>>)
          tpu.yield
        }) : () -> ()
        %dma_start3A_111 = arith.constant 7 : i32
        %dma_start3A_112 = arith.constant 0 : i32
        %dma_start3A_113 = tpu.memref_slice %arg10[%dma_start3A_111, %dma_start3A_112] : memref<8x128xi32, #tpu.memory_space<vmem>> -> memref<1x128xi32, #tpu.memory_space<vmem>>
        %dma_start3A_114 = tpu.memref_squeeze %dma_start3A_113 : memref<1x128xi32, #tpu.memory_space<vmem>> -> memref<128xi32, #tpu.memory_space<vmem>>
        %dma_start3A_115 = arith.constant 0 : i32
        %dma_start3A_116 = arith.constant 0 : i32
        %dma_start3A_117 = tpu.memref_slice %arg2[%dma_start3A_115, %dma_start3A_116] : memref<10240x128xf32, #tpu.memory_space<hbm>> -> memref<10240x128xf32, #tpu.memory_space<hbm>>
        tpu.enqueue_indirect_dma source(%dma_start3A_117 : memref<10240x128xf32, #tpu.memory_space<hbm>>) target(%arg13 : memref<128x128xf32, #tpu.memory_space<vmem>>) offsets(%dma_start3A_114 : memref<128xi32, #tpu.memory_space<vmem>>) semaphore(%arg15 : memref<!tpu.dma_semaphore, #tpu.memory_space<semaphore_mem>>)
        %dma_wait3A_118 = arith.constant 6 : i32
        %dma_wait3A_119 = arith.constant 0 : i32
        %dma_wait3A_120 = tpu.memref_slice %arg10[%dma_wait3A_118, %dma_wait3A_119] : memref<8x128xi32, #tpu.memory_space<vmem>> -> memref<1x128xi32, #tpu.memory_space<vmem>>
        %dma_wait3A_121 = tpu.memref_squeeze %dma_wait3A_120 : memref<1x128xi32, #tpu.memory_space<vmem>> -> memref<128xi32, #tpu.memory_space<vmem>>
        %dma_wait3A_122 = arith.constant 0 : i32
        %dma_wait3A_123 = arith.constant 0 : i32
        %dma_wait3A_124 = tpu.memref_slice %arg2[%dma_wait3A_122, %dma_wait3A_123] : memref<10240x128xf32, #tpu.memory_space<hbm>> -> memref<10240x128xf32, #tpu.memory_space<hbm>>
        tpu.wait_indirect_dma semaphore(%arg14 : memref<!tpu.dma_semaphore, #tpu.memory_space<semaphore_mem>>) src(%dma_wait3A_124 : memref<10240x128xf32, #tpu.memory_space<hbm>>) dst(%arg12 : memref<128x128xf32, #tpu.memory_space<vmem>>)
        %run_scoped3A_125 = arith.constant 6 : i32
        "tpu.region"() ({
          %run_scoped3A_134 = tpu.sem_alloc : memref<!tpu.dma_semaphore, #tpu.memory_space<semaphore_mem>>
          %dma_start3A_135 = arith.constant 0 : i32
          %dma_start3A_136 = tpu.memref_slice %arg11[%run_scoped3A_125, %dma_start3A_135] : memref<8x128xi32, #tpu.memory_space<vmem>> -> memref<1x128xi32, #tpu.memory_space<vmem>>
          %dma_start3A_137 = tpu.memref_squeeze %dma_start3A_136 : memref<1x128xi32, #tpu.memory_space<vmem>> -> memref<128xi32, #tpu.memory_space<vmem>>
          %dma_start3A_138 = arith.constant 0 : i32
          %dma_start3A_139 = arith.constant 0 : i32
          %dma_start3A_140 = tpu.memref_slice %arg9[%dma_start3A_138, %dma_start3A_139] : memref<10240x128xf32, #tpu.memory_space<vmem_shared>> -> memref<10240x128xf32, #tpu.memory_space<vmem_shared>>
          tpu.enqueue_indirect_dma source(%arg12 : memref<128x128xf32, #tpu.memory_space<vmem>>) target(%dma_start3A_140 : memref<10240x128xf32, #tpu.memory_space<vmem_shared>>) offsets(%dma_start3A_137 : memref<128xi32, #tpu.memory_space<vmem>>) semaphore(%run_scoped3A_134 : memref<!tpu.dma_semaphore, #tpu.memory_space<semaphore_mem>>) {add = true}
          %dma_wait3A_141 = arith.constant 0 : i32
          %dma_wait3A_142 = tpu.memref_slice %arg11[%run_scoped3A_125, %dma_wait3A_141] : memref<8x128xi32, #tpu.memory_space<vmem>> -> memref<1x128xi32, #tpu.memory_space<vmem>>
          %dma_wait3A_143 = tpu.memref_squeeze %dma_wait3A_142 : memref<1x128xi32, #tpu.memory_space<vmem>> -> memref<128xi32, #tpu.memory_space<vmem>>
          %dma_wait3A_144 = arith.constant 0 : i32
          %dma_wait3A_145 = arith.constant 0 : i32
          %dma_wait3A_146 = tpu.memref_slice %arg9[%dma_wait3A_144, %dma_wait3A_145] : memref<10240x128xf32, #tpu.memory_space<vmem_shared>> -> memref<10240x128xf32, #tpu.memory_space<vmem_shared>>
          tpu.wait_indirect_dma semaphore(%run_scoped3A_134 : memref<!tpu.dma_semaphore, #tpu.memory_space<semaphore_mem>>) src(%arg12 : memref<128x128xf32, #tpu.memory_space<vmem>>) dst(%dma_wait3A_146 : memref<10240x128xf32, #tpu.memory_space<vmem_shared>>)
          tpu.yield
        }) : () -> ()
        %dma_wait3A_126 = arith.constant 7 : i32
        %dma_wait3A_127 = arith.constant 0 : i32
        %dma_wait3A_128 = tpu.memref_slice %arg10[%dma_wait3A_126, %dma_wait3A_127] : memref<8x128xi32, #tpu.memory_space<vmem>> -> memref<1x128xi32, #tpu.memory_space<vmem>>
        %dma_wait3A_129 = tpu.memref_squeeze %dma_wait3A_128 : memref<1x128xi32, #tpu.memory_space<vmem>> -> memref<128xi32, #tpu.memory_space<vmem>>
        %dma_wait3A_130 = arith.constant 0 : i32
        %dma_wait3A_131 = arith.constant 0 : i32
        %dma_wait3A_132 = tpu.memref_slice %arg2[%dma_wait3A_130, %dma_wait3A_131] : memref<10240x128xf32, #tpu.memory_space<hbm>> -> memref<10240x128xf32, #tpu.memory_space<hbm>>
        tpu.wait_indirect_dma semaphore(%arg15 : memref<!tpu.dma_semaphore, #tpu.memory_space<semaphore_mem>>) src(%dma_wait3A_132 : memref<10240x128xf32, #tpu.memory_space<hbm>>) dst(%arg13 : memref<128x128xf32, #tpu.memory_space<vmem>>)
        %run_scoped3A_133 = arith.constant 7 : i32
        "tpu.region"() ({
          %run_scoped3A_134 = tpu.sem_alloc : memref<!tpu.dma_semaphore, #tpu.memory_space<semaphore_mem>>
          %dma_start3A_135 = arith.constant 0 : i32
          %dma_start3A_136 = tpu.memref_slice %arg11[%run_scoped3A_133, %dma_start3A_135] : memref<8x128xi32, #tpu.memory_space<vmem>> -> memref<1x128xi32, #tpu.memory_space<vmem>>
          %dma_start3A_137 = tpu.memref_squeeze %dma_start3A_136 : memref<1x128xi32, #tpu.memory_space<vmem>> -> memref<128xi32, #tpu.memory_space<vmem>>
          %dma_start3A_138 = arith.constant 0 : i32
          %dma_start3A_139 = arith.constant 0 : i32
          %dma_start3A_140 = tpu.memref_slice %arg9[%dma_start3A_138, %dma_start3A_139] : memref<10240x128xf32, #tpu.memory_space<vmem_shared>> -> memref<10240x128xf32, #tpu.memory_space<vmem_shared>>
          tpu.enqueue_indirect_dma source(%arg13 : memref<128x128xf32, #tpu.memory_space<vmem>>) target(%dma_start3A_140 : memref<10240x128xf32, #tpu.memory_space<vmem_shared>>) offsets(%dma_start3A_137 : memref<128xi32, #tpu.memory_space<vmem>>) semaphore(%run_scoped3A_134 : memref<!tpu.dma_semaphore, #tpu.memory_space<semaphore_mem>>) {add = true}
          %dma_wait3A_141 = arith.constant 0 : i32
          %dma_wait3A_142 = tpu.memref_slice %arg11[%run_scoped3A_133, %dma_wait3A_141] : memref<8x128xi32, #tpu.memory_space<vmem>> -> memref<1x128xi32, #tpu.memory_space<vmem>>
          %dma_wait3A_143 = tpu.memref_squeeze %dma_wait3A_142 : memref<1x128xi32, #tpu.memory_space<vmem>> -> memref<128xi32, #tpu.memory_space<vmem>>
          %dma_wait3A_144 = arith.constant 0 : i32
          %dma_wait3A_145 = arith.constant 0 : i32
          %dma_wait3A_146 = tpu.memref_slice %arg9[%dma_wait3A_144, %dma_wait3A_145] : memref<10240x128xf32, #tpu.memory_space<vmem_shared>> -> memref<10240x128xf32, #tpu.memory_space<vmem_shared>>
          tpu.wait_indirect_dma semaphore(%run_scoped3A_134 : memref<!tpu.dma_semaphore, #tpu.memory_space<semaphore_mem>>) src(%arg13 : memref<128x128xf32, #tpu.memory_space<vmem>>) dst(%dma_wait3A_146 : memref<10240x128xf32, #tpu.memory_space<vmem_shared>>)
          tpu.yield
        }) : () -> ()
      }
      %scan3A_13 = arith.constant 5 : i32
    } else {
    }
    %eq3A_3 = arith.constant 1 : i32
    %eq3A_4 = arith.cmpi eq, %arg0, %eq3A_3 : i32
    %convert_element_type3A_5 = arith.extui %eq3A_4 : i1 to i32
    %cond3A_6 = arith.constant 0 : i32
    %cond3A_7 = arith.cmpi ne, %convert_element_type3A_5, %cond3A_6 : i32
    scf.if %cond3A_7 {
      %scan3A = arith.constant 0 : i32
      %scan3A_9 = arith.constant 0 : i32
      %scan3A_10 = arith.constant 15 : i32
      %scan3A_11 = arith.addi %scan3A_9, %scan3A_10 : i32
      %scan3A_12 = arith.constant 1 : i32
      scf.for %scan3A_14 = %scan3A_9 to %scan3A_11 step %scan3A_12  : i32 {
        %mul3A_15 = arith.constant 8 : i32
        %mul3A_16 = arith.muli %scan3A_14, %mul3A_15 : i32
        "tpu.region"() ({
          %run_scoped3A_134 = tpu.sem_alloc : memref<!tpu.dma_semaphore, #tpu.memory_space<semaphore_mem>>
          %dma_start3A_135 = arith.constant 0 : i32
          %dma_start3A_136 = tpu.memref_slice %arg5[%arg1, %mul3A_16, %dma_start3A_135] : memref<16x120x128xi32, #tpu.memory_space<hbm>> -> memref<1x8x128xi32, #tpu.memory_space<hbm>>
          %dma_start3A_137 = tpu.memref_squeeze %dma_start3A_136 : memref<1x8x128xi32, #tpu.memory_space<hbm>> -> memref<8x128xi32, #tpu.memory_space<hbm>>
          %dma_start3A_138 = arith.constant 0 : i32
          %dma_start3A_139 = tpu.memref_slice %arg5[%arg1, %mul3A_16, %dma_start3A_138] : memref<16x120x128xi32, #tpu.memory_space<hbm>> -> memref<1x8x128xi32, #tpu.memory_space<hbm>>
          %dma_start3A_140 = tpu.memref_squeeze %dma_start3A_139 : memref<1x8x128xi32, #tpu.memory_space<hbm>> -> memref<8x128xi32, #tpu.memory_space<hbm>>
          tpu.enqueue_dma source(%dma_start3A_140 : memref<8x128xi32, #tpu.memory_space<hbm>>) target(%arg10 : memref<8x128xi32, #tpu.memory_space<vmem>>) target_semaphore(%run_scoped3A_134 : memref<!tpu.dma_semaphore, #tpu.memory_space<semaphore_mem>>)
          %dma_wait3A_141 = arith.constant 0 : i32
          %dma_wait3A_142 = tpu.memref_slice %arg5[%arg1, %mul3A_16, %dma_wait3A_141] : memref<16x120x128xi32, #tpu.memory_space<hbm>> -> memref<1x8x128xi32, #tpu.memory_space<hbm>>
          %dma_wait3A_143 = tpu.memref_squeeze %dma_wait3A_142 : memref<1x8x128xi32, #tpu.memory_space<hbm>> -> memref<8x128xi32, #tpu.memory_space<hbm>>
          %dma_wait3A_144 = arith.constant 0 : i32
          %dma_wait3A_145 = tpu.memref_slice %arg5[%arg1, %mul3A_16, %dma_wait3A_144] : memref<16x120x128xi32, #tpu.memory_space<hbm>> -> memref<1x8x128xi32, #tpu.memory_space<hbm>>
          %dma_wait3A_146 = tpu.memref_squeeze %dma_wait3A_145 : memref<1x8x128xi32, #tpu.memory_space<hbm>> -> memref<8x128xi32, #tpu.memory_space<hbm>>
          tpu.wait_dma2 semaphore(%run_scoped3A_134 : memref<!tpu.dma_semaphore, #tpu.memory_space<semaphore_mem>>) src(%dma_wait3A_146 : memref<8x128xi32, #tpu.memory_space<hbm>>) dst(%arg10 : memref<8x128xi32, #tpu.memory_space<vmem>>)
          tpu.yield
        }) : () -> ()
        "tpu.region"() ({
          %run_scoped3A_134 = tpu.sem_alloc : memref<!tpu.dma_semaphore, #tpu.memory_space<semaphore_mem>>
          %dma_start3A_135 = arith.constant 0 : i32
          %dma_start3A_136 = tpu.memref_slice %arg6[%arg1, %mul3A_16, %dma_start3A_135] : memref<16x120x128xi32, #tpu.memory_space<hbm>> -> memref<1x8x128xi32, #tpu.memory_space<hbm>>
          %dma_start3A_137 = tpu.memref_squeeze %dma_start3A_136 : memref<1x8x128xi32, #tpu.memory_space<hbm>> -> memref<8x128xi32, #tpu.memory_space<hbm>>
          %dma_start3A_138 = arith.constant 0 : i32
          %dma_start3A_139 = tpu.memref_slice %arg6[%arg1, %mul3A_16, %dma_start3A_138] : memref<16x120x128xi32, #tpu.memory_space<hbm>> -> memref<1x8x128xi32, #tpu.memory_space<hbm>>
          %dma_start3A_140 = tpu.memref_squeeze %dma_start3A_139 : memref<1x8x128xi32, #tpu.memory_space<hbm>> -> memref<8x128xi32, #tpu.memory_space<hbm>>
          tpu.enqueue_dma source(%dma_start3A_140 : memref<8x128xi32, #tpu.memory_space<hbm>>) target(%arg11 : memref<8x128xi32, #tpu.memory_space<vmem>>) target_semaphore(%run_scoped3A_134 : memref<!tpu.dma_semaphore, #tpu.memory_space<semaphore_mem>>)
          %dma_wait3A_141 = arith.constant 0 : i32
          %dma_wait3A_142 = tpu.memref_slice %arg6[%arg1, %mul3A_16, %dma_wait3A_141] : memref<16x120x128xi32, #tpu.memory_space<hbm>> -> memref<1x8x128xi32, #tpu.memory_space<hbm>>
          %dma_wait3A_143 = tpu.memref_squeeze %dma_wait3A_142 : memref<1x8x128xi32, #tpu.memory_space<hbm>> -> memref<8x128xi32, #tpu.memory_space<hbm>>
          %dma_wait3A_144 = arith.constant 0 : i32
          %dma_wait3A_145 = tpu.memref_slice %arg6[%arg1, %mul3A_16, %dma_wait3A_144] : memref<16x120x128xi32, #tpu.memory_space<hbm>> -> memref<1x8x128xi32, #tpu.memory_space<hbm>>
          %dma_wait3A_146 = tpu.memref_squeeze %dma_wait3A_145 : memref<1x8x128xi32, #tpu.memory_space<hbm>> -> memref<8x128xi32, #tpu.memory_space<hbm>>
          tpu.wait_dma2 semaphore(%run_scoped3A_134 : memref<!tpu.dma_semaphore, #tpu.memory_space<semaphore_mem>>) src(%dma_wait3A_146 : memref<8x128xi32, #tpu.memory_space<hbm>>) dst(%arg11 : memref<8x128xi32, #tpu.memory_space<vmem>>)
          tpu.yield
        }) : () -> ()
        %dma_start3A = arith.constant 0 : i32
        %dma_start3A_17 = arith.constant 0 : i32
        %dma_start3A_18 = tpu.memref_slice %arg10[%dma_start3A, %dma_start3A_17] : memref<8x128xi32, #tpu.memory_space<vmem>> -> memref<1x128xi32, #tpu.memory_space<vmem>>
        %dma_start3A_19 = tpu.memref_squeeze %dma_start3A_18 : memref<1x128xi32, #tpu.memory_space<vmem>> -> memref<128xi32, #tpu.memory_space<vmem>>
        %dma_start3A_20 = arith.constant 0 : i32
        %dma_start3A_21 = arith.constant 0 : i32
        %dma_start3A_22 = tpu.memref_slice %arg2[%dma_start3A_20, %dma_start3A_21] : memref<10240x128xf32, #tpu.memory_space<hbm>> -> memref<10240x128xf32, #tpu.memory_space<hbm>>
        tpu.enqueue_indirect_dma source(%dma_start3A_22 : memref<10240x128xf32, #tpu.memory_space<hbm>>) target(%arg12 : memref<128x128xf32, #tpu.memory_space<vmem>>) offsets(%dma_start3A_19 : memref<128xi32, #tpu.memory_space<vmem>>) semaphore(%arg14 : memref<!tpu.dma_semaphore, #tpu.memory_space<semaphore_mem>>)
        %dma_start3A_23 = arith.constant 1 : i32
        %dma_start3A_24 = arith.constant 0 : i32
        %dma_start3A_25 = tpu.memref_slice %arg10[%dma_start3A_23, %dma_start3A_24] : memref<8x128xi32, #tpu.memory_space<vmem>> -> memref<1x128xi32, #tpu.memory_space<vmem>>
        %dma_start3A_26 = tpu.memref_squeeze %dma_start3A_25 : memref<1x128xi32, #tpu.memory_space<vmem>> -> memref<128xi32, #tpu.memory_space<vmem>>
        %dma_start3A_27 = arith.constant 0 : i32
        %dma_start3A_28 = arith.constant 0 : i32
        %dma_start3A_29 = tpu.memref_slice %arg2[%dma_start3A_27, %dma_start3A_28] : memref<10240x128xf32, #tpu.memory_space<hbm>> -> memref<10240x128xf32, #tpu.memory_space<hbm>>
        tpu.enqueue_indirect_dma source(%dma_start3A_29 : memref<10240x128xf32, #tpu.memory_space<hbm>>) target(%arg13 : memref<128x128xf32, #tpu.memory_space<vmem>>) offsets(%dma_start3A_26 : memref<128xi32, #tpu.memory_space<vmem>>) semaphore(%arg15 : memref<!tpu.dma_semaphore, #tpu.memory_space<semaphore_mem>>)
        %dma_wait3A = arith.constant 0 : i32
        %dma_wait3A_30 = arith.constant 0 : i32
        %dma_wait3A_31 = tpu.memref_slice %arg10[%dma_wait3A, %dma_wait3A_30] : memref<8x128xi32, #tpu.memory_space<vmem>> -> memref<1x128xi32, #tpu.memory_space<vmem>>
        %dma_wait3A_32 = tpu.memref_squeeze %dma_wait3A_31 : memref<1x128xi32, #tpu.memory_space<vmem>> -> memref<128xi32, #tpu.memory_space<vmem>>
        %dma_wait3A_33 = arith.constant 0 : i32
        %dma_wait3A_34 = arith.constant 0 : i32
        %dma_wait3A_35 = tpu.memref_slice %arg2[%dma_wait3A_33, %dma_wait3A_34] : memref<10240x128xf32, #tpu.memory_space<hbm>> -> memref<10240x128xf32, #tpu.memory_space<hbm>>
        tpu.wait_indirect_dma semaphore(%arg14 : memref<!tpu.dma_semaphore, #tpu.memory_space<semaphore_mem>>) src(%dma_wait3A_35 : memref<10240x128xf32, #tpu.memory_space<hbm>>) dst(%arg12 : memref<128x128xf32, #tpu.memory_space<vmem>>)
        %run_scoped3A = arith.constant 0 : i32
        "tpu.region"() ({
          %run_scoped3A_134 = tpu.sem_alloc : memref<!tpu.dma_semaphore, #tpu.memory_space<semaphore_mem>>
          %dma_start3A_135 = arith.constant 0 : i32
          %dma_start3A_136 = tpu.memref_slice %arg11[%run_scoped3A, %dma_start3A_135] : memref<8x128xi32, #tpu.memory_space<vmem>> -> memref<1x128xi32, #tpu.memory_space<vmem>>
          %dma_start3A_137 = tpu.memref_squeeze %dma_start3A_136 : memref<1x128xi32, #tpu.memory_space<vmem>> -> memref<128xi32, #tpu.memory_space<vmem>>
          %dma_start3A_138 = arith.constant 0 : i32
          %dma_start3A_139 = arith.constant 0 : i32
          %dma_start3A_140 = tpu.memref_slice %arg9[%dma_start3A_138, %dma_start3A_139] : memref<10240x128xf32, #tpu.memory_space<vmem_shared>> -> memref<10240x128xf32, #tpu.memory_space<vmem_shared>>
          tpu.enqueue_indirect_dma source(%arg12 : memref<128x128xf32, #tpu.memory_space<vmem>>) target(%dma_start3A_140 : memref<10240x128xf32, #tpu.memory_space<vmem_shared>>) offsets(%dma_start3A_137 : memref<128xi32, #tpu.memory_space<vmem>>) semaphore(%run_scoped3A_134 : memref<!tpu.dma_semaphore, #tpu.memory_space<semaphore_mem>>) {add = true}
          %dma_wait3A_141 = arith.constant 0 : i32
          %dma_wait3A_142 = tpu.memref_slice %arg11[%run_scoped3A, %dma_wait3A_141] : memref<8x128xi32, #tpu.memory_space<vmem>> -> memref<1x128xi32, #tpu.memory_space<vmem>>
          %dma_wait3A_143 = tpu.memref_squeeze %dma_wait3A_142 : memref<1x128xi32, #tpu.memory_space<vmem>> -> memref<128xi32, #tpu.memory_space<vmem>>
          %dma_wait3A_144 = arith.constant 0 : i32
          %dma_wait3A_145 = arith.constant 0 : i32
          %dma_wait3A_146 = tpu.memref_slice %arg9[%dma_wait3A_144, %dma_wait3A_145] : memref<10240x128xf32, #tpu.memory_space<vmem_shared>> -> memref<10240x128xf32, #tpu.memory_space<vmem_shared>>
          tpu.wait_indirect_dma semaphore(%run_scoped3A_134 : memref<!tpu.dma_semaphore, #tpu.memory_space<semaphore_mem>>) src(%arg12 : memref<128x128xf32, #tpu.memory_space<vmem>>) dst(%dma_wait3A_146 : memref<10240x128xf32, #tpu.memory_space<vmem_shared>>)
          tpu.yield
        }) : () -> ()
        %dma_start3A_36 = arith.constant 2 : i32
        %dma_start3A_37 = arith.constant 0 : i32
        %dma_start3A_38 = tpu.memref_slice %arg10[%dma_start3A_36, %dma_start3A_37] : memref<8x128xi32, #tpu.memory_space<vmem>> -> memref<1x128xi32, #tpu.memory_space<vmem>>
        %dma_start3A_39 = tpu.memref_squeeze %dma_start3A_38 : memref<1x128xi32, #tpu.memory_space<vmem>> -> memref<128xi32, #tpu.memory_space<vmem>>
        %dma_start3A_40 = arith.constant 0 : i32
        %dma_start3A_41 = arith.constant 0 : i32
        %dma_start3A_42 = tpu.memref_slice %arg2[%dma_start3A_40, %dma_start3A_41] : memref<10240x128xf32, #tpu.memory_space<hbm>> -> memref<10240x128xf32, #tpu.memory_space<hbm>>
        tpu.enqueue_indirect_dma source(%dma_start3A_42 : memref<10240x128xf32, #tpu.memory_space<hbm>>) target(%arg12 : memref<128x128xf32, #tpu.memory_space<vmem>>) offsets(%dma_start3A_39 : memref<128xi32, #tpu.memory_space<vmem>>) semaphore(%arg14 : memref<!tpu.dma_semaphore, #tpu.memory_space<semaphore_mem>>)
        %dma_wait3A_43 = arith.constant 1 : i32
        %dma_wait3A_44 = arith.constant 0 : i32
        %dma_wait3A_45 = tpu.memref_slice %arg10[%dma_wait3A_43, %dma_wait3A_44] : memref<8x128xi32, #tpu.memory_space<vmem>> -> memref<1x128xi32, #tpu.memory_space<vmem>>
        %dma_wait3A_46 = tpu.memref_squeeze %dma_wait3A_45 : memref<1x128xi32, #tpu.memory_space<vmem>> -> memref<128xi32, #tpu.memory_space<vmem>>
        %dma_wait3A_47 = arith.constant 0 : i32
        %dma_wait3A_48 = arith.constant 0 : i32
        %dma_wait3A_49 = tpu.memref_slice %arg2[%dma_wait3A_47, %dma_wait3A_48] : memref<10240x128xf32, #tpu.memory_space<hbm>> -> memref<10240x128xf32, #tpu.memory_space<hbm>>
        tpu.wait_indirect_dma semaphore(%arg15 : memref<!tpu.dma_semaphore, #tpu.memory_space<semaphore_mem>>) src(%dma_wait3A_49 : memref<10240x128xf32, #tpu.memory_space<hbm>>) dst(%arg13 : memref<128x128xf32, #tpu.memory_space<vmem>>)
        %run_scoped3A_50 = arith.constant 1 : i32
        "tpu.region"() ({
          %run_scoped3A_134 = tpu.sem_alloc : memref<!tpu.dma_semaphore, #tpu.memory_space<semaphore_mem>>
          %dma_start3A_135 = arith.constant 0 : i32
          %dma_start3A_136 = tpu.memref_slice %arg11[%run_scoped3A_50, %dma_start3A_135] : memref<8x128xi32, #tpu.memory_space<vmem>> -> memref<1x128xi32, #tpu.memory_space<vmem>>
          %dma_start3A_137 = tpu.memref_squeeze %dma_start3A_136 : memref<1x128xi32, #tpu.memory_space<vmem>> -> memref<128xi32, #tpu.memory_space<vmem>>
          %dma_start3A_138 = arith.constant 0 : i32
          %dma_start3A_139 = arith.constant 0 : i32
          %dma_start3A_140 = tpu.memref_slice %arg9[%dma_start3A_138, %dma_start3A_139] : memref<10240x128xf32, #tpu.memory_space<vmem_shared>> -> memref<10240x128xf32, #tpu.memory_space<vmem_shared>>
          tpu.enqueue_indirect_dma source(%arg13 : memref<128x128xf32, #tpu.memory_space<vmem>>) target(%dma_start3A_140 : memref<10240x128xf32, #tpu.memory_space<vmem_shared>>) offsets(%dma_start3A_137 : memref<128xi32, #tpu.memory_space<vmem>>) semaphore(%run_scoped3A_134 : memref<!tpu.dma_semaphore, #tpu.memory_space<semaphore_mem>>) {add = true}
          %dma_wait3A_141 = arith.constant 0 : i32
          %dma_wait3A_142 = tpu.memref_slice %arg11[%run_scoped3A_50, %dma_wait3A_141] : memref<8x128xi32, #tpu.memory_space<vmem>> -> memref<1x128xi32, #tpu.memory_space<vmem>>
          %dma_wait3A_143 = tpu.memref_squeeze %dma_wait3A_142 : memref<1x128xi32, #tpu.memory_space<vmem>> -> memref<128xi32, #tpu.memory_space<vmem>>
          %dma_wait3A_144 = arith.constant 0 : i32
          %dma_wait3A_145 = arith.constant 0 : i32
          %dma_wait3A_146 = tpu.memref_slice %arg9[%dma_wait3A_144, %dma_wait3A_145] : memref<10240x128xf32, #tpu.memory_space<vmem_shared>> -> memref<10240x128xf32, #tpu.memory_space<vmem_shared>>
          tpu.wait_indirect_dma semaphore(%run_scoped3A_134 : memref<!tpu.dma_semaphore, #tpu.memory_space<semaphore_mem>>) src(%arg13 : memref<128x128xf32, #tpu.memory_space<vmem>>) dst(%dma_wait3A_146 : memref<10240x128xf32, #tpu.memory_space<vmem_shared>>)
          tpu.yield
        }) : () -> ()
        %dma_start3A_51 = arith.constant 3 : i32
        %dma_start3A_52 = arith.constant 0 : i32
        %dma_start3A_53 = tpu.memref_slice %arg10[%dma_start3A_51, %dma_start3A_52] : memref<8x128xi32, #tpu.memory_space<vmem>> -> memref<1x128xi32, #tpu.memory_space<vmem>>
        %dma_start3A_54 = tpu.memref_squeeze %dma_start3A_53 : memref<1x128xi32, #tpu.memory_space<vmem>> -> memref<128xi32, #tpu.memory_space<vmem>>
        %dma_start3A_55 = arith.constant 0 : i32
        %dma_start3A_56 = arith.constant 0 : i32
        %dma_start3A_57 = tpu.memref_slice %arg2[%dma_start3A_55, %dma_start3A_56] : memref<10240x128xf32, #tpu.memory_space<hbm>> -> memref<10240x128xf32, #tpu.memory_space<hbm>>
        tpu.enqueue_indirect_dma source(%dma_start3A_57 : memref<10240x128xf32, #tpu.memory_space<hbm>>) target(%arg13 : memref<128x128xf32, #tpu.memory_space<vmem>>) offsets(%dma_start3A_54 : memref<128xi32, #tpu.memory_space<vmem>>) semaphore(%arg15 : memref<!tpu.dma_semaphore, #tpu.memory_space<semaphore_mem>>)
        %dma_wait3A_58 = arith.constant 2 : i32
        %dma_wait3A_59 = arith.constant 0 : i32
        %dma_wait3A_60 = tpu.memref_slice %arg10[%dma_wait3A_58, %dma_wait3A_59] : memref<8x128xi32, #tpu.memory_space<vmem>> -> memref<1x128xi32, #tpu.memory_space<vmem>>
        %dma_wait3A_61 = tpu.memref_squeeze %dma_wait3A_60 : memref<1x128xi32, #tpu.memory_space<vmem>> -> memref<128xi32, #tpu.memory_space<vmem>>
        %dma_wait3A_62 = arith.constant 0 : i32
        %dma_wait3A_63 = arith.constant 0 : i32
        %dma_wait3A_64 = tpu.memref_slice %arg2[%dma_wait3A_62, %dma_wait3A_63] : memref<10240x128xf32, #tpu.memory_space<hbm>> -> memref<10240x128xf32, #tpu.memory_space<hbm>>
        tpu.wait_indirect_dma semaphore(%arg14 : memref<!tpu.dma_semaphore, #tpu.memory_space<semaphore_mem>>) src(%dma_wait3A_64 : memref<10240x128xf32, #tpu.memory_space<hbm>>) dst(%arg12 : memref<128x128xf32, #tpu.memory_space<vmem>>)
        %run_scoped3A_65 = arith.constant 2 : i32
        "tpu.region"() ({
          %run_scoped3A_134 = tpu.sem_alloc : memref<!tpu.dma_semaphore, #tpu.memory_space<semaphore_mem>>
          %dma_start3A_135 = arith.constant 0 : i32
          %dma_start3A_136 = tpu.memref_slice %arg11[%run_scoped3A_65, %dma_start3A_135] : memref<8x128xi32, #tpu.memory_space<vmem>> -> memref<1x128xi32, #tpu.memory_space<vmem>>
          %dma_start3A_137 = tpu.memref_squeeze %dma_start3A_136 : memref<1x128xi32, #tpu.memory_space<vmem>> -> memref<128xi32, #tpu.memory_space<vmem>>
          %dma_start3A_138 = arith.constant 0 : i32
          %dma_start3A_139 = arith.constant 0 : i32
          %dma_start3A_140 = tpu.memref_slice %arg9[%dma_start3A_138, %dma_start3A_139] : memref<10240x128xf32, #tpu.memory_space<vmem_shared>> -> memref<10240x128xf32, #tpu.memory_space<vmem_shared>>
          tpu.enqueue_indirect_dma source(%arg12 : memref<128x128xf32, #tpu.memory_space<vmem>>) target(%dma_start3A_140 : memref<10240x128xf32, #tpu.memory_space<vmem_shared>>) offsets(%dma_start3A_137 : memref<128xi32, #tpu.memory_space<vmem>>) semaphore(%run_scoped3A_134 : memref<!tpu.dma_semaphore, #tpu.memory_space<semaphore_mem>>) {add = true}
          %dma_wait3A_141 = arith.constant 0 : i32
          %dma_wait3A_142 = tpu.memref_slice %arg11[%run_scoped3A_65, %dma_wait3A_141] : memref<8x128xi32, #tpu.memory_space<vmem>> -> memref<1x128xi32, #tpu.memory_space<vmem>>
          %dma_wait3A_143 = tpu.memref_squeeze %dma_wait3A_142 : memref<1x128xi32, #tpu.memory_space<vmem>> -> memref<128xi32, #tpu.memory_space<vmem>>
          %dma_wait3A_144 = arith.constant 0 : i32
          %dma_wait3A_145 = arith.constant 0 : i32
          %dma_wait3A_146 = tpu.memref_slice %arg9[%dma_wait3A_144, %dma_wait3A_145] : memref<10240x128xf32, #tpu.memory_space<vmem_shared>> -> memref<10240x128xf32, #tpu.memory_space<vmem_shared>>
          tpu.wait_indirect_dma semaphore(%run_scoped3A_134 : memref<!tpu.dma_semaphore, #tpu.memory_space<semaphore_mem>>) src(%arg12 : memref<128x128xf32, #tpu.memory_space<vmem>>) dst(%dma_wait3A_146 : memref<10240x128xf32, #tpu.memory_space<vmem_shared>>)
          tpu.yield
        }) : () -> ()
        %dma_start3A_66 = arith.constant 4 : i32
        %dma_start3A_67 = arith.constant 0 : i32
        %dma_start3A_68 = tpu.memref_slice %arg10[%dma_start3A_66, %dma_start3A_67] : memref<8x128xi32, #tpu.memory_space<vmem>> -> memref<1x128xi32, #tpu.memory_space<vmem>>
        %dma_start3A_69 = tpu.memref_squeeze %dma_start3A_68 : memref<1x128xi32, #tpu.memory_space<vmem>> -> memref<128xi32, #tpu.memory_space<vmem>>
        %dma_start3A_70 = arith.constant 0 : i32
        %dma_start3A_71 = arith.constant 0 : i32
        %dma_start3A_72 = tpu.memref_slice %arg2[%dma_start3A_70, %dma_start3A_71] : memref<10240x128xf32, #tpu.memory_space<hbm>> -> memref<10240x128xf32, #tpu.memory_space<hbm>>
        tpu.enqueue_indirect_dma source(%dma_start3A_72 : memref<10240x128xf32, #tpu.memory_space<hbm>>) target(%arg12 : memref<128x128xf32, #tpu.memory_space<vmem>>) offsets(%dma_start3A_69 : memref<128xi32, #tpu.memory_space<vmem>>) semaphore(%arg14 : memref<!tpu.dma_semaphore, #tpu.memory_space<semaphore_mem>>)
        %dma_wait3A_73 = arith.constant 3 : i32
        %dma_wait3A_74 = arith.constant 0 : i32
        %dma_wait3A_75 = tpu.memref_slice %arg10[%dma_wait3A_73, %dma_wait3A_74] : memref<8x128xi32, #tpu.memory_space<vmem>> -> memref<1x128xi32, #tpu.memory_space<vmem>>
        %dma_wait3A_76 = tpu.memref_squeeze %dma_wait3A_75 : memref<1x128xi32, #tpu.memory_space<vmem>> -> memref<128xi32, #tpu.memory_space<vmem>>
        %dma_wait3A_77 = arith.constant 0 : i32
        %dma_wait3A_78 = arith.constant 0 : i32
        %dma_wait3A_79 = tpu.memref_slice %arg2[%dma_wait3A_77, %dma_wait3A_78] : memref<10240x128xf32, #tpu.memory_space<hbm>> -> memref<10240x128xf32, #tpu.memory_space<hbm>>
        tpu.wait_indirect_dma semaphore(%arg15 : memref<!tpu.dma_semaphore, #tpu.memory_space<semaphore_mem>>) src(%dma_wait3A_79 : memref<10240x128xf32, #tpu.memory_space<hbm>>) dst(%arg13 : memref<128x128xf32, #tpu.memory_space<vmem>>)
        %run_scoped3A_80 = arith.constant 3 : i32
        "tpu.region"() ({
          %run_scoped3A_134 = tpu.sem_alloc : memref<!tpu.dma_semaphore, #tpu.memory_space<semaphore_mem>>
          %dma_start3A_135 = arith.constant 0 : i32
          %dma_start3A_136 = tpu.memref_slice %arg11[%run_scoped3A_80, %dma_start3A_135] : memref<8x128xi32, #tpu.memory_space<vmem>> -> memref<1x128xi32, #tpu.memory_space<vmem>>
          %dma_start3A_137 = tpu.memref_squeeze %dma_start3A_136 : memref<1x128xi32, #tpu.memory_space<vmem>> -> memref<128xi32, #tpu.memory_space<vmem>>
          %dma_start3A_138 = arith.constant 0 : i32
          %dma_start3A_139 = arith.constant 0 : i32
          %dma_start3A_140 = tpu.memref_slice %arg9[%dma_start3A_138, %dma_start3A_139] : memref<10240x128xf32, #tpu.memory_space<vmem_shared>> -> memref<10240x128xf32, #tpu.memory_space<vmem_shared>>
          tpu.enqueue_indirect_dma source(%arg13 : memref<128x128xf32, #tpu.memory_space<vmem>>) target(%dma_start3A_140 : memref<10240x128xf32, #tpu.memory_space<vmem_shared>>) offsets(%dma_start3A_137 : memref<128xi32, #tpu.memory_space<vmem>>) semaphore(%run_scoped3A_134 : memref<!tpu.dma_semaphore, #tpu.memory_space<semaphore_mem>>) {add = true}
          %dma_wait3A_141 = arith.constant 0 : i32
          %dma_wait3A_142 = tpu.memref_slice %arg11[%run_scoped3A_80, %dma_wait3A_141] : memref<8x128xi32, #tpu.memory_space<vmem>> -> memref<1x128xi32, #tpu.memory_space<vmem>>
          %dma_wait3A_143 = tpu.memref_squeeze %dma_wait3A_142 : memref<1x128xi32, #tpu.memory_space<vmem>> -> memref<128xi32, #tpu.memory_space<vmem>>
          %dma_wait3A_144 = arith.constant 0 : i32
          %dma_wait3A_145 = arith.constant 0 : i32
          %dma_wait3A_146 = tpu.memref_slice %arg9[%dma_wait3A_144, %dma_wait3A_145] : memref<10240x128xf32, #tpu.memory_space<vmem_shared>> -> memref<10240x128xf32, #tpu.memory_space<vmem_shared>>
          tpu.wait_indirect_dma semaphore(%run_scoped3A_134 : memref<!tpu.dma_semaphore, #tpu.memory_space<semaphore_mem>>) src(%arg13 : memref<128x128xf32, #tpu.memory_space<vmem>>) dst(%dma_wait3A_146 : memref<10240x128xf32, #tpu.memory_space<vmem_shared>>)
          tpu.yield
        }) : () -> ()
        %dma_start3A_81 = arith.constant 5 : i32
        %dma_start3A_82 = arith.constant 0 : i32
        %dma_start3A_83 = tpu.memref_slice %arg10[%dma_start3A_81, %dma_start3A_82] : memref<8x128xi32, #tpu.memory_space<vmem>> -> memref<1x128xi32, #tpu.memory_space<vmem>>
        %dma_start3A_84 = tpu.memref_squeeze %dma_start3A_83 : memref<1x128xi32, #tpu.memory_space<vmem>> -> memref<128xi32, #tpu.memory_space<vmem>>
        %dma_start3A_85 = arith.constant 0 : i32
        %dma_start3A_86 = arith.constant 0 : i32
        %dma_start3A_87 = tpu.memref_slice %arg2[%dma_start3A_85, %dma_start3A_86] : memref<10240x128xf32, #tpu.memory_space<hbm>> -> memref<10240x128xf32, #tpu.memory_space<hbm>>
        tpu.enqueue_indirect_dma source(%dma_start3A_87 : memref<10240x128xf32, #tpu.memory_space<hbm>>) target(%arg13 : memref<128x128xf32, #tpu.memory_space<vmem>>) offsets(%dma_start3A_84 : memref<128xi32, #tpu.memory_space<vmem>>) semaphore(%arg15 : memref<!tpu.dma_semaphore, #tpu.memory_space<semaphore_mem>>)
        %dma_wait3A_88 = arith.constant 4 : i32
        %dma_wait3A_89 = arith.constant 0 : i32
        %dma_wait3A_90 = tpu.memref_slice %arg10[%dma_wait3A_88, %dma_wait3A_89] : memref<8x128xi32, #tpu.memory_space<vmem>> -> memref<1x128xi32, #tpu.memory_space<vmem>>
        %dma_wait3A_91 = tpu.memref_squeeze %dma_wait3A_90 : memref<1x128xi32, #tpu.memory_space<vmem>> -> memref<128xi32, #tpu.memory_space<vmem>>
        %dma_wait3A_92 = arith.constant 0 : i32
        %dma_wait3A_93 = arith.constant 0 : i32
        %dma_wait3A_94 = tpu.memref_slice %arg2[%dma_wait3A_92, %dma_wait3A_93] : memref<10240x128xf32, #tpu.memory_space<hbm>> -> memref<10240x128xf32, #tpu.memory_space<hbm>>
        tpu.wait_indirect_dma semaphore(%arg14 : memref<!tpu.dma_semaphore, #tpu.memory_space<semaphore_mem>>) src(%dma_wait3A_94 : memref<10240x128xf32, #tpu.memory_space<hbm>>) dst(%arg12 : memref<128x128xf32, #tpu.memory_space<vmem>>)
        %run_scoped3A_95 = arith.constant 4 : i32
        "tpu.region"() ({
          %run_scoped3A_134 = tpu.sem_alloc : memref<!tpu.dma_semaphore, #tpu.memory_space<semaphore_mem>>
          %dma_start3A_135 = arith.constant 0 : i32
          %dma_start3A_136 = tpu.memref_slice %arg11[%run_scoped3A_95, %dma_start3A_135] : memref<8x128xi32, #tpu.memory_space<vmem>> -> memref<1x128xi32, #tpu.memory_space<vmem>>
          %dma_start3A_137 = tpu.memref_squeeze %dma_start3A_136 : memref<1x128xi32, #tpu.memory_space<vmem>> -> memref<128xi32, #tpu.memory_space<vmem>>
          %dma_start3A_138 = arith.constant 0 : i32
          %dma_start3A_139 = arith.constant 0 : i32
          %dma_start3A_140 = tpu.memref_slice %arg9[%dma_start3A_138, %dma_start3A_139] : memref<10240x128xf32, #tpu.memory_space<vmem_shared>> -> memref<10240x128xf32, #tpu.memory_space<vmem_shared>>
          tpu.enqueue_indirect_dma source(%arg12 : memref<128x128xf32, #tpu.memory_space<vmem>>) target(%dma_start3A_140 : memref<10240x128xf32, #tpu.memory_space<vmem_shared>>) offsets(%dma_start3A_137 : memref<128xi32, #tpu.memory_space<vmem>>) semaphore(%run_scoped3A_134 : memref<!tpu.dma_semaphore, #tpu.memory_space<semaphore_mem>>) {add = true}
          %dma_wait3A_141 = arith.constant 0 : i32
          %dma_wait3A_142 = tpu.memref_slice %arg11[%run_scoped3A_95, %dma_wait3A_141] : memref<8x128xi32, #tpu.memory_space<vmem>> -> memref<1x128xi32, #tpu.memory_space<vmem>>
          %dma_wait3A_143 = tpu.memref_squeeze %dma_wait3A_142 : memref<1x128xi32, #tpu.memory_space<vmem>> -> memref<128xi32, #tpu.memory_space<vmem>>
          %dma_wait3A_144 = arith.constant 0 : i32
          %dma_wait3A_145 = arith.constant 0 : i32
          %dma_wait3A_146 = tpu.memref_slice %arg9[%dma_wait3A_144, %dma_wait3A_145] : memref<10240x128xf32, #tpu.memory_space<vmem_shared>> -> memref<10240x128xf32, #tpu.memory_space<vmem_shared>>
          tpu.wait_indirect_dma semaphore(%run_scoped3A_134 : memref<!tpu.dma_semaphore, #tpu.memory_space<semaphore_mem>>) src(%arg12 : memref<128x128xf32, #tpu.memory_space<vmem>>) dst(%dma_wait3A_146 : memref<10240x128xf32, #tpu.memory_space<vmem_shared>>)
          tpu.yield
        }) : () -> ()
        %dma_start3A_96 = arith.constant 6 : i32
        %dma_start3A_97 = arith.constant 0 : i32
        %dma_start3A_98 = tpu.memref_slice %arg10[%dma_start3A_96, %dma_start3A_97] : memref<8x128xi32, #tpu.memory_space<vmem>> -> memref<1x128xi32, #tpu.memory_space<vmem>>
        %dma_start3A_99 = tpu.memref_squeeze %dma_start3A_98 : memref<1x128xi32, #tpu.memory_space<vmem>> -> memref<128xi32, #tpu.memory_space<vmem>>
        %dma_start3A_100 = arith.constant 0 : i32
        %dma_start3A_101 = arith.constant 0 : i32
        %dma_start3A_102 = tpu.memref_slice %arg2[%dma_start3A_100, %dma_start3A_101] : memref<10240x128xf32, #tpu.memory_space<hbm>> -> memref<10240x128xf32, #tpu.memory_space<hbm>>
        tpu.enqueue_indirect_dma source(%dma_start3A_102 : memref<10240x128xf32, #tpu.memory_space<hbm>>) target(%arg12 : memref<128x128xf32, #tpu.memory_space<vmem>>) offsets(%dma_start3A_99 : memref<128xi32, #tpu.memory_space<vmem>>) semaphore(%arg14 : memref<!tpu.dma_semaphore, #tpu.memory_space<semaphore_mem>>)
        %dma_wait3A_103 = arith.constant 5 : i32
        %dma_wait3A_104 = arith.constant 0 : i32
        %dma_wait3A_105 = tpu.memref_slice %arg10[%dma_wait3A_103, %dma_wait3A_104] : memref<8x128xi32, #tpu.memory_space<vmem>> -> memref<1x128xi32, #tpu.memory_space<vmem>>
        %dma_wait3A_106 = tpu.memref_squeeze %dma_wait3A_105 : memref<1x128xi32, #tpu.memory_space<vmem>> -> memref<128xi32, #tpu.memory_space<vmem>>
        %dma_wait3A_107 = arith.constant 0 : i32
        %dma_wait3A_108 = arith.constant 0 : i32
        %dma_wait3A_109 = tpu.memref_slice %arg2[%dma_wait3A_107, %dma_wait3A_108] : memref<10240x128xf32, #tpu.memory_space<hbm>> -> memref<10240x128xf32, #tpu.memory_space<hbm>>
        tpu.wait_indirect_dma semaphore(%arg15 : memref<!tpu.dma_semaphore, #tpu.memory_space<semaphore_mem>>) src(%dma_wait3A_109 : memref<10240x128xf32, #tpu.memory_space<hbm>>) dst(%arg13 : memref<128x128xf32, #tpu.memory_space<vmem>>)
        %run_scoped3A_110 = arith.constant 5 : i32
        "tpu.region"() ({
          %run_scoped3A_134 = tpu.sem_alloc : memref<!tpu.dma_semaphore, #tpu.memory_space<semaphore_mem>>
          %dma_start3A_135 = arith.constant 0 : i32
          %dma_start3A_136 = tpu.memref_slice %arg11[%run_scoped3A_110, %dma_start3A_135] : memref<8x128xi32, #tpu.memory_space<vmem>> -> memref<1x128xi32, #tpu.memory_space<vmem>>
          %dma_start3A_137 = tpu.memref_squeeze %dma_start3A_136 : memref<1x128xi32, #tpu.memory_space<vmem>> -> memref<128xi32, #tpu.memory_space<vmem>>
          %dma_start3A_138 = arith.constant 0 : i32
          %dma_start3A_139 = arith.constant 0 : i32
          %dma_start3A_140 = tpu.memref_slice %arg9[%dma_start3A_138, %dma_start3A_139] : memref<10240x128xf32, #tpu.memory_space<vmem_shared>> -> memref<10240x128xf32, #tpu.memory_space<vmem_shared>>
          tpu.enqueue_indirect_dma source(%arg13 : memref<128x128xf32, #tpu.memory_space<vmem>>) target(%dma_start3A_140 : memref<10240x128xf32, #tpu.memory_space<vmem_shared>>) offsets(%dma_start3A_137 : memref<128xi32, #tpu.memory_space<vmem>>) semaphore(%run_scoped3A_134 : memref<!tpu.dma_semaphore, #tpu.memory_space<semaphore_mem>>) {add = true}
          %dma_wait3A_141 = arith.constant 0 : i32
          %dma_wait3A_142 = tpu.memref_slice %arg11[%run_scoped3A_110, %dma_wait3A_141] : memref<8x128xi32, #tpu.memory_space<vmem>> -> memref<1x128xi32, #tpu.memory_space<vmem>>
          %dma_wait3A_143 = tpu.memref_squeeze %dma_wait3A_142 : memref<1x128xi32, #tpu.memory_space<vmem>> -> memref<128xi32, #tpu.memory_space<vmem>>
          %dma_wait3A_144 = arith.constant 0 : i32
          %dma_wait3A_145 = arith.constant 0 : i32
          %dma_wait3A_146 = tpu.memref_slice %arg9[%dma_wait3A_144, %dma_wait3A_145] : memref<10240x128xf32, #tpu.memory_space<vmem_shared>> -> memref<10240x128xf32, #tpu.memory_space<vmem_shared>>
          tpu.wait_indirect_dma semaphore(%run_scoped3A_134 : memref<!tpu.dma_semaphore, #tpu.memory_space<semaphore_mem>>) src(%arg13 : memref<128x128xf32, #tpu.memory_space<vmem>>) dst(%dma_wait3A_146 : memref<10240x128xf32, #tpu.memory_space<vmem_shared>>)
          tpu.yield
        }) : () -> ()
        %dma_start3A_111 = arith.constant 7 : i32
        %dma_start3A_112 = arith.constant 0 : i32
        %dma_start3A_113 = tpu.memref_slice %arg10[%dma_start3A_111, %dma_start3A_112] : memref<8x128xi32, #tpu.memory_space<vmem>> -> memref<1x128xi32, #tpu.memory_space<vmem>>
        %dma_start3A_114 = tpu.memref_squeeze %dma_start3A_113 : memref<1x128xi32, #tpu.memory_space<vmem>> -> memref<128xi32, #tpu.memory_space<vmem>>
        %dma_start3A_115 = arith.constant 0 : i32
        %dma_start3A_116 = arith.constant 0 : i32
        %dma_start3A_117 = tpu.memref_slice %arg2[%dma_start3A_115, %dma_start3A_116] : memref<10240x128xf32, #tpu.memory_space<hbm>> -> memref<10240x128xf32, #tpu.memory_space<hbm>>
        tpu.enqueue_indirect_dma source(%dma_start3A_117 : memref<10240x128xf32, #tpu.memory_space<hbm>>) target(%arg13 : memref<128x128xf32, #tpu.memory_space<vmem>>) offsets(%dma_start3A_114 : memref<128xi32, #tpu.memory_space<vmem>>) semaphore(%arg15 : memref<!tpu.dma_semaphore, #tpu.memory_space<semaphore_mem>>)
        %dma_wait3A_118 = arith.constant 6 : i32
        %dma_wait3A_119 = arith.constant 0 : i32
        %dma_wait3A_120 = tpu.memref_slice %arg10[%dma_wait3A_118, %dma_wait3A_119] : memref<8x128xi32, #tpu.memory_space<vmem>> -> memref<1x128xi32, #tpu.memory_space<vmem>>
        %dma_wait3A_121 = tpu.memref_squeeze %dma_wait3A_120 : memref<1x128xi32, #tpu.memory_space<vmem>> -> memref<128xi32, #tpu.memory_space<vmem>>
        %dma_wait3A_122 = arith.constant 0 : i32
        %dma_wait3A_123 = arith.constant 0 : i32
        %dma_wait3A_124 = tpu.memref_slice %arg2[%dma_wait3A_122, %dma_wait3A_123] : memref<10240x128xf32, #tpu.memory_space<hbm>> -> memref<10240x128xf32, #tpu.memory_space<hbm>>
        tpu.wait_indirect_dma semaphore(%arg14 : memref<!tpu.dma_semaphore, #tpu.memory_space<semaphore_mem>>) src(%dma_wait3A_124 : memref<10240x128xf32, #tpu.memory_space<hbm>>) dst(%arg12 : memref<128x128xf32, #tpu.memory_space<vmem>>)
        %run_scoped3A_125 = arith.constant 6 : i32
        "tpu.region"() ({
          %run_scoped3A_134 = tpu.sem_alloc : memref<!tpu.dma_semaphore, #tpu.memory_space<semaphore_mem>>
          %dma_start3A_135 = arith.constant 0 : i32
          %dma_start3A_136 = tpu.memref_slice %arg11[%run_scoped3A_125, %dma_start3A_135] : memref<8x128xi32, #tpu.memory_space<vmem>> -> memref<1x128xi32, #tpu.memory_space<vmem>>
          %dma_start3A_137 = tpu.memref_squeeze %dma_start3A_136 : memref<1x128xi32, #tpu.memory_space<vmem>> -> memref<128xi32, #tpu.memory_space<vmem>>
          %dma_start3A_138 = arith.constant 0 : i32
          %dma_start3A_139 = arith.constant 0 : i32
          %dma_start3A_140 = tpu.memref_slice %arg9[%dma_start3A_138, %dma_start3A_139] : memref<10240x128xf32, #tpu.memory_space<vmem_shared>> -> memref<10240x128xf32, #tpu.memory_space<vmem_shared>>
          tpu.enqueue_indirect_dma source(%arg12 : memref<128x128xf32, #tpu.memory_space<vmem>>) target(%dma_start3A_140 : memref<10240x128xf32, #tpu.memory_space<vmem_shared>>) offsets(%dma_start3A_137 : memref<128xi32, #tpu.memory_space<vmem>>) semaphore(%run_scoped3A_134 : memref<!tpu.dma_semaphore, #tpu.memory_space<semaphore_mem>>) {add = true}
          %dma_wait3A_141 = arith.constant 0 : i32
          %dma_wait3A_142 = tpu.memref_slice %arg11[%run_scoped3A_125, %dma_wait3A_141] : memref<8x128xi32, #tpu.memory_space<vmem>> -> memref<1x128xi32, #tpu.memory_space<vmem>>
          %dma_wait3A_143 = tpu.memref_squeeze %dma_wait3A_142 : memref<1x128xi32, #tpu.memory_space<vmem>> -> memref<128xi32, #tpu.memory_space<vmem>>
          %dma_wait3A_144 = arith.constant 0 : i32
          %dma_wait3A_145 = arith.constant 0 : i32
          %dma_wait3A_146 = tpu.memref_slice %arg9[%dma_wait3A_144, %dma_wait3A_145] : memref<10240x128xf32, #tpu.memory_space<vmem_shared>> -> memref<10240x128xf32, #tpu.memory_space<vmem_shared>>
          tpu.wait_indirect_dma semaphore(%run_scoped3A_134 : memref<!tpu.dma_semaphore, #tpu.memory_space<semaphore_mem>>) src(%arg12 : memref<128x128xf32, #tpu.memory_space<vmem>>) dst(%dma_wait3A_146 : memref<10240x128xf32, #tpu.memory_space<vmem_shared>>)
          tpu.yield
        }) : () -> ()
        %dma_wait3A_126 = arith.constant 7 : i32
        %dma_wait3A_127 = arith.constant 0 : i32
        %dma_wait3A_128 = tpu.memref_slice %arg10[%dma_wait3A_126, %dma_wait3A_127] : memref<8x128xi32, #tpu.memory_space<vmem>> -> memref<1x128xi32, #tpu.memory_space<vmem>>
        %dma_wait3A_129 = tpu.memref_squeeze %dma_wait3A_128 : memref<1x128xi32, #tpu.memory_space<vmem>> -> memref<128xi32, #tpu.memory_space<vmem>>
        %dma_wait3A_130 = arith.constant 0 : i32
        %dma_wait3A_131 = arith.constant 0 : i32
        %dma_wait3A_132 = tpu.memref_slice %arg2[%dma_wait3A_130, %dma_wait3A_131] : memref<10240x128xf32, #tpu.memory_space<hbm>> -> memref<10240x128xf32, #tpu.memory_space<hbm>>
        tpu.wait_indirect_dma semaphore(%arg15 : memref<!tpu.dma_semaphore, #tpu.memory_space<semaphore_mem>>) src(%dma_wait3A_132 : memref<10240x128xf32, #tpu.memory_space<hbm>>) dst(%arg13 : memref<128x128xf32, #tpu.memory_space<vmem>>)
        %run_scoped3A_133 = arith.constant 7 : i32
        "tpu.region"() ({
          %run_scoped3A_134 = tpu.sem_alloc : memref<!tpu.dma_semaphore, #tpu.memory_space<semaphore_mem>>
          %dma_start3A_135 = arith.constant 0 : i32
          %dma_start3A_136 = tpu.memref_slice %arg11[%run_scoped3A_133, %dma_start3A_135] : memref<8x128xi32, #tpu.memory_space<vmem>> -> memref<1x128xi32, #tpu.memory_space<vmem>>
          %dma_start3A_137 = tpu.memref_squeeze %dma_start3A_136 : memref<1x128xi32, #tpu.memory_space<vmem>> -> memref<128xi32, #tpu.memory_space<vmem>>
          %dma_start3A_138 = arith.constant 0 : i32
          %dma_start3A_139 = arith.constant 0 : i32
          %dma_start3A_140 = tpu.memref_slice %arg9[%dma_start3A_138, %dma_start3A_139] : memref<10240x128xf32, #tpu.memory_space<vmem_shared>> -> memref<10240x128xf32, #tpu.memory_space<vmem_shared>>
          tpu.enqueue_indirect_dma source(%arg13 : memref<128x128xf32, #tpu.memory_space<vmem>>) target(%dma_start3A_140 : memref<10240x128xf32, #tpu.memory_space<vmem_shared>>) offsets(%dma_start3A_137 : memref<128xi32, #tpu.memory_space<vmem>>) semaphore(%run_scoped3A_134 : memref<!tpu.dma_semaphore, #tpu.memory_space<semaphore_mem>>) {add = true}
          %dma_wait3A_141 = arith.constant 0 : i32
          %dma_wait3A_142 = tpu.memref_slice %arg11[%run_scoped3A_133, %dma_wait3A_141] : memref<8x128xi32, #tpu.memory_space<vmem>> -> memref<1x128xi32, #tpu.memory_space<vmem>>
          %dma_wait3A_143 = tpu.memref_squeeze %dma_wait3A_142 : memref<1x128xi32, #tpu.memory_space<vmem>> -> memref<128xi32, #tpu.memory_space<vmem>>
          %dma_wait3A_144 = arith.constant 0 : i32
          %dma_wait3A_145 = arith.constant 0 : i32
          %dma_wait3A_146 = tpu.memref_slice %arg9[%dma_wait3A_144, %dma_wait3A_145] : memref<10240x128xf32, #tpu.memory_space<vmem_shared>> -> memref<10240x128xf32, #tpu.memory_space<vmem_shared>>
          tpu.wait_indirect_dma semaphore(%run_scoped3A_134 : memref<!tpu.dma_semaphore, #tpu.memory_space<semaphore_mem>>) src(%arg13 : memref<128x128xf32, #tpu.memory_space<vmem>>) dst(%dma_wait3A_146 : memref<10240x128xf32, #tpu.memory_space<vmem_shared>>)
          tpu.yield
        }) : () -> ()
      }
      %scan3A_13 = arith.constant 15 : i32
    } else {
    }
    %barrier3A_8 = arith.constant 0 : index
    tpu.barrier barrier_id(%barrier3A_8)
    "tpu.region"() ({
      %run_scoped3A = tpu.sem_alloc : memref<!tpu.dma_semaphore, #tpu.memory_space<semaphore_mem>>
      %dma_start3A = arith.constant 0 : i32
      %dma_start3A_9 = tpu.memref_slice %arg8[%arg0, %mul3A_0, %dma_start3A] : memref<2x10240x128xf32, #tpu.memory_space<hbm>> -> memref<1x640x128xf32, #tpu.memory_space<hbm>>
      %dma_start3A_10 = tpu.memref_squeeze %dma_start3A_9 : memref<1x640x128xf32, #tpu.memory_space<hbm>> -> memref<640x128xf32, #tpu.memory_space<hbm>>
      %dma_start3A_11 = arith.constant 0 : i32
      %dma_start3A_12 = tpu.memref_slice %arg9[%mul3A_0, %dma_start3A_11] : memref<10240x128xf32, #tpu.memory_space<vmem_shared>> -> memref<640x128xf32, #tpu.memory_space<vmem_shared>>
      tpu.enqueue_dma source(%dma_start3A_12 : memref<640x128xf32, #tpu.memory_space<vmem_shared>>) target(%dma_start3A_10 : memref<640x128xf32, #tpu.memory_space<hbm>>) target_semaphore(%run_scoped3A : memref<!tpu.dma_semaphore, #tpu.memory_space<semaphore_mem>>)
      %dma_wait3A = arith.constant 0 : i32
      %dma_wait3A_13 = tpu.memref_slice %arg8[%arg0, %mul3A_0, %dma_wait3A] : memref<2x10240x128xf32, #tpu.memory_space<hbm>> -> memref<1x640x128xf32, #tpu.memory_space<hbm>>
      %dma_wait3A_14 = tpu.memref_squeeze %dma_wait3A_13 : memref<1x640x128xf32, #tpu.memory_space<hbm>> -> memref<640x128xf32, #tpu.memory_space<hbm>>
      %dma_wait3A_15 = arith.constant 0 : i32
      %dma_wait3A_16 = tpu.memref_slice %arg9[%mul3A_0, %dma_wait3A_15] : memref<10240x128xf32, #tpu.memory_space<vmem_shared>> -> memref<640x128xf32, #tpu.memory_space<vmem_shared>>
      tpu.wait_dma2 semaphore(%run_scoped3A : memref<!tpu.dma_semaphore, #tpu.memory_space<semaphore_mem>>) src(%dma_wait3A_16 : memref<640x128xf32, #tpu.memory_space<vmem_shared>>) dst(%dma_wait3A_14 : memref<640x128xf32, #tpu.memory_space<hbm>>)
      tpu.yield
    }) : () -> ()
    return
  }
}

#map = affine_map<(d0, d1) -> (0, 0, 0)>
#map1 = affine_map<(d0, d1) -> (0, 0)>
module attributes {stable_mosaic.version = 14 : i64} {
  func.func @_deg_body(%arg0: i32, %arg1: i32, %arg2: memref<32x80x128xi32, #tpu.memory_space<hbm>>, %arg3: memref<640x128xf32, #tpu.memory_space<hbm>>, %arg4: memref<128x128xf32, #tpu.memory_space<hbm>>, %arg5: memref<2x10240x128xf32, #tpu.memory_space<hbm>>, %arg6: memref<10240x128xf32, #tpu.memory_space<vmem_shared>>, %arg7: memref<8x128xi32, #tpu.memory_space<vmem>>, %arg8: memref<128x128xf32, #tpu.memory_space<vmem>>) attributes {dimension_semantics = [#tpu.dimension_semantics<core_parallel>, #tpu.dimension_semantics<subcore_parallel>], iteration_bounds = array<i64: 2, 16>, scalar_prefetch = 0 : i64, scratch_operands = 3 : i64, tpu.core_type = #tpu.core_type<sc_vector_subcore>, window_params = [{transform_indices = #map}, {transform_indices = #map1}, {transform_indices = #map1}, {transform_indices = #map}]} {
    %mul3A = arith.constant 2 : i32
    %mul3A_0 = arith.muli %arg1, %mul3A : i32
    %add3A = arith.addi %mul3A_0, %arg0 : i32
    %mul3A_1 = arith.constant 640 : i32
    %mul3A_2 = arith.muli %arg1, %mul3A_1 : i32
    "tpu.region"() ({
      %run_scoped3A = tpu.sem_alloc : memref<!tpu.dma_semaphore, #tpu.memory_space<semaphore_mem>>
      %dma_start3A = arith.constant 0 : i32
      %dma_start3A_9 = tpu.memref_slice %arg6[%mul3A_2, %dma_start3A] : memref<10240x128xf32, #tpu.memory_space<vmem_shared>> -> memref<640x128xf32, #tpu.memory_space<vmem_shared>>
      tpu.enqueue_dma source(%arg3 : memref<640x128xf32, #tpu.memory_space<hbm>>) target(%dma_start3A_9 : memref<640x128xf32, #tpu.memory_space<vmem_shared>>) target_semaphore(%run_scoped3A : memref<!tpu.dma_semaphore, #tpu.memory_space<semaphore_mem>>)
      %dma_wait3A = arith.constant 0 : i32
      %dma_wait3A_10 = tpu.memref_slice %arg6[%mul3A_2, %dma_wait3A] : memref<10240x128xf32, #tpu.memory_space<vmem_shared>> -> memref<640x128xf32, #tpu.memory_space<vmem_shared>>
      tpu.wait_dma2 semaphore(%run_scoped3A : memref<!tpu.dma_semaphore, #tpu.memory_space<semaphore_mem>>) src(%arg3 : memref<640x128xf32, #tpu.memory_space<hbm>>) dst(%dma_wait3A_10 : memref<640x128xf32, #tpu.memory_space<vmem_shared>>)
      tpu.yield
    }) : () -> ()
    "tpu.region"() ({
      %run_scoped3A = tpu.sem_alloc : memref<!tpu.dma_semaphore, #tpu.memory_space<semaphore_mem>>
      tpu.enqueue_dma source(%arg4 : memref<128x128xf32, #tpu.memory_space<hbm>>) target(%arg8 : memref<128x128xf32, #tpu.memory_space<vmem>>) target_semaphore(%run_scoped3A : memref<!tpu.dma_semaphore, #tpu.memory_space<semaphore_mem>>)
      tpu.wait_dma2 semaphore(%run_scoped3A : memref<!tpu.dma_semaphore, #tpu.memory_space<semaphore_mem>>) src(%arg4 : memref<128x128xf32, #tpu.memory_space<hbm>>) dst(%arg8 : memref<128x128xf32, #tpu.memory_space<vmem>>)
      tpu.yield
    }) : () -> ()
    %barrier3A = arith.constant 0 : index
    tpu.barrier barrier_id(%barrier3A)
    %scan3A = arith.constant 0 : i32
    %scan3A_3 = arith.constant 0 : i32
    %scan3A_4 = arith.constant 10 : i32
    %scan3A_5 = arith.addi %scan3A_3, %scan3A_4 : i32
    %scan3A_6 = arith.constant 1 : i32
    scf.for %scan3A_9 = %scan3A_3 to %scan3A_5 step %scan3A_6  : i32 {
      %mul3A_10 = arith.constant 8 : i32
      %mul3A_11 = arith.muli %scan3A_9, %mul3A_10 : i32
      "tpu.region"() ({
        %run_scoped3A = tpu.sem_alloc : memref<!tpu.dma_semaphore, #tpu.memory_space<semaphore_mem>>
        %dma_start3A = arith.constant 0 : i32
        %dma_start3A_17 = tpu.memref_slice %arg2[%add3A, %mul3A_11, %dma_start3A] : memref<32x80x128xi32, #tpu.memory_space<hbm>> -> memref<1x8x128xi32, #tpu.memory_space<hbm>>
        %dma_start3A_18 = tpu.memref_squeeze %dma_start3A_17 : memref<1x8x128xi32, #tpu.memory_space<hbm>> -> memref<8x128xi32, #tpu.memory_space<hbm>>
        %dma_start3A_19 = arith.constant 0 : i32
        %dma_start3A_20 = tpu.memref_slice %arg2[%add3A, %mul3A_11, %dma_start3A_19] : memref<32x80x128xi32, #tpu.memory_space<hbm>> -> memref<1x8x128xi32, #tpu.memory_space<hbm>>
        %dma_start3A_21 = tpu.memref_squeeze %dma_start3A_20 : memref<1x8x128xi32, #tpu.memory_space<hbm>> -> memref<8x128xi32, #tpu.memory_space<hbm>>
        tpu.enqueue_dma source(%dma_start3A_21 : memref<8x128xi32, #tpu.memory_space<hbm>>) target(%arg7 : memref<8x128xi32, #tpu.memory_space<vmem>>) target_semaphore(%run_scoped3A : memref<!tpu.dma_semaphore, #tpu.memory_space<semaphore_mem>>)
        %dma_wait3A = arith.constant 0 : i32
        %dma_wait3A_22 = tpu.memref_slice %arg2[%add3A, %mul3A_11, %dma_wait3A] : memref<32x80x128xi32, #tpu.memory_space<hbm>> -> memref<1x8x128xi32, #tpu.memory_space<hbm>>
        %dma_wait3A_23 = tpu.memref_squeeze %dma_wait3A_22 : memref<1x8x128xi32, #tpu.memory_space<hbm>> -> memref<8x128xi32, #tpu.memory_space<hbm>>
        %dma_wait3A_24 = arith.constant 0 : i32
        %dma_wait3A_25 = tpu.memref_slice %arg2[%add3A, %mul3A_11, %dma_wait3A_24] : memref<32x80x128xi32, #tpu.memory_space<hbm>> -> memref<1x8x128xi32, #tpu.memory_space<hbm>>
        %dma_wait3A_26 = tpu.memref_squeeze %dma_wait3A_25 : memref<1x8x128xi32, #tpu.memory_space<hbm>> -> memref<8x128xi32, #tpu.memory_space<hbm>>
        tpu.wait_dma2 semaphore(%run_scoped3A : memref<!tpu.dma_semaphore, #tpu.memory_space<semaphore_mem>>) src(%dma_wait3A_26 : memref<8x128xi32, #tpu.memory_space<hbm>>) dst(%arg7 : memref<8x128xi32, #tpu.memory_space<vmem>>)
        tpu.yield
      }) : () -> ()
      %scan3A_12 = arith.constant 0 : i32
      %scan3A_13 = arith.constant 8 : i32
      %scan3A_14 = arith.addi %scan3A_12, %scan3A_13 : i32
      %scan3A_15 = arith.constant 1 : i32
      scf.for %scan3A_17 = %scan3A_12 to %scan3A_14 step %scan3A_15  : i32 {
        "tpu.region"() ({
          %run_scoped3A = tpu.sem_alloc : memref<!tpu.dma_semaphore, #tpu.memory_space<semaphore_mem>>
          %dma_start3A = arith.constant 0 : i32
          %dma_start3A_18 = tpu.memref_slice %arg7[%scan3A_17, %dma_start3A] : memref<8x128xi32, #tpu.memory_space<vmem>> -> memref<1x128xi32, #tpu.memory_space<vmem>>
          %dma_start3A_19 = tpu.memref_squeeze %dma_start3A_18 : memref<1x128xi32, #tpu.memory_space<vmem>> -> memref<128xi32, #tpu.memory_space<vmem>>
          %dma_start3A_20 = arith.constant 0 : i32
          %dma_start3A_21 = arith.constant 0 : i32
          %dma_start3A_22 = tpu.memref_slice %arg6[%dma_start3A_20, %dma_start3A_21] : memref<10240x128xf32, #tpu.memory_space<vmem_shared>> -> memref<10240x128xf32, #tpu.memory_space<vmem_shared>>
          tpu.enqueue_indirect_dma source(%arg8 : memref<128x128xf32, #tpu.memory_space<vmem>>) target(%dma_start3A_22 : memref<10240x128xf32, #tpu.memory_space<vmem_shared>>) offsets(%dma_start3A_19 : memref<128xi32, #tpu.memory_space<vmem>>) semaphore(%run_scoped3A : memref<!tpu.dma_semaphore, #tpu.memory_space<semaphore_mem>>) {add = true}
          %dma_wait3A = arith.constant 0 : i32
          %dma_wait3A_23 = tpu.memref_slice %arg7[%scan3A_17, %dma_wait3A] : memref<8x128xi32, #tpu.memory_space<vmem>> -> memref<1x128xi32, #tpu.memory_space<vmem>>
          %dma_wait3A_24 = tpu.memref_squeeze %dma_wait3A_23 : memref<1x128xi32, #tpu.memory_space<vmem>> -> memref<128xi32, #tpu.memory_space<vmem>>
          %dma_wait3A_25 = arith.constant 0 : i32
          %dma_wait3A_26 = arith.constant 0 : i32
          %dma_wait3A_27 = tpu.memref_slice %arg6[%dma_wait3A_25, %dma_wait3A_26] : memref<10240x128xf32, #tpu.memory_space<vmem_shared>> -> memref<10240x128xf32, #tpu.memory_space<vmem_shared>>
          tpu.wait_indirect_dma semaphore(%run_scoped3A : memref<!tpu.dma_semaphore, #tpu.memory_space<semaphore_mem>>) src(%arg8 : memref<128x128xf32, #tpu.memory_space<vmem>>) dst(%dma_wait3A_27 : memref<10240x128xf32, #tpu.memory_space<vmem_shared>>)
          tpu.yield
        }) : () -> ()
      }
      %scan3A_16 = arith.constant 8 : i32
    }
    %scan3A_7 = arith.constant 10 : i32
    %barrier3A_8 = arith.constant 0 : index
    tpu.barrier barrier_id(%barrier3A_8)
    "tpu.region"() ({
      %run_scoped3A = tpu.sem_alloc : memref<!tpu.dma_semaphore, #tpu.memory_space<semaphore_mem>>
      %dma_start3A = arith.constant 0 : i32
      %dma_start3A_9 = tpu.memref_slice %arg5[%arg0, %mul3A_2, %dma_start3A] : memref<2x10240x128xf32, #tpu.memory_space<hbm>> -> memref<1x640x128xf32, #tpu.memory_space<hbm>>
      %dma_start3A_10 = tpu.memref_squeeze %dma_start3A_9 : memref<1x640x128xf32, #tpu.memory_space<hbm>> -> memref<640x128xf32, #tpu.memory_space<hbm>>
      %dma_start3A_11 = arith.constant 0 : i32
      %dma_start3A_12 = tpu.memref_slice %arg6[%mul3A_2, %dma_start3A_11] : memref<10240x128xf32, #tpu.memory_space<vmem_shared>> -> memref<640x128xf32, #tpu.memory_space<vmem_shared>>
      tpu.enqueue_dma source(%dma_start3A_12 : memref<640x128xf32, #tpu.memory_space<vmem_shared>>) target(%dma_start3A_10 : memref<640x128xf32, #tpu.memory_space<hbm>>) target_semaphore(%run_scoped3A : memref<!tpu.dma_semaphore, #tpu.memory_space<semaphore_mem>>)
      %dma_wait3A = arith.constant 0 : i32
      %dma_wait3A_13 = tpu.memref_slice %arg5[%arg0, %mul3A_2, %dma_wait3A] : memref<2x10240x128xf32, #tpu.memory_space<hbm>> -> memref<1x640x128xf32, #tpu.memory_space<hbm>>
      %dma_wait3A_14 = tpu.memref_squeeze %dma_wait3A_13 : memref<1x640x128xf32, #tpu.memory_space<hbm>> -> memref<640x128xf32, #tpu.memory_space<hbm>>
      %dma_wait3A_15 = arith.constant 0 : i32
      %dma_wait3A_16 = tpu.memref_slice %arg6[%mul3A_2, %dma_wait3A_15] : memref<10240x128xf32, #tpu.memory_space<vmem_shared>> -> memref<640x128xf32, #tpu.memory_space<vmem_shared>>
      tpu.wait_dma2 semaphore(%run_scoped3A : memref<!tpu.dma_semaphore, #tpu.memory_space<semaphore_mem>>) src(%dma_wait3A_16 : memref<640x128xf32, #tpu.memory_space<vmem_shared>>) dst(%dma_wait3A_14 : memref<640x128xf32, #tpu.memory_space<hbm>>)
      tpu.yield
    }) : () -> ()
    return
  }
}

module attributes {stable_mosaic.version = 14 : i64} {
  func.func @_mm_body(%arg0: i32, %arg1: memref<512x128xf32, #tpu.memory_space<vmem>>, %arg2: memref<128x128xf32, #tpu.memory_space<vmem>>, %arg3: memref<512x128xf32, #tpu.memory_space<vmem>>) attributes {dimension_semantics = [#tpu.dimension_semantics<arbitrary>], iteration_bounds = array<i64: 20>, scalar_prefetch = 0 : i64, scratch_operands = 0 : i64, tpu.core_type = #tpu.core_type<tc>, window_params = [{transform_indices = @transform_0, window_bounds = array<i64: 512, 128>}, {pipeline_mode = #tpu.pipeline_mode<synchronous>, transform_indices = @transform_1, window_bounds = array<i64: 128, 128>}, {transform_indices = @transform_2, window_bounds = array<i64: 512, 128>}]} {
    %get3A = arith.constant 0 : index
    %get3A_0 = arith.constant 0 : index
    %get3A_1 = vector.load %arg1[%get3A, %get3A_0] : memref<512x128xf32, #tpu.memory_space<vmem>>, vector<512x128xf32>
    %get3A_2 = arith.constant 0 : index
    %get3A_3 = arith.constant 0 : index
    %get3A_4 = vector.load %arg2[%get3A_2, %get3A_3] : memref<128x128xf32, #tpu.memory_space<vmem>>, vector<128x128xf32>
    %dot_general3A = arith.constant dense<0.000000e+00> : vector<512x128xf32>
    %dot_general3A_5 = tpu.matmul %get3A_1, %get3A_4, %dot_general3A {dimension_numbers = #tpu.dot_dimension_numbers<[1], [0], [0], [1], [0, 0, 1, 1], [], []>, transpose_lhs_hint = false} : vector<512x128xf32>, vector<128x128xf32>, vector<512x128xf32> -> vector<512x128xf32>
    %swap3A = arith.constant 0 : index
    %swap3A_6 = arith.constant 0 : index
    %swap3A_7 = vector.load %arg3[%swap3A, %swap3A_6] : memref<512x128xf32, #tpu.memory_space<vmem>>, vector<512x128xf32>
    tpu.vector_store %arg3[%swap3A, %swap3A_6], %dot_general3A_5 {strides = array<i32>} : memref<512x128xf32, #tpu.memory_space<vmem>>, vector<512x128xf32>,
    return
  }
  func.func @transform_0(%arg0: i32) -> (i32, i32) {
    %c0_i32 = arith.constant 0 : i32
    %c0_i32_0 = arith.constant 0 : i32
    return %arg0, %c0_i32 : i32, i32
  }
  func.func @transform_1(%arg0: i32) -> (i32, i32) {
    %c0_i32 = arith.constant 0 : i32
    %c0_i32_0 = arith.constant 0 : i32
    %c0_i32_1 = arith.constant 0 : i32
    return %c0_i32, %c0_i32_0 : i32, i32
  }
  func.func @transform_2(%arg0: i32) -> (i32, i32) {
    %c0_i32 = arith.constant 0 : i32
    %c0_i32_0 = arith.constant 0 : i32
    return %arg0, %c0_i32 : i32, i32
  }
}

module attributes {stable_mosaic.version = 14 : i64} {
  func.func @_mid_body(%arg0: i32, %arg1: memref<512x128xf32, #tpu.memory_space<vmem>>, %arg2: memref<512x128xf32, #tpu.memory_space<vmem>>, %arg3: memref<512x16xf32, #tpu.memory_space<vmem>>, %arg4: memref<512x16xf32, #tpu.memory_space<vmem>>, %arg5: memref<1x128xf32, #tpu.memory_space<vmem>>, %arg6: memref<128x128xf32, #tpu.memory_space<vmem>>, %arg7: memref<512x128xf32, #tpu.memory_space<vmem>>) attributes {dimension_semantics = [#tpu.dimension_semantics<arbitrary>], iteration_bounds = array<i64: 20>, scalar_prefetch = 0 : i64, scratch_operands = 0 : i64, tpu.core_type = #tpu.core_type<tc>, window_params = [{transform_indices = @transform_0, window_bounds = array<i64: 512, 128>}, {transform_indices = @transform_1, window_bounds = array<i64: 512, 128>}, {transform_indices = @transform_2, window_bounds = array<i64: 512, 16>}, {transform_indices = @transform_3, window_bounds = array<i64: 512, 16>}, {pipeline_mode = #tpu.pipeline_mode<synchronous>, transform_indices = @transform_4, window_bounds = array<i64: 1, 128>}, {pipeline_mode = #tpu.pipeline_mode<synchronous>, transform_indices = @transform_5, window_bounds = array<i64: 128, 128>}, {transform_indices = @transform_6, window_bounds = array<i64: 512, 128>}]} {
    %get3A = arith.constant 0 : index
    %get3A_0 = arith.constant 0 : index
    %get3A_1 = vector.load %arg1[%get3A, %get3A_0] : memref<512x128xf32, #tpu.memory_space<vmem>>, vector<512x128xf32>
    %get3A_2 = arith.constant 0 : index
    %get3A_3 = arith.constant 0 : index
    %get3A_4 = vector.load %arg2[%get3A_2, %get3A_3] : memref<512x128xf32, #tpu.memory_space<vmem>>, vector<512x128xf32>
    %add3A = arith.addf %get3A_1, %get3A_4 : vector<512x128xf32>
    %get3A_5 = arith.constant 0 : index
    %get3A_6 = arith.constant 0 : index
    %get3A_7 = vector.load %arg3[%get3A_5, %get3A_6] : memref<512x16xf32, #tpu.memory_space<vmem>>, vector<512x1xf32>
    %get3A_8 = arith.constant 0 : index
    %get3A_9 = arith.constant 0 : index
    %get3A_10 = vector.load %arg4[%get3A_8, %get3A_9] : memref<512x16xf32, #tpu.memory_space<vmem>>, vector<512x1xf32>
    %add3A_11 = arith.addf %get3A_7, %get3A_10 : vector<512x1xf32>
    %max3A = arith.constant 1.000000e+00 : f32
    %max3A_12 = vector.broadcast %max3A : f32 to vector<512x1xf32>
    %max3A_13 = arith.maximumf %add3A_11, %max3A_12 : vector<512x1xf32>
    %div3A = vector.broadcast %max3A_13 : vector<512x1xf32> to vector<512x128xf32>
    %div3A_14 = arith.divf %add3A, %div3A : vector<512x128xf32>
    %get3A_15 = arith.constant 0 : index
    %get3A_16 = arith.constant 0 : index
    %get3A_17 = vector.load %arg5[%get3A_15, %get3A_16] : memref<1x128xf32, #tpu.memory_space<vmem>>, vector<1x128xf32>
    %add3A_18 = vector.broadcast %get3A_17 : vector<1x128xf32> to vector<512x128xf32>
    %add3A_19 = arith.addf %div3A_14, %add3A_18 : vector<512x128xf32>
    %max3A_20 = arith.constant 0.000000e+00 : f32
    %max3A_21 = vector.broadcast %max3A_20 : f32 to vector<512x128xf32>
    %max3A_22 = arith.maximumf %add3A_19, %max3A_21 : vector<512x128xf32>
    %get3A_23 = arith.constant 0 : index
    %get3A_24 = arith.constant 0 : index
    %get3A_25 = vector.load %arg6[%get3A_23, %get3A_24] : memref<128x128xf32, #tpu.memory_space<vmem>>, vector<128x128xf32>
    %dot_general3A = arith.constant dense<0.000000e+00> : vector<512x128xf32>
    %dot_general3A_26 = tpu.matmul %max3A_22, %get3A_25, %dot_general3A {dimension_numbers = #tpu.dot_dimension_numbers<[1], [0], [0], [1], [0, 0, 1, 1], [], []>, transpose_lhs_hint = false} : vector<512x128xf32>, vector<128x128xf32>, vector<512x128xf32> -> vector<512x128xf32>
    %swap3A = arith.constant 0 : index
    %swap3A_27 = arith.constant 0 : index
    %swap3A_28 = vector.load %arg7[%swap3A, %swap3A_27] : memref<512x128xf32, #tpu.memory_space<vmem>>, vector<512x128xf32>
    tpu.vector_store %arg7[%swap3A, %swap3A_27], %dot_general3A_26 {strides = array<i32>} : memref<512x128xf32, #tpu.memory_space<vmem>>, vector<512x128xf32>,
    return
  }
  func.func @transform_0(%arg0: i32) -> (i32, i32) {
    %c0_i32 = arith.constant 0 : i32
    %c0_i32_0 = arith.constant 0 : i32
    return %arg0, %c0_i32 : i32, i32
  }
  func.func @transform_1(%arg0: i32) -> (i32, i32) {
    %c0_i32 = arith.constant 0 : i32
    %c0_i32_0 = arith.constant 0 : i32
    return %arg0, %c0_i32 : i32, i32
  }
  func.func @transform_2(%arg0: i32) -> (i32, i32) {
    %c0_i32 = arith.constant 0 : i32
    %c0_i32_0 = arith.constant 0 : i32
    return %arg0, %c0_i32 : i32, i32
  }
  func.func @transform_3(%arg0: i32) -> (i32, i32) {
    %c0_i32 = arith.constant 0 : i32
    %c0_i32_0 = arith.constant 0 : i32
    return %arg0, %c0_i32 : i32, i32
  }
  func.func @transform_4(%arg0: i32) -> (i32, i32) {
    %c0_i32 = arith.constant 0 : i32
    %c0_i32_0 = arith.constant 0 : i32
    %c0_i32_1 = arith.constant 0 : i32
    return %c0_i32, %c0_i32_0 : i32, i32
  }
  func.func @transform_5(%arg0: i32) -> (i32, i32) {
    %c0_i32 = arith.constant 0 : i32
    %c0_i32_0 = arith.constant 0 : i32
    %c0_i32_1 = arith.constant 0 : i32
    return %c0_i32, %c0_i32_0 : i32, i32
  }
  func.func @transform_6(%arg0: i32) -> (i32, i32) {
    %c0_i32 = arith.constant 0 : i32
    %c0_i32_0 = arith.constant 0 : i32
    return %arg0, %c0_i32 : i32, i32
  }
}

module attributes {stable_mosaic.version = 14 : i64} {
  func.func @_fin_body(%arg0: i32, %arg1: memref<512x128xf32, #tpu.memory_space<vmem>>, %arg2: memref<512x128xf32, #tpu.memory_space<vmem>>, %arg3: memref<512x16xf32, #tpu.memory_space<vmem>>, %arg4: memref<512x16xf32, #tpu.memory_space<vmem>>, %arg5: memref<1x128xf32, #tpu.memory_space<vmem>>, %arg6: memref<128x256xf32, #tpu.memory_space<vmem>>, %arg7: memref<1x256xf32, #tpu.memory_space<vmem>>, %arg8: memref<256x64xf32, #tpu.memory_space<vmem>>, %arg9: memref<1x64xf32, #tpu.memory_space<vmem>>, %arg10: memref<128x256xf32, #tpu.memory_space<vmem>>, %arg11: memref<1x256xf32, #tpu.memory_space<vmem>>, %arg12: memref<1x256xf32, #tpu.memory_space<vmem>>, %arg13: memref<1x1xf32, #tpu.memory_space<vmem>>, %arg14: memref<1x64xf32, #tpu.memory_space<vmem>>, %arg15: memref<1x128xf32, #tpu.memory_space<vmem>>) attributes {dimension_semantics = [#tpu.dimension_semantics<arbitrary>], iteration_bounds = array<i64: 20>, scalar_prefetch = 0 : i64, scratch_operands = 1 : i64, tpu.core_type = #tpu.core_type<tc>, window_params = [{transform_indices = @transform_0, window_bounds = array<i64: 512, 128>}, {transform_indices = @transform_1, window_bounds = array<i64: 512, 128>}, {transform_indices = @transform_2, window_bounds = array<i64: 512, 16>}, {transform_indices = @transform_3, window_bounds = array<i64: 512, 16>}, {pipeline_mode = #tpu.pipeline_mode<synchronous>, transform_indices = @transform_4, window_bounds = array<i64: 1, 128>}, {pipeline_mode = #tpu.pipeline_mode<synchronous>, transform_indices = @transform_5, window_bounds = array<i64: 128, 256>}, {pipeline_mode = #tpu.pipeline_mode<synchronous>, transform_indices = @transform_6, window_bounds = array<i64: 1, 256>}, {pipeline_mode = #tpu.pipeline_mode<synchronous>, transform_indices = @transform_7, window_bounds = array<i64: 256, 64>}, {pipeline_mode = #tpu.pipeline_mode<synchronous>, transform_indices = @transform_8, window_bounds = array<i64: 1, 64>}, {pipeline_mode = #tpu.pipeline_mode<synchronous>, transform_indices = @transform_9, window_bounds = array<i64: 128, 256>}, {pipeline_mode = #tpu.pipeline_mode<synchronous>, transform_indices = @transform_10, window_bounds = array<i64: 1, 256>}, {pipeline_mode = #tpu.pipeline_mode<synchronous>, transform_indices = @transform_11, window_bounds = array<i64: 1, 256>}, {pipeline_mode = #tpu.pipeline_mode<synchronous>, transform_indices = @transform_12, window_bounds = array<i64: 1, 1>}, {pipeline_mode = #tpu.pipeline_mode<synchronous>, transform_indices = @transform_13, window_bounds = array<i64: 1, 64>}]} {
    %eq3A = arith.constant 0 : i32
    %eq3A_0 = arith.cmpi eq, %arg0, %eq3A : i32
    %convert_element_type3A = arith.extui %eq3A_0 : i1 to i32
    %cond3A = arith.constant 0 : i32
    %cond3A_1 = arith.cmpi ne, %convert_element_type3A, %cond3A : i32
    scf.if %cond3A_1 {
      %broadcast_in_dim3A_45 = arith.constant 0.000000e+00 : f32
      %broadcast_in_dim3A_46 = vector.broadcast %broadcast_in_dim3A_45 : f32 to vector<1x128xf32>
      %swap3A_47 = arith.constant 0 : index
      %swap3A_48 = arith.constant 0 : index
      %swap3A_49 = vector.load %arg15[%swap3A_47, %swap3A_48] : memref<1x128xf32, #tpu.memory_space<vmem>>, vector<1x128xf32>
      tpu.vector_store %arg15[%swap3A_47, %swap3A_48], %broadcast_in_dim3A_46 {strides = array<i32>} : memref<1x128xf32, #tpu.memory_space<vmem>>, vector<1x128xf32>,
    } else {
    }
    %get3A = arith.constant 0 : index
    %get3A_2 = arith.constant 0 : index
    %get3A_3 = vector.load %arg1[%get3A, %get3A_2] : memref<512x128xf32, #tpu.memory_space<vmem>>, vector<512x128xf32>
    %get3A_4 = arith.constant 0 : index
    %get3A_5 = arith.constant 0 : index
    %get3A_6 = vector.load %arg2[%get3A_4, %get3A_5] : memref<512x128xf32, #tpu.memory_space<vmem>>, vector<512x128xf32>
    %add3A = arith.addf %get3A_3, %get3A_6 : vector<512x128xf32>
    %get3A_7 = arith.constant 0 : index
    %get3A_8 = arith.constant 0 : index
    %get3A_9 = vector.load %arg3[%get3A_7, %get3A_8] : memref<512x16xf32, #tpu.memory_space<vmem>>, vector<512x1xf32>
    %get3A_10 = arith.constant 0 : index
    %get3A_11 = arith.constant 0 : index
    %get3A_12 = vector.load %arg4[%get3A_10, %get3A_11] : memref<512x16xf32, #tpu.memory_space<vmem>>, vector<512x1xf32>
    %add3A_13 = arith.addf %get3A_9, %get3A_12 : vector<512x1xf32>
    %max3A = arith.constant 1.000000e+00 : f32
    %max3A_14 = vector.broadcast %max3A : f32 to vector<512x1xf32>
    %max3A_15 = arith.maximumf %add3A_13, %max3A_14 : vector<512x1xf32>
    %div3A = vector.broadcast %max3A_15 : vector<512x1xf32> to vector<512x128xf32>
    %div3A_16 = arith.divf %add3A, %div3A : vector<512x128xf32>
    %get3A_17 = arith.constant 0 : index
    %get3A_18 = arith.constant 0 : index
    %get3A_19 = vector.load %arg5[%get3A_17, %get3A_18] : memref<1x128xf32, #tpu.memory_space<vmem>>, vector<1x128xf32>
    %add3A_20 = vector.broadcast %get3A_19 : vector<1x128xf32> to vector<512x128xf32>
    %add3A_21 = arith.addf %div3A_16, %add3A_20 : vector<512x128xf32>
    %max3A_22 = arith.constant 0.000000e+00 : f32
    %max3A_23 = vector.broadcast %max3A_22 : f32 to vector<512x128xf32>
    %max3A_24 = arith.maximumf %add3A_21, %max3A_23 : vector<512x128xf32>
    %mul3A = arith.constant 512 : i32
    %mul3A_25 = arith.muli %arg0, %mul3A : i32
    %iota3A = tpu.iota {dimensions = array<i32: 0>} : vector<512x1xi32>
    %add3A_26 = vector.broadcast %mul3A_25 : i32 to vector<512x1xi32>
    %add3A_27 = arith.addi %add3A_26, %iota3A : vector<512x1xi32>
    %lt3A = arith.constant 10000 : i32
    %lt3A_28 = vector.broadcast %lt3A : i32 to vector<512x1xi32>
    %lt3A_29 = arith.cmpi slt, %add3A_27, %lt3A_28 : vector<512x1xi32>
    %jit3A = arith.constant 0.000000e+00 : f32
    %broadcast_in_dim3A = vector.shape_cast %lt3A_29 : vector<512x1xi1> to vector<512x1xi1>
    %broadcast_in_dim3A_30 = vector.broadcast %broadcast_in_dim3A : vector<512x1xi1> to vector<512x128xi1>
    %broadcast_in_dim3A_31 = vector.broadcast %jit3A : f32 to vector<512x128xf32>
    %select_n3A = arith.select %broadcast_in_dim3A_30, %max3A_24, %broadcast_in_dim3A_31 : vector<512x128xi1>, vector<512x128xf32>
    %get3A_32 = arith.constant 0 : index
    %get3A_33 = arith.constant 0 : index
    %get3A_34 = vector.load %arg15[%get3A_32, %get3A_33] : memref<1x128xf32, #tpu.memory_space<vmem>>, vector<1x128xf32>
    %reduce_sum3A = arith.constant dense<0.000000e+00> : vector<128xf32>
    %reduce_sum3A_35 = vector.multi_reduction <add>, %select_n3A, %reduce_sum3A [0] : vector<512x128xf32> to vector<128xf32>
    %broadcast_in_dim3A_36 = vector.shape_cast %reduce_sum3A_35 : vector<128xf32> to vector<1x128xf32>
    %add3A_37 = arith.addf %get3A_34, %broadcast_in_dim3A_36 : vector<1x128xf32>
    %swap3A = arith.constant 0 : index
    %swap3A_38 = arith.constant 0 : index
    %swap3A_39 = vector.load %arg15[%swap3A, %swap3A_38] : memref<1x128xf32, #tpu.memory_space<vmem>>, vector<1x128xf32>
    tpu.vector_store %arg15[%swap3A, %swap3A_38], %add3A_37 {strides = array<i32>} : memref<1x128xf32, #tpu.memory_space<vmem>>, vector<1x128xf32>,
    %eq3A_40 = arith.constant 19 : i32
    %eq3A_41 = arith.cmpi eq, %arg0, %eq3A_40 : i32
    %convert_element_type3A_42 = arith.extui %eq3A_41 : i1 to i32
    %cond3A_43 = arith.constant 0 : i32
    %cond3A_44 = arith.cmpi ne, %convert_element_type3A_42, %cond3A_43 : i32
    scf.if %cond3A_44 {
      %get3A_45 = arith.constant 0 : index
      %get3A_46 = arith.constant 0 : index
      %get3A_47 = vector.load %arg15[%get3A_45, %get3A_46] : memref<1x128xf32, #tpu.memory_space<vmem>>, vector<1x128xf32>
      %mul3A_48 = arith.constant 9.99999974E-5 : f32
      %mul3A_49 = vector.broadcast %mul3A_48 : f32 to vector<1x128xf32>
      %mul3A_50 = arith.mulf %get3A_47, %mul3A_49 : vector<1x128xf32>
      %get3A_51 = arith.constant 0 : index
      %get3A_52 = arith.constant 0 : index
      %get3A_53 = vector.load %arg6[%get3A_51, %get3A_52] : memref<128x256xf32, #tpu.memory_space<vmem>>, vector<128x256xf32>
      %dot_general3A = arith.constant dense<0.000000e+00> : vector<1x256xf32>
      %dot_general3A_54 = tpu.matmul %mul3A_50, %get3A_53, %dot_general3A {dimension_numbers = #tpu.dot_dimension_numbers<[1], [0], [0], [1], [0, 0, 1, 1], [], []>, transpose_lhs_hint = false} : vector<1x128xf32>, vector<128x256xf32>, vector<1x256xf32> -> vector<1x256xf32>
      %get3A_55 = arith.constant 0 : index
      %get3A_56 = arith.constant 0 : index
      %get3A_57 = vector.load %arg7[%get3A_55, %get3A_56] : memref<1x256xf32, #tpu.memory_space<vmem>>, vector<1x256xf32>
      %add3A_58 = arith.addf %dot_general3A_54, %get3A_57 : vector<1x256xf32>
      %max3A_59 = arith.constant 0.000000e+00 : f32
      %max3A_60 = vector.broadcast %max3A_59 : f32 to vector<1x256xf32>
      %max3A_61 = arith.maximumf %add3A_58, %max3A_60 : vector<1x256xf32>
      %get3A_62 = arith.constant 0 : index
      %get3A_63 = arith.constant 0 : index
      %get3A_64 = vector.load %arg8[%get3A_62, %get3A_63] : memref<256x64xf32, #tpu.memory_space<vmem>>, vector<256x64xf32>
      %dot_general3A_65 = arith.constant dense<0.000000e+00> : vector<1x64xf32>
      %dot_general3A_66 = tpu.matmul %max3A_61, %get3A_64, %dot_general3A_65 {dimension_numbers = #tpu.dot_dimension_numbers<[1], [0], [0], [1], [0, 0, 1, 1], [], []>, transpose_lhs_hint = false} : vector<1x256xf32>, vector<256x64xf32>, vector<1x64xf32> -> vector<1x64xf32>
      %get3A_67 = arith.constant 0 : index
      %get3A_68 = arith.constant 0 : index
      %get3A_69 = vector.load %arg9[%get3A_67, %get3A_68] : memref<1x64xf32, #tpu.memory_space<vmem>>, vector<1x64xf32>
      %add3A_70 = arith.addf %dot_general3A_66, %get3A_69 : vector<1x64xf32>
      %get3A_71 = arith.constant 0 : index
      %get3A_72 = arith.constant 0 : index
      %get3A_73 = vector.load %arg10[%get3A_71, %get3A_72] : memref<128x256xf32, #tpu.memory_space<vmem>>, vector<128x256xf32>
      %dot_general3A_74 = arith.constant dense<0.000000e+00> : vector<1x256xf32>
      %dot_general3A_75 = tpu.matmul %mul3A_50, %get3A_73, %dot_general3A_74 {dimension_numbers = #tpu.dot_dimension_numbers<[1], [0], [0], [1], [0, 0, 1, 1], [], []>, transpose_lhs_hint = false} : vector<1x128xf32>, vector<128x256xf32>, vector<1x256xf32> -> vector<1x256xf32>
      %get3A_76 = arith.constant 0 : index
      %get3A_77 = arith.constant 0 : index
      %get3A_78 = vector.load %arg11[%get3A_76, %get3A_77] : memref<1x256xf32, #tpu.memory_space<vmem>>, vector<1x256xf32>
      %add3A_79 = arith.addf %dot_general3A_75, %get3A_78 : vector<1x256xf32>
      %max3A_80 = arith.constant 0.000000e+00 : f32
      %max3A_81 = vector.broadcast %max3A_80 : f32 to vector<1x256xf32>
      %max3A_82 = arith.maximumf %add3A_79, %max3A_81 : vector<1x256xf32>
      %get3A_83 = arith.constant 0 : index
      %get3A_84 = arith.constant 0 : index
      %get3A_85 = vector.load %arg12[%get3A_83, %get3A_84] : memref<1x256xf32, #tpu.memory_space<vmem>>, vector<1x256xf32>
      %mul3A_86 = arith.mulf %max3A_82, %get3A_85 : vector<1x256xf32>
      %reduce_sum3A_87 = vector.shape_cast %mul3A_86 : vector<1x256xf32> to vector<1x1x256xf32>
      %reduce_sum3A_88 = arith.constant dense<0.000000e+00> : vector<1xf32>
      %reduce_sum3A_89 = vector.multi_reduction <add>, %reduce_sum3A_87, %reduce_sum3A_88 [1, 2] : vector<1x1x256xf32> to vector<1xf32>
      %reduce_sum3A_90 = vector.shape_cast %reduce_sum3A_89 : vector<1xf32> to vector<1x1x1xf32>
      %reduce_sum3A_91 = vector.extract %reduce_sum3A_90[0, 0, 0] : f32 from vector<1x1x1xf32>
      %get3A_92 = arith.constant 0 : index
      %get3A_93 = arith.constant 0 : index
      %get3A_94 = vector.load %arg13[%get3A_92, %get3A_93] : memref<1x1xf32, #tpu.memory_space<vmem>>, vector<1x1xf32>
      %get3A_95 = vector.extract %get3A_94[0, 0] : f32 from vector<1x1xf32>
      %add3A_96 = arith.addf %reduce_sum3A_91, %get3A_95 : f32
      %reduce_sum3A_97 = vector.shape_cast %add3A_70 : vector<1x64xf32> to vector<1x1x64xf32>
      %reduce_sum3A_98 = arith.constant dense<0.000000e+00> : vector<1xf32>
      %reduce_sum3A_99 = vector.multi_reduction <add>, %reduce_sum3A_97, %reduce_sum3A_98 [1, 2] : vector<1x1x64xf32> to vector<1xf32>
      %reduce_sum3A_100 = vector.shape_cast %reduce_sum3A_99 : vector<1xf32> to vector<1x1x1xf32>
      %reduce_sum3A_101 = vector.extract %reduce_sum3A_100[0, 0, 0] : f32 from vector<1x1x1xf32>
      %div3A_102 = arith.constant 6.400000e+01 : f32
      %div3A_103 = arith.divf %reduce_sum3A_101, %div3A_102 : f32
      %sub3A = vector.broadcast %div3A_103 : f32 to vector<1x64xf32>
      %sub3A_104 = arith.subf %add3A_70, %sub3A : vector<1x64xf32>
      %add3A_105 = vector.broadcast %add3A_96 : f32 to vector<1x64xf32>
      %add3A_106 = arith.addf %add3A_105, %sub3A_104 : vector<1x64xf32>
      %swap3A_107 = arith.constant 0 : index
      %swap3A_108 = arith.constant 0 : index
      %swap3A_109 = vector.load %arg14[%swap3A_107, %swap3A_108] : memref<1x64xf32, #tpu.memory_space<vmem>>, vector<1x64xf32>
      tpu.vector_store %arg14[%swap3A_107, %swap3A_108], %add3A_106 {strides = array<i32>} : memref<1x64xf32, #tpu.memory_space<vmem>>, vector<1x64xf32>,
    } else {
    }
    return
  }
  func.func @transform_0(%arg0: i32) -> (i32, i32) {
    %c0_i32 = arith.constant 0 : i32
    %c0_i32_0 = arith.constant 0 : i32
    return %arg0, %c0_i32 : i32, i32
  }
  func.func @transform_1(%arg0: i32) -> (i32, i32) {
    %c0_i32 = arith.constant 0 : i32
    %c0_i32_0 = arith.constant 0 : i32
    return %arg0, %c0_i32 : i32, i32
  }
  func.func @transform_2(%arg0: i32) -> (i32, i32) {
    %c0_i32 = arith.constant 0 : i32
    %c0_i32_0 = arith.constant 0 : i32
    return %arg0, %c0_i32 : i32, i32
  }
  func.func @transform_3(%arg0: i32) -> (i32, i32) {
    %c0_i32 = arith.constant 0 : i32
    %c0_i32_0 = arith.constant 0 : i32
    return %arg0, %c0_i32 : i32, i32
  }
  func.func @transform_4(%arg0: i32) -> (i32, i32) {
    %c0_i32 = arith.constant 0 : i32
    %c0_i32_0 = arith.constant 0 : i32
    %c0_i32_1 = arith.constant 0 : i32
    return %c0_i32, %c0_i32_0 : i32, i32
  }
  func.func @transform_5(%arg0: i32) -> (i32, i32) {
    %c0_i32 = arith.constant 0 : i32
    %c0_i32_0 = arith.constant 0 : i32
    %c0_i32_1 = arith.constant 0 : i32
    return %c0_i32, %c0_i32_0 : i32, i32
  }
  func.func @transform_6(%arg0: i32) -> (i32, i32) {
    %c0_i32 = arith.constant 0 : i32
    %c0_i32_0 = arith.constant 0 : i32
    %c0_i32_1 = arith.constant 0 : i32
    return %c0_i32, %c0_i32_0 : i32, i32
  }
  func.func @transform_7(%arg0: i32) -> (i32, i32) {
    %c0_i32 = arith.constant 0 : i32
    %c0_i32_0 = arith.constant 0 : i32
    %c0_i32_1 = arith.constant 0 : i32
    return %c0_i32, %c0_i32_0 : i32, i32
  }
  func.func @transform_8(%arg0: i32) -> (i32, i32) {
    %c0_i32 = arith.constant 0 : i32
    %c0_i32_0 = arith.constant 0 : i32
    %c0_i32_1 = arith.constant 0 : i32
    return %c0_i32, %c0_i32_0 : i32, i32
  }
  func.func @transform_9(%arg0: i32) -> (i32, i32) {
    %c0_i32 = arith.constant 0 : i32
    %c0_i32_0 = arith.constant 0 : i32
    %c0_i32_1 = arith.constant 0 : i32
    return %c0_i32, %c0_i32_0 : i32, i32
  }
  func.func @transform_10(%arg0: i32) -> (i32, i32) {
    %c0_i32 = arith.constant 0 : i32
    %c0_i32_0 = arith.constant 0 : i32
    %c0_i32_1 = arith.constant 0 : i32
    return %c0_i32, %c0_i32_0 : i32, i32
  }
  func.func @transform_11(%arg0: i32) -> (i32, i32) {
    %c0_i32 = arith.constant 0 : i32
    %c0_i32_0 = arith.constant 0 : i32
    %c0_i32_1 = arith.constant 0 : i32
    return %c0_i32, %c0_i32_0 : i32, i32
  }
  func.func @transform_12(%arg0: i32) -> (i32, i32) {
    %c0_i32 = arith.constant 0 : i32
    %c0_i32_0 = arith.constant 0 : i32
    %c0_i32_1 = arith.constant 0 : i32
    return %c0_i32, %c0_i32_0 : i32, i32
  }
  func.func @transform_13(%arg0: i32) -> (i32, i32) {
    %c0_i32 = arith.constant 0 : i32
    %c0_i32_0 = arith.constant 0 : i32
    %c0_i32_1 = arith.constant 0 : i32
    return %c0_i32, %c0_i32_0 : i32, i32
  }
}

</mosaic_0001>

<sc_bundles>
// kernel: kernel.11.cloned.1.call-start
scs
__scs_entry_jumppad:
0x0: {  	(pc) =	sbr.rel $0x88, $3  }
0x1: {  	(tag) =	ssettag $0x0;
	lr =	simm.s32 $0x1  }
0x2: {  	[smem:$0x3F93] =	sst lr;
	_ =	strace $0xD0000000  }
0x3: {  	_ = 	snop  }
0x4: {  	_ = 	snop  }
0x5: {  	_ = 	snop  }
0x6: {  	_ = 	snop  }
0x7: {  	_ = 	snop  }
__scs_overlays_trampoline_lowered:
0x8: {  	[smem:$0x3FA2] =	sst s0  }
0x9: {  	[smem:$0x3FA3] =	sst s1  }
0xa: {  	[smem:$0x3FA4] =	sst s2  }
0xb: {  	[smem:$0x3FA5] =	sst s3  }
0xc: {  	[smem:$0x3FA6] =	sst s4  }
0xd: {  	[smem:$0x3FA7] =	sst s5  }
0xe: {  	[smem:$0x3FA8] =	sst s6  }
0xf: {  	[smem:$0x3FA9] =	sst s7  }
0x10: {  	[smem:$0x3FAA] =	sst s8  }
0x11: {  	[smem:$0x3FAB] =	sst s9;
	s0 =	simm.s32 @!p0 $0x0  }
0x12: {  	s1 =	sld [smem:$0x3F91];
	s0 =	simm.s32 @p0 $0x1  }
0x13: {  	[smem:$0x3FAC] =	sst s0;
	s0 =	simm.s32 @!p1 $0x0  }
0x14: {  	s2 =	sld [smem:$0x3F90];
	s0 =	simm.s32 @p1 $0x1  }
0x15: {  	[smem:$0x3FAD] =	sst s0;
	s0 =	simm.s32 @!p2 $0x0  }
0x16: {  	s3 =	sld [smem:$0x3FDB];
	s0 =	simm.s32 @p2 $0x1  }
0x17: {  	s4 =	simm.s32 $0x1BF5;
	[smem:$0x3FAF] =	sst s0  }
0x18: {  	s0 =	sld [smem:$0x3F92];
	_ =	swait.ge [sflag:s4], $0x0  }
0x19: {  	s7 =	sld [smem:$0x3F93]  }
0x1a: {  	s8 =	sadd.s32 $0xFFFFE003, lr  }
0x1b: {  	s9 =	sadd.s32 $0xFFFFFEF7, lr;
	s5 =	simm.s32 $0xFFFFFFFF;
	p2 =	slt.u32 s8, $0xFFFFF086  }
0x1c: {  	p1 =	slt.u32 s9, $0xF7A;
	s5 =	simm.s32 @!p2 $0x0  }
0x1d: {  	s5 =	simm.s32 @p1 $0x1;
	p0 =	seq.s32 s7, s2  }
0x1e: {  	s7 =	smul.u32 @!p0 $0xF7A, s2;
	p2 =	seq.s32 @!p0 s5, $0x0  }
0x1f: {  	s9 =	smul.u32 $0xF7A, s1;
	s8 =	simm.s32 @!p0 $0x1BF5;
	p2 =	por !p2, p0  }
0x20: {  	[sflag:s8] =	ssyncset.s32 @!p0 $0xFFFFF086;
	s6 =	sadd.s32 @!p0 s3, s7;
	s7 =	simm.s32 @!p0 $0x108  }
0x21: {  	s3 =	sadd.s32 s3, s9;
	s6 =	sadd.s32 @!p0 $0x88, s6;
	s7 =	simm.s32 @p2 $0x1082  }
0x22: {  	[simem:s7], [sflag:s8] =	dma.local @!p0 [hbm:s6], $0xF7A  }
0x23: {  	s9 =	sor.u32 $0xD0000000, s2;
	s6 =	simm.s32 $0x108;
	_ =	swait.ge @!p0 [sflag:s8], $0x0  }
0x24: {  	s3 =	sadd.s32 $0x88, s3;
	s6 =	simm.s32 @!p1 $0x1082;
	[sflag:s4] =	ssyncset.s32 $0xFFFFF086  }
0x25: {  	[simem:s6], [sflag:s4] =	dma.local [hbm:s3], $0xF7A  }
0x26: {  	[smem:$0x3F93] =	sst s1;
	(tag) =	ssettag s2;
	_ =	strace s9  }
0x27: {  	s1 =	sld [smem:$0x3FA3]  }
0x28: {  	s2 =	sld [smem:$0x3FA4]  }
0x29: {  	s4 =	sld [smem:$0x3FA6]  }
0x2a: {  	p0 =	seq.s32 s5, $0x0;
	s5 =	sld [smem:$0x3FA7]  }
0x2b: {  	s6 =	sld [smem:$0x3FA8]  }
0x2c: {  	s7 =	sld [smem:$0x3FA9]  }
0x2d: {  	s3 =	simm.s32 $0x108;
	s8 =	sld [smem:$0x3FAA]  }
0x2e: {  	s3 =	simm.s32 @!p0 $0x1082;
	s9 =	sld [smem:$0x3FAB]  }
0x2f: {  	lr =	sadd.s32 s0, s3;
	s0 =	sld [smem:$0x3FA2]  }
0x30: {  	s3 =	sld [smem:$0x3FA5]  }
0x31: {  	[smem:$0x3FAE] =	sst s10  }
0x32: {  	s10 =	sld [smem:$0x3FAC];
	_ =	sdelay $0x3  }
0x33: {  	p0 =	seq.s32 s10, $0x1;
	s10 =	sld [smem:$0x3FAE];
	_ =	sdelay $0x3  }
0x34: {  	[smem:$0x3FAE] =	sst s10  }
0x35: {  	s10 =	sld [smem:$0x3FAD];
	_ =	sdelay $0x3  }
0x36: {  	p1 =	seq.s32 s10, $0x1;
	s10 =	sld [smem:$0x3FAE];
	_ =	sdelay $0x3  }
0x37: {  	[smem:$0x3FAE] =	sst s10  }
0x38: {  	s10 =	sld [smem:$0x3FAF]  }
0x39: {  	_ = 	snop;
	(pc) =	sbr.ind lr, $3  }
0x3a: {  	_ = 	snop  }
0x3b: {  	_ = 	snop  }
0x3c: {  	p2 =	seq.s32 s10, $0x1;
	s10 =	sld [smem:$0x3FAE]  }
0x3d: {  	_ =	shalt  }
0x3e: {  	_ =	shalt  }
0x3f: {  	_ =	shalt  }
0x40: {  	_ =	shalt  }
0x41: {  	_ =	shalt  }
0x42: {  	_ =	shalt  }
0x43: {  	_ =	shalt  }
0x44: {  	_ =	shalt  }
0x45: {  	_ =	shalt  }
0x46: {  	_ =	shalt  }
0x47: {  	_ =	shalt  }
0x48: {  	_ =	shalt  }
0x49: {  	_ =	shalt  }
0x4a: {  	_ =	shalt  }
0x4b: {  	_ =	shalt  }
0x4c: {  	_ =	shalt  }
0x4d: {  	_ =	shalt  }
0x4e: {  	_ =	shalt  }
0x4f: {  	_ =	shalt  }
0x50: {  	_ =	shalt  }
0x51: {  	_ =	shalt  }
0x52: {  	_ =	shalt  }
0x53: {  	_ =	shalt  }
0x54: {  	_ =	shalt  }
0x55: {  	_ =	shalt  }
0x56: {  	_ =	shalt  }
0x57: {  	_ =	shalt  }
0x58: {  	_ =	shalt  }
0x59: {  	_ =	shalt  }
0x5a: {  	_ =	shalt  }
0x5b: {  	_ =	shalt  }
0x5c: {  	_ =	shalt  }
0x5d: {  	_ =	shalt  }
0x5e: {  	_ =	shalt  }
0x5f: {  	_ =	shalt  }
0x60: {  	_ =	shalt  }
0x61: {  	_ =	shalt  }
0x62: {  	_ =	shalt  }
0x63: {  	_ =	shalt  }
0x64: {  	_ =	shalt  }
0x65: {  	_ =	shalt  }
0x66: {  	_ =	shalt  }
0x67: {  	_ =	shalt  }
0x68: {  	_ =	shalt  }
0x69: {  	_ =	shalt  }
0x6a: {  	_ =	shalt  }
0x6b: {  	_ =	shalt  }
0x6c: {  	_ =	shalt  }
0x6d: {  	_ =	shalt  }
0x6e: {  	_ =	shalt  }
0x6f: {  	_ =	shalt  }
0x70: {  	_ =	shalt  }
0x71: {  	_ =	shalt  }
0x72: {  	_ =	shalt  }
0x73: {  	_ =	shalt  }
0x74: {  	_ =	shalt  }
0x75: {  	_ =	shalt  }
0x76: {  	_ =	shalt  }
0x77: {  	_ =	shalt  }
0x78: {  	_ =	shalt  }
0x79: {  	_ =	shalt  }
0x7a: {  	_ =	shalt  }
0x7b: {  	_ =	shalt  }
0x7c: {  	_ =	shalt  }
0x7d: {  	_ =	shalt  }
0x7e: {  	_ =	shalt  }
0x7f: {  	_ =	shalt  }
0x80: {  	_ =	shalt  }
0x81: {  	_ =	shalt  }
0x82: {  	_ =	shalt  }
0x83: {  	_ =	shalt  }
0x84: {  	_ =	shalt  }
0x85: {  	_ =	shalt  }
0x86: {  	_ =	shalt  }
0x87: {  	_ =	shalt  }
.Lfunc_end0:
.L_simem_size_0:
called_computation.1_lowered:
.L_overlay_start_0:
0x88: {  	s2 =	sld [smem:$0x3FD9]  }
0x89: {  	s3 =	sld [smem:$0x3FFE];
	_ =	sdelay $0x1  }
0x8a: {  	s1 =	srdreg.scid  }
0x8b: {  	s0 =	sand.u32 $0x1, s1  }
0x8c: {  	s16 =	sshll.u32 s0, $0xA;
	s2 =	sadd.s32 s3, s2  }
0x8d: {  	s2 =	sadd.s32 s2, s16  }
0x8e: {  	[smem:$0x3FBA] =	sst s2  }
0x8f: {  	_ = 	snop  }
0x90: {  	(tm) =	ssettm $0x1  }
0x91: {  	s17 =	sld [smem:$0x3FFB];
	_ =	sdelay $0x3  }
0x92: {  	_ =	strace s17  }
0x93: {  	s2 =	sld [smem:$0x3FFC];
	_ =	sdelay $0x3  }
0x94: {  	_ =	strace s2  }
0x95: {  	s2 =	sld [smem:$0x3FFD];
	_ =	sdelay $0x3  }
0x96: {  	_ =	strace s2  }
0x97: {  	_ =	strace $0x8FFFFFFF  }
0x98: {  	s18 =	sld [smem:$0x3FDB];
	_ =	sdelay $0x1  }
0x99: {  	s19 =	simm.s32 $_scs_section_size  }
0x9a: {  	s4 =	simm.s32 $_size__tile_overlayer_lowered;
	s5 =	simm.s32 $_tile_overlayer_lowered  }
0x9b: {  	s22 =	simm.s32 $0x1BFF;
	s21 =	sshll.u32 s5, $0x1;
	s2 =	sadd.s32 s19, s18  }
0x9c: {  	s6 =	simm.s32 $0x0;
	s20 =	sshll.u32 s4, $0x1;
	s4 =	sadd.s32 s21, s2  }
0x9d: {  	[timem:s6], [sflag:s22] =	dma.local [hbm:s4], s20  }
0x9e: {  	_ =	swait.ge [sflag:s22], s20  }
0x9f: {  	s3 =	ssub.s32 $0x0, s20;
	[sflag:s22] =	ssyncset.done $0x0  }
0xa0: {  	[sflag:s22] =	ssyncadd.s32 s3;
	_ =	sdelay $0x1  }
0xa1: {  	s23 =	simm.s32 $0x1B8B  }
0xa2: {  	_ =	swait.ge [sflag:s23], $0x1  }
0xa3: {  	[sflag:s23] =	ssyncset.done $0x0  }
0xa4: {  	s25 =	simm.s32 $0x1B8E;
	s24 =	sld [smem:$0x3FFE];
	[sflag:s23] =	ssyncadd.s32 $0xFFFFFFFF  }
0xa5: {  	s26 =	simm.s32 $execute0_lowered;
	[smem:$0x3FD2] =	sst s25  }
0xa6: {  	s4 =	sshll.u32 s26, $0x1;
	_ =	strace $0x80000046;
	[dreg:$0x1] =	wrdreg $0xFFFFFFFF  }
0xa7: {  	s28 =	simm.s32 $_size_execute0_lowered;
	s2 =	sadd.s32 s2, s4;
	[dreg:$0x0] =	wrdreg $0x0  }
0xa8: {  	s4 =	sshll.u32 s28, $0x1;
	[dreg:$0x2] =	wrdreg s2  }
0xa9: {  	[dreg:$0x3] =	wrdreg s4  }
0xaa: {  	[dreg:$0x4] =	wrdreg $0xC0  }
0xab: {  	_ =	task [dreg:s6], $0x5FFFF  }
0xac: {  	[dreg:$0x1] =	wrdreg $0xFFFFFFFF  }
0xad: {  	[dreg:$0x0] =	wrdreg $0x60  }
0xae: {  	[dreg:$0x2] =	wrdreg s24  }
0xaf: {  	[dreg:$0x3] =	wrdreg $0x0  }
0xb0: {  	[dreg:$0x4] =	wrdreg $0xA  }
0xb1: {  	_ =	task.clear_ibuf [dreg:s6], $0x5FFFF;
	_ =	strace $0x90000046  }
0xb2: {  	s29 =	simm.s32 $0xA;
	_ =	strace $0x80000048  }
0xb3: {  	_ =	swait.ge [sflag:s29], $0x1  }
0xb4: {  	[sflag:s29] =	ssyncadd.s32 $0xFFFFFFFF  }
0xb5: {  	_ =	strace $0x90000048  }
0xb6: {  	_ =	sfence  }
0xb7: {  	s30 =	sld [smem:$0x0];
	_ =	sdelay $0x2  }
0xb8: {  	s31 =	sshll.u32 s1, $0xD;
	s1 =	sshrl.u32 s1, $0x2  }
0xb9: {  	s3 =	sand.u32 $0x4000, s31;
	s1 =	sadd.s32 s1, s30  }
0xba: {  	s0 =	sor.u32 s3, s0;
	s1 =	sshll.u32 s1, $0x11  }
0xbb: {  	s0 =	sor.u32 s1, s0  }
0xbc: {  	s0 =	sadd.s32 $0x8F2B, s0  }
0xbd: {  	[sflag:s0] =	ssyncadd.remote.s32 $0x1  }
0xbe: {  	_ =	sfence.sel $0xFFFF  }
0xbf: {  	[dreg:$0x0] =	wrdreg $0xFFFFFFFF;
	(pc) =	sbr.abs _section_cstart, $3  }
0xc0: {  	[dreg:$0x1] =	wrdreg $0xFFFFFFFF  }
0xc1: {  	_ =	task.clear_ibuf [dreg:s6], $0x2FFFF;
	_ =	strace $0x9FFFFFFF  }
0xc2: {  	(tm) =	ssettm $0x7FFFFFFF  }
0xc3: {  	_ =	shalt  }
tec
execute0_lowered:
.L_overlay_start_1:
0x0: {  	(tag) =	ssettag $0x1  }
0x1: {  	s0 =	rddreg [dreg:$0x0];
	s10 =	stileid.u32  }
0x2: {  	s1 =	srdreg.scid;
	s2 =	rddreg [dreg:$0x1]  }
0x3: {  	s3 =	simm.s32 $0x0;
	s12 =	simm.s32 $0x3;
	s13 =	simm.s32 $0x14000  }
0x4: {  	s14 =	simm.s32 $0x14400;
	s15 =	simm.s32 $0x80;
	s16 =	simm.s32 $0x14800  }
0x5: {  	s28 =	simm.s32 $0x14280;
	s29 =	simm.s32 $0x14600;
	s5 =	smul.u32 $0x280, s10  }
0x6: {  	s30 =	simm.s32 $0x14300;
	s31 =	simm.s32 $0x14680;
	s7 =	smul.u32 $0x14000, s10  }
0x7: {  	s1 =	sand.u32 $0x1, s1;
	[smem:$0x7FF] =	sst s3;
	s8 =	smul.u32 $0x780, s10  }
0x8: {  	s4 =	sadd.s32 $0x17200, s0;
	s19 =	smul.u32 $0x50000, s10;
	s9 =	sadd.s32 $0x3F200, s0  }
0x9: {  	s10 =	sshll.u32 s10, $0x6;
	s6 =	smul.u32 $0x140000, s1;
	_ =	strace $0x80000047  }
0xa: {  	[dreg:$0x5] =	wrdreg s9;
	s20 =	ssub.s32 $0x2, s1;
	s22 =	sor.u32 $0x1C03, s10  }
0xb: {  	p0 =	seq.s32 s1, $0x1;
	s1 =	simm.s32 $0x14380;
	s9 =	simm.s32 $0x0  }
0xc: {  	s5 =	sadd.s32 s5, s0;
	s18 =	sadd.s32 s8, s0;
	s21 =	sshrl.u32 s20, $0x1  }
0xd: {  	s8 =	sshrl.u32 s19, $0x2;
	[dreg:$0x6] =	wrdreg s22;
	s19 =	simm.s32 $0x1  }
0xe: {  	s22 =	simm.s32 $0x14480;
	s6 =	sadd.s32 s7, s6;
	s8 =	sadd.s32 s8, s2  }
0xf: {  	s23 =	sadd.s32 $0x3200, s5;
	s25 =	sadd.s32 $0xFA00, s18;
	s11 =	sadd.s32 $0x5A00, s5  }
0x10: {  	s7 =	sadd.s32 $0x8200, s18;
	s18 =	simm.s32 $0x18800;
	[dreg:$0x3] =	wrdreg s23  }
0x11: {  	s5 =	simm.s32 $0x14780;
	s6 =	sshrl.u32 s6, $0x3;
	[dreg:$0x4] =	wrdreg s25  }
0x12: {  	s26 =	sshrl.u32 s8, $0x3;
	s23 =	simm.s32 $0x14180;
	s25 =	simm.s32 $0x14200  }
.Ltmp0:
0x13: {  	s10 =	smov.u32 s11;
	s17 =	smov.u32 s7;
	(pc) =	sbr.rel .LBB2_1-.Ltmp0, $4  }
0x14: {  	s0 =	sadd.s32 s6, s0;
	s6 =	ssub.s32 s20, s21;
	[dreg:$0x9] =	wrdreg s26  }
0x15: {  	s20 =	simm.s32 $0x14100;
	s21 =	simm.s32 $0x2;
	s0 =	sadd.s32 $0x41A00, s0  }
0x16: {  	s26 =	simm.s32 $0x14580;
	s24 =	smax.u32 s6, $0x1;
	[dreg:$0x7] =	wrdreg s0  }
0x17: {  	[dreg:$0x8] =	wrdreg s24;
	s24 =	simm.s32 $0x14500;
	s0 =	simm.s32 $0x14700  }
.LBB2_7:
0x18: {  	s6 =	sadd.s32 s8, s17;
	[sflag:s12] =	ssyncadd.s32 $0xFFFFC000  }
0x19: {  	[tilespmem:s13], [sflag:$0x3] =	stream.linear.gather [hbm4b:s6+s3], $0x400, $0x38;
	[tilespmem:$0x1C800] =	vst v63  }
0x1a: {  	_ =	swait.ge [sflag:s12], $0x400  }
0x1b: {  	s11 =	rddreg [dreg:$0x4];
	[sflag:s12] =	ssyncset.done $0x0  }
0x1c: {  	s6 =	sadd.s32 s8, s11;
	[sflag:s12] =	ssyncadd.s32 $0xFFFFFC00  }
0x1d: {  	[tilespmem:s14], [sflag:$0x3] =	stream.linear.gather [hbm4b:s6+s3], $0x400, $0x38;
	[tilespmem:$0x1C800] =	vst v63  }
0x1e: {  	_ =	swait.ge [sflag:s12], $0x400  }
0x1f: {  	[sflag:s12] =	ssyncset.done $0x0  }
0x20: {  	[sflag:s12] =	ssyncadd.s32 $0xFFFFFC00  }
0x21: {  	[tilespmem:s16], [sflag:$0x1] =	stream.indirect.gather [hbm4b:s4+s15], $0x80, s13, s15, $0xb8;
	[tilespmem:$0x1C800] =	vst v63  }
0x22: {  	_ = 	snop  }
0x23: {  	[tilespmem:s18], [sflag:$0x2] =	stream.indirect.gather [hbm4b:s4+s15], $0x80, s9, s15, $0xb8;
	[tilespmem:$0x1C800] =	vst v63  }
0x24: {  	_ =	swait.ge [sflag:s19], $0x4000  }
0x25: {  	[sflag:s19] =	ssyncset.done $0x0  }
0x26: {  	[sflag:s19] =	ssyncadd.s32 $0xFFFFC000  }
0x27: {  	[spmem:s2] =	stream.indirect.scatter.add.f32 [tilespmem:s16], [sflag:$0x3], $0x80, s14, s15, $0xb8;
	[tilespmem:$0x1C800] =	vst v63  }
0x28: {  	_ =	swait.ge [sflag:s12], $0x4000  }
0x29: {  	[sflag:s12] =	ssyncset.done $0x0  }
0x2a: {  	[sflag:s12] =	ssyncadd.s32 $0xFFFFC000  }
0x2b: {  	[tilespmem:s16], [sflag:$0x1] =	stream.indirect.gather [hbm4b:s4+s15], $0x80, s20, s15, $0xb8;
	[tilespmem:$0x1C800] =	vst v63  }
0x2c: {  	_ =	swait.ge [sflag:s21], $0x4000  }
0x2d: {  	[sflag:s21] =	ssyncset.done $0x0  }
0x2e: {  	[sflag:s21] =	ssyncadd.s32 $0xFFFFC000  }
0x2f: {  	[spmem:s2] =	stream.indirect.scatter.add.f32 [tilespmem:s18], [sflag:$0x3], $0x80, s22, s15, $0xb8;
	[tilespmem:$0x1C800] =	vst v63  }
0x30: {  	_ =	swait.ge [sflag:s12], $0x4000  }
0x31: {  	[sflag:s12] =	ssyncset.done $0x0  }
0x32: {  	[sflag:s12] =	ssyncadd.s32 $0xFFFFC000  }
0x33: {  	[tilespmem:s18], [sflag:$0x2] =	stream.indirect.gather [hbm4b:s4+s15], $0x80, s23, s15, $0xb8;
	[tilespmem:$0x1C800] =	vst v63  }
0x34: {  	_ =	swait.ge [sflag:s19], $0x4000  }
0x35: {  	[sflag:s19] =	ssyncset.done $0x0  }
0x36: {  	[sflag:s19] =	ssyncadd.s32 $0xFFFFC000  }
0x37: {  	[spmem:s2] =	stream.indirect.scatter.add.f32 [tilespmem:s16], [sflag:$0x3], $0x80, s24, s15, $0xb8;
	[tilespmem:$0x1C800] =	vst v63  }
0x38: {  	_ =	swait.ge [sflag:s12], $0x4000  }
0x39: {  	[sflag:s12] =	ssyncset.done $0x0  }
0x3a: {  	[sflag:s12] =	ssyncadd.s32 $0xFFFFC000  }
0x3b: {  	[tilespmem:s16], [sflag:$0x1] =	stream.indirect.gather [hbm4b:s4+s15], $0x80, s25, s15, $0xb8;
	[tilespmem:$0x1C800] =	vst v63  }
0x3c: {  	_ =	swait.ge [sflag:s21], $0x4000  }
0x3d: {  	[sflag:s21] =	ssyncset.done $0x0  }
0x3e: {  	[sflag:s21] =	ssyncadd.s32 $0xFFFFC000  }
0x3f: {  	[spmem:s2] =	stream.indirect.scatter.add.f32 [tilespmem:s18], [sflag:$0x3], $0x80, s26, s15, $0xb8;
	[tilespmem:$0x1C800] =	vst v63  }
0x40: {  	_ =	swait.ge [sflag:s12], $0x4000  }
0x41: {  	[sflag:s12] =	ssyncset.done $0x0  }
0x42: {  	[sflag:s12] =	ssyncadd.s32 $0xFFFFC000  }
0x43: {  	[tilespmem:s18], [sflag:$0x2] =	stream.indirect.gather [hbm4b:s4+s15], $0x80, s28, s15, $0xb8;
	[tilespmem:$0x1C800] =	vst v63  }
0x44: {  	_ =	swait.ge [sflag:s19], $0x4000  }
0x45: {  	[sflag:s19] =	ssyncset.done $0x0  }
0x46: {  	[sflag:s19] =	ssyncadd.s32 $0xFFFFC000  }
0x47: {  	[spmem:s2] =	stream.indirect.scatter.add.f32 [tilespmem:s16], [sflag:$0x3], $0x80, s29, s15, $0xb8;
	[tilespmem:$0x1C800] =	vst v63  }
0x48: {  	_ =	swait.ge [sflag:s12], $0x4000  }
0x49: {  	[sflag:s12] =	ssyncset.done $0x0  }
0x4a: {  	[sflag:s12] =	ssyncadd.s32 $0xFFFFC000  }
0x4b: {  	[tilespmem:s16], [sflag:$0x1] =	stream.indirect.gather [hbm4b:s4+s15], $0x80, s30, s15, $0xb8;
	[tilespmem:$0x1C800] =	vst v63  }
0x4c: {  	_ =	swait.ge [sflag:s21], $0x4000  }
0x4d: {  	[sflag:s21] =	ssyncset.done $0x0  }
0x4e: {  	[sflag:s21] =	ssyncadd.s32 $0xFFFFC000  }
0x4f: {  	[spmem:s2] =	stream.indirect.scatter.add.f32 [tilespmem:s18], [sflag:$0x3], $0x80, s31, s15, $0xb8;
	[tilespmem:$0x1C800] =	vst v63  }
0x50: {  	_ =	swait.ge [sflag:s12], $0x4000  }
0x51: {  	[sflag:s12] =	ssyncset.done $0x0  }
0x52: {  	[sflag:s12] =	ssyncadd.s32 $0xFFFFC000  }
0x53: {  	[tilespmem:s18], [sflag:$0x2] =	stream.indirect.gather [hbm4b:s4+s15], $0x80, s1, s15, $0xb8;
	[tilespmem:$0x1C800] =	vst v63  }
0x54: {  	_ =	swait.ge [sflag:s19], $0x4000  }
0x55: {  	[sflag:s19] =	ssyncset.done $0x0  }
0x56: {  	[sflag:s19] =	ssyncadd.s32 $0xFFFFC000  }
0x57: {  	[spmem:s2] =	stream.indirect.scatter.add.f32 [tilespmem:s16], [sflag:$0x3], $0x80, s0, s15, $0xb8;
	[tilespmem:$0x1C800] =	vst v63  }
0x58: {  	_ =	swait.ge [sflag:s12], $0x4000  }
0x59: {  	[sflag:s12] =	ssyncset.done $0x0  }
0x5a: {  	[sflag:s12] =	ssyncadd.s32 $0xFFFFC000  }
0x5b: {  	_ =	swait.ge [sflag:s21], $0x4000  }
0x5c: {  	[sflag:s21] =	ssyncset.done $0x0  }
0x5d: {  	[sflag:s21] =	ssyncadd.s32 $0xFFFFC000  }
0x5e: {  	[spmem:s2] =	stream.indirect.scatter.add.f32 [tilespmem:s18], [sflag:$0x3], $0x80, s5, s15, $0xb8;
	[tilespmem:$0x1C800] =	vst v63  }
0x5f: {  	_ =	swait.ge [sflag:s12], $0x4000  }
0x60: {  	[sflag:s12] =	ssyncset.done $0x0  }
0x61: {  	s7 =	smov.u32 s17;
	s11 =	smov.u32 s10;
	[sflag:s12] =	ssyncadd.s32 $0xFFFFC000  }
.LBB2_8:
0x62: {  	[bflag:$0x0] =	sbarrier.arrive $0xFFFF  }
0x63: {  	s6 =	rddreg [dreg:$0x7]  }
0x64: {  	s9 =	rddreg [dreg:$0x6]  }
0x65: {  	s8 =	rddreg [dreg:$0x9]  }
0x66: {  	[hbm:s6], [sflag:s9] =	dma.local [spmem:s8], $0x2800  }
0x67: {  	_ =	swait.ge [sflag:s12], $0x2800  }
0x68: {  	s6 =	rddreg [dreg:$0xa]  }
0x69: {  	s8 =	rddreg [dreg:$0x8];
	s9 =	sadd.s32 $0x1, s6  }
0x6a: {  	p1 =	sne.s32 s9, s8  }
.Ltmp1:
0x6b: {  	_ = 	snop;
	(pc) =	sbr.rel @!p1 .LBB2_9-.Ltmp1, $3  }
0x6c: {  	_ =	sdelay $0x1  }
0x6d: {  	[sflag:s12] =	ssyncset.done $0x0  }
0x6e: {  	[sflag:s12] =	ssyncadd.s32 $0xFFFFD800  }
.LBB2_1:
0x6f: {  	[dreg:$0xa] =	wrdreg s9  }
0x70: {  	s6 =	rddreg [dreg:$0x5]  }
0x71: {  	s9 =	rddreg [dreg:$0x6]  }
0x72: {  	s8 =	rddreg [dreg:$0x9]  }
0x73: {  	[spmem:s8], [sflag:s9] =	dma.local [hbm:s6], $0x2800  }
.Ltmp2:
0x74: {  	_ =	swait.ge [sflag:s12], $0x2800;
	(pc) =	sbr.rel @!p0 .LBB2_2-.Ltmp2, $3  }
0x75: {  	[sflag:s12] =	ssyncset.done $0x0  }
0x76: {  	[sflag:s12] =	ssyncadd.s32 $0xFFFFD800  }
0x77: {  	[bflag:$0x0] =	sbarrier.arrive $0xFFFF;
	_ =	sdelay $0x1  }
0x78: {  	s6 =	sadd.s32 $0x0, s7  }
0x79: {  	[tilespmem:s13], [sflag:$0x3] =	stream.linear.gather [hbm4b:s6+s3], $0x400, $0x38;
	[tilespmem:$0x1C800] =	vst v63  }
0x7a: {  	_ =	swait.ge [sflag:s12], $0x400  }
0x7b: {  	s9 =	rddreg [dreg:$0x4];
	[sflag:s12] =	ssyncset.done $0x0  }
0x7c: {  	[sflag:s12] =	ssyncadd.s32 $0xFFFFFC00;
	s6 =	sadd.s32 $0x0, s9  }
0x7d: {  	[tilespmem:s14], [sflag:$0x3] =	stream.linear.gather [hbm4b:s6+s3], $0x400, $0x38;
	[tilespmem:$0x1C800] =	vst v63  }
0x7e: {  	_ =	swait.ge [sflag:s12], $0x400  }
0x7f: {  	[sflag:s12] =	ssyncset.done $0x0  }
0x80: {  	[sflag:s12] =	ssyncadd.s32 $0xFFFFFC00  }
0x81: {  	[tilespmem:s16], [sflag:$0x1] =	stream.indirect.gather [hbm4b:s4+s15], $0x80, s13, s15, $0xb8;
	[tilespmem:$0x1C800] =	vst v63  }
0x82: {  	s11 =	simm.s32 $0x14080  }
0x83: {  	[tilespmem:s18], [sflag:$0x2] =	stream.indirect.gather [hbm4b:s4+s15], $0x80, s11, s15, $0xb8;
	[tilespmem:$0x1C800] =	vst v63  }
0x84: {  	_ =	swait.ge [sflag:s19], $0x4000  }
0x85: {  	[sflag:s19] =	ssyncset.done $0x0  }
0x86: {  	[sflag:s19] =	ssyncadd.s32 $0xFFFFC000  }
0x87: {  	[spmem:s2] =	stream.indirect.scatter.add.f32 [tilespmem:s16], [sflag:$0x3], $0x80, s14, s15, $0xb8;
	[tilespmem:$0x1C800] =	vst v63  }
0x88: {  	_ =	swait.ge [sflag:s12], $0x4000  }
0x89: {  	[sflag:s12] =	ssyncset.done $0x0  }
0x8a: {  	[sflag:s12] =	ssyncadd.s32 $0xFFFFC000  }
0x8b: {  	[tilespmem:s16], [sflag:$0x1] =	stream.indirect.gather [hbm4b:s4+s15], $0x80, s20, s15, $0xb8;
	[tilespmem:$0x1C800] =	vst v63  }
0x8c: {  	_ =	swait.ge [sflag:s21], $0x4000  }
0x8d: {  	[sflag:s21] =	ssyncset.done $0x0  }
0x8e: {  	[sflag:s21] =	ssyncadd.s32 $0xFFFFC000  }
0x8f: {  	[spmem:s2] =	stream.indirect.scatter.add.f32 [tilespmem:s18], [sflag:$0x3], $0x80, s22, s15, $0xb8;
	[tilespmem:$0x1C800] =	vst v63  }
0x90: {  	_ =	swait.ge [sflag:s12], $0x4000  }
0x91: {  	[sflag:s12] =	ssyncset.done $0x0  }
0x92: {  	[sflag:s12] =	ssyncadd.s32 $0xFFFFC000  }
0x93: {  	[tilespmem:s18], [sflag:$0x2] =	stream.indirect.gather [hbm4b:s4+s15], $0x80, s23, s15, $0xb8;
	[tilespmem:$0x1C800] =	vst v63  }
0x94: {  	_ =	swait.ge [sflag:s19], $0x4000  }
0x95: {  	[sflag:s19] =	ssyncset.done $0x0  }
0x96: {  	[sflag:s19] =	ssyncadd.s32 $0xFFFFC000  }
0x97: {  	[spmem:s2] =	stream.indirect.scatter.add.f32 [tilespmem:s16], [sflag:$0x3], $0x80, s24, s15, $0xb8;
	[tilespmem:$0x1C800] =	vst v63  }
0x98: {  	_ =	swait.ge [sflag:s12], $0x4000  }
0x99: {  	[sflag:s12] =	ssyncset.done $0x0  }
0x9a: {  	[sflag:s12] =	ssyncadd.s32 $0xFFFFC000  }
0x9b: {  	[tilespmem:s16], [sflag:$0x1] =	stream.indirect.gather [hbm4b:s4+s15], $0x80, s25, s15, $0xb8;
	[tilespmem:$0x1C800] =	vst v63  }
0x9c: {  	_ =	swait.ge [sflag:s21], $0x4000  }
0x9d: {  	[sflag:s21] =	ssyncset.done $0x0  }
0x9e: {  	[sflag:s21] =	ssyncadd.s32 $0xFFFFC000  }
0x9f: {  	[spmem:s2] =	stream.indirect.scatter.add.f32 [tilespmem:s18], [sflag:$0x3], $0x80, s26, s15, $0xb8;
	[tilespmem:$0x1C800] =	vst v63  }
0xa0: {  	_ =	swait.ge [sflag:s12], $0x4000  }
0xa1: {  	[sflag:s12] =	ssyncset.done $0x0  }
0xa2: {  	[sflag:s12] =	ssyncadd.s32 $0xFFFFC000  }
0xa3: {  	[tilespmem:s18], [sflag:$0x2] =	stream.indirect.gather [hbm4b:s4+s15], $0x80, s28, s15, $0xb8;
	[tilespmem:$0x1C800] =	vst v63  }
0xa4: {  	_ =	swait.ge [sflag:s19], $0x4000  }
0xa5: {  	[sflag:s19] =	ssyncset.done $0x0  }
0xa6: {  	[sflag:s19] =	ssyncadd.s32 $0xFFFFC000  }
0xa7: {  	[spmem:s2] =	stream.indirect.scatter.add.f32 [tilespmem:s16], [sflag:$0x3], $0x80, s29, s15, $0xb8;
	[tilespmem:$0x1C800] =	vst v63  }
0xa8: {  	_ =	swait.ge [sflag:s12], $0x4000  }
0xa9: {  	[sflag:s12] =	ssyncset.done $0x0  }
0xaa: {  	[sflag:s12] =	ssyncadd.s32 $0xFFFFC000  }
0xab: {  	[tilespmem:s16], [sflag:$0x1] =	stream.indirect.gather [hbm4b:s4+s15], $0x80, s30, s15, $0xb8;
	[tilespmem:$0x1C800] =	vst v63  }
0xac: {  	_ =	swait.ge [sflag:s21], $0x4000  }
0xad: {  	[sflag:s21] =	ssyncset.done $0x0  }
0xae: {  	[sflag:s21] =	ssyncadd.s32 $0xFFFFC000  }
0xaf: {  	[spmem:s2] =	stream.indirect.scatter.add.f32 [tilespmem:s18], [sflag:$0x3], $0x80, s31, s15, $0xb8;
	[tilespmem:$0x1C800] =	vst v63  }
0xb0: {  	_ =	swait.ge [sflag:s12], $0x4000  }
0xb1: {  	[sflag:s12] =	ssyncset.done $0x0  }
0xb2: {  	[sflag:s12] =	ssyncadd.s32 $0xFFFFC000  }
0xb3: {  	[tilespmem:s18], [sflag:$0x2] =	stream.indirect.gather [hbm4b:s4+s15], $0x80, s1, s15, $0xb8;
	[tilespmem:$0x1C800] =	vst v63  }
0xb4: {  	_ =	swait.ge [sflag:s19], $0x4000  }
0xb5: {  	[sflag:s19] =	ssyncset.done $0x0  }
0xb6: {  	[sflag:s19] =	ssyncadd.s32 $0xFFFFC000  }
0xb7: {  	[spmem:s2] =	stream.indirect.scatter.add.f32 [tilespmem:s16], [sflag:$0x3], $0x80, s0, s15, $0xb8;
	[tilespmem:$0x1C800] =	vst v63  }
0xb8: {  	_ =	swait.ge [sflag:s12], $0x4000  }
0xb9: {  	[sflag:s12] =	ssyncset.done $0x0  }
0xba: {  	[sflag:s12] =	ssyncadd.s32 $0xFFFFC000  }
0xbb: {  	_ =	swait.ge [sflag:s21], $0x4000  }
0xbc: {  	[sflag:s21] =	ssyncset.done $0x0  }
0xbd: {  	[sflag:s21] =	ssyncadd.s32 $0xFFFFC000  }
0xbe: {  	[spmem:s2] =	stream.indirect.scatter.add.f32 [tilespmem:s18], [sflag:$0x3], $0x80, s5, s15, $0xb8;
	[tilespmem:$0x1C800] =	vst v63  }
0xbf: {  	_ =	swait.ge [sflag:s12], $0x4000  }
0xc0: {  	s8 =	simm.s32 $0x80;
	s11 =	simm.s32 $0x100;
	[sflag:s12] =	ssyncset.done $0x0  }
.LBB2_6:
0xc1: {  	s7 =	sadd.s32 s8, s17;
	[sflag:s12] =	ssyncadd.s32 $0xFFFFC000  }
0xc2: {  	[tilespmem:s13], [sflag:$0x3] =	stream.linear.gather [hbm4b:s7+s3], $0x400, $0x38;
	[tilespmem:$0x1C800] =	vst v63  }
0xc3: {  	s9 =	smov.u32 s11;
	s6 =	sadd.s32 $0x80, s11;
	_ =	swait.ge [sflag:s12], $0x400  }
0xc4: {  	p1 =	sne.s32 s11, $0x700;
	s11 =	rddreg [dreg:$0x4];
	[sflag:s12] =	ssyncset.done $0x0  }
0xc5: {  	[sflag:s12] =	ssyncadd.s32 $0xFFFFFC00;
	s7 =	sadd.s32 s8, s11  }
0xc6: {  	[tilespmem:s14], [sflag:$0x3] =	stream.linear.gather [hbm4b:s7+s3], $0x400, $0x38;
	[tilespmem:$0x1C800] =	vst v63  }
0xc7: {  	_ =	swait.ge [sflag:s12], $0x400  }
0xc8: {  	[sflag:s12] =	ssyncset.done $0x0  }
0xc9: {  	[sflag:s12] =	ssyncadd.s32 $0xFFFFFC00  }
0xca: {  	[tilespmem:s16], [sflag:$0x1] =	stream.indirect.gather [hbm4b:s4+s15], $0x80, s13, s15, $0xb8;
	[tilespmem:$0x1C800] =	vst v63  }
0xcb: {  	s8 =	smov.u32 s9;
	s9 =	simm.s32 $0x14080  }
0xcc: {  	[tilespmem:s18], [sflag:$0x2] =	stream.indirect.gather [hbm4b:s4+s15], $0x80, s9, s15, $0xb8;
	[tilespmem:$0x1C800] =	vst v63  }
0xcd: {  	_ =	swait.ge [sflag:s19], $0x4000  }
0xce: {  	[sflag:s19] =	ssyncset.done $0x0  }
0xcf: {  	[sflag:s19] =	ssyncadd.s32 $0xFFFFC000  }
0xd0: {  	[spmem:s2] =	stream.indirect.scatter.add.f32 [tilespmem:s16], [sflag:$0x3], $0x80, s14, s15, $0xb8;
	[tilespmem:$0x1C800] =	vst v63  }
0xd1: {  	_ =	swait.ge [sflag:s12], $0x4000  }
0xd2: {  	[sflag:s12] =	ssyncset.done $0x0  }
0xd3: {  	[sflag:s12] =	ssyncadd.s32 $0xFFFFC000  }
0xd4: {  	[tilespmem:s16], [sflag:$0x1] =	stream.indirect.gather [hbm4b:s4+s15], $0x80, s20, s15, $0xb8;
	[tilespmem:$0x1C800] =	vst v63  }
0xd5: {  	_ =	swait.ge [sflag:s21], $0x4000  }
0xd6: {  	[sflag:s21] =	ssyncset.done $0x0  }
0xd7: {  	[sflag:s21] =	ssyncadd.s32 $0xFFFFC000  }
0xd8: {  	[spmem:s2] =	stream.indirect.scatter.add.f32 [tilespmem:s18], [sflag:$0x3], $0x80, s22, s15, $0xb8;
	[tilespmem:$0x1C800] =	vst v63  }
0xd9: {  	_ =	swait.ge [sflag:s12], $0x4000  }
0xda: {  	[sflag:s12] =	ssyncset.done $0x0  }
0xdb: {  	[sflag:s12] =	ssyncadd.s32 $0xFFFFC000  }
0xdc: {  	[tilespmem:s18], [sflag:$0x2] =	stream.indirect.gather [hbm4b:s4+s15], $0x80, s23, s15, $0xb8;
	[tilespmem:$0x1C800] =	vst v63  }
0xdd: {  	_ =	swait.ge [sflag:s19], $0x4000  }
0xde: {  	[sflag:s19] =	ssyncset.done $0x0  }
0xdf: {  	[sflag:s19] =	ssyncadd.s32 $0xFFFFC000  }
0xe0: {  	[spmem:s2] =	stream.indirect.scatter.add.f32 [tilespmem:s16], [sflag:$0x3], $0x80, s24, s15, $0xb8;
	[tilespmem:$0x1C800] =	vst v63  }
0xe1: {  	_ =	swait.ge [sflag:s12], $0x4000  }
0xe2: {  	[sflag:s12] =	ssyncset.done $0x0  }
0xe3: {  	[sflag:s12] =	ssyncadd.s32 $0xFFFFC000  }
0xe4: {  	[tilespmem:s16], [sflag:$0x1] =	stream.indirect.gather [hbm4b:s4+s15], $0x80, s25, s15, $0xb8;
	[tilespmem:$0x1C800] =	vst v63  }
0xe5: {  	_ =	swait.ge [sflag:s21], $0x4000  }
0xe6: {  	[sflag:s21] =	ssyncset.done $0x0  }
0xe7: {  	[sflag:s21] =	ssyncadd.s32 $0xFFFFC000  }
0xe8: {  	[spmem:s2] =	stream.indirect.scatter.add.f32 [tilespmem:s18], [sflag:$0x3], $0x80, s26, s15, $0xb8;
	[tilespmem:$0x1C800] =	vst v63  }
0xe9: {  	_ =	swait.ge [sflag:s12], $0x4000  }
0xea: {  	[sflag:s12] =	ssyncset.done $0x0  }
0xeb: {  	[sflag:s12] =	ssyncadd.s32 $0xFFFFC000  }
0xec: {  	[tilespmem:s18], [sflag:$0x2] =	stream.indirect.gather [hbm4b:s4+s15], $0x80, s28, s15, $0xb8;
	[tilespmem:$0x1C800] =	vst v63  }
0xed: {  	_ =	swait.ge [sflag:s19], $0x4000  }
0xee: {  	[sflag:s19] =	ssyncset.done $0x0  }
0xef: {  	[sflag:s19] =	ssyncadd.s32 $0xFFFFC000  }
0xf0: {  	[spmem:s2] =	stream.indirect.scatter.add.f32 [tilespmem:s16], [sflag:$0x3], $0x80, s29, s15, $0xb8;
	[tilespmem:$0x1C800] =	vst v63  }
0xf1: {  	_ =	swait.ge [sflag:s12], $0x4000  }
0xf2: {  	[sflag:s12] =	ssyncset.done $0x0  }
0xf3: {  	[sflag:s12] =	ssyncadd.s32 $0xFFFFC000  }
0xf4: {  	[tilespmem:s16], [sflag:$0x1] =	stream.indirect.gather [hbm4b:s4+s15], $0x80, s30, s15, $0xb8;
	[tilespmem:$0x1C800] =	vst v63  }
0xf5: {  	_ =	swait.ge [sflag:s21], $0x4000  }
0xf6: {  	[sflag:s21] =	ssyncset.done $0x0  }
0xf7: {  	[sflag:s21] =	ssyncadd.s32 $0xFFFFC000  }
0xf8: {  	[spmem:s2] =	stream.indirect.scatter.add.f32 [tilespmem:s18], [sflag:$0x3], $0x80, s31, s15, $0xb8;
	[tilespmem:$0x1C800] =	vst v63  }
0xf9: {  	_ =	swait.ge [sflag:s12], $0x4000  }
0xfa: {  	[sflag:s12] =	ssyncset.done $0x0  }
0xfb: {  	[sflag:s12] =	ssyncadd.s32 $0xFFFFC000  }
0xfc: {  	[tilespmem:s18], [sflag:$0x2] =	stream.indirect.gather [hbm4b:s4+s15], $0x80, s1, s15, $0xb8;
	[tilespmem:$0x1C800] =	vst v63  }
0xfd: {  	_ =	swait.ge [sflag:s19], $0x4000  }
0xfe: {  	[sflag:s19] =	ssyncset.done $0x0  }
0xff: {  	[sflag:s19] =	ssyncadd.s32 $0xFFFFC000  }
0x100: {  	[spmem:s2] =	stream.indirect.scatter.add.f32 [tilespmem:s16], [sflag:$0x3], $0x80, s0, s15, $0xb8;
	[tilespmem:$0x1C800] =	vst v63  }
0x101: {  	_ =	swait.ge [sflag:s12], $0x4000  }
0x102: {  	[sflag:s12] =	ssyncset.done $0x0  }
0x103: {  	[sflag:s12] =	ssyncadd.s32 $0xFFFFC000  }
0x104: {  	_ =	swait.ge [sflag:s21], $0x4000  }
.Ltmp3:
0x105: {  	[sflag:s21] =	ssyncset.done $0x0;
	(pc) =	sbr.rel @p1 .LBB2_6-.Ltmp3, $4  }
0x106: {  	[sflag:s21] =	ssyncadd.s32 $0xFFFFC000  }
0x107: {  	[spmem:s2] =	stream.indirect.scatter.add.f32 [tilespmem:s18], [sflag:$0x3], $0x80, s5, s15, $0xb8;
	[tilespmem:$0x1C800] =	vst v63  }
0x108: {  	_ =	swait.ge [sflag:s12], $0x4000  }
0x109: {  	s11 =	smov.u32 s6;
	[sflag:s12] =	ssyncset.done $0x0  }
.Ltmp4:
0x10a: {  	_ = 	snop;
	(pc) =	sbr.rel .LBB2_7-.Ltmp4, $1  }
0x10b: {  	_ =	sdelay $0x3  }
.LBB2_2:
0x10c: {  	s6 =	sadd.s32 $0x0, s11  }
0x10d: {  	[tilespmem:s13], [sflag:$0x3] =	stream.linear.gather [hbm4b:s6+s3], $0x400, $0x38;
	[tilespmem:$0x1C800] =	vst v63  }
0x10e: {  	_ =	swait.ge [sflag:s12], $0x400  }
0x10f: {  	s8 =	rddreg [dreg:$0x3];
	[sflag:s12] =	ssyncset.done $0x0  }
0x110: {  	[sflag:s12] =	ssyncadd.s32 $0xFFFFFC00;
	s6 =	sadd.s32 $0x0, s8  }
0x111: {  	[tilespmem:s14], [sflag:$0x3] =	stream.linear.gather [hbm4b:s6+s3], $0x400, $0x38;
	[tilespmem:$0x1C800] =	vst v63  }
0x112: {  	_ =	swait.ge [sflag:s12], $0x400  }
0x113: {  	[sflag:s12] =	ssyncset.done $0x0  }
0x114: {  	[sflag:s12] =	ssyncadd.s32 $0xFFFFFC00  }
0x115: {  	[tilespmem:s16], [sflag:$0x1] =	stream.indirect.gather [hbm4b:s4+s15], $0x80, s13, s15, $0xb8;
	[tilespmem:$0x1C800] =	vst v63  }
0x116: {  	s9 =	simm.s32 $0x14080  }
0x117: {  	[tilespmem:s18], [sflag:$0x2] =	stream.indirect.gather [hbm4b:s4+s15], $0x80, s9, s15, $0xb8;
	[tilespmem:$0x1C800] =	vst v63  }
0x118: {  	_ =	swait.ge [sflag:s19], $0x4000  }
0x119: {  	[sflag:s19] =	ssyncset.done $0x0  }
0x11a: {  	[sflag:s19] =	ssyncadd.s32 $0xFFFFC000  }
0x11b: {  	[spmem:s2] =	stream.indirect.scatter.add.f32 [tilespmem:s16], [sflag:$0x3], $0x80, s14, s15, $0xb8;
	[tilespmem:$0x1C800] =	vst v63  }
0x11c: {  	_ =	swait.ge [sflag:s12], $0x4000  }
0x11d: {  	[sflag:s12] =	ssyncset.done $0x0  }
0x11e: {  	[sflag:s12] =	ssyncadd.s32 $0xFFFFC000  }
0x11f: {  	[tilespmem:s16], [sflag:$0x1] =	stream.indirect.gather [hbm4b:s4+s15], $0x80, s20, s15, $0xb8;
	[tilespmem:$0x1C800] =	vst v63  }
0x120: {  	_ =	swait.ge [sflag:s21], $0x4000  }
0x121: {  	[sflag:s21] =	ssyncset.done $0x0  }
0x122: {  	[sflag:s21] =	ssyncadd.s32 $0xFFFFC000  }
0x123: {  	[spmem:s2] =	stream.indirect.scatter.add.f32 [tilespmem:s18], [sflag:$0x3], $0x80, s22, s15, $0xb8;
	[tilespmem:$0x1C800] =	vst v63  }
0x124: {  	_ =	swait.ge [sflag:s12], $0x4000  }
0x125: {  	[sflag:s12] =	ssyncset.done $0x0  }
0x126: {  	[sflag:s12] =	ssyncadd.s32 $0xFFFFC000  }
0x127: {  	[tilespmem:s18], [sflag:$0x2] =	stream.indirect.gather [hbm4b:s4+s15], $0x80, s23, s15, $0xb8;
	[tilespmem:$0x1C800] =	vst v63  }
0x128: {  	_ =	swait.ge [sflag:s19], $0x4000  }
0x129: {  	[sflag:s19] =	ssyncset.done $0x0  }
0x12a: {  	[sflag:s19] =	ssyncadd.s32 $0xFFFFC000  }
0x12b: {  	[spmem:s2] =	stream.indirect.scatter.add.f32 [tilespmem:s16], [sflag:$0x3], $0x80, s24, s15, $0xb8;
	[tilespmem:$0x1C800] =	vst v63  }
0x12c: {  	_ =	swait.ge [sflag:s12], $0x4000  }
0x12d: {  	[sflag:s12] =	ssyncset.done $0x0  }
0x12e: {  	[sflag:s12] =	ssyncadd.s32 $0xFFFFC000  }
0x12f: {  	[tilespmem:s16], [sflag:$0x1] =	stream.indirect.gather [hbm4b:s4+s15], $0x80, s25, s15, $0xb8;
	[tilespmem:$0x1C800] =	vst v63  }
0x130: {  	_ =	swait.ge [sflag:s21], $0x4000  }
0x131: {  	[sflag:s21] =	ssyncset.done $0x0  }
0x132: {  	[sflag:s21] =	ssyncadd.s32 $0xFFFFC000  }
0x133: {  	[spmem:s2] =	stream.indirect.scatter.add.f32 [tilespmem:s18], [sflag:$0x3], $0x80, s26, s15, $0xb8;
	[tilespmem:$0x1C800] =	vst v63  }
0x134: {  	_ =	swait.ge [sflag:s12], $0x4000  }
0x135: {  	[sflag:s12] =	ssyncset.done $0x0  }
0x136: {  	[sflag:s12] =	ssyncadd.s32 $0xFFFFC000  }
0x137: {  	[tilespmem:s18], [sflag:$0x2] =	stream.indirect.gather [hbm4b:s4+s15], $0x80, s28, s15, $0xb8;
	[tilespmem:$0x1C800] =	vst v63  }
0x138: {  	_ =	swait.ge [sflag:s19], $0x4000  }
0x139: {  	[sflag:s19] =	ssyncset.done $0x0  }
0x13a: {  	[sflag:s19] =	ssyncadd.s32 $0xFFFFC000  }
0x13b: {  	[spmem:s2] =	stream.indirect.scatter.add.f32 [tilespmem:s16], [sflag:$0x3], $0x80, s29, s15, $0xb8;
	[tilespmem:$0x1C800] =	vst v63  }
0x13c: {  	_ =	swait.ge [sflag:s12], $0x4000  }
0x13d: {  	[sflag:s12] =	ssyncset.done $0x0  }
0x13e: {  	[sflag:s12] =	ssyncadd.s32 $0xFFFFC000  }
0x13f: {  	[tilespmem:s16], [sflag:$0x1] =	stream.indirect.gather [hbm4b:s4+s15], $0x80, s30, s15, $0xb8;
	[tilespmem:$0x1C800] =	vst v63  }
0x140: {  	_ =	swait.ge [sflag:s21], $0x4000  }
0x141: {  	[sflag:s21] =	ssyncset.done $0x0  }
0x142: {  	[sflag:s21] =	ssyncadd.s32 $0xFFFFC000  }
0x143: {  	[spmem:s2] =	stream.indirect.scatter.add.f32 [tilespmem:s18], [sflag:$0x3], $0x80, s31, s15, $0xb8;
	[tilespmem:$0x1C800] =	vst v63  }
0x144: {  	_ =	swait.ge [sflag:s12], $0x4000  }
0x145: {  	[sflag:s12] =	ssyncset.done $0x0  }
0x146: {  	[sflag:s12] =	ssyncadd.s32 $0xFFFFC000  }
0x147: {  	[tilespmem:s18], [sflag:$0x2] =	stream.indirect.gather [hbm4b:s4+s15], $0x80, s1, s15, $0xb8;
	[tilespmem:$0x1C800] =	vst v63  }
0x148: {  	_ =	swait.ge [sflag:s19], $0x4000  }
0x149: {  	[sflag:s19] =	ssyncset.done $0x0  }
0x14a: {  	[sflag:s19] =	ssyncadd.s32 $0xFFFFC000  }
0x14b: {  	[spmem:s2] =	stream.indirect.scatter.add.f32 [tilespmem:s16], [sflag:$0x3], $0x80, s0, s15, $0xb8;
	[tilespmem:$0x1C800] =	vst v63  }
0x14c: {  	_ =	swait.ge [sflag:s12], $0x4000  }
0x14d: {  	[sflag:s12] =	ssyncset.done $0x0  }
0x14e: {  	[sflag:s12] =	ssyncadd.s32 $0xFFFFC000  }
0x14f: {  	_ =	swait.ge [sflag:s21], $0x4000  }
0x150: {  	[sflag:s21] =	ssyncset.done $0x0  }
0x151: {  	[sflag:s21] =	ssyncadd.s32 $0xFFFFC000  }
0x152: {  	[spmem:s2] =	stream.indirect.scatter.add.f32 [tilespmem:s18], [sflag:$0x3], $0x80, s5, s15, $0xb8;
	[tilespmem:$0x1C800] =	vst v63  }
0x153: {  	_ =	swait.ge [sflag:s12], $0x4000  }
0x154: {  	s8 =	simm.s32 $0x80;
	s6 =	simm.s32 $0x100;
	[sflag:s12] =	ssyncset.done $0x0  }
.LBB2_3:
0x155: {  	s7 =	sadd.s32 s8, s11;
	[sflag:s12] =	ssyncadd.s32 $0xFFFFC000  }
0x156: {  	[tilespmem:s13], [sflag:$0x3] =	stream.linear.gather [hbm4b:s7+s3], $0x400, $0x38;
	[tilespmem:$0x1C800] =	vst v63  }
0x157: {  	s9 =	smov.u32 s6;
	_ =	swait.ge [sflag:s12], $0x400  }
0x158: {  	s11 =	sadd.s32 $0x80, s6;
	s7 =	rddreg [dreg:$0x3];
	[sflag:s12] =	ssyncset.done $0x0  }
0x159: {  	p1 =	seq.s32 s6, $0x200;
	[sflag:s12] =	ssyncadd.s32 $0xFFFFFC00;
	s6 =	sadd.s32 s8, s7  }
0x15a: {  	[tilespmem:s14], [sflag:$0x3] =	stream.linear.gather [hbm4b:s6+s3], $0x400, $0x38;
	[tilespmem:$0x1C800] =	vst v63  }
0x15b: {  	_ =	swait.ge [sflag:s12], $0x400  }
0x15c: {  	[sflag:s12] =	ssyncset.done $0x0  }
0x15d: {  	[sflag:s12] =	ssyncadd.s32 $0xFFFFFC00  }
0x15e: {  	[tilespmem:s16], [sflag:$0x1] =	stream.indirect.gather [hbm4b:s4+s15], $0x80, s13, s15, $0xb8;
	[tilespmem:$0x1C800] =	vst v63  }
0x15f: {  	s7 =	simm.s32 $0x14080  }
0x160: {  	[tilespmem:s18], [sflag:$0x2] =	stream.indirect.gather [hbm4b:s4+s15], $0x80, s7, s15, $0xb8;
	[tilespmem:$0x1C800] =	vst v63  }
0x161: {  	_ =	swait.ge [sflag:s19], $0x4000  }
0x162: {  	[sflag:s19] =	ssyncset.done $0x0  }
0x163: {  	[sflag:s19] =	ssyncadd.s32 $0xFFFFC000  }
0x164: {  	[spmem:s2] =	stream.indirect.scatter.add.f32 [tilespmem:s16], [sflag:$0x3], $0x80, s14, s15, $0xb8;
	[tilespmem:$0x1C800] =	vst v63  }
0x165: {  	_ =	swait.ge [sflag:s12], $0x4000  }
0x166: {  	[sflag:s12] =	ssyncset.done $0x0  }
0x167: {  	[sflag:s12] =	ssyncadd.s32 $0xFFFFC000  }
0x168: {  	[tilespmem:s16], [sflag:$0x1] =	stream.indirect.gather [hbm4b:s4+s15], $0x80, s20, s15, $0xb8;
	[tilespmem:$0x1C800] =	vst v63  }
0x169: {  	_ =	swait.ge [sflag:s21], $0x4000  }
0x16a: {  	[sflag:s21] =	ssyncset.done $0x0  }
0x16b: {  	[sflag:s21] =	ssyncadd.s32 $0xFFFFC000  }
0x16c: {  	[spmem:s2] =	stream.indirect.scatter.add.f32 [tilespmem:s18], [sflag:$0x3], $0x80, s22, s15, $0xb8;
	[tilespmem:$0x1C800] =	vst v63  }
0x16d: {  	_ =	swait.ge [sflag:s12], $0x4000  }
0x16e: {  	[sflag:s12] =	ssyncset.done $0x0  }
0x16f: {  	[sflag:s12] =	ssyncadd.s32 $0xFFFFC000  }
0x170: {  	[tilespmem:s18], [sflag:$0x2] =	stream.indirect.gather [hbm4b:s4+s15], $0x80, s23, s15, $0xb8;
	[tilespmem:$0x1C800] =	vst v63  }
0x171: {  	_ =	swait.ge [sflag:s19], $0x4000  }
0x172: {  	[sflag:s19] =	ssyncset.done $0x0  }
0x173: {  	[sflag:s19] =	ssyncadd.s32 $0xFFFFC000  }
0x174: {  	[spmem:s2] =	stream.indirect.scatter.add.f32 [tilespmem:s16], [sflag:$0x3], $0x80, s24, s15, $0xb8;
	[tilespmem:$0x1C800] =	vst v63  }
0x175: {  	_ =	swait.ge [sflag:s12], $0x4000  }
0x176: {  	[sflag:s12] =	ssyncset.done $0x0  }
0x177: {  	[sflag:s12] =	ssyncadd.s32 $0xFFFFC000  }
0x178: {  	[tilespmem:s16], [sflag:$0x1] =	stream.indirect.gather [hbm4b:s4+s15], $0x80, s25, s15, $0xb8;
	[tilespmem:$0x1C800] =	vst v63  }
0x179: {  	_ =	swait.ge [sflag:s21], $0x4000  }
0x17a: {  	[sflag:s21] =	ssyncset.done $0x0  }
0x17b: {  	[sflag:s21] =	ssyncadd.s32 $0xFFFFC000  }
0x17c: {  	[spmem:s2] =	stream.indirect.scatter.add.f32 [tilespmem:s18], [sflag:$0x3], $0x80, s26, s15, $0xb8;
	[tilespmem:$0x1C800] =	vst v63  }
0x17d: {  	_ =	swait.ge [sflag:s12], $0x4000  }
0x17e: {  	[sflag:s12] =	ssyncset.done $0x0  }
0x17f: {  	[sflag:s12] =	ssyncadd.s32 $0xFFFFC000  }
0x180: {  	[tilespmem:s18], [sflag:$0x2] =	stream.indirect.gather [hbm4b:s4+s15], $0x80, s28, s15, $0xb8;
	[tilespmem:$0x1C800] =	vst v63  }
0x181: {  	_ =	swait.ge [sflag:s19], $0x4000  }
0x182: {  	[sflag:s19] =	ssyncset.done $0x0  }
0x183: {  	[sflag:s19] =	ssyncadd.s32 $0xFFFFC000  }
0x184: {  	[spmem:s2] =	stream.indirect.scatter.add.f32 [tilespmem:s16], [sflag:$0x3], $0x80, s29, s15, $0xb8;
	[tilespmem:$0x1C800] =	vst v63  }
0x185: {  	_ =	swait.ge [sflag:s12], $0x4000  }
0x186: {  	[sflag:s12] =	ssyncset.done $0x0  }
0x187: {  	[sflag:s12] =	ssyncadd.s32 $0xFFFFC000  }
0x188: {  	[tilespmem:s16], [sflag:$0x1] =	stream.indirect.gather [hbm4b:s4+s15], $0x80, s30, s15, $0xb8;
	[tilespmem:$0x1C800] =	vst v63  }
0x189: {  	_ =	swait.ge [sflag:s21], $0x4000  }
0x18a: {  	[sflag:s21] =	ssyncset.done $0x0  }
0x18b: {  	[sflag:s21] =	ssyncadd.s32 $0xFFFFC000  }
0x18c: {  	[spmem:s2] =	stream.indirect.scatter.add.f32 [tilespmem:s18], [sflag:$0x3], $0x80, s31, s15, $0xb8;
	[tilespmem:$0x1C800] =	vst v63  }
0x18d: {  	_ =	swait.ge [sflag:s12], $0x4000  }
0x18e: {  	[sflag:s12] =	ssyncset.done $0x0  }
0x18f: {  	[sflag:s12] =	ssyncadd.s32 $0xFFFFC000  }
0x190: {  	[tilespmem:s18], [sflag:$0x2] =	stream.indirect.gather [hbm4b:s4+s15], $0x80, s1, s15, $0xb8;
	[tilespmem:$0x1C800] =	vst v63  }
0x191: {  	_ =	swait.ge [sflag:s19], $0x4000  }
0x192: {  	[sflag:s19] =	ssyncset.done $0x0  }
0x193: {  	[sflag:s19] =	ssyncadd.s32 $0xFFFFC000  }
0x194: {  	[spmem:s2] =	stream.indirect.scatter.add.f32 [tilespmem:s16], [sflag:$0x3], $0x80, s0, s15, $0xb8;
	[tilespmem:$0x1C800] =	vst v63  }
0x195: {  	_ =	swait.ge [sflag:s12], $0x4000  }
0x196: {  	[sflag:s12] =	ssyncset.done $0x0  }
0x197: {  	[sflag:s12] =	ssyncadd.s32 $0xFFFFC000  }
0x198: {  	_ =	swait.ge [sflag:s21], $0x4000  }
.Ltmp5:
0x199: {  	[sflag:s21] =	ssyncset.done $0x0;
	(pc) =	sbr.rel @!p1 .LBB2_3-.Ltmp5, $4  }
0x19a: {  	[sflag:s21] =	ssyncadd.s32 $0xFFFFC000  }
0x19b: {  	[spmem:s2] =	stream.indirect.scatter.add.f32 [tilespmem:s18], [sflag:$0x3], $0x80, s5, s15, $0xb8;
	[tilespmem:$0x1C800] =	vst v63  }
0x19c: {  	s8 =	smov.u32 s9;
	_ =	swait.ge [sflag:s12], $0x4000  }
0x19d: {  	s6 =	smov.u32 s11;
	s11 =	smov.u32 s10;
	[sflag:s12] =	ssyncset.done $0x0  }
0x19e: {  	s6 =	sadd.s32 s8, s11;
	[sflag:s12] =	ssyncadd.s32 $0xFFFFC000  }
0x19f: {  	[tilespmem:s13], [sflag:$0x3] =	stream.linear.gather [hbm4b:s6+s3], $0x400, $0x38;
	[tilespmem:$0x1C800] =	vst v63  }
0x1a0: {  	_ =	swait.ge [sflag:s12], $0x400  }
0x1a1: {  	s9 =	rddreg [dreg:$0x3];
	[sflag:s12] =	ssyncset.done $0x0  }
0x1a2: {  	s6 =	sadd.s32 s8, s9;
	[sflag:s12] =	ssyncadd.s32 $0xFFFFFC00  }
0x1a3: {  	[tilespmem:s14], [sflag:$0x3] =	stream.linear.gather [hbm4b:s6+s3], $0x400, $0x38;
	[tilespmem:$0x1C800] =	vst v63  }
0x1a4: {  	_ =	swait.ge [sflag:s12], $0x400  }
0x1a5: {  	[sflag:s12] =	ssyncset.done $0x0  }
0x1a6: {  	[sflag:s12] =	ssyncadd.s32 $0xFFFFFC00  }
0x1a7: {  	[tilespmem:s16], [sflag:$0x1] =	stream.indirect.gather [hbm4b:s4+s15], $0x80, s13, s15, $0xb8;
	[tilespmem:$0x1C800] =	vst v63  }
0x1a8: {  	_ = 	snop  }
0x1a9: {  	[tilespmem:s18], [sflag:$0x2] =	stream.indirect.gather [hbm4b:s4+s15], $0x80, s7, s15, $0xb8;
	[tilespmem:$0x1C800] =	vst v63  }
0x1aa: {  	_ =	swait.ge [sflag:s19], $0x4000  }
0x1ab: {  	[sflag:s19] =	ssyncset.done $0x0  }
0x1ac: {  	[sflag:s19] =	ssyncadd.s32 $0xFFFFC000  }
0x1ad: {  	[spmem:s2] =	stream.indirect.scatter.add.f32 [tilespmem:s16], [sflag:$0x3], $0x80, s14, s15, $0xb8;
	[tilespmem:$0x1C800] =	vst v63  }
0x1ae: {  	_ =	swait.ge [sflag:s12], $0x4000  }
0x1af: {  	[sflag:s12] =	ssyncset.done $0x0  }
0x1b0: {  	[sflag:s12] =	ssyncadd.s32 $0xFFFFC000  }
0x1b1: {  	[tilespmem:s16], [sflag:$0x1] =	stream.indirect.gather [hbm4b:s4+s15], $0x80, s20, s15, $0xb8;
	[tilespmem:$0x1C800] =	vst v63  }
0x1b2: {  	_ =	swait.ge [sflag:s21], $0x4000  }
0x1b3: {  	[sflag:s21] =	ssyncset.done $0x0  }
0x1b4: {  	[sflag:s21] =	ssyncadd.s32 $0xFFFFC000  }
0x1b5: {  	[spmem:s2] =	stream.indirect.scatter.add.f32 [tilespmem:s18], [sflag:$0x3], $0x80, s22, s15, $0xb8;
	[tilespmem:$0x1C800] =	vst v63  }
0x1b6: {  	_ =	swait.ge [sflag:s12], $0x4000  }
0x1b7: {  	[sflag:s12] =	ssyncset.done $0x0  }
0x1b8: {  	[sflag:s12] =	ssyncadd.s32 $0xFFFFC000  }
0x1b9: {  	[tilespmem:s18], [sflag:$0x2] =	stream.indirect.gather [hbm4b:s4+s15], $0x80, s23, s15, $0xb8;
	[tilespmem:$0x1C800] =	vst v63  }
0x1ba: {  	_ =	swait.ge [sflag:s19], $0x4000  }
0x1bb: {  	[sflag:s19] =	ssyncset.done $0x0  }
0x1bc: {  	[sflag:s19] =	ssyncadd.s32 $0xFFFFC000  }
0x1bd: {  	[spmem:s2] =	stream.indirect.scatter.add.f32 [tilespmem:s16], [sflag:$0x3], $0x80, s24, s15, $0xb8;
	[tilespmem:$0x1C800] =	vst v63  }
0x1be: {  	_ =	swait.ge [sflag:s12], $0x4000  }
0x1bf: {  	[sflag:s12] =	ssyncset.done $0x0  }
0x1c0: {  	[sflag:s12] =	ssyncadd.s32 $0xFFFFC000  }
0x1c1: {  	[tilespmem:s16], [sflag:$0x1] =	stream.indirect.gather [hbm4b:s4+s15], $0x80, s25, s15, $0xb8;
	[tilespmem:$0x1C800] =	vst v63  }
0x1c2: {  	_ =	swait.ge [sflag:s21], $0x4000  }
0x1c3: {  	[sflag:s21] =	ssyncset.done $0x0  }
0x1c4: {  	[sflag:s21] =	ssyncadd.s32 $0xFFFFC000  }
0x1c5: {  	[spmem:s2] =	stream.indirect.scatter.add.f32 [tilespmem:s18], [sflag:$0x3], $0x80, s26, s15, $0xb8;
	[tilespmem:$0x1C800] =	vst v63  }
0x1c6: {  	_ =	swait.ge [sflag:s12], $0x4000  }
0x1c7: {  	[sflag:s12] =	ssyncset.done $0x0  }
0x1c8: {  	[sflag:s12] =	ssyncadd.s32 $0xFFFFC000  }
0x1c9: {  	[tilespmem:s18], [sflag:$0x2] =	stream.indirect.gather [hbm4b:s4+s15], $0x80, s28, s15, $0xb8;
	[tilespmem:$0x1C800] =	vst v63  }
0x1ca: {  	_ =	swait.ge [sflag:s19], $0x4000  }
0x1cb: {  	[sflag:s19] =	ssyncset.done $0x0  }
0x1cc: {  	[sflag:s19] =	ssyncadd.s32 $0xFFFFC000  }
0x1cd: {  	[spmem:s2] =	stream.indirect.scatter.add.f32 [tilespmem:s16], [sflag:$0x3], $0x80, s29, s15, $0xb8;
	[tilespmem:$0x1C800] =	vst v63  }
0x1ce: {  	_ =	swait.ge [sflag:s12], $0x4000  }
0x1cf: {  	[sflag:s12] =	ssyncset.done $0x0  }
0x1d0: {  	[sflag:s12] =	ssyncadd.s32 $0xFFFFC000  }
0x1d1: {  	[tilespmem:s16], [sflag:$0x1] =	stream.indirect.gather [hbm4b:s4+s15], $0x80, s30, s15, $0xb8;
	[tilespmem:$0x1C800] =	vst v63  }
0x1d2: {  	_ =	swait.ge [sflag:s21], $0x4000  }
0x1d3: {  	[sflag:s21] =	ssyncset.done $0x0  }
0x1d4: {  	[sflag:s21] =	ssyncadd.s32 $0xFFFFC000  }
0x1d5: {  	[spmem:s2] =	stream.indirect.scatter.add.f32 [tilespmem:s18], [sflag:$0x3], $0x80, s31, s15, $0xb8;
	[tilespmem:$0x1C800] =	vst v63  }
0x1d6: {  	_ =	swait.ge [sflag:s12], $0x4000  }
0x1d7: {  	[sflag:s12] =	ssyncset.done $0x0  }
0x1d8: {  	[sflag:s12] =	ssyncadd.s32 $0xFFFFC000  }
0x1d9: {  	[tilespmem:s18], [sflag:$0x2] =	stream.indirect.gather [hbm4b:s4+s15], $0x80, s1, s15, $0xb8;
	[tilespmem:$0x1C800] =	vst v63  }
0x1da: {  	_ =	swait.ge [sflag:s19], $0x4000  }
0x1db: {  	[sflag:s19] =	ssyncset.done $0x0  }
0x1dc: {  	[sflag:s19] =	ssyncadd.s32 $0xFFFFC000  }
0x1dd: {  	[spmem:s2] =	stream.indirect.scatter.add.f32 [tilespmem:s16], [sflag:$0x3], $0x80, s0, s15, $0xb8;
	[tilespmem:$0x1C800] =	vst v63  }
0x1de: {  	_ =	swait.ge [sflag:s12], $0x4000  }
0x1df: {  	[sflag:s12] =	ssyncset.done $0x0  }
0x1e0: {  	[sflag:s12] =	ssyncadd.s32 $0xFFFFC000  }
0x1e1: {  	_ =	swait.ge [sflag:s21], $0x4000  }
0x1e2: {  	[sflag:s21] =	ssyncset.done $0x0  }
.Ltmp6:
0x1e3: {  	[sflag:s21] =	ssyncadd.s32 $0xFFFFC000;
	(pc) =	sbr.rel .LBB2_8-.Ltmp6, $4  }
0x1e4: {  	[spmem:s2] =	stream.indirect.scatter.add.f32 [tilespmem:s18], [sflag:$0x3], $0x80, s5, s15, $0xb8;
	[tilespmem:$0x1C800] =	vst v63  }
0x1e5: {  	_ =	swait.ge [sflag:s12], $0x4000  }
0x1e6: {  	[sflag:s12] =	ssyncset.done $0x0  }
0x1e7: {  	s7 =	smov.u32 s17;
	[sflag:s12] =	ssyncadd.s32 $0xFFFFC000  }
.LBB2_9:
0x1e8: {  	_ =	sfence.sel $0x180000  }
0x1e9: {  	[bflag:$0x0] =	sbarrier.arrive $0xFFFF  }
0x1ea: {  	_ =	strace $0x90000047  }
0x1eb: {  	s0 =	stileid.u32;
	[bflag:$0x2] =	sbarrier.arrive $0xFFFF  }
0x1ec: {  	p0 =	sne.s32 s0, $0x0;
	s0 =	rddreg [dreg:$0x2]  }
0x1ed: {  	s0 =	sadd.s32 @!p0 $0x100000, s0  }
0x1ee: {  	[sflag:s0] =	ssyncadd.tile.s32 @!p0 $0x1;
	_ =	shalt  }
.Lfunc_end2:
_tile_overlayer_lowered:
.L_overlay_start_2:
0x1ef: {  	(tag) =	ssettag $0x2  }
0x1f0: {  	s0 =	rddreg [dreg:$0x0];
	s2 =	stileid.u32  }
0x1f1: {  	s1 =	rddreg [dreg:$0x1];
	p0 =	sne.s32 s2, $0x0  }
0x1f2: {  	s3 =	rddreg [dreg:$0x2];
	[bflag:$0x3] =	sbarrier.arrive $0xFFFF;
	s2 =	simm.s32 @!p0 $0x1C03  }
0x1f3: {  	[timem:s3], [sflag:s2] =	dma.local @!p0 [hbm:s0], s1  }
0x1f4: {  	s0 =	simm.s32 @!p0 $0x3  }
0x1f5: {  	_ =	swait.ge @!p0 [sflag:s0], s1  }
0x1f6: {  	s1 =	ssub.s32 @!p0 $0x0, s1;
	[sflag:s0] =	ssyncset.done @!p0 $0x0  }
0x1f7: {  	[sflag:s0] =	ssyncadd.s32 @!p0 s1  }
0x1f8: {  	[bflag:$0x3] =	sbarrier.arrive $0xFFFF  }
0x1f9: {  	_ =	shalt  }

// kernel: kernel.14.cloned.1.call-start
scs
__scs_entry_jumppad:
0x0: {  	(pc) =	sbr.rel $0x88, $3  }
0x1: {  	(tag) =	ssettag $0x0;
	lr =	simm.s32 $0x1  }
0x2: {  	[smem:$0x3F93] =	sst lr;
	_ =	strace $0xD0000000  }
0x3: {  	_ = 	snop  }
0x4: {  	_ = 	snop  }
0x5: {  	_ = 	snop  }
0x6: {  	_ = 	snop  }
0x7: {  	_ = 	snop  }
__scs_overlays_trampoline_lowered:
0x8: {  	[smem:$0x3FA2] =	sst s0  }
0x9: {  	[smem:$0x3FA3] =	sst s1  }
0xa: {  	[smem:$0x3FA4] =	sst s2  }
0xb: {  	[smem:$0x3FA5] =	sst s3  }
0xc: {  	[smem:$0x3FA6] =	sst s4  }
0xd: {  	[smem:$0x3FA7] =	sst s5  }
0xe: {  	[smem:$0x3FA8] =	sst s6  }
0xf: {  	[smem:$0x3FA9] =	sst s7  }
0x10: {  	[smem:$0x3FAA] =	sst s8  }
0x11: {  	[smem:$0x3FAB] =	sst s9;
	s0 =	simm.s32 @!p0 $0x0  }
0x12: {  	s1 =	sld [smem:$0x3F91];
	s0 =	simm.s32 @p0 $0x1  }
0x13: {  	[smem:$0x3FAC] =	sst s0;
	s0 =	simm.s32 @!p1 $0x0  }
0x14: {  	s2 =	sld [smem:$0x3F90];
	s0 =	simm.s32 @p1 $0x1  }
0x15: {  	[smem:$0x3FAD] =	sst s0;
	s0 =	simm.s32 @!p2 $0x0  }
0x16: {  	s3 =	sld [smem:$0x3FDB];
	s0 =	simm.s32 @p2 $0x1  }
0x17: {  	s4 =	simm.s32 $0x1BF5;
	[smem:$0x3FAF] =	sst s0  }
0x18: {  	s0 =	sld [smem:$0x3F92];
	_ =	swait.ge [sflag:s4], $0x0  }
0x19: {  	s7 =	sld [smem:$0x3F93]  }
0x1a: {  	s8 =	sadd.s32 $0xFFFFE003, lr  }
0x1b: {  	s9 =	sadd.s32 $0xFFFFFEF7, lr;
	s5 =	simm.s32 $0xFFFFFFFF;
	p2 =	slt.u32 s8, $0xFFFFF086  }
0x1c: {  	p1 =	slt.u32 s9, $0xF7A;
	s5 =	simm.s32 @!p2 $0x0  }
0x1d: {  	s5 =	simm.s32 @p1 $0x1;
	p0 =	seq.s32 s7, s2  }
0x1e: {  	s7 =	smul.u32 @!p0 $0xF7A, s2;
	p2 =	seq.s32 @!p0 s5, $0x0  }
0x1f: {  	s9 =	smul.u32 $0xF7A, s1;
	s8 =	simm.s32 @!p0 $0x1BF5;
	p2 =	por !p2, p0  }
0x20: {  	[sflag:s8] =	ssyncset.s32 @!p0 $0xFFFFF086;
	s6 =	sadd.s32 @!p0 s3, s7;
	s7 =	simm.s32 @!p0 $0x108  }
0x21: {  	s3 =	sadd.s32 s3, s9;
	s6 =	sadd.s32 @!p0 $0x88, s6;
	s7 =	simm.s32 @p2 $0x1082  }
0x22: {  	[simem:s7], [sflag:s8] =	dma.local @!p0 [hbm:s6], $0xF7A  }
0x23: {  	s9 =	sor.u32 $0xD0000000, s2;
	s6 =	simm.s32 $0x108;
	_ =	swait.ge @!p0 [sflag:s8], $0x0  }
0x24: {  	s3 =	sadd.s32 $0x88, s3;
	s6 =	simm.s32 @!p1 $0x1082;
	[sflag:s4] =	ssyncset.s32 $0xFFFFF086  }
0x25: {  	[simem:s6], [sflag:s4] =	dma.local [hbm:s3], $0xF7A  }
0x26: {  	[smem:$0x3F93] =	sst s1;
	(tag) =	ssettag s2;
	_ =	strace s9  }
0x27: {  	s1 =	sld [smem:$0x3FA3]  }
0x28: {  	s2 =	sld [smem:$0x3FA4]  }
0x29: {  	s4 =	sld [smem:$0x3FA6]  }
0x2a: {  	p0 =	seq.s32 s5, $0x0;
	s5 =	sld [smem:$0x3FA7]  }
0x2b: {  	s6 =	sld [smem:$0x3FA8]  }
0x2c: {  	s7 =	sld [smem:$0x3FA9]  }
0x2d: {  	s3 =	simm.s32 $0x108;
	s8 =	sld [smem:$0x3FAA]  }
0x2e: {  	s3 =	simm.s32 @!p0 $0x1082;
	s9 =	sld [smem:$0x3FAB]  }
0x2f: {  	lr =	sadd.s32 s0, s3;
	s0 =	sld [smem:$0x3FA2]  }
0x30: {  	s3 =	sld [smem:$0x3FA5]  }
0x31: {  	[smem:$0x3FAE] =	sst s10  }
0x32: {  	s10 =	sld [smem:$0x3FAC];
	_ =	sdelay $0x3  }
0x33: {  	p0 =	seq.s32 s10, $0x1;
	s10 =	sld [smem:$0x3FAE];
	_ =	sdelay $0x3  }
0x34: {  	[smem:$0x3FAE] =	sst s10  }
0x35: {  	s10 =	sld [smem:$0x3FAD];
	_ =	sdelay $0x3  }
0x36: {  	p1 =	seq.s32 s10, $0x1;
	s10 =	sld [smem:$0x3FAE];
	_ =	sdelay $0x3  }
0x37: {  	[smem:$0x3FAE] =	sst s10  }
0x38: {  	s10 =	sld [smem:$0x3FAF]  }
0x39: {  	_ = 	snop;
	(pc) =	sbr.ind lr, $3  }
0x3a: {  	_ = 	snop  }
0x3b: {  	_ = 	snop  }
0x3c: {  	p2 =	seq.s32 s10, $0x1;
	s10 =	sld [smem:$0x3FAE]  }
0x3d: {  	_ =	shalt  }
0x3e: {  	_ =	shalt  }
0x3f: {  	_ =	shalt  }
0x40: {  	_ =	shalt  }
0x41: {  	_ =	shalt  }
0x42: {  	_ =	shalt  }
0x43: {  	_ =	shalt  }
0x44: {  	_ =	shalt  }
0x45: {  	_ =	shalt  }
0x46: {  	_ =	shalt  }
0x47: {  	_ =	shalt  }
0x48: {  	_ =	shalt  }
0x49: {  	_ =	shalt  }
0x4a: {  	_ =	shalt  }
0x4b: {  	_ =	shalt  }
0x4c: {  	_ =	shalt  }
0x4d: {  	_ =	shalt  }
0x4e: {  	_ =	shalt  }
0x4f: {  	_ =	shalt  }
0x50: {  	_ =	shalt  }
0x51: {  	_ =	shalt  }
0x52: {  	_ =	shalt  }
0x53: {  	_ =	shalt  }
0x54: {  	_ =	shalt  }
0x55: {  	_ =	shalt  }
0x56: {  	_ =	shalt  }
0x57: {  	_ =	shalt  }
0x58: {  	_ =	shalt  }
0x59: {  	_ =	shalt  }
0x5a: {  	_ =	shalt  }
0x5b: {  	_ =	shalt  }
0x5c: {  	_ =	shalt  }
0x5d: {  	_ =	shalt  }
0x5e: {  	_ =	shalt  }
0x5f: {  	_ =	shalt  }
0x60: {  	_ =	shalt  }
0x61: {  	_ =	shalt  }
0x62: {  	_ =	shalt  }
0x63: {  	_ =	shalt  }
0x64: {  	_ =	shalt  }
0x65: {  	_ =	shalt  }
0x66: {  	_ =	shalt  }
0x67: {  	_ =	shalt  }
0x68: {  	_ =	shalt  }
0x69: {  	_ =	shalt  }
0x6a: {  	_ =	shalt  }
0x6b: {  	_ =	shalt  }
0x6c: {  	_ =	shalt  }
0x6d: {  	_ =	shalt  }
0x6e: {  	_ =	shalt  }
0x6f: {  	_ =	shalt  }
0x70: {  	_ =	shalt  }
0x71: {  	_ =	shalt  }
0x72: {  	_ =	shalt  }
0x73: {  	_ =	shalt  }
0x74: {  	_ =	shalt  }
0x75: {  	_ =	shalt  }
0x76: {  	_ =	shalt  }
0x77: {  	_ =	shalt  }
0x78: {  	_ =	shalt  }
0x79: {  	_ =	shalt  }
0x7a: {  	_ =	shalt  }
0x7b: {  	_ =	shalt  }
0x7c: {  	_ =	shalt  }
0x7d: {  	_ =	shalt  }
0x7e: {  	_ =	shalt  }
0x7f: {  	_ =	shalt  }
0x80: {  	_ =	shalt  }
0x81: {  	_ =	shalt  }
0x82: {  	_ =	shalt  }
0x83: {  	_ =	shalt  }
0x84: {  	_ =	shalt  }
0x85: {  	_ =	shalt  }
0x86: {  	_ =	shalt  }
0x87: {  	_ =	shalt  }
.Lfunc_end0:
.L_simem_size_0:
called_computation.2_lowered:
.L_overlay_start_0:
0x88: {  	s2 =	sld [smem:$0x3FD9]  }
0x89: {  	s3 =	sld [smem:$0x3FFE];
	_ =	sdelay $0x1  }
0x8a: {  	s1 =	srdreg.scid  }
0x8b: {  	s0 =	sand.u32 $0x1, s1  }
0x8c: {  	s16 =	sshll.u32 s0, $0xA;
	s2 =	sadd.s32 s3, s2  }
0x8d: {  	s2 =	sadd.s32 s2, s16  }
0x8e: {  	[smem:$0x3FBA] =	sst s2  }
0x8f: {  	_ = 	snop  }
0x90: {  	(tm) =	ssettm $0x1  }
0x91: {  	s17 =	sld [smem:$0x3FFB];
	_ =	sdelay $0x3  }
0x92: {  	_ =	strace s17  }
0x93: {  	s2 =	sld [smem:$0x3FFC];
	_ =	sdelay $0x3  }
0x94: {  	_ =	strace s2  }
0x95: {  	s2 =	sld [smem:$0x3FFD];
	_ =	sdelay $0x3  }
0x96: {  	_ =	strace s2  }
0x97: {  	_ =	strace $0x8FFFFFFF  }
0x98: {  	s18 =	sld [smem:$0x3FDB];
	_ =	sdelay $0x1  }
0x99: {  	s19 =	simm.s32 $_scs_section_size  }
0x9a: {  	s4 =	simm.s32 $_size__tile_overlayer_lowered;
	s5 =	simm.s32 $_tile_overlayer_lowered  }
0x9b: {  	s22 =	simm.s32 $0x1BFF;
	s21 =	sshll.u32 s5, $0x1;
	s2 =	sadd.s32 s19, s18  }
0x9c: {  	s6 =	simm.s32 $0x0;
	s20 =	sshll.u32 s4, $0x1;
	s4 =	sadd.s32 s21, s2  }
0x9d: {  	[timem:s6], [sflag:s22] =	dma.local [hbm:s4], s20  }
0x9e: {  	_ =	swait.ge [sflag:s22], s20  }
0x9f: {  	s3 =	ssub.s32 $0x0, s20;
	[sflag:s22] =	ssyncset.done $0x0  }
0xa0: {  	[sflag:s22] =	ssyncadd.s32 s3;
	_ =	sdelay $0x1  }
0xa1: {  	s23 =	simm.s32 $0x1B8B  }
0xa2: {  	_ =	swait.ge [sflag:s23], $0x1  }
0xa3: {  	[sflag:s23] =	ssyncset.done $0x0  }
0xa4: {  	s25 =	simm.s32 $0x1B8E;
	s24 =	sld [smem:$0x3FFE];
	[sflag:s23] =	ssyncadd.s32 $0xFFFFFFFF  }
0xa5: {  	s26 =	simm.s32 $execute0_lowered;
	[smem:$0x3FD2] =	sst s25  }
0xa6: {  	s4 =	sshll.u32 s26, $0x1;
	_ =	strace $0x8000004C;
	[dreg:$0x1] =	wrdreg $0xFFFFFFFF  }
0xa7: {  	s28 =	simm.s32 $_size_execute0_lowered;
	s2 =	sadd.s32 s2, s4;
	[dreg:$0x0] =	wrdreg $0x0  }
0xa8: {  	s4 =	sshll.u32 s28, $0x1;
	[dreg:$0x2] =	wrdreg s2  }
0xa9: {  	[dreg:$0x3] =	wrdreg s4  }
0xaa: {  	[dreg:$0x4] =	wrdreg $0xC0  }
0xab: {  	_ =	task [dreg:s6], $0x5FFFF  }
0xac: {  	[dreg:$0x1] =	wrdreg $0xFFFFFFFF  }
0xad: {  	[dreg:$0x0] =	wrdreg $0x60  }
0xae: {  	[dreg:$0x2] =	wrdreg s24  }
0xaf: {  	[dreg:$0x3] =	wrdreg $0x0  }
0xb0: {  	[dreg:$0x4] =	wrdreg $0x9  }
0xb1: {  	_ =	task.clear_ibuf [dreg:s6], $0x5FFFF;
	_ =	strace $0x9000004C  }
0xb2: {  	s29 =	simm.s32 $0x9;
	_ =	strace $0x8000004E  }
0xb3: {  	_ =	swait.ge [sflag:s29], $0x1  }
0xb4: {  	[sflag:s29] =	ssyncadd.s32 $0xFFFFFFFF  }
0xb5: {  	_ =	strace $0x9000004E  }
0xb6: {  	_ =	sfence  }
0xb7: {  	s30 =	sld [smem:$0x0];
	_ =	sdelay $0x2  }
0xb8: {  	s31 =	sshll.u32 s1, $0xD;
	s1 =	sshrl.u32 s1, $0x2  }
0xb9: {  	s3 =	sand.u32 $0x4000, s31;
	s1 =	sadd.s32 s1, s30  }
0xba: {  	s0 =	sor.u32 s3, s0;
	s1 =	sshll.u32 s1, $0x11  }
0xbb: {  	s0 =	sor.u32 s1, s0  }
0xbc: {  	s0 =	sadd.s32 $0x8F2B, s0  }
0xbd: {  	[sflag:s0] =	ssyncadd.remote.s32 $0x1  }
0xbe: {  	_ =	sfence.sel $0xFFFF  }
0xbf: {  	[dreg:$0x0] =	wrdreg $0xFFFFFFFF;
	(pc) =	sbr.abs _section_cstart, $3  }
0xc0: {  	[dreg:$0x1] =	wrdreg $0xFFFFFFFF  }
0xc1: {  	_ =	task.clear_ibuf [dreg:s6], $0x2FFFF;
	_ =	strace $0x9FFFFFFF  }
0xc2: {  	(tm) =	ssettm $0x7FFFFFFF  }
0xc3: {  	_ =	shalt  }
tec
execute0_lowered:
.L_overlay_start_1:
0x0: {  	(tag) =	ssettag $0x1  }
0x1: {  	s0 =	rddreg [dreg:$0x0];
	s10 =	stileid.u32  }
0x2: {  	s1 =	srdreg.scid;
	s2 =	rddreg [dreg:$0x1]  }
0x3: {  	s3 =	simm.s32 $0x0;
	s12 =	simm.s32 $0x3;
	s13 =	simm.s32 $0x14000  }
0x4: {  	s14 =	simm.s32 $0x14400;
	s15 =	simm.s32 $0x80;
	s16 =	simm.s32 $0x14800  }
0x5: {  	s28 =	simm.s32 $0x14280;
	s29 =	simm.s32 $0x14600;
	s5 =	smul.u32 $0x280, s10  }
0x6: {  	s30 =	simm.s32 $0x14300;
	s31 =	simm.s32 $0x14680;
	s7 =	smul.u32 $0x14000, s10  }
0x7: {  	s1 =	sand.u32 $0x1, s1;
	[smem:$0x7FF] =	sst s3;
	s8 =	smul.u32 $0x780, s10  }
0x8: {  	s4 =	sadd.s32 $0x41A00, s0;
	s19 =	smul.u32 $0x50000, s10;
	s9 =	sadd.s32 $0x3F200, s0  }
0x9: {  	s10 =	sshll.u32 s10, $0x6;
	s6 =	smul.u32 $0x140000, s1;
	_ =	strace $0x8000004D  }
0xa: {  	[dreg:$0x5] =	wrdreg s9;
	s20 =	ssub.s32 $0x2, s1;
	s22 =	sor.u32 $0x1C03, s10  }
0xb: {  	p0 =	seq.s32 s1, $0x1;
	s1 =	simm.s32 $0x14380;
	s9 =	simm.s32 $0x0  }
0xc: {  	s5 =	sadd.s32 s5, s0;
	s18 =	sadd.s32 s8, s0;
	s21 =	sshrl.u32 s20, $0x1  }
0xd: {  	s8 =	sshrl.u32 s19, $0x2;
	[dreg:$0x6] =	wrdreg s22;
	s19 =	simm.s32 $0x1  }
0xe: {  	s22 =	simm.s32 $0x14480;
	s6 =	sadd.s32 s7, s6;
	s8 =	sadd.s32 s8, s2  }
0xf: {  	s23 =	sadd.s32 $0x3200, s5;
	s25 =	sadd.s32 $0xFA00, s18;
	s11 =	sadd.s32 $0x5A00, s5  }
0x10: {  	s7 =	sadd.s32 $0x8200, s18;
	s18 =	simm.s32 $0x18800;
	[dreg:$0x3] =	wrdreg s23  }
0x11: {  	s5 =	simm.s32 $0x14780;
	s6 =	sshrl.u32 s6, $0x3;
	[dreg:$0x4] =	wrdreg s25  }
0x12: {  	s26 =	sshrl.u32 s8, $0x3;
	s23 =	simm.s32 $0x14180;
	s25 =	simm.s32 $0x14200  }
.Ltmp0:
0x13: {  	s10 =	smov.u32 s11;
	s17 =	smov.u32 s7;
	(pc) =	sbr.rel .LBB2_1-.Ltmp0, $4  }
0x14: {  	s0 =	sadd.s32 s6, s0;
	s6 =	ssub.s32 s20, s21;
	[dreg:$0x9] =	wrdreg s26  }
0x15: {  	s20 =	simm.s32 $0x14100;
	s21 =	simm.s32 $0x2;
	s0 =	sadd.s32 $0x69A00, s0  }
0x16: {  	s26 =	simm.s32 $0x14580;
	s24 =	smax.u32 s6, $0x1;
	[dreg:$0x7] =	wrdreg s0  }
0x17: {  	[dreg:$0x8] =	wrdreg s24;
	s24 =	simm.s32 $0x14500;
	s0 =	simm.s32 $0x14700  }
.LBB2_7:
0x18: {  	s6 =	sadd.s32 s8, s17;
	[sflag:s12] =	ssyncadd.s32 $0xFFFFC000  }
0x19: {  	[tilespmem:s13], [sflag:$0x3] =	stream.linear.gather [hbm4b:s6+s3], $0x400, $0x38;
	[tilespmem:$0x1C800] =	vst v63  }
0x1a: {  	_ =	swait.ge [sflag:s12], $0x400  }
0x1b: {  	s11 =	rddreg [dreg:$0x4];
	[sflag:s12] =	ssyncset.done $0x0  }
0x1c: {  	s6 =	sadd.s32 s8, s11;
	[sflag:s12] =	ssyncadd.s32 $0xFFFFFC00  }
0x1d: {  	[tilespmem:s14], [sflag:$0x3] =	stream.linear.gather [hbm4b:s6+s3], $0x400, $0x38;
	[tilespmem:$0x1C800] =	vst v63  }
0x1e: {  	_ =	swait.ge [sflag:s12], $0x400  }
0x1f: {  	[sflag:s12] =	ssyncset.done $0x0  }
0x20: {  	[sflag:s12] =	ssyncadd.s32 $0xFFFFFC00  }
0x21: {  	[tilespmem:s16], [sflag:$0x1] =	stream.indirect.gather [hbm4b:s4+s15], $0x80, s13, s15, $0xb8;
	[tilespmem:$0x1C800] =	vst v63  }
0x22: {  	_ = 	snop  }
0x23: {  	[tilespmem:s18], [sflag:$0x2] =	stream.indirect.gather [hbm4b:s4+s15], $0x80, s9, s15, $0xb8;
	[tilespmem:$0x1C800] =	vst v63  }
0x24: {  	_ =	swait.ge [sflag:s19], $0x4000  }
0x25: {  	[sflag:s19] =	ssyncset.done $0x0  }
0x26: {  	[sflag:s19] =	ssyncadd.s32 $0xFFFFC000  }
0x27: {  	[spmem:s2] =	stream.indirect.scatter.add.f32 [tilespmem:s16], [sflag:$0x3], $0x80, s14, s15, $0xb8;
	[tilespmem:$0x1C800] =	vst v63  }
0x28: {  	_ =	swait.ge [sflag:s12], $0x4000  }
0x29: {  	[sflag:s12] =	ssyncset.done $0x0  }
0x2a: {  	[sflag:s12] =	ssyncadd.s32 $0xFFFFC000  }
0x2b: {  	[tilespmem:s16], [sflag:$0x1] =	stream.indirect.gather [hbm4b:s4+s15], $0x80, s20, s15, $0xb8;
	[tilespmem:$0x1C800] =	vst v63  }
0x2c: {  	_ =	swait.ge [sflag:s21], $0x4000  }
0x2d: {  	[sflag:s21] =	ssyncset.done $0x0  }
0x2e: {  	[sflag:s21] =	ssyncadd.s32 $0xFFFFC000  }
0x2f: {  	[spmem:s2] =	stream.indirect.scatter.add.f32 [tilespmem:s18], [sflag:$0x3], $0x80, s22, s15, $0xb8;
	[tilespmem:$0x1C800] =	vst v63  }
0x30: {  	_ =	swait.ge [sflag:s12], $0x4000  }
0x31: {  	[sflag:s12] =	ssyncset.done $0x0  }
0x32: {  	[sflag:s12] =	ssyncadd.s32 $0xFFFFC000  }
0x33: {  	[tilespmem:s18], [sflag:$0x2] =	stream.indirect.gather [hbm4b:s4+s15], $0x80, s23, s15, $0xb8;
	[tilespmem:$0x1C800] =	vst v63  }
0x34: {  	_ =	swait.ge [sflag:s19], $0x4000  }
0x35: {  	[sflag:s19] =	ssyncset.done $0x0  }
0x36: {  	[sflag:s19] =	ssyncadd.s32 $0xFFFFC000  }
0x37: {  	[spmem:s2] =	stream.indirect.scatter.add.f32 [tilespmem:s16], [sflag:$0x3], $0x80, s24, s15, $0xb8;
	[tilespmem:$0x1C800] =	vst v63  }
0x38: {  	_ =	swait.ge [sflag:s12], $0x4000  }
0x39: {  	[sflag:s12] =	ssyncset.done $0x0  }
0x3a: {  	[sflag:s12] =	ssyncadd.s32 $0xFFFFC000  }
0x3b: {  	[tilespmem:s16], [sflag:$0x1] =	stream.indirect.gather [hbm4b:s4+s15], $0x80, s25, s15, $0xb8;
	[tilespmem:$0x1C800] =	vst v63  }
0x3c: {  	_ =	swait.ge [sflag:s21], $0x4000  }
0x3d: {  	[sflag:s21] =	ssyncset.done $0x0  }
0x3e: {  	[sflag:s21] =	ssyncadd.s32 $0xFFFFC000  }
0x3f: {  	[spmem:s2] =	stream.indirect.scatter.add.f32 [tilespmem:s18], [sflag:$0x3], $0x80, s26, s15, $0xb8;
	[tilespmem:$0x1C800] =	vst v63  }
0x40: {  	_ =	swait.ge [sflag:s12], $0x4000  }
0x41: {  	[sflag:s12] =	ssyncset.done $0x0  }
0x42: {  	[sflag:s12] =	ssyncadd.s32 $0xFFFFC000  }
0x43: {  	[tilespmem:s18], [sflag:$0x2] =	stream.indirect.gather [hbm4b:s4+s15], $0x80, s28, s15, $0xb8;
	[tilespmem:$0x1C800] =	vst v63  }
0x44: {  	_ =	swait.ge [sflag:s19], $0x4000  }
0x45: {  	[sflag:s19] =	ssyncset.done $0x0  }
0x46: {  	[sflag:s19] =	ssyncadd.s32 $0xFFFFC000  }
0x47: {  	[spmem:s2] =	stream.indirect.scatter.add.f32 [tilespmem:s16], [sflag:$0x3], $0x80, s29, s15, $0xb8;
	[tilespmem:$0x1C800] =	vst v63  }
0x48: {  	_ =	swait.ge [sflag:s12], $0x4000  }
0x49: {  	[sflag:s12] =	ssyncset.done $0x0  }
0x4a: {  	[sflag:s12] =	ssyncadd.s32 $0xFFFFC000  }
0x4b: {  	[tilespmem:s16], [sflag:$0x1] =	stream.indirect.gather [hbm4b:s4+s15], $0x80, s30, s15, $0xb8;
	[tilespmem:$0x1C800] =	vst v63  }
0x4c: {  	_ =	swait.ge [sflag:s21], $0x4000  }
0x4d: {  	[sflag:s21] =	ssyncset.done $0x0  }
0x4e: {  	[sflag:s21] =	ssyncadd.s32 $0xFFFFC000  }
0x4f: {  	[spmem:s2] =	stream.indirect.scatter.add.f32 [tilespmem:s18], [sflag:$0x3], $0x80, s31, s15, $0xb8;
	[tilespmem:$0x1C800] =	vst v63  }
0x50: {  	_ =	swait.ge [sflag:s12], $0x4000  }
0x51: {  	[sflag:s12] =	ssyncset.done $0x0  }
0x52: {  	[sflag:s12] =	ssyncadd.s32 $0xFFFFC000  }
0x53: {  	[tilespmem:s18], [sflag:$0x2] =	stream.indirect.gather [hbm4b:s4+s15], $0x80, s1, s15, $0xb8;
	[tilespmem:$0x1C800] =	vst v63  }
0x54: {  	_ =	swait.ge [sflag:s19], $0x4000  }
0x55: {  	[sflag:s19] =	ssyncset.done $0x0  }
0x56: {  	[sflag:s19] =	ssyncadd.s32 $0xFFFFC000  }
0x57: {  	[spmem:s2] =	stream.indirect.scatter.add.f32 [tilespmem:s16], [sflag:$0x3], $0x80, s0, s15, $0xb8;
	[tilespmem:$0x1C800] =	vst v63  }
0x58: {  	_ =	swait.ge [sflag:s12], $0x4000  }
0x59: {  	[sflag:s12] =	ssyncset.done $0x0  }
0x5a: {  	[sflag:s12] =	ssyncadd.s32 $0xFFFFC000  }
0x5b: {  	_ =	swait.ge [sflag:s21], $0x4000  }
0x5c: {  	[sflag:s21] =	ssyncset.done $0x0  }
0x5d: {  	[sflag:s21] =	ssyncadd.s32 $0xFFFFC000  }
0x5e: {  	[spmem:s2] =	stream.indirect.scatter.add.f32 [tilespmem:s18], [sflag:$0x3], $0x80, s5, s15, $0xb8;
	[tilespmem:$0x1C800] =	vst v63  }
0x5f: {  	_ =	swait.ge [sflag:s12], $0x4000  }
0x60: {  	[sflag:s12] =	ssyncset.done $0x0  }
0x61: {  	s7 =	smov.u32 s17;
	s11 =	smov.u32 s10;
	[sflag:s12] =	ssyncadd.s32 $0xFFFFC000  }
.LBB2_8:
0x62: {  	[bflag:$0x0] =	sbarrier.arrive $0xFFFF  }
0x63: {  	s6 =	rddreg [dreg:$0x7]  }
0x64: {  	s9 =	rddreg [dreg:$0x6]  }
0x65: {  	s8 =	rddreg [dreg:$0x9]  }
0x66: {  	[hbm:s6], [sflag:s9] =	dma.local [spmem:s8], $0x2800  }
0x67: {  	_ =	swait.ge [sflag:s12], $0x2800  }
0x68: {  	s6 =	rddreg [dreg:$0xa]  }
0x69: {  	s8 =	rddreg [dreg:$0x8];
	s9 =	sadd.s32 $0x1, s6  }
0x6a: {  	p1 =	sne.s32 s9, s8  }
.Ltmp1:
0x6b: {  	_ = 	snop;
	(pc) =	sbr.rel @!p1 .LBB2_9-.Ltmp1, $3  }
0x6c: {  	_ =	sdelay $0x1  }
0x6d: {  	[sflag:s12] =	ssyncset.done $0x0  }
0x6e: {  	[sflag:s12] =	ssyncadd.s32 $0xFFFFD800  }
.LBB2_1:
0x6f: {  	[dreg:$0xa] =	wrdreg s9  }
0x70: {  	s6 =	rddreg [dreg:$0x5]  }
0x71: {  	s9 =	rddreg [dreg:$0x6]  }
0x72: {  	s8 =	rddreg [dreg:$0x9]  }
0x73: {  	[spmem:s8], [sflag:s9] =	dma.local [hbm:s6], $0x2800  }
.Ltmp2:
0x74: {  	_ =	swait.ge [sflag:s12], $0x2800;
	(pc) =	sbr.rel @!p0 .LBB2_2-.Ltmp2, $3  }
0x75: {  	[sflag:s12] =	ssyncset.done $0x0  }
0x76: {  	[sflag:s12] =	ssyncadd.s32 $0xFFFFD800  }
0x77: {  	[bflag:$0x0] =	sbarrier.arrive $0xFFFF;
	_ =	sdelay $0x1  }
0x78: {  	s6 =	sadd.s32 $0x0, s7  }
0x79: {  	[tilespmem:s13], [sflag:$0x3] =	stream.linear.gather [hbm4b:s6+s3], $0x400, $0x38;
	[tilespmem:$0x1C800] =	vst v63  }
0x7a: {  	_ =	swait.ge [sflag:s12], $0x400  }
0x7b: {  	s9 =	rddreg [dreg:$0x4];
	[sflag:s12] =	ssyncset.done $0x0  }
0x7c: {  	[sflag:s12] =	ssyncadd.s32 $0xFFFFFC00;
	s6 =	sadd.s32 $0x0, s9  }
0x7d: {  	[tilespmem:s14], [sflag:$0x3] =	stream.linear.gather [hbm4b:s6+s3], $0x400, $0x38;
	[tilespmem:$0x1C800] =	vst v63  }
0x7e: {  	_ =	swait.ge [sflag:s12], $0x400  }
0x7f: {  	[sflag:s12] =	ssyncset.done $0x0  }
0x80: {  	[sflag:s12] =	ssyncadd.s32 $0xFFFFFC00  }
0x81: {  	[tilespmem:s16], [sflag:$0x1] =	stream.indirect.gather [hbm4b:s4+s15], $0x80, s13, s15, $0xb8;
	[tilespmem:$0x1C800] =	vst v63  }
0x82: {  	s11 =	simm.s32 $0x14080  }
0x83: {  	[tilespmem:s18], [sflag:$0x2] =	stream.indirect.gather [hbm4b:s4+s15], $0x80, s11, s15, $0xb8;
	[tilespmem:$0x1C800] =	vst v63  }
0x84: {  	_ =	swait.ge [sflag:s19], $0x4000  }
0x85: {  	[sflag:s19] =	ssyncset.done $0x0  }
0x86: {  	[sflag:s19] =	ssyncadd.s32 $0xFFFFC000  }
0x87: {  	[spmem:s2] =	stream.indirect.scatter.add.f32 [tilespmem:s16], [sflag:$0x3], $0x80, s14, s15, $0xb8;
	[tilespmem:$0x1C800] =	vst v63  }
0x88: {  	_ =	swait.ge [sflag:s12], $0x4000  }
0x89: {  	[sflag:s12] =	ssyncset.done $0x0  }
0x8a: {  	[sflag:s12] =	ssyncadd.s32 $0xFFFFC000  }
0x8b: {  	[tilespmem:s16], [sflag:$0x1] =	stream.indirect.gather [hbm4b:s4+s15], $0x80, s20, s15, $0xb8;
	[tilespmem:$0x1C800] =	vst v63  }
0x8c: {  	_ =	swait.ge [sflag:s21], $0x4000  }
0x8d: {  	[sflag:s21] =	ssyncset.done $0x0  }
0x8e: {  	[sflag:s21] =	ssyncadd.s32 $0xFFFFC000  }
0x8f: {  	[spmem:s2] =	stream.indirect.scatter.add.f32 [tilespmem:s18], [sflag:$0x3], $0x80, s22, s15, $0xb8;
	[tilespmem:$0x1C800] =	vst v63  }
0x90: {  	_ =	swait.ge [sflag:s12], $0x4000  }
0x91: {  	[sflag:s12] =	ssyncset.done $0x0  }
0x92: {  	[sflag:s12] =	ssyncadd.s32 $0xFFFFC000  }
0x93: {  	[tilespmem:s18], [sflag:$0x2] =	stream.indirect.gather [hbm4b:s4+s15], $0x80, s23, s15, $0xb8;
	[tilespmem:$0x1C800] =	vst v63  }
0x94: {  	_ =	swait.ge [sflag:s19], $0x4000  }
0x95: {  	[sflag:s19] =	ssyncset.done $0x0  }
0x96: {  	[sflag:s19] =	ssyncadd.s32 $0xFFFFC000  }
0x97: {  	[spmem:s2] =	stream.indirect.scatter.add.f32 [tilespmem:s16], [sflag:$0x3], $0x80, s24, s15, $0xb8;
	[tilespmem:$0x1C800] =	vst v63  }
0x98: {  	_ =	swait.ge [sflag:s12], $0x4000  }
0x99: {  	[sflag:s12] =	ssyncset.done $0x0  }
0x9a: {  	[sflag:s12] =	ssyncadd.s32 $0xFFFFC000  }
0x9b: {  	[tilespmem:s16], [sflag:$0x1] =	stream.indirect.gather [hbm4b:s4+s15], $0x80, s25, s15, $0xb8;
	[tilespmem:$0x1C800] =	vst v63  }
0x9c: {  	_ =	swait.ge [sflag:s21], $0x4000  }
0x9d: {  	[sflag:s21] =	ssyncset.done $0x0  }
0x9e: {  	[sflag:s21] =	ssyncadd.s32 $0xFFFFC000  }
0x9f: {  	[spmem:s2] =	stream.indirect.scatter.add.f32 [tilespmem:s18], [sflag:$0x3], $0x80, s26, s15, $0xb8;
	[tilespmem:$0x1C800] =	vst v63  }
0xa0: {  	_ =	swait.ge [sflag:s12], $0x4000  }
0xa1: {  	[sflag:s12] =	ssyncset.done $0x0  }
0xa2: {  	[sflag:s12] =	ssyncadd.s32 $0xFFFFC000  }
0xa3: {  	[tilespmem:s18], [sflag:$0x2] =	stream.indirect.gather [hbm4b:s4+s15], $0x80, s28, s15, $0xb8;
	[tilespmem:$0x1C800] =	vst v63  }
0xa4: {  	_ =	swait.ge [sflag:s19], $0x4000  }
0xa5: {  	[sflag:s19] =	ssyncset.done $0x0  }
0xa6: {  	[sflag:s19] =	ssyncadd.s32 $0xFFFFC000  }
0xa7: {  	[spmem:s2] =	stream.indirect.scatter.add.f32 [tilespmem:s16], [sflag:$0x3], $0x80, s29, s15, $0xb8;
	[tilespmem:$0x1C800] =	vst v63  }
0xa8: {  	_ =	swait.ge [sflag:s12], $0x4000  }
0xa9: {  	[sflag:s12] =	ssyncset.done $0x0  }
0xaa: {  	[sflag:s12] =	ssyncadd.s32 $0xFFFFC000  }
0xab: {  	[tilespmem:s16], [sflag:$0x1] =	stream.indirect.gather [hbm4b:s4+s15], $0x80, s30, s15, $0xb8;
	[tilespmem:$0x1C800] =	vst v63  }
0xac: {  	_ =	swait.ge [sflag:s21], $0x4000  }
0xad: {  	[sflag:s21] =	ssyncset.done $0x0  }
0xae: {  	[sflag:s21] =	ssyncadd.s32 $0xFFFFC000  }
0xaf: {  	[spmem:s2] =	stream.indirect.scatter.add.f32 [tilespmem:s18], [sflag:$0x3], $0x80, s31, s15, $0xb8;
	[tilespmem:$0x1C800] =	vst v63  }
0xb0: {  	_ =	swait.ge [sflag:s12], $0x4000  }
0xb1: {  	[sflag:s12] =	ssyncset.done $0x0  }
0xb2: {  	[sflag:s12] =	ssyncadd.s32 $0xFFFFC000  }
0xb3: {  	[tilespmem:s18], [sflag:$0x2] =	stream.indirect.gather [hbm4b:s4+s15], $0x80, s1, s15, $0xb8;
	[tilespmem:$0x1C800] =	vst v63  }
0xb4: {  	_ =	swait.ge [sflag:s19], $0x4000  }
0xb5: {  	[sflag:s19] =	ssyncset.done $0x0  }
0xb6: {  	[sflag:s19] =	ssyncadd.s32 $0xFFFFC000  }
0xb7: {  	[spmem:s2] =	stream.indirect.scatter.add.f32 [tilespmem:s16], [sflag:$0x3], $0x80, s0, s15, $0xb8;
	[tilespmem:$0x1C800] =	vst v63  }
0xb8: {  	_ =	swait.ge [sflag:s12], $0x4000  }
0xb9: {  	[sflag:s12] =	ssyncset.done $0x0  }
0xba: {  	[sflag:s12] =	ssyncadd.s32 $0xFFFFC000  }
0xbb: {  	_ =	swait.ge [sflag:s21], $0x4000  }
0xbc: {  	[sflag:s21] =	ssyncset.done $0x0  }
0xbd: {  	[sflag:s21] =	ssyncadd.s32 $0xFFFFC000  }
0xbe: {  	[spmem:s2] =	stream.indirect.scatter.add.f32 [tilespmem:s18], [sflag:$0x3], $0x80, s5, s15, $0xb8;
	[tilespmem:$0x1C800] =	vst v63  }
0xbf: {  	_ =	swait.ge [sflag:s12], $0x4000  }
0xc0: {  	s8 =	simm.s32 $0x80;
	s11 =	simm.s32 $0x100;
	[sflag:s12] =	ssyncset.done $0x0  }
.LBB2_6:
0xc1: {  	s7 =	sadd.s32 s8, s17;
	[sflag:s12] =	ssyncadd.s32 $0xFFFFC000  }
0xc2: {  	[tilespmem:s13], [sflag:$0x3] =	stream.linear.gather [hbm4b:s7+s3], $0x400, $0x38;
	[tilespmem:$0x1C800] =	vst v63  }
0xc3: {  	s9 =	smov.u32 s11;
	s6 =	sadd.s32 $0x80, s11;
	_ =	swait.ge [sflag:s12], $0x400  }
0xc4: {  	p1 =	sne.s32 s11, $0x700;
	s11 =	rddreg [dreg:$0x4];
	[sflag:s12] =	ssyncset.done $0x0  }
0xc5: {  	[sflag:s12] =	ssyncadd.s32 $0xFFFFFC00;
	s7 =	sadd.s32 s8, s11  }
0xc6: {  	[tilespmem:s14], [sflag:$0x3] =	stream.linear.gather [hbm4b:s7+s3], $0x400, $0x38;
	[tilespmem:$0x1C800] =	vst v63  }
0xc7: {  	_ =	swait.ge [sflag:s12], $0x400  }
0xc8: {  	[sflag:s12] =	ssyncset.done $0x0  }
0xc9: {  	[sflag:s12] =	ssyncadd.s32 $0xFFFFFC00  }
0xca: {  	[tilespmem:s16], [sflag:$0x1] =	stream.indirect.gather [hbm4b:s4+s15], $0x80, s13, s15, $0xb8;
	[tilespmem:$0x1C800] =	vst v63  }
0xcb: {  	s8 =	smov.u32 s9;
	s9 =	simm.s32 $0x14080  }
0xcc: {  	[tilespmem:s18], [sflag:$0x2] =	stream.indirect.gather [hbm4b:s4+s15], $0x80, s9, s15, $0xb8;
	[tilespmem:$0x1C800] =	vst v63  }
0xcd: {  	_ =	swait.ge [sflag:s19], $0x4000  }
0xce: {  	[sflag:s19] =	ssyncset.done $0x0  }
0xcf: {  	[sflag:s19] =	ssyncadd.s32 $0xFFFFC000  }
0xd0: {  	[spmem:s2] =	stream.indirect.scatter.add.f32 [tilespmem:s16], [sflag:$0x3], $0x80, s14, s15, $0xb8;
	[tilespmem:$0x1C800] =	vst v63  }
0xd1: {  	_ =	swait.ge [sflag:s12], $0x4000  }
0xd2: {  	[sflag:s12] =	ssyncset.done $0x0  }
0xd3: {  	[sflag:s12] =	ssyncadd.s32 $0xFFFFC000  }
0xd4: {  	[tilespmem:s16], [sflag:$0x1] =	stream.indirect.gather [hbm4b:s4+s15], $0x80, s20, s15, $0xb8;
	[tilespmem:$0x1C800] =	vst v63  }
0xd5: {  	_ =	swait.ge [sflag:s21], $0x4000  }
0xd6: {  	[sflag:s21] =	ssyncset.done $0x0  }
0xd7: {  	[sflag:s21] =	ssyncadd.s32 $0xFFFFC000  }
0xd8: {  	[spmem:s2] =	stream.indirect.scatter.add.f32 [tilespmem:s18], [sflag:$0x3], $0x80, s22, s15, $0xb8;
	[tilespmem:$0x1C800] =	vst v63  }
0xd9: {  	_ =	swait.ge [sflag:s12], $0x4000  }
0xda: {  	[sflag:s12] =	ssyncset.done $0x0  }
0xdb: {  	[sflag:s12] =	ssyncadd.s32 $0xFFFFC000  }
0xdc: {  	[tilespmem:s18], [sflag:$0x2] =	stream.indirect.gather [hbm4b:s4+s15], $0x80, s23, s15, $0xb8;
	[tilespmem:$0x1C800] =	vst v63  }
0xdd: {  	_ =	swait.ge [sflag:s19], $0x4000  }
0xde: {  	[sflag:s19] =	ssyncset.done $0x0  }
0xdf: {  	[sflag:s19] =	ssyncadd.s32 $0xFFFFC000  }
0xe0: {  	[spmem:s2] =	stream.indirect.scatter.add.f32 [tilespmem:s16], [sflag:$0x3], $0x80, s24, s15, $0xb8;
	[tilespmem:$0x1C800] =	vst v63  }
0xe1: {  	_ =	swait.ge [sflag:s12], $0x4000  }
0xe2: {  	[sflag:s12] =	ssyncset.done $0x0  }
0xe3: {  	[sflag:s12] =	ssyncadd.s32 $0xFFFFC000  }
0xe4: {  	[tilespmem:s16], [sflag:$0x1] =	stream.indirect.gather [hbm4b:s4+s15], $0x80, s25, s15, $0xb8;
	[tilespmem:$0x1C800] =	vst v63  }
0xe5: {  	_ =	swait.ge [sflag:s21], $0x4000  }
0xe6: {  	[sflag:s21] =	ssyncset.done $0x0  }
0xe7: {  	[sflag:s21] =	ssyncadd.s32 $0xFFFFC000  }
0xe8: {  	[spmem:s2] =	stream.indirect.scatter.add.f32 [tilespmem:s18], [sflag:$0x3], $0x80, s26, s15, $0xb8;
	[tilespmem:$0x1C800] =	vst v63  }
0xe9: {  	_ =	swait.ge [sflag:s12], $0x4000  }
0xea: {  	[sflag:s12] =	ssyncset.done $0x0  }
0xeb: {  	[sflag:s12] =	ssyncadd.s32 $0xFFFFC000  }
0xec: {  	[tilespmem:s18], [sflag:$0x2] =	stream.indirect.gather [hbm4b:s4+s15], $0x80, s28, s15, $0xb8;
	[tilespmem:$0x1C800] =	vst v63  }
0xed: {  	_ =	swait.ge [sflag:s19], $0x4000  }
0xee: {  	[sflag:s19] =	ssyncset.done $0x0  }
0xef: {  	[sflag:s19] =	ssyncadd.s32 $0xFFFFC000  }
0xf0: {  	[spmem:s2] =	stream.indirect.scatter.add.f32 [tilespmem:s16], [sflag:$0x3], $0x80, s29, s15, $0xb8;
	[tilespmem:$0x1C800] =	vst v63  }
0xf1: {  	_ =	swait.ge [sflag:s12], $0x4000  }
0xf2: {  	[sflag:s12] =	ssyncset.done $0x0  }
0xf3: {  	[sflag:s12] =	ssyncadd.s32 $0xFFFFC000  }
0xf4: {  	[tilespmem:s16], [sflag:$0x1] =	stream.indirect.gather [hbm4b:s4+s15], $0x80, s30, s15, $0xb8;
	[tilespmem:$0x1C800] =	vst v63  }
0xf5: {  	_ =	swait.ge [sflag:s21], $0x4000  }
0xf6: {  	[sflag:s21] =	ssyncset.done $0x0  }
0xf7: {  	[sflag:s21] =	ssyncadd.s32 $0xFFFFC000  }
0xf8: {  	[spmem:s2] =	stream.indirect.scatter.add.f32 [tilespmem:s18], [sflag:$0x3], $0x80, s31, s15, $0xb8;
	[tilespmem:$0x1C800] =	vst v63  }
0xf9: {  	_ =	swait.ge [sflag:s12], $0x4000  }
0xfa: {  	[sflag:s12] =	ssyncset.done $0x0  }
0xfb: {  	[sflag:s12] =	ssyncadd.s32 $0xFFFFC000  }
0xfc: {  	[tilespmem:s18], [sflag:$0x2] =	stream.indirect.gather [hbm4b:s4+s15], $0x80, s1, s15, $0xb8;
	[tilespmem:$0x1C800] =	vst v63  }
0xfd: {  	_ =	swait.ge [sflag:s19], $0x4000  }
0xfe: {  	[sflag:s19] =	ssyncset.done $0x0  }
0xff: {  	[sflag:s19] =	ssyncadd.s32 $0xFFFFC000  }
0x100: {  	[spmem:s2] =	stream.indirect.scatter.add.f32 [tilespmem:s16], [sflag:$0x3], $0x80, s0, s15, $0xb8;
	[tilespmem:$0x1C800] =	vst v63  }
0x101: {  	_ =	swait.ge [sflag:s12], $0x4000  }
0x102: {  	[sflag:s12] =	ssyncset.done $0x0  }
0x103: {  	[sflag:s12] =	ssyncadd.s32 $0xFFFFC000  }
0x104: {  	_ =	swait.ge [sflag:s21], $0x4000  }
.Ltmp3:
0x105: {  	[sflag:s21] =	ssyncset.done $0x0;
	(pc) =	sbr.rel @p1 .LBB2_6-.Ltmp3, $4  }
0x106: {  	[sflag:s21] =	ssyncadd.s32 $0xFFFFC000  }
0x107: {  	[spmem:s2] =	stream.indirect.scatter.add.f32 [tilespmem:s18], [sflag:$0x3], $0x80, s5, s15, $0xb8;
	[tilespmem:$0x1C800] =	vst v63  }
0x108: {  	_ =	swait.ge [sflag:s12], $0x4000  }
0x109: {  	s11 =	smov.u32 s6;
	[sflag:s12] =	ssyncset.done $0x0  }
.Ltmp4:
0x10a: {  	_ = 	snop;
	(pc) =	sbr.rel .LBB2_7-.Ltmp4, $1  }
0x10b: {  	_ =	sdelay $0x3  }
.LBB2_2:
0x10c: {  	s6 =	sadd.s32 $0x0, s11  }
0x10d: {  	[tilespmem:s13], [sflag:$0x3] =	stream.linear.gather [hbm4b:s6+s3], $0x400, $0x38;
	[tilespmem:$0x1C800] =	vst v63  }
0x10e: {  	_ =	swait.ge [sflag:s12], $0x400  }
0x10f: {  	s8 =	rddreg [dreg:$0x3];
	[sflag:s12] =	ssyncset.done $0x0  }
0x110: {  	[sflag:s12] =	ssyncadd.s32 $0xFFFFFC00;
	s6 =	sadd.s32 $0x0, s8  }
0x111: {  	[tilespmem:s14], [sflag:$0x3] =	stream.linear.gather [hbm4b:s6+s3], $0x400, $0x38;
	[tilespmem:$0x1C800] =	vst v63  }
0x112: {  	_ =	swait.ge [sflag:s12], $0x400  }
0x113: {  	[sflag:s12] =	ssyncset.done $0x0  }
0x114: {  	[sflag:s12] =	ssyncadd.s32 $0xFFFFFC00  }
0x115: {  	[tilespmem:s16], [sflag:$0x1] =	stream.indirect.gather [hbm4b:s4+s15], $0x80, s13, s15, $0xb8;
	[tilespmem:$0x1C800] =	vst v63  }
0x116: {  	s9 =	simm.s32 $0x14080  }
0x117: {  	[tilespmem:s18], [sflag:$0x2] =	stream.indirect.gather [hbm4b:s4+s15], $0x80, s9, s15, $0xb8;
	[tilespmem:$0x1C800] =	vst v63  }
0x118: {  	_ =	swait.ge [sflag:s19], $0x4000  }
0x119: {  	[sflag:s19] =	ssyncset.done $0x0  }
0x11a: {  	[sflag:s19] =	ssyncadd.s32 $0xFFFFC000  }
0x11b: {  	[spmem:s2] =	stream.indirect.scatter.add.f32 [tilespmem:s16], [sflag:$0x3], $0x80, s14, s15, $0xb8;
	[tilespmem:$0x1C800] =	vst v63  }
0x11c: {  	_ =	swait.ge [sflag:s12], $0x4000  }
0x11d: {  	[sflag:s12] =	ssyncset.done $0x0  }
0x11e: {  	[sflag:s12] =	ssyncadd.s32 $0xFFFFC000  }
0x11f: {  	[tilespmem:s16], [sflag:$0x1] =	stream.indirect.gather [hbm4b:s4+s15], $0x80, s20, s15, $0xb8;
	[tilespmem:$0x1C800] =	vst v63  }
0x120: {  	_ =	swait.ge [sflag:s21], $0x4000  }
0x121: {  	[sflag:s21] =	ssyncset.done $0x0  }
0x122: {  	[sflag:s21] =	ssyncadd.s32 $0xFFFFC000  }
0x123: {  	[spmem:s2] =	stream.indirect.scatter.add.f32 [tilespmem:s18], [sflag:$0x3], $0x80, s22, s15, $0xb8;
	[tilespmem:$0x1C800] =	vst v63  }
0x124: {  	_ =	swait.ge [sflag:s12], $0x4000  }
0x125: {  	[sflag:s12] =	ssyncset.done $0x0  }
0x126: {  	[sflag:s12] =	ssyncadd.s32 $0xFFFFC000  }
0x127: {  	[tilespmem:s18], [sflag:$0x2] =	stream.indirect.gather [hbm4b:s4+s15], $0x80, s23, s15, $0xb8;
	[tilespmem:$0x1C800] =	vst v63  }
0x128: {  	_ =	swait.ge [sflag:s19], $0x4000  }
0x129: {  	[sflag:s19] =	ssyncset.done $0x0  }
0x12a: {  	[sflag:s19] =	ssyncadd.s32 $0xFFFFC000  }
0x12b: {  	[spmem:s2] =	stream.indirect.scatter.add.f32 [tilespmem:s16], [sflag:$0x3], $0x80, s24, s15, $0xb8;
	[tilespmem:$0x1C800] =	vst v63  }
0x12c: {  	_ =	swait.ge [sflag:s12], $0x4000  }
0x12d: {  	[sflag:s12] =	ssyncset.done $0x0  }
0x12e: {  	[sflag:s12] =	ssyncadd.s32 $0xFFFFC000  }
0x12f: {  	[tilespmem:s16], [sflag:$0x1] =	stream.indirect.gather [hbm4b:s4+s15], $0x80, s25, s15, $0xb8;
	[tilespmem:$0x1C800] =	vst v63  }
0x130: {  	_ =	swait.ge [sflag:s21], $0x4000  }
0x131: {  	[sflag:s21] =	ssyncset.done $0x0  }
0x132: {  	[sflag:s21] =	ssyncadd.s32 $0xFFFFC000  }
0x133: {  	[spmem:s2] =	stream.indirect.scatter.add.f32 [tilespmem:s18], [sflag:$0x3], $0x80, s26, s15, $0xb8;
	[tilespmem:$0x1C800] =	vst v63  }
0x134: {  	_ =	swait.ge [sflag:s12], $0x4000  }
0x135: {  	[sflag:s12] =	ssyncset.done $0x0  }
0x136: {  	[sflag:s12] =	ssyncadd.s32 $0xFFFFC000  }
0x137: {  	[tilespmem:s18], [sflag:$0x2] =	stream.indirect.gather [hbm4b:s4+s15], $0x80, s28, s15, $0xb8;
	[tilespmem:$0x1C800] =	vst v63  }
0x138: {  	_ =	swait.ge [sflag:s19], $0x4000  }
0x139: {  	[sflag:s19] =	ssyncset.done $0x0  }
0x13a: {  	[sflag:s19] =	ssyncadd.s32 $0xFFFFC000  }
0x13b: {  	[spmem:s2] =	stream.indirect.scatter.add.f32 [tilespmem:s16], [sflag:$0x3], $0x80, s29, s15, $0xb8;
	[tilespmem:$0x1C800] =	vst v63  }
0x13c: {  	_ =	swait.ge [sflag:s12], $0x4000  }
0x13d: {  	[sflag:s12] =	ssyncset.done $0x0  }
0x13e: {  	[sflag:s12] =	ssyncadd.s32 $0xFFFFC000  }
0x13f: {  	[tilespmem:s16], [sflag:$0x1] =	stream.indirect.gather [hbm4b:s4+s15], $0x80, s30, s15, $0xb8;
	[tilespmem:$0x1C800] =	vst v63  }
0x140: {  	_ =	swait.ge [sflag:s21], $0x4000  }
0x141: {  	[sflag:s21] =	ssyncset.done $0x0  }
0x142: {  	[sflag:s21] =	ssyncadd.s32 $0xFFFFC000  }
0x143: {  	[spmem:s2] =	stream.indirect.scatter.add.f32 [tilespmem:s18], [sflag:$0x3], $0x80, s31, s15, $0xb8;
	[tilespmem:$0x1C800] =	vst v63  }
0x144: {  	_ =	swait.ge [sflag:s12], $0x4000  }
0x145: {  	[sflag:s12] =	ssyncset.done $0x0  }
0x146: {  	[sflag:s12] =	ssyncadd.s32 $0xFFFFC000  }
0x147: {  	[tilespmem:s18], [sflag:$0x2] =	stream.indirect.gather [hbm4b:s4+s15], $0x80, s1, s15, $0xb8;
	[tilespmem:$0x1C800] =	vst v63  }
0x148: {  	_ =	swait.ge [sflag:s19], $0x4000  }
0x149: {  	[sflag:s19] =	ssyncset.done $0x0  }
0x14a: {  	[sflag:s19] =	ssyncadd.s32 $0xFFFFC000  }
0x14b: {  	[spmem:s2] =	stream.indirect.scatter.add.f32 [tilespmem:s16], [sflag:$0x3], $0x80, s0, s15, $0xb8;
	[tilespmem:$0x1C800] =	vst v63  }
0x14c: {  	_ =	swait.ge [sflag:s12], $0x4000  }
0x14d: {  	[sflag:s12] =	ssyncset.done $0x0  }
0x14e: {  	[sflag:s12] =	ssyncadd.s32 $0xFFFFC000  }
0x14f: {  	_ =	swait.ge [sflag:s21], $0x4000  }
0x150: {  	[sflag:s21] =	ssyncset.done $0x0  }
0x151: {  	[sflag:s21] =	ssyncadd.s32 $0xFFFFC000  }
0x152: {  	[spmem:s2] =	stream.indirect.scatter.add.f32 [tilespmem:s18], [sflag:$0x3], $0x80, s5, s15, $0xb8;
	[tilespmem:$0x1C800] =	vst v63  }
0x153: {  	_ =	swait.ge [sflag:s12], $0x4000  }
0x154: {  	s8 =	simm.s32 $0x80;
	s6 =	simm.s32 $0x100;
	[sflag:s12] =	ssyncset.done $0x0  }
.LBB2_3:
0x155: {  	s7 =	sadd.s32 s8, s11;
	[sflag:s12] =	ssyncadd.s32 $0xFFFFC000  }
0x156: {  	[tilespmem:s13], [sflag:$0x3] =	stream.linear.gather [hbm4b:s7+s3], $0x400, $0x38;
	[tilespmem:$0x1C800] =	vst v63  }
0x157: {  	s9 =	smov.u32 s6;
	_ =	swait.ge [sflag:s12], $0x400  }
0x158: {  	s11 =	sadd.s32 $0x80, s6;
	s7 =	rddreg [dreg:$0x3];
	[sflag:s12] =	ssyncset.done $0x0  }
0x159: {  	p1 =	seq.s32 s6, $0x200;
	[sflag:s12] =	ssyncadd.s32 $0xFFFFFC00;
	s6 =	sadd.s32 s8, s7  }
0x15a: {  	[tilespmem:s14], [sflag:$0x3] =	stream.linear.gather [hbm4b:s6+s3], $0x400, $0x38;
	[tilespmem:$0x1C800] =	vst v63  }
0x15b: {  	_ =	swait.ge [sflag:s12], $0x400  }
0x15c: {  	[sflag:s12] =	ssyncset.done $0x0  }
0x15d: {  	[sflag:s12] =	ssyncadd.s32 $0xFFFFFC00  }
0x15e: {  	[tilespmem:s16], [sflag:$0x1] =	stream.indirect.gather [hbm4b:s4+s15], $0x80, s13, s15, $0xb8;
	[tilespmem:$0x1C800] =	vst v63  }
0x15f: {  	s7 =	simm.s32 $0x14080  }
0x160: {  	[tilespmem:s18], [sflag:$0x2] =	stream.indirect.gather [hbm4b:s4+s15], $0x80, s7, s15, $0xb8;
	[tilespmem:$0x1C800] =	vst v63  }
0x161: {  	_ =	swait.ge [sflag:s19], $0x4000  }
0x162: {  	[sflag:s19] =	ssyncset.done $0x0  }
0x163: {  	[sflag:s19] =	ssyncadd.s32 $0xFFFFC000  }
0x164: {  	[spmem:s2] =	stream.indirect.scatter.add.f32 [tilespmem:s16], [sflag:$0x3], $0x80, s14, s15, $0xb8;
	[tilespmem:$0x1C800] =	vst v63  }
0x165: {  	_ =	swait.ge [sflag:s12], $0x4000  }
0x166: {  	[sflag:s12] =	ssyncset.done $0x0  }
0x167: {  	[sflag:s12] =	ssyncadd.s32 $0xFFFFC000  }
0x168: {  	[tilespmem:s16], [sflag:$0x1] =	stream.indirect.gather [hbm4b:s4+s15], $0x80, s20, s15, $0xb8;
	[tilespmem:$0x1C800] =	vst v63  }
0x169: {  	_ =	swait.ge [sflag:s21], $0x4000  }
0x16a: {  	[sflag:s21] =	ssyncset.done $0x0  }
0x16b: {  	[sflag:s21] =	ssyncadd.s32 $0xFFFFC000  }
0x16c: {  	[spmem:s2] =	stream.indirect.scatter.add.f32 [tilespmem:s18], [sflag:$0x3], $0x80, s22, s15, $0xb8;
	[tilespmem:$0x1C800] =	vst v63  }
0x16d: {  	_ =	swait.ge [sflag:s12], $0x4000  }
0x16e: {  	[sflag:s12] =	ssyncset.done $0x0  }
0x16f: {  	[sflag:s12] =	ssyncadd.s32 $0xFFFFC000  }
0x170: {  	[tilespmem:s18], [sflag:$0x2] =	stream.indirect.gather [hbm4b:s4+s15], $0x80, s23, s15, $0xb8;
	[tilespmem:$0x1C800] =	vst v63  }
0x171: {  	_ =	swait.ge [sflag:s19], $0x4000  }
0x172: {  	[sflag:s19] =	ssyncset.done $0x0  }
0x173: {  	[sflag:s19] =	ssyncadd.s32 $0xFFFFC000  }
0x174: {  	[spmem:s2] =	stream.indirect.scatter.add.f32 [tilespmem:s16], [sflag:$0x3], $0x80, s24, s15, $0xb8;
	[tilespmem:$0x1C800] =	vst v63  }
0x175: {  	_ =	swait.ge [sflag:s12], $0x4000  }
0x176: {  	[sflag:s12] =	ssyncset.done $0x0  }
0x177: {  	[sflag:s12] =	ssyncadd.s32 $0xFFFFC000  }
0x178: {  	[tilespmem:s16], [sflag:$0x1] =	stream.indirect.gather [hbm4b:s4+s15], $0x80, s25, s15, $0xb8;
	[tilespmem:$0x1C800] =	vst v63  }
0x179: {  	_ =	swait.ge [sflag:s21], $0x4000  }
0x17a: {  	[sflag:s21] =	ssyncset.done $0x0  }
0x17b: {  	[sflag:s21] =	ssyncadd.s32 $0xFFFFC000  }
0x17c: {  	[spmem:s2] =	stream.indirect.scatter.add.f32 [tilespmem:s18], [sflag:$0x3], $0x80, s26, s15, $0xb8;
	[tilespmem:$0x1C800] =	vst v63  }
0x17d: {  	_ =	swait.ge [sflag:s12], $0x4000  }
0x17e: {  	[sflag:s12] =	ssyncset.done $0x0  }
0x17f: {  	[sflag:s12] =	ssyncadd.s32 $0xFFFFC000  }
0x180: {  	[tilespmem:s18], [sflag:$0x2] =	stream.indirect.gather [hbm4b:s4+s15], $0x80, s28, s15, $0xb8;
	[tilespmem:$0x1C800] =	vst v63  }
0x181: {  	_ =	swait.ge [sflag:s19], $0x4000  }
0x182: {  	[sflag:s19] =	ssyncset.done $0x0  }
0x183: {  	[sflag:s19] =	ssyncadd.s32 $0xFFFFC000  }
0x184: {  	[spmem:s2] =	stream.indirect.scatter.add.f32 [tilespmem:s16], [sflag:$0x3], $0x80, s29, s15, $0xb8;
	[tilespmem:$0x1C800] =	vst v63  }
0x185: {  	_ =	swait.ge [sflag:s12], $0x4000  }
0x186: {  	[sflag:s12] =	ssyncset.done $0x0  }
0x187: {  	[sflag:s12] =	ssyncadd.s32 $0xFFFFC000  }
0x188: {  	[tilespmem:s16], [sflag:$0x1] =	stream.indirect.gather [hbm4b:s4+s15], $0x80, s30, s15, $0xb8;
	[tilespmem:$0x1C800] =	vst v63  }
0x189: {  	_ =	swait.ge [sflag:s21], $0x4000  }
0x18a: {  	[sflag:s21] =	ssyncset.done $0x0  }
0x18b: {  	[sflag:s21] =	ssyncadd.s32 $0xFFFFC000  }
0x18c: {  	[spmem:s2] =	stream.indirect.scatter.add.f32 [tilespmem:s18], [sflag:$0x3], $0x80, s31, s15, $0xb8;
	[tilespmem:$0x1C800] =	vst v63  }
0x18d: {  	_ =	swait.ge [sflag:s12], $0x4000  }
0x18e: {  	[sflag:s12] =	ssyncset.done $0x0  }
0x18f: {  	[sflag:s12] =	ssyncadd.s32 $0xFFFFC000  }
0x190: {  	[tilespmem:s18], [sflag:$0x2] =	stream.indirect.gather [hbm4b:s4+s15], $0x80, s1, s15, $0xb8;
	[tilespmem:$0x1C800] =	vst v63  }
0x191: {  	_ =	swait.ge [sflag:s19], $0x4000  }
0x192: {  	[sflag:s19] =	ssyncset.done $0x0  }
0x193: {  	[sflag:s19] =	ssyncadd.s32 $0xFFFFC000  }
0x194: {  	[spmem:s2] =	stream.indirect.scatter.add.f32 [tilespmem:s16], [sflag:$0x3], $0x80, s0, s15, $0xb8;
	[tilespmem:$0x1C800] =	vst v63  }
0x195: {  	_ =	swait.ge [sflag:s12], $0x4000  }
0x196: {  	[sflag:s12] =	ssyncset.done $0x0  }
0x197: {  	[sflag:s12] =	ssyncadd.s32 $0xFFFFC000  }
0x198: {  	_ =	swait.ge [sflag:s21], $0x4000  }
.Ltmp5:
0x199: {  	[sflag:s21] =	ssyncset.done $0x0;
	(pc) =	sbr.rel @!p1 .LBB2_3-.Ltmp5, $4  }
0x19a: {  	[sflag:s21] =	ssyncadd.s32 $0xFFFFC000  }
0x19b: {  	[spmem:s2] =	stream.indirect.scatter.add.f32 [tilespmem:s18], [sflag:$0x3], $0x80, s5, s15, $0xb8;
	[tilespmem:$0x1C800] =	vst v63  }
0x19c: {  	s8 =	smov.u32 s9;
	_ =	swait.ge [sflag:s12], $0x4000  }
0x19d: {  	s6 =	smov.u32 s11;
	s11 =	smov.u32 s10;
	[sflag:s12] =	ssyncset.done $0x0  }
0x19e: {  	s6 =	sadd.s32 s8, s11;
	[sflag:s12] =	ssyncadd.s32 $0xFFFFC000  }
0x19f: {  	[tilespmem:s13], [sflag:$0x3] =	stream.linear.gather [hbm4b:s6+s3], $0x400, $0x38;
	[tilespmem:$0x1C800] =	vst v63  }
0x1a0: {  	_ =	swait.ge [sflag:s12], $0x400  }
0x1a1: {  	s9 =	rddreg [dreg:$0x3];
	[sflag:s12] =	ssyncset.done $0x0  }
0x1a2: {  	s6 =	sadd.s32 s8, s9;
	[sflag:s12] =	ssyncadd.s32 $0xFFFFFC00  }
0x1a3: {  	[tilespmem:s14], [sflag:$0x3] =	stream.linear.gather [hbm4b:s6+s3], $0x400, $0x38;
	[tilespmem:$0x1C800] =	vst v63  }
0x1a4: {  	_ =	swait.ge [sflag:s12], $0x400  }
0x1a5: {  	[sflag:s12] =	ssyncset.done $0x0  }
0x1a6: {  	[sflag:s12] =	ssyncadd.s32 $0xFFFFFC00  }
0x1a7: {  	[tilespmem:s16], [sflag:$0x1] =	stream.indirect.gather [hbm4b:s4+s15], $0x80, s13, s15, $0xb8;
	[tilespmem:$0x1C800] =	vst v63  }
0x1a8: {  	_ = 	snop  }
0x1a9: {  	[tilespmem:s18], [sflag:$0x2] =	stream.indirect.gather [hbm4b:s4+s15], $0x80, s7, s15, $0xb8;
	[tilespmem:$0x1C800] =	vst v63  }
0x1aa: {  	_ =	swait.ge [sflag:s19], $0x4000  }
0x1ab: {  	[sflag:s19] =	ssyncset.done $0x0  }
0x1ac: {  	[sflag:s19] =	ssyncadd.s32 $0xFFFFC000  }
0x1ad: {  	[spmem:s2] =	stream.indirect.scatter.add.f32 [tilespmem:s16], [sflag:$0x3], $0x80, s14, s15, $0xb8;
	[tilespmem:$0x1C800] =	vst v63  }
0x1ae: {  	_ =	swait.ge [sflag:s12], $0x4000  }
0x1af: {  	[sflag:s12] =	ssyncset.done $0x0  }
0x1b0: {  	[sflag:s12] =	ssyncadd.s32 $0xFFFFC000  }
0x1b1: {  	[tilespmem:s16], [sflag:$0x1] =	stream.indirect.gather [hbm4b:s4+s15], $0x80, s20, s15, $0xb8;
	[tilespmem:$0x1C800] =	vst v63  }
0x1b2: {  	_ =	swait.ge [sflag:s21], $0x4000  }
0x1b3: {  	[sflag:s21] =	ssyncset.done $0x0  }
0x1b4: {  	[sflag:s21] =	ssyncadd.s32 $0xFFFFC000  }
0x1b5: {  	[spmem:s2] =	stream.indirect.scatter.add.f32 [tilespmem:s18], [sflag:$0x3], $0x80, s22, s15, $0xb8;
	[tilespmem:$0x1C800] =	vst v63  }
0x1b6: {  	_ =	swait.ge [sflag:s12], $0x4000  }
0x1b7: {  	[sflag:s12] =	ssyncset.done $0x0  }
0x1b8: {  	[sflag:s12] =	ssyncadd.s32 $0xFFFFC000  }
0x1b9: {  	[tilespmem:s18], [sflag:$0x2] =	stream.indirect.gather [hbm4b:s4+s15], $0x80, s23, s15, $0xb8;
	[tilespmem:$0x1C800] =	vst v63  }
0x1ba: {  	_ =	swait.ge [sflag:s19], $0x4000  }
0x1bb: {  	[sflag:s19] =	ssyncset.done $0x0  }
0x1bc: {  	[sflag:s19] =	ssyncadd.s32 $0xFFFFC000  }
0x1bd: {  	[spmem:s2] =	stream.indirect.scatter.add.f32 [tilespmem:s16], [sflag:$0x3], $0x80, s24, s15, $0xb8;
	[tilespmem:$0x1C800] =	vst v63  }
0x1be: {  	_ =	swait.ge [sflag:s12], $0x4000  }
0x1bf: {  	[sflag:s12] =	ssyncset.done $0x0  }
0x1c0: {  	[sflag:s12] =	ssyncadd.s32 $0xFFFFC000  }
0x1c1: {  	[tilespmem:s16], [sflag:$0x1] =	stream.indirect.gather [hbm4b:s4+s15], $0x80, s25, s15, $0xb8;
	[tilespmem:$0x1C800] =	vst v63  }
0x1c2: {  	_ =	swait.ge [sflag:s21], $0x4000  }
0x1c3: {  	[sflag:s21] =	ssyncset.done $0x0  }
0x1c4: {  	[sflag:s21] =	ssyncadd.s32 $0xFFFFC000  }
0x1c5: {  	[spmem:s2] =	stream.indirect.scatter.add.f32 [tilespmem:s18], [sflag:$0x3], $0x80, s26, s15, $0xb8;
	[tilespmem:$0x1C800] =	vst v63  }
0x1c6: {  	_ =	swait.ge [sflag:s12], $0x4000  }
0x1c7: {  	[sflag:s12] =	ssyncset.done $0x0  }
0x1c8: {  	[sflag:s12] =	ssyncadd.s32 $0xFFFFC000  }
0x1c9: {  	[tilespmem:s18], [sflag:$0x2] =	stream.indirect.gather [hbm4b:s4+s15], $0x80, s28, s15, $0xb8;
	[tilespmem:$0x1C800] =	vst v63  }
0x1ca: {  	_ =	swait.ge [sflag:s19], $0x4000  }
0x1cb: {  	[sflag:s19] =	ssyncset.done $0x0  }
0x1cc: {  	[sflag:s19] =	ssyncadd.s32 $0xFFFFC000  }
0x1cd: {  	[spmem:s2] =	stream.indirect.scatter.add.f32 [tilespmem:s16], [sflag:$0x3], $0x80, s29, s15, $0xb8;
	[tilespmem:$0x1C800] =	vst v63  }
0x1ce: {  	_ =	swait.ge [sflag:s12], $0x4000  }
0x1cf: {  	[sflag:s12] =	ssyncset.done $0x0  }
0x1d0: {  	[sflag:s12] =	ssyncadd.s32 $0xFFFFC000  }
0x1d1: {  	[tilespmem:s16], [sflag:$0x1] =	stream.indirect.gather [hbm4b:s4+s15], $0x80, s30, s15, $0xb8;
	[tilespmem:$0x1C800] =	vst v63  }
0x1d2: {  	_ =	swait.ge [sflag:s21], $0x4000  }
0x1d3: {  	[sflag:s21] =	ssyncset.done $0x0  }
0x1d4: {  	[sflag:s21] =	ssyncadd.s32 $0xFFFFC000  }
0x1d5: {  	[spmem:s2] =	stream.indirect.scatter.add.f32 [tilespmem:s18], [sflag:$0x3], $0x80, s31, s15, $0xb8;
	[tilespmem:$0x1C800] =	vst v63  }
0x1d6: {  	_ =	swait.ge [sflag:s12], $0x4000  }
0x1d7: {  	[sflag:s12] =	ssyncset.done $0x0  }
0x1d8: {  	[sflag:s12] =	ssyncadd.s32 $0xFFFFC000  }
0x1d9: {  	[tilespmem:s18], [sflag:$0x2] =	stream.indirect.gather [hbm4b:s4+s15], $0x80, s1, s15, $0xb8;
	[tilespmem:$0x1C800] =	vst v63  }
0x1da: {  	_ =	swait.ge [sflag:s19], $0x4000  }
0x1db: {  	[sflag:s19] =	ssyncset.done $0x0  }
0x1dc: {  	[sflag:s19] =	ssyncadd.s32 $0xFFFFC000  }
0x1dd: {  	[spmem:s2] =	stream.indirect.scatter.add.f32 [tilespmem:s16], [sflag:$0x3], $0x80, s0, s15, $0xb8;
	[tilespmem:$0x1C800] =	vst v63  }
0x1de: {  	_ =	swait.ge [sflag:s12], $0x4000  }
0x1df: {  	[sflag:s12] =	ssyncset.done $0x0  }
0x1e0: {  	[sflag:s12] =	ssyncadd.s32 $0xFFFFC000  }
0x1e1: {  	_ =	swait.ge [sflag:s21], $0x4000  }
0x1e2: {  	[sflag:s21] =	ssyncset.done $0x0  }
.Ltmp6:
0x1e3: {  	[sflag:s21] =	ssyncadd.s32 $0xFFFFC000;
	(pc) =	sbr.rel .LBB2_8-.Ltmp6, $4  }
0x1e4: {  	[spmem:s2] =	stream.indirect.scatter.add.f32 [tilespmem:s18], [sflag:$0x3], $0x80, s5, s15, $0xb8;
	[tilespmem:$0x1C800] =	vst v63  }
0x1e5: {  	_ =	swait.ge [sflag:s12], $0x4000  }
0x1e6: {  	[sflag:s12] =	ssyncset.done $0x0  }
0x1e7: {  	s7 =	smov.u32 s17;
	[sflag:s12] =	ssyncadd.s32 $0xFFFFC000  }
.LBB2_9:
0x1e8: {  	_ =	sfence.sel $0x180000  }
0x1e9: {  	[bflag:$0x0] =	sbarrier.arrive $0xFFFF  }
0x1ea: {  	_ =	strace $0x9000004D  }
0x1eb: {  	s0 =	stileid.u32;
	[bflag:$0x2] =	sbarrier.arrive $0xFFFF  }
0x1ec: {  	p0 =	sne.s32 s0, $0x0;
	s0 =	rddreg [dreg:$0x2]  }
0x1ed: {  	s0 =	sadd.s32 @!p0 $0x100000, s0  }
0x1ee: {  	[sflag:s0] =	ssyncadd.tile.s32 @!p0 $0x1;
	_ =	shalt  }
.Lfunc_end2:
_tile_overlayer_lowered:
.L_overlay_start_2:
0x1ef: {  	(tag) =	ssettag $0x2  }
0x1f0: {  	s0 =	rddreg [dreg:$0x0];
	s2 =	stileid.u32  }
0x1f1: {  	s1 =	rddreg [dreg:$0x1];
	p0 =	sne.s32 s2, $0x0  }
0x1f2: {  	s3 =	rddreg [dreg:$0x2];
	[bflag:$0x3] =	sbarrier.arrive $0xFFFF;
	s2 =	simm.s32 @!p0 $0x1C03  }
0x1f3: {  	[timem:s3], [sflag:s2] =	dma.local @!p0 [hbm:s0], s1  }
0x1f4: {  	s0 =	simm.s32 @!p0 $0x3  }
0x1f5: {  	_ =	swait.ge @!p0 [sflag:s0], s1  }
0x1f6: {  	s1 =	ssub.s32 @!p0 $0x0, s1;
	[sflag:s0] =	ssyncset.done @!p0 $0x0  }
0x1f7: {  	[sflag:s0] =	ssyncadd.s32 @!p0 s1  }
0x1f8: {  	[bflag:$0x3] =	sbarrier.arrive $0xFFFF  }
0x1f9: {  	_ =	shalt  }

// kernel: kernel.8.cloned.1.call-start
scs
__scs_entry_jumppad:
0x0: {  	(pc) =	sbr.rel $0x88, $3  }
0x1: {  	(tag) =	ssettag $0x0;
	lr =	simm.s32 $0x1  }
0x2: {  	[smem:$0x3F93] =	sst lr;
	_ =	strace $0xD0000000  }
0x3: {  	_ = 	snop  }
0x4: {  	_ = 	snop  }
0x5: {  	_ = 	snop  }
0x6: {  	_ = 	snop  }
0x7: {  	_ = 	snop  }
__scs_overlays_trampoline_lowered:
0x8: {  	[smem:$0x3FA2] =	sst s0  }
0x9: {  	[smem:$0x3FA3] =	sst s1  }
0xa: {  	[smem:$0x3FA4] =	sst s2  }
0xb: {  	[smem:$0x3FA5] =	sst s3  }
0xc: {  	[smem:$0x3FA6] =	sst s4  }
0xd: {  	[smem:$0x3FA7] =	sst s5  }
0xe: {  	[smem:$0x3FA8] =	sst s6  }
0xf: {  	[smem:$0x3FA9] =	sst s7  }
0x10: {  	[smem:$0x3FAA] =	sst s8  }
0x11: {  	[smem:$0x3FAB] =	sst s9;
	s0 =	simm.s32 @!p0 $0x0  }
0x12: {  	s1 =	sld [smem:$0x3F91];
	s0 =	simm.s32 @p0 $0x1  }
0x13: {  	[smem:$0x3FAC] =	sst s0;
	s0 =	simm.s32 @!p1 $0x0  }
0x14: {  	s2 =	sld [smem:$0x3F90];
	s0 =	simm.s32 @p1 $0x1  }
0x15: {  	[smem:$0x3FAD] =	sst s0;
	s0 =	simm.s32 @!p2 $0x0  }
0x16: {  	s3 =	sld [smem:$0x3FDB];
	s0 =	simm.s32 @p2 $0x1  }
0x17: {  	s4 =	simm.s32 $0x1BF5;
	[smem:$0x3FAF] =	sst s0  }
0x18: {  	s0 =	sld [smem:$0x3F92];
	_ =	swait.ge [sflag:s4], $0x0  }
0x19: {  	s7 =	sld [smem:$0x3F93]  }
0x1a: {  	s8 =	sadd.s32 $0xFFFFE003, lr  }
0x1b: {  	s9 =	sadd.s32 $0xFFFFFEF7, lr;
	s5 =	simm.s32 $0xFFFFFFFF;
	p2 =	slt.u32 s8, $0xFFFFF086  }
0x1c: {  	p1 =	slt.u32 s9, $0xF7A;
	s5 =	simm.s32 @!p2 $0x0  }
0x1d: {  	s5 =	simm.s32 @p1 $0x1;
	p0 =	seq.s32 s7, s2  }
0x1e: {  	s7 =	smul.u32 @!p0 $0xF7A, s2;
	p2 =	seq.s32 @!p0 s5, $0x0  }
0x1f: {  	s9 =	smul.u32 $0xF7A, s1;
	s8 =	simm.s32 @!p0 $0x1BF5;
	p2 =	por !p2, p0  }
0x20: {  	[sflag:s8] =	ssyncset.s32 @!p0 $0xFFFFF086;
	s6 =	sadd.s32 @!p0 s3, s7;
	s7 =	simm.s32 @!p0 $0x108  }
0x21: {  	s3 =	sadd.s32 s3, s9;
	s6 =	sadd.s32 @!p0 $0x88, s6;
	s7 =	simm.s32 @p2 $0x1082  }
0x22: {  	[simem:s7], [sflag:s8] =	dma.local @!p0 [hbm:s6], $0xF7A  }
0x23: {  	s9 =	sor.u32 $0xD0000000, s2;
	s6 =	simm.s32 $0x108;
	_ =	swait.ge @!p0 [sflag:s8], $0x0  }
0x24: {  	s3 =	sadd.s32 $0x88, s3;
	s6 =	simm.s32 @!p1 $0x1082;
	[sflag:s4] =	ssyncset.s32 $0xFFFFF086  }
0x25: {  	[simem:s6], [sflag:s4] =	dma.local [hbm:s3], $0xF7A  }
0x26: {  	[smem:$0x3F93] =	sst s1;
	(tag) =	ssettag s2;
	_ =	strace s9  }
0x27: {  	s1 =	sld [smem:$0x3FA3]  }
0x28: {  	s2 =	sld [smem:$0x3FA4]  }
0x29: {  	s4 =	sld [smem:$0x3FA6]  }
0x2a: {  	p0 =	seq.s32 s5, $0x0;
	s5 =	sld [smem:$0x3FA7]  }
0x2b: {  	s6 =	sld [smem:$0x3FA8]  }
0x2c: {  	s7 =	sld [smem:$0x3FA9]  }
0x2d: {  	s3 =	simm.s32 $0x108;
	s8 =	sld [smem:$0x3FAA]  }
0x2e: {  	s3 =	simm.s32 @!p0 $0x1082;
	s9 =	sld [smem:$0x3FAB]  }
0x2f: {  	lr =	sadd.s32 s0, s3;
	s0 =	sld [smem:$0x3FA2]  }
0x30: {  	s3 =	sld [smem:$0x3FA5]  }
0x31: {  	[smem:$0x3FAE] =	sst s10  }
0x32: {  	s10 =	sld [smem:$0x3FAC];
	_ =	sdelay $0x3  }
0x33: {  	p0 =	seq.s32 s10, $0x1;
	s10 =	sld [smem:$0x3FAE];
	_ =	sdelay $0x3  }
0x34: {  	[smem:$0x3FAE] =	sst s10  }
0x35: {  	s10 =	sld [smem:$0x3FAD];
	_ =	sdelay $0x3  }
0x36: {  	p1 =	seq.s32 s10, $0x1;
	s10 =	sld [smem:$0x3FAE];
	_ =	sdelay $0x3  }
0x37: {  	[smem:$0x3FAE] =	sst s10  }
0x38: {  	s10 =	sld [smem:$0x3FAF]  }
0x39: {  	_ = 	snop;
	(pc) =	sbr.ind lr, $3  }
0x3a: {  	_ = 	snop  }
0x3b: {  	_ = 	snop  }
0x3c: {  	p2 =	seq.s32 s10, $0x1;
	s10 =	sld [smem:$0x3FAE]  }
0x3d: {  	_ =	shalt  }
0x3e: {  	_ =	shalt  }
0x3f: {  	_ =	shalt  }
0x40: {  	_ =	shalt  }
0x41: {  	_ =	shalt  }
0x42: {  	_ =	shalt  }
0x43: {  	_ =	shalt  }
0x44: {  	_ =	shalt  }
0x45: {  	_ =	shalt  }
0x46: {  	_ =	shalt  }
0x47: {  	_ =	shalt  }
0x48: {  	_ =	shalt  }
0x49: {  	_ =	shalt  }
0x4a: {  	_ =	shalt  }
0x4b: {  	_ =	shalt  }
0x4c: {  	_ =	shalt  }
0x4d: {  	_ =	shalt  }
0x4e: {  	_ =	shalt  }
0x4f: {  	_ =	shalt  }
0x50: {  	_ =	shalt  }
0x51: {  	_ =	shalt  }
0x52: {  	_ =	shalt  }
0x53: {  	_ =	shalt  }
0x54: {  	_ =	shalt  }
0x55: {  	_ =	shalt  }
0x56: {  	_ =	shalt  }
0x57: {  	_ =	shalt  }
0x58: {  	_ =	shalt  }
0x59: {  	_ =	shalt  }
0x5a: {  	_ =	shalt  }
0x5b: {  	_ =	shalt  }
0x5c: {  	_ =	shalt  }
0x5d: {  	_ =	shalt  }
0x5e: {  	_ =	shalt  }
0x5f: {  	_ =	shalt  }
0x60: {  	_ =	shalt  }
0x61: {  	_ =	shalt  }
0x62: {  	_ =	shalt  }
0x63: {  	_ =	shalt  }
0x64: {  	_ =	shalt  }
0x65: {  	_ =	shalt  }
0x66: {  	_ =	shalt  }
0x67: {  	_ =	shalt  }
0x68: {  	_ =	shalt  }
0x69: {  	_ =	shalt  }
0x6a: {  	_ =	shalt  }
0x6b: {  	_ =	shalt  }
0x6c: {  	_ =	shalt  }
0x6d: {  	_ =	shalt  }
0x6e: {  	_ =	shalt  }
0x6f: {  	_ =	shalt  }
0x70: {  	_ =	shalt  }
0x71: {  	_ =	shalt  }
0x72: {  	_ =	shalt  }
0x73: {  	_ =	shalt  }
0x74: {  	_ =	shalt  }
0x75: {  	_ =	shalt  }
0x76: {  	_ =	shalt  }
0x77: {  	_ =	shalt  }
0x78: {  	_ =	shalt  }
0x79: {  	_ =	shalt  }
0x7a: {  	_ =	shalt  }
0x7b: {  	_ =	shalt  }
0x7c: {  	_ =	shalt  }
0x7d: {  	_ =	shalt  }
0x7e: {  	_ =	shalt  }
0x7f: {  	_ =	shalt  }
0x80: {  	_ =	shalt  }
0x81: {  	_ =	shalt  }
0x82: {  	_ =	shalt  }
0x83: {  	_ =	shalt  }
0x84: {  	_ =	shalt  }
0x85: {  	_ =	shalt  }
0x86: {  	_ =	shalt  }
0x87: {  	_ =	shalt  }
.Lfunc_end0:
.L_simem_size_0:
called_computation_lowered:
.L_overlay_start_0:
0x88: {  	s2 =	sld [smem:$0x3FD9]  }
0x89: {  	s3 =	sld [smem:$0x3FFE];
	_ =	sdelay $0x1  }
0x8a: {  	s1 =	srdreg.scid  }
0x8b: {  	s0 =	sand.u32 $0x1, s1  }
0x8c: {  	s17 =	sshll.u32 s0, $0xA;
	s2 =	sadd.s32 s3, s2  }
0x8d: {  	s2 =	sadd.s32 s2, s17  }
0x8e: {  	[smem:$0x3FBA] =	sst s2  }
0x8f: {  	_ = 	snop  }
0x90: {  	(tm) =	ssettm $0x1  }
0x91: {  	s18 =	sld [smem:$0x3FFB];
	_ =	sdelay $0x3  }
0x92: {  	_ =	strace s18  }
0x93: {  	s2 =	sld [smem:$0x3FFC];
	_ =	sdelay $0x3  }
0x94: {  	_ =	strace s2  }
0x95: {  	s2 =	sld [smem:$0x3FFD];
	_ =	sdelay $0x3  }
0x96: {  	_ =	strace s2  }
0x97: {  	_ =	strace $0x8FFFFFFF  }
0x98: {  	s19 =	sld [smem:$0x3FDB];
	_ =	sdelay $0x1  }
0x99: {  	s20 =	simm.s32 $_scs_section_size  }
0x9a: {  	s4 =	simm.s32 $_size__tile_overlayer_lowered;
	s5 =	simm.s32 $_tile_overlayer_lowered  }
0x9b: {  	s6 =	simm.s32 $0x1BFF;
	s21 =	sshll.u32 s5, $0x1;
	s3 =	sadd.s32 s20, s19  }
0x9c: {  	s22 =	simm.s32 $0x0;
	s4 =	sshll.u32 s4, $0x1;
	s5 =	sadd.s32 s21, s3  }
0x9d: {  	[timem:s22], [sflag:s6] =	dma.local [hbm:s5], s4  }
0x9e: {  	_ =	swait.ge [sflag:s6], s4  }
0x9f: {  	s4 =	ssub.s32 $0x0, s4;
	[sflag:s6] =	ssyncset.done $0x0  }
0xa0: {  	[sflag:s6] =	ssyncadd.s32 s4;
	_ =	sdelay $0x1  }
0xa1: {  	s23 =	simm.s32 $0x1B8B  }
0xa2: {  	_ =	swait.ge [sflag:s23], $0x1  }
0xa3: {  	[sflag:s23] =	ssyncset.done $0x0  }
0xa4: {  	[sflag:s23] =	ssyncadd.s32 $0xFFFFFFFF  }
0xa5: {  	s4 =	sld [smem:$0x0]  }
0xa6: {  	s5 =	sand.u32 $0xFFFFFFFE, s1  }
0xa7: {  	p0 =	sne.s32 s1, s5  }
0xa8: {  	s5 =	sshll.u32 @p0 s5, $0xE  }
0xa9: {  	s5 =	sadd.s32 @p0 $0x11B8D, s5;
	s6 =	sshll.u32 @p0 s4, $0x11  }
0xaa: {  	s5 =	sor.u32 @p0 s6, s5  }
0xab: {  	[sflag:s5] =	ssyncadd.remote.s32 @p0 $0x1;
	_ =	sdelay $0x1  }
0xac: {  	s5 =	simm.s32 @p0 $0x1B8D  }
0xad: {  	_ =	swait.eq @p0 [sflag:s5], $0x1  }
0xae: {  	[sflag:s5] =	ssyncadd.s32 @p0 $0xFFFFFFFF  }
0xaf: {  	s6 =	sshll.u32 @!p0 s1, $0xE  }
0xb0: {  	s6 =	sor.u32 @!p0 $0x4000, s6;
	s5 =	simm.s32 @!p0 $0x1B8D  }
0xb1: {  	s4 =	sshll.u32 @!p0 s4, $0x11;
	s6 =	sadd.s32 @!p0 $0x11B8D, s6;
	_ =	swait.eq @!p0 [sflag:s5], $0x1  }
0xb2: {  	s4 =	sor.u32 @!p0 s4, s6;
	[sflag:s5] =	ssyncadd.s32 @!p0 $0xFFFFFFFF  }
0xb3: {  	s25 =	simm.s32 $0x1B8E;
	s24 =	sld [smem:$0x3FFE];
	[sflag:s4] =	ssyncadd.remote.s32 @!p0 $0x1  }
0xb4: {  	s26 =	simm.s32 $execute0_lowered;
	[smem:$0x3FD2] =	sst s25  }
0xb5: {  	s5 =	sshll.u32 s26, $0x1;
	_ =	strace $0x80000049;
	[dreg:$0x1] =	wrdreg $0xFFFFFFFF  }
0xb6: {  	s28 =	simm.s32 $_size_execute0_lowered;
	s3 =	sadd.s32 s3, s5;
	[dreg:$0x0] =	wrdreg $0x0  }
0xb7: {  	s5 =	sshll.u32 s28, $0x1;
	[dreg:$0x2] =	wrdreg s3  }
0xb8: {  	[dreg:$0x3] =	wrdreg s5  }
0xb9: {  	[dreg:$0x4] =	wrdreg $0xC0  }
0xba: {  	_ =	task [dreg:s22], $0x5FFFF  }
0xbb: {  	[dreg:$0x1] =	wrdreg $0xFFFFFFFF  }
0xbc: {  	[dreg:$0x0] =	wrdreg $0x60  }
0xbd: {  	[dreg:$0x2] =	wrdreg s24  }
0xbe: {  	[dreg:$0x3] =	wrdreg $0x0  }
0xbf: {  	[dreg:$0x4] =	wrdreg $0x9  }
0xc0: {  	_ =	task.clear_ibuf [dreg:s22], $0x5FFFF;
	_ =	strace $0x90000049  }
0xc1: {  	s29 =	simm.s32 $0x9;
	_ =	strace $0x8000004B  }
0xc2: {  	_ =	swait.ge [sflag:s29], $0x1  }
0xc3: {  	[sflag:s29] =	ssyncadd.s32 $0xFFFFFFFF  }
0xc4: {  	_ =	strace $0x9000004B  }
0xc5: {  	_ =	sfence  }
0xc6: {  	s30 =	sld [smem:$0x0];
	_ =	sdelay $0x2  }
0xc7: {  	s31 =	sshll.u32 s1, $0xD;
	s1 =	sshrl.u32 s1, $0x2  }
0xc8: {  	s4 =	sand.u32 $0x4000, s31;
	s1 =	sadd.s32 s1, s30  }
0xc9: {  	s0 =	sor.u32 s4, s0;
	s1 =	sshll.u32 s1, $0x11  }
0xca: {  	s0 =	sor.u32 s1, s0  }
0xcb: {  	s0 =	sadd.s32 $0x8F2B, s0  }
0xcc: {  	[sflag:s0] =	ssyncadd.remote.s32 $0x1  }
0xcd: {  	_ =	sfence.sel $0xFFFF  }
0xce: {  	[dreg:$0x0] =	wrdreg $0xFFFFFFFF;
	(pc) =	sbr.abs _section_cstart, $3  }
0xcf: {  	[dreg:$0x1] =	wrdreg $0xFFFFFFFF  }
0xd0: {  	_ =	task.clear_ibuf [dreg:s22], $0x2FFFF;
	_ =	strace $0x9FFFFFFF  }
0xd1: {  	(tm) =	ssettm $0x7FFFFFFF  }
tec
execute0_lowered:
.L_overlay_start_1:
0x0: {  	(tag) =	ssettag $0x1  }
0x1: {  	s1 =	srdreg.scid  }
0x2: {  	s0 =	stileid.u32;
	s6 =	rddreg [dreg:$0x0]  }
0x3: {  	s2 =	rddreg [dreg:$0x1];
	s3 =	simm.s32 $0x0;
	s12 =	simm.s32 $0x14400  }
0x4: {  	s13 =	simm.s32 $0x14000;
	s14 =	simm.s32 $0x80;
	s15 =	simm.s32 $0x14080  }
0x5: {  	s16 =	simm.s32 $0x14100;
	s17 =	simm.s32 $0x14180;
	s18 =	simm.s32 $0x14200  }
0x6: {  	s19 =	simm.s32 $0x14280;
	s20 =	simm.s32 $0x14300;
	s4 =	smul.u32 $0x5000, s0  }
0x7: {  	s21 =	simm.s32 $0x14380;
	s22 =	simm.s32 $0x0;
	s26 =	smul.u32 $0x14000, s0  }
0x8: {  	s5 =	sand.u32 $0x1, s1;
	s1 =	rddreg [dreg:$0x2];
	s10 =	smul.u32 $0x50000, s0  }
0x9: {  	[smem:$0x7FF] =	sst s3;
	s31 =	sshll.u32 s0, $0x6;
	s7 =	smul.u32 $0x2800, s5  }
0xa: {  	s8 =	smul.u32 $0x140000, s5;
	_ =	strace $0x8000004A;
	s28 =	ssub.s32 $0x2, s5  }
0xb: {  	s5 =	sadd.s32 $0x9BA00, s6;
	s29 =	sshrl.u32 s28, $0x1;
	s30 =	sshrl.u32 s10, $0x2  }
0xc: {  	s4 =	sadd.s32 s7, s4;
	s7 =	sadd.s32 s26, s8;
	s8 =	ssub.s32 s28, s29  }
0xd: {  	s11 =	sadd.s32 s30, s2;
	s4 =	sshrl.u32 s4, $0x3;
	s7 =	sshrl.u32 s7, $0x3  }
0xe: {  	s8 =	smax.u32 s8, $0x1;
	s10 =	sshrl.u32 s11, $0x3;
	s11 =	simm.s32 $0x1  }
0xf: {  	s9 =	sadd.s32 s4, s6;
	s4 =	sadd.s32 $0x3F200, s6;
	s7 =	sadd.s32 s7, s6  }
0x10: {  	s6 =	sor.u32 $0x1C01, s31;
	s7 =	sadd.s32 $0x9C200, s7;
	s9 =	sadd.s32 $0x91A00, s9  }
.LBB2_1:
0x11: {  	[spmem:s10], [sflag:s6] =	dma.local [hbm:s4], $0x2800  }
0x12: {  	_ =	swait.ge [sflag:s11], $0x2800  }
0x13: {  	[sflag:s11] =	ssyncset.done $0x0  }
0x14: {  	[sflag:s11] =	ssyncadd.s32 $0xFFFFD800  }
0x15: {  	[tilespmem:s12], [sflag:$0x1] =	stream.linear.gather [hbm4b:s5+s3], $0x4000, $0x38;
	[tilespmem:$0x18400] =	vst v63  }
0x16: {  	_ =	swait.ge [sflag:s11], $0x4000  }
0x17: {  	[sflag:s11] =	ssyncset.done $0x0  }
0x18: {  	[sflag:s11] =	ssyncadd.s32 $0xFFFFC000  }
0x19: {  	s23 =	sadd.s32 $0x0, s9;
	[bflag:$0x0] =	sbarrier.arrive $0xFFFF  }
0x1a: {  	[tilespmem:s13], [sflag:$0x1] =	stream.linear.gather [hbm4b:s23+s3], $0x400, $0x38;
	[tilespmem:$0x18400] =	vst v63  }
0x1b: {  	_ =	swait.ge [sflag:s11], $0x400  }
0x1c: {  	[sflag:s11] =	ssyncset.done $0x0  }
0x1d: {  	[sflag:s11] =	ssyncadd.s32 $0xFFFFFC00  }
0x1e: {  	[spmem:s2] =	stream.indirect.scatter.add.f32 [tilespmem:s12], [sflag:$0x1], $0x80, s13, s14, $0xb8;
	[tilespmem:$0x18400] =	vst v63  }
0x1f: {  	_ =	swait.ge [sflag:s11], $0x4000  }
0x20: {  	[sflag:s11] =	ssyncset.done $0x0  }
0x21: {  	[sflag:s11] =	ssyncadd.s32 $0xFFFFC000  }
0x22: {  	[spmem:s2] =	stream.indirect.scatter.add.f32 [tilespmem:s12], [sflag:$0x1], $0x80, s15, s14, $0xb8;
	[tilespmem:$0x18400] =	vst v63  }
0x23: {  	_ =	swait.ge [sflag:s11], $0x4000  }
0x24: {  	[sflag:s11] =	ssyncset.done $0x0  }
0x25: {  	[sflag:s11] =	ssyncadd.s32 $0xFFFFC000  }
0x26: {  	[spmem:s2] =	stream.indirect.scatter.add.f32 [tilespmem:s12], [sflag:$0x1], $0x80, s16, s14, $0xb8;
	[tilespmem:$0x18400] =	vst v63  }
0x27: {  	_ =	swait.ge [sflag:s11], $0x4000  }
0x28: {  	[sflag:s11] =	ssyncset.done $0x0  }
0x29: {  	[sflag:s11] =	ssyncadd.s32 $0xFFFFC000  }
0x2a: {  	[spmem:s2] =	stream.indirect.scatter.add.f32 [tilespmem:s12], [sflag:$0x1], $0x80, s17, s14, $0xb8;
	[tilespmem:$0x18400] =	vst v63  }
0x2b: {  	_ =	swait.ge [sflag:s11], $0x4000  }
0x2c: {  	[sflag:s11] =	ssyncset.done $0x0  }
0x2d: {  	[sflag:s11] =	ssyncadd.s32 $0xFFFFC000  }
0x2e: {  	[spmem:s2] =	stream.indirect.scatter.add.f32 [tilespmem:s12], [sflag:$0x1], $0x80, s18, s14, $0xb8;
	[tilespmem:$0x18400] =	vst v63  }
0x2f: {  	_ =	swait.ge [sflag:s11], $0x4000  }
0x30: {  	[sflag:s11] =	ssyncset.done $0x0  }
0x31: {  	[sflag:s11] =	ssyncadd.s32 $0xFFFFC000  }
0x32: {  	[spmem:s2] =	stream.indirect.scatter.add.f32 [tilespmem:s12], [sflag:$0x1], $0x80, s19, s14, $0xb8;
	[tilespmem:$0x18400] =	vst v63  }
0x33: {  	_ =	swait.ge [sflag:s11], $0x4000  }
0x34: {  	[sflag:s11] =	ssyncset.done $0x0  }
0x35: {  	[sflag:s11] =	ssyncadd.s32 $0xFFFFC000  }
0x36: {  	[spmem:s2] =	stream.indirect.scatter.add.f32 [tilespmem:s12], [sflag:$0x1], $0x80, s20, s14, $0xb8;
	[tilespmem:$0x18400] =	vst v63  }
0x37: {  	_ =	swait.ge [sflag:s11], $0x4000  }
0x38: {  	[sflag:s11] =	ssyncset.done $0x0  }
0x39: {  	[sflag:s11] =	ssyncadd.s32 $0xFFFFC000  }
0x3a: {  	[spmem:s2] =	stream.indirect.scatter.add.f32 [tilespmem:s12], [sflag:$0x1], $0x80, s21, s14, $0xb8;
	[tilespmem:$0x18400] =	vst v63  }
0x3b: {  	_ =	swait.ge [sflag:s11], $0x4000  }
0x3c: {  	s25 =	simm.s32 $0x100;
	s23 =	simm.s32 $0x80;
	[sflag:s11] =	ssyncset.done $0x0  }
.LBB2_2:
0x3d: {  	s26 =	sadd.s32 s23, s9  }
0x3e: {  	[sflag:s11] =	ssyncadd.s32 $0xFFFFC000;
	s23 =	smov.u32 s25;
	s24 =	sadd.s32 $0x80, s25  }
0x3f: {  	[tilespmem:s13], [sflag:$0x1] =	stream.linear.gather [hbm4b:s26+s3], $0x400, $0x38;
	[tilespmem:$0x18400] =	vst v63  }
0x40: {  	p0 =	sne.s32 s25, $0x480;
	_ =	swait.ge [sflag:s11], $0x400  }
0x41: {  	[sflag:s11] =	ssyncset.done $0x0  }
0x42: {  	[sflag:s11] =	ssyncadd.s32 $0xFFFFFC00  }
0x43: {  	[spmem:s2] =	stream.indirect.scatter.add.f32 [tilespmem:s12], [sflag:$0x1], $0x80, s13, s14, $0xb8;
	[tilespmem:$0x18400] =	vst v63  }
0x44: {  	_ =	swait.ge [sflag:s11], $0x4000  }
0x45: {  	[sflag:s11] =	ssyncset.done $0x0  }
0x46: {  	[sflag:s11] =	ssyncadd.s32 $0xFFFFC000  }
0x47: {  	[spmem:s2] =	stream.indirect.scatter.add.f32 [tilespmem:s12], [sflag:$0x1], $0x80, s15, s14, $0xb8;
	[tilespmem:$0x18400] =	vst v63  }
0x48: {  	_ =	swait.ge [sflag:s11], $0x4000  }
0x49: {  	[sflag:s11] =	ssyncset.done $0x0  }
0x4a: {  	[sflag:s11] =	ssyncadd.s32 $0xFFFFC000  }
0x4b: {  	[spmem:s2] =	stream.indirect.scatter.add.f32 [tilespmem:s12], [sflag:$0x1], $0x80, s16, s14, $0xb8;
	[tilespmem:$0x18400] =	vst v63  }
0x4c: {  	_ =	swait.ge [sflag:s11], $0x4000  }
0x4d: {  	[sflag:s11] =	ssyncset.done $0x0  }
0x4e: {  	[sflag:s11] =	ssyncadd.s32 $0xFFFFC000  }
0x4f: {  	[spmem:s2] =	stream.indirect.scatter.add.f32 [tilespmem:s12], [sflag:$0x1], $0x80, s17, s14, $0xb8;
	[tilespmem:$0x18400] =	vst v63  }
0x50: {  	_ =	swait.ge [sflag:s11], $0x4000  }
0x51: {  	[sflag:s11] =	ssyncset.done $0x0  }
0x52: {  	[sflag:s11] =	ssyncadd.s32 $0xFFFFC000  }
0x53: {  	[spmem:s2] =	stream.indirect.scatter.add.f32 [tilespmem:s12], [sflag:$0x1], $0x80, s18, s14, $0xb8;
	[tilespmem:$0x18400] =	vst v63  }
0x54: {  	_ =	swait.ge [sflag:s11], $0x4000  }
0x55: {  	[sflag:s11] =	ssyncset.done $0x0  }
0x56: {  	[sflag:s11] =	ssyncadd.s32 $0xFFFFC000  }
0x57: {  	[spmem:s2] =	stream.indirect.scatter.add.f32 [tilespmem:s12], [sflag:$0x1], $0x80, s19, s14, $0xb8;
	[tilespmem:$0x18400] =	vst v63  }
0x58: {  	_ =	swait.ge [sflag:s11], $0x4000  }
0x59: {  	[sflag:s11] =	ssyncset.done $0x0  }
0x5a: {  	[sflag:s11] =	ssyncadd.s32 $0xFFFFC000  }
0x5b: {  	[spmem:s2] =	stream.indirect.scatter.add.f32 [tilespmem:s12], [sflag:$0x1], $0x80, s20, s14, $0xb8;
	[tilespmem:$0x18400] =	vst v63  }
0x5c: {  	_ =	swait.ge [sflag:s11], $0x4000  }
.Ltmp0:
0x5d: {  	[sflag:s11] =	ssyncset.done $0x0;
	(pc) =	sbr.rel @p0 .LBB2_2-.Ltmp0, $4  }
0x5e: {  	[sflag:s11] =	ssyncadd.s32 $0xFFFFC000  }
0x5f: {  	[spmem:s2] =	stream.indirect.scatter.add.f32 [tilespmem:s12], [sflag:$0x1], $0x80, s21, s14, $0xb8;
	[tilespmem:$0x18400] =	vst v63  }
0x60: {  	_ =	swait.ge [sflag:s11], $0x4000  }
0x61: {  	s25 =	smov.u32 s24;
	[sflag:s11] =	ssyncset.done $0x0  }
0x62: {  	s23 =	sadd.s32 s23, s9;
	[sflag:s11] =	ssyncadd.s32 $0xFFFFC000  }
0x63: {  	[tilespmem:s13], [sflag:$0x1] =	stream.linear.gather [hbm4b:s23+s3], $0x400, $0x38;
	[tilespmem:$0x18400] =	vst v63  }
0x64: {  	_ =	swait.ge [sflag:s11], $0x400  }
0x65: {  	[sflag:s11] =	ssyncset.done $0x0  }
0x66: {  	[sflag:s11] =	ssyncadd.s32 $0xFFFFFC00  }
0x67: {  	[spmem:s2] =	stream.indirect.scatter.add.f32 [tilespmem:s12], [sflag:$0x1], $0x80, s13, s14, $0xb8;
	[tilespmem:$0x18400] =	vst v63  }
0x68: {  	_ =	swait.ge [sflag:s11], $0x4000  }
0x69: {  	[sflag:s11] =	ssyncset.done $0x0  }
0x6a: {  	[sflag:s11] =	ssyncadd.s32 $0xFFFFC000  }
0x6b: {  	[spmem:s2] =	stream.indirect.scatter.add.f32 [tilespmem:s12], [sflag:$0x1], $0x80, s15, s14, $0xb8;
	[tilespmem:$0x18400] =	vst v63  }
0x6c: {  	_ =	swait.ge [sflag:s11], $0x4000  }
0x6d: {  	[sflag:s11] =	ssyncset.done $0x0  }
0x6e: {  	[sflag:s11] =	ssyncadd.s32 $0xFFFFC000  }
0x6f: {  	[spmem:s2] =	stream.indirect.scatter.add.f32 [tilespmem:s12], [sflag:$0x1], $0x80, s16, s14, $0xb8;
	[tilespmem:$0x18400] =	vst v63  }
0x70: {  	_ =	swait.ge [sflag:s11], $0x4000  }
0x71: {  	[sflag:s11] =	ssyncset.done $0x0  }
0x72: {  	[sflag:s11] =	ssyncadd.s32 $0xFFFFC000  }
0x73: {  	[spmem:s2] =	stream.indirect.scatter.add.f32 [tilespmem:s12], [sflag:$0x1], $0x80, s17, s14, $0xb8;
	[tilespmem:$0x18400] =	vst v63  }
0x74: {  	_ =	swait.ge [sflag:s11], $0x4000  }
0x75: {  	[sflag:s11] =	ssyncset.done $0x0  }
0x76: {  	[sflag:s11] =	ssyncadd.s32 $0xFFFFC000  }
0x77: {  	[spmem:s2] =	stream.indirect.scatter.add.f32 [tilespmem:s12], [sflag:$0x1], $0x80, s18, s14, $0xb8;
	[tilespmem:$0x18400] =	vst v63  }
0x78: {  	_ =	swait.ge [sflag:s11], $0x4000  }
0x79: {  	[sflag:s11] =	ssyncset.done $0x0  }
0x7a: {  	[sflag:s11] =	ssyncadd.s32 $0xFFFFC000  }
0x7b: {  	[spmem:s2] =	stream.indirect.scatter.add.f32 [tilespmem:s12], [sflag:$0x1], $0x80, s19, s14, $0xb8;
	[tilespmem:$0x18400] =	vst v63  }
0x7c: {  	_ =	swait.ge [sflag:s11], $0x4000  }
0x7d: {  	[sflag:s11] =	ssyncset.done $0x0  }
0x7e: {  	[sflag:s11] =	ssyncadd.s32 $0xFFFFC000  }
0x7f: {  	[spmem:s2] =	stream.indirect.scatter.add.f32 [tilespmem:s12], [sflag:$0x1], $0x80, s20, s14, $0xb8;
	[tilespmem:$0x18400] =	vst v63  }
0x80: {  	_ =	swait.ge [sflag:s11], $0x4000  }
0x81: {  	[sflag:s11] =	ssyncset.done $0x0  }
0x82: {  	[sflag:s11] =	ssyncadd.s32 $0xFFFFC000  }
0x83: {  	[spmem:s2] =	stream.indirect.scatter.add.f32 [tilespmem:s12], [sflag:$0x1], $0x80, s21, s14, $0xb8;
	[tilespmem:$0x18400] =	vst v63  }
0x84: {  	_ =	swait.ge [sflag:s11], $0x4000  }
0x85: {  	s22 =	sadd.s32 $0x1, s22;
	[sflag:s11] =	ssyncset.done $0x0  }
0x86: {  	p0 =	sne.s32 s22, s8;
	[sflag:s11] =	ssyncadd.s32 $0xFFFFC000  }
.Ltmp1:
0x87: {  	[bflag:$0x0] =	sbarrier.arrive $0xFFFF;
	(pc) =	sbr.rel @p0 .LBB2_1-.Ltmp1, $4  }
0x88: {  	[hbm:s7], [sflag:s6] =	dma.local [spmem:s10], $0x2800  }
0x89: {  	_ =	swait.ge [sflag:s11], $0x2800  }
0x8a: {  	[sflag:s11] =	ssyncset.done $0x0  }
0x8b: {  	[sflag:s11] =	ssyncadd.s32 $0xFFFFD800  }
0x8c: {  	_ =	sfence.sel $0x180000  }
0x8d: {  	[bflag:$0x0] =	sbarrier.arrive $0xFFFF  }
0x8e: {  	p0 =	sne.s32 s0, $0x0;
	_ =	strace $0x9000004A  }
0x8f: {  	s0 =	sadd.s32 @!p0 $0x100000, s1;
	[bflag:$0x2] =	sbarrier.arrive $0xFFFF  }
0x90: {  	[sflag:s0] =	ssyncadd.tile.s32 @!p0 $0x1;
	_ =	shalt  }
.Lfunc_end2:
_tile_overlayer_lowered:
.L_overlay_start_2:
0x91: {  	(tag) =	ssettag $0x2  }
0x92: {  	s0 =	rddreg [dreg:$0x0];
	s2 =	stileid.u32  }
0x93: {  	s1 =	rddreg [dreg:$0x1];
	p0 =	sne.s32 s2, $0x0  }
0x94: {  	s3 =	rddreg [dreg:$0x2];
	[bflag:$0x3] =	sbarrier.arrive $0xFFFF;
	s2 =	simm.s32 @!p0 $0x1C01  }
0x95: {  	[timem:s3], [sflag:s2] =	dma.local @!p0 [hbm:s0], s1  }
0x96: {  	s0 =	simm.s32 @!p0 $0x1  }
0x97: {  	_ =	swait.ge @!p0 [sflag:s0], s1  }
0x98: {  	s1 =	ssub.s32 @!p0 $0x0, s1;
	[sflag:s0] =	ssyncset.done @!p0 $0x0  }
0x99: {  	[sflag:s0] =	ssyncadd.s32 @!p0 s1  }
0x9a: {  	[bflag:$0x3] =	sbarrier.arrive $0xFFFF  }
0x9b: {  	_ =	shalt  }

</sc_bundles>
